<compile_context>
chip_gen: v7x
topology: tpu7x:2x2x1
jax: 0.10.2.dev20260603
libtpu: 0.0.44.dev20260713+nightly
codegen_flags: <defaults>
</compile_context>

<pallas_src>
import functools

import jax
import jax.numpy as jnp
from jax import lax
from jax.experimental import pallas as pl
from jax.experimental.pallas import tpu as pltpu
from jax.experimental.pallas import tpu_sc as plsc

_BATCH = 16384
_HIST = 50
_NDIM = 32
_NSTIM = 1000000

_NC = 2
_NS = 16
_NW = _NC * _NS

_KCOL = 512
_NGRP = (_NSTIM // 128) * 128 // _KCOL
_TAIL0 = _NGRP * _KCOL
_TAILN = _NSTIM - _TAIL0
_K1_PER_W = -(-_NGRP // _NW)
_K1_TRIPLES = -(-_K1_PER_W // 3)
_PITCH = _NDIM + 1

_BPW = _BATCH // _NW
_G = 128
_NG = _BPW // _G
_OPITCH = _BPW + 9


def _build_k1():
    mesh = plsc.VectorSubcoreMesh(core_axis_name="c", subcore_axis_name="s")

    @functools.partial(
        pl.kernel,
        mesh=mesh,
        out_type=jax.ShapeDtypeStruct((_NSTIM * _NDIM,), jnp.float32),
        compiler_params=pltpu.CompilerParams(needs_layout_passes=False),
        scratch_types=[
            pltpu.VMEM((4, 8, _KCOL), jnp.float32),
            pltpu.VMEM((4, 8, _KCOL), jnp.float32),
            pltpu.VMEM((4, 8, _KCOL), jnp.float32),
            pltpu.VMEM((_KCOL * _PITCH,), jnp.float32),
            pltpu.VMEM((_KCOL * _NDIM,), jnp.float32),
            pltpu.VMEM((_KCOL * _NDIM,), jnp.float32),
            pltpu.VMEM((_KCOL * _NDIM,), jnp.float32),
            pltpu.VMEM((_TAILN * _NDIM,), jnp.float32),
            pltpu.SemaphoreType.DMA,
            pltpu.SemaphoreType.DMA,
            pltpu.SemaphoreType.DMA,
            pltpu.SemaphoreType.DMA,
            pltpu.SemaphoreType.DMA,
            pltpu.SemaphoreType.DMA,
        ],
    )
    def k1(zt_hbm, ztail_hbm, zlin_hbm, va, vb, vc, tpad, ta, tb, tc, tailv,
           sga, sgb, sgc, soa, sob, soc):
        wid = lax.axis_index("s") * _NC + lax.axis_index("c")

        iota_p = jnp.arange(16, dtype=jnp.int32) * _PITCH

        def start_read(k, v, sg):
            c0 = k * _KCOL
            for j in range(4):
                pltpu.async_copy(
                    zt_hbm.at[pl.ds(j * 8, 8), pl.ds(c0, _KCOL)], v.at[j], sg
                )

        def wait_read(v, sg):
            for j in range(4):
                pltpu.make_async_copy(
                    zt_hbm.at[pl.ds(0, 8), pl.ds(0, _KCOL)], v.at[j], sg
                ).wait()

        def transpose_group(v, t):
            def scat(cc, carry):
                base = cc * (16 * _PITCH)
                off = cc * 16
                for j in range(4):
                    for s in range(8):
                        vec = v[j, s, pl.ds(off, 16)]
                        plsc.store_scatter(
                            tpad, [iota_p + (base + (j * 8 + s))], vec
                        )
                return carry

            lax.fori_loop(0, _KCOL // 16, scat, 0)

            def compact(i, carry):
                for cc in range(16):
                    c = i * 16 + cc
                    t[pl.ds(c * _NDIM, 16)] = tpad[pl.ds(c * _PITCH, 16)]
                    t[pl.ds(c * _NDIM + 16, 16)] = tpad[
                        pl.ds(c * _PITCH + 16, 16)
                    ]
                return carry

            lax.fori_loop(0, _KCOL // 16, compact, 0)

        def start_write(k, t, so):
            pltpu.async_copy(
                t, zlin_hbm.at[pl.ds(k * (_KCOL * _NDIM), _KCOL * _NDIM)], so
            )

        def wait_write(t, so):
            pltpu.make_async_copy(
                zlin_hbm.at[pl.ds(0, _KCOL * _NDIM)], t, so
            ).wait()

        vs = [va, vb, vc]
        ts = [ta, tb, tc]
        sgs = [sga, sgb, sgc]
        sos = [soa, sob, soc]

        def mth(m):
            return wid + _NW * m

        def start_read_m(m, i):
            @pl.when(mth(m) < _NGRP)
            def _():
                start_read(mth(m), vs[i], sgs[i])

        start_read_m(0, 0)
        start_read_m(1, 1)

        def triple(q, carry):
            m0 = 3 * q
            for half in range(3):
                m = m0 + half
                i = half
                start_read_m(m + 2, (half + 2) % 3)

                @pl.when(mth(m) < _NGRP)
                def _(m=m, i=i):
                    wait_read(vs[i], sgs[i])

                    @pl.when(m >= 3)
                    def _():
                        wait_write(ts[i], sos[i])

                    transpose_group(vs[i], ts[i])
                    start_write(mth(m), ts[i], sos[i])

            return carry

        lax.fori_loop(0, _K1_TRIPLES, triple, 0)
        for i in range(3):
            wait_write(ts[i], sos[i])

        @pl.when(wid == 0)
        def _():
            pltpu.sync_copy(ztail_hbm, tailv)
            pltpu.sync_copy(
                tailv, zlin_hbm.at[pl.ds(_TAIL0 * _NDIM, _TAILN * _NDIM)]
            )

    return k1


def _build_k2():
    mesh = plsc.VectorSubcoreMesh(core_axis_name="c", subcore_axis_name="s")

    @functools.partial(
        pl.kernel,
        mesh=mesh,
        out_type=jax.ShapeDtypeStruct((_HIST, _NDIM, _BATCH), jnp.float32),
        compiler_params=pltpu.CompilerParams(
            needs_layout_passes=False, use_tc_tiling_on_sc=False
        ),
        scratch_types=[
            pltpu.VMEM((_HIST, _BPW), jnp.int32),
            pltpu.VMEM((_BPW, _NDIM), jnp.float32),
            pltpu.VMEM((_BPW, _NDIM), jnp.float32),
            pltpu.VMEM((_NDIM, _OPITCH), jnp.float32),
            pltpu.VMEM((_NDIM, _OPITCH), jnp.float32),
            pltpu.SemaphoreType.DMA,
            pltpu.SemaphoreType.DMA,
            pltpu.SemaphoreType.DMA,
            pltpu.SemaphoreType.DMA,
        ],
    )
    def k2(idxt_hbm, z_hbm, out_hbm, idx_all, rows0, rows1,
           ob0, ob1, sg0, sg1, so0, so1):
        wid = lax.axis_index("s") * _NC + lax.axis_index("c")
        b0w = wid * _BPW

        iota_dlo = jnp.arange(16, dtype=jnp.int32)
        iota_dhi = iota_dlo + 16

        pltpu.sync_copy(idxt_hbm.at[:, pl.ds(b0w, _BPW)], idx_all)

        def start(h, rows_v, sg):
            for j in range(_NG):
                pltpu.async_copy(
                    z_hbm.at[idx_all.at[h, pl.ds(j * _G, _G)]],
                    rows_v.at[pl.ds(j * _G, _G)],
                    sg,
                )

        def wait_gather(rows_v, sg):
            pltpu.make_async_copy(
                z_hbm.at[pl.ds(0, _BPW)], rows_v, sg
            ).wait()

        def relayout(rows_v, out_v):
            def bbody(i, carry):
                for bb in range(8):
                    b = i * 8 + bb
                    b_splat = jnp.full((16,), 0, jnp.int32) + b
                    lo = rows_v[b, pl.ds(0, 16)]
                    hi = rows_v[b, pl.ds(16, 16)]
                    plsc.store_scatter(out_v, [iota_dlo, b_splat], lo)
                    plsc.store_scatter(out_v, [iota_dhi, b_splat], hi)
                return carry

            lax.fori_loop(0, _BPW // 8, bbody, 0)

        def start_out(h, out_v, so):
            pltpu.async_copy(
                out_v.at[:, pl.ds(0, _BPW)],
                out_hbm.at[h, :, pl.ds(b0w, _BPW)],
                so,
            )

        def wait_out(out_v, so):
            pltpu.make_async_copy(
                out_hbm.at[0, :, pl.ds(0, _BPW)],
                out_v.at[:, pl.ds(0, _BPW)],
                so,
            ).wait()

        start(0, rows0, sg0)

        def pair(p, carry):
            h0 = 2 * p
            h1 = h0 + 1
            start(h1, rows1, sg1)
            wait_gather(rows0, sg0)

            @pl.when(p > 0)
            def _():
                wait_out(ob0, so0)

            relayout(rows0, ob0)
            start_out(h0, ob0, so0)

            @pl.when(p < _HIST // 2 - 1)
            def _():
                start(h0 + 2, rows0, sg0)

            wait_gather(rows1, sg1)

            @pl.when(p > 0)
            def _():
                wait_out(ob1, so1)

            relayout(rows1, ob1)
            start_out(h1, ob1, so1)
            return carry

        lax.fori_loop(0, _HIST // 2, pair, 0)
        wait_out(ob0, so0)
        wait_out(ob1, so1)

    return k2


_K1 = _build_k1()
_K2 = _build_k2()


@jax.jit
def kernel(inputs, z):
    zt = jnp.transpose(z)
    ztail = lax.slice(z, (_TAIL0, 0), (_NSTIM, _NDIM)).reshape(-1)
    z_lin = _K1(zt, ztail).reshape(_NSTIM, _NDIM)
    idxt = jnp.transpose(inputs)
    out_t = _K2(idxt, z_lin)
    return jnp.transpose(out_t, (2, 1, 0))

# --- scband reference (transcript-rebuilt; emitter-appended) ---
"""Pipeline reference for scband-embedding-12257836663097 (READ-ONLY COPY).

The authoritative reference and input builder live on the scoring server;
editing this copy changes nothing except your own understanding.
"""

import jax
import jax.numpy as jnp
import numpy as np

N_STIMULI = 1000000
N_DIM = 32
BATCH = 16384
HIST = 50

def setup_inputs(seed: int = 0) -> dict:
    key = jax.random.key(seed)
    k_idx, k_z = jax.random.split(key)
    # stimulus IDs in [0, n_stimuli); module adds 1 internally to skip placeholder row
    inputs = jax.random.randint(k_idx, (BATCH, HIST), 0, N_STIMULI, dtype=jnp.int32)
    # learned embedding coordinates z: [n_stimuli, n_dim]
    z = jax.random.normal(k_z, (N_STIMULI, N_DIM), dtype=jnp.float32)
    return {"inputs": inputs, "z": z}

def reference(inputs, z):
    # stimulus_set = inputs + 1 (placeholder -1 maps to row 0)
    stimulus_set = inputs + 1
    # pad row 0 with zeros for the placeholder stimulus
    z_pad = jnp.concatenate([jnp.zeros((1, z.shape[1]), dtype=z.dtype), z], axis=0)
    n_trial = stimulus_set.shape[0]
    input_length = stimulus_set.shape[1]
    n_dim = z_pad.shape[1]
    flat_idx = jnp.reshape(stimulus_set, (-1,))
    z_set = jnp.take(z_pad, flat_idx, axis=0)
    z_set = jnp.reshape(z_set, (n_trial, input_length, n_dim))
    z_set = jnp.transpose(z_set, (0, 2, 1))
    return z_set

if __name__ == "__main__":
    import jax
    _d = setup_inputs()
    print(jax.jit(kernel)(*tuple(_d.values())))

</pallas_src>

<mosaic_0001>
#map = affine_map<(d0, d1) -> (0, 0)>
#map1 = affine_map<(d0, d1) -> (0, 0, 0)>
module attributes {stable_mosaic.version = 14 : i64} {
  func.func @k2(%arg0: i32, %arg1: i32, %arg2: memref<50x16384xi32, #tpu.memory_space<hbm>>, %arg3: memref<1000000x32xf32, #tpu.memory_space<hbm>>, %arg4: memref<50x32x16384xf32, #tpu.memory_space<hbm>>, %arg5: memref<50x512xi32, #tpu.memory_space<vmem>>, %arg6: memref<512x32xf32, #tpu.memory_space<vmem>>, %arg7: memref<512x32xf32, #tpu.memory_space<vmem>>, %arg8: memref<32x521xf32, #tpu.memory_space<vmem>>, %arg9: memref<32x521xf32, #tpu.memory_space<vmem>>, %arg10: memref<!tpu.dma_semaphore, #tpu.memory_space<semaphore_mem>>, %arg11: memref<!tpu.dma_semaphore, #tpu.memory_space<semaphore_mem>>, %arg12: memref<!tpu.dma_semaphore, #tpu.memory_space<semaphore_mem>>, %arg13: memref<!tpu.dma_semaphore, #tpu.memory_space<semaphore_mem>>) attributes {dimension_semantics = [#tpu.dimension_semantics<core_parallel>, #tpu.dimension_semantics<subcore_parallel>], iteration_bounds = array<i64: 2, 16>, scalar_prefetch = 0 : i64, scratch_operands = 9 : i64, tpu.core_type = #tpu.core_type<sc_vector_subcore>, window_params = [{transform_indices = #map}, {transform_indices = #map}, {transform_indices = #map1}]} {
    %mul3A = arith.constant 2 : i32
    %mul3A_0 = arith.muli %arg1, %mul3A : i32
    %add3A = arith.addi %mul3A_0, %arg0 : i32
    %mul3A_1 = arith.constant 512 : i32
    %mul3A_2 = arith.muli %add3A, %mul3A_1 : i32
    %iota3A = tpu.iota {dimensions = array<i32: 0>} : vector<16xi32>
    %add3A_3 = arith.constant 16 : i32
    %add3A_4 = vector.broadcast %add3A_3 : i32 to vector<16xi32>
    %add3A_5 = arith.addi %iota3A, %add3A_4 : vector<16xi32>
    "tpu.region"() ({
      %run_scoped3A = tpu.sem_alloc : memref<!tpu.dma_semaphore, #tpu.memory_space<semaphore_mem>>
      %dma_start3A_79 = arith.constant 0 : i32
      %dma_start3A_80 = tpu.memref_slice %arg2[%dma_start3A_79, %mul3A_2] : memref<50x16384xi32, #tpu.memory_space<hbm>> -> memref<50x512xi32, #tpu.memory_space<hbm>>
      %dma_start3A_81 = arith.constant 0 : i32
      %dma_start3A_82 = tpu.memref_slice %arg2[%dma_start3A_81, %mul3A_2] : memref<50x16384xi32, #tpu.memory_space<hbm>> -> memref<50x512xi32, #tpu.memory_space<hbm>>
      tpu.enqueue_dma source(%dma_start3A_82 : memref<50x512xi32, #tpu.memory_space<hbm>>) target(%arg5 : memref<50x512xi32, #tpu.memory_space<vmem>>) target_semaphore(%run_scoped3A : memref<!tpu.dma_semaphore, #tpu.memory_space<semaphore_mem>>)
      %dma_wait3A_83 = arith.constant 0 : i32
      %dma_wait3A_84 = tpu.memref_slice %arg2[%dma_wait3A_83, %mul3A_2] : memref<50x16384xi32, #tpu.memory_space<hbm>> -> memref<50x512xi32, #tpu.memory_space<hbm>>
      %dma_wait3A_85 = arith.constant 0 : i32
      %dma_wait3A_86 = tpu.memref_slice %arg2[%dma_wait3A_85, %mul3A_2] : memref<50x16384xi32, #tpu.memory_space<hbm>> -> memref<50x512xi32, #tpu.memory_space<hbm>>
      tpu.wait_dma2 semaphore(%run_scoped3A : memref<!tpu.dma_semaphore, #tpu.memory_space<semaphore_mem>>) src(%dma_wait3A_86 : memref<50x512xi32, #tpu.memory_space<hbm>>) dst(%arg5 : memref<50x512xi32, #tpu.memory_space<vmem>>)
      tpu.yield
    }) : () -> ()
    %dma_start3A = arith.constant 0 : i32
    %dma_start3A_6 = arith.constant 0 : i32
    %dma_start3A_7 = arith.constant 0 : i32
    %dma_start3A_8 = tpu.memref_slice %arg6[%dma_start3A_6, %dma_start3A_7] : memref<512x32xf32, #tpu.memory_space<vmem>> -> memref<128x32xf32, #tpu.memory_space<vmem>>
    %dma_start3A_9 = arith.constant 0 : i32
    %dma_start3A_10 = tpu.memref_slice %arg5[%dma_start3A, %dma_start3A_9] : memref<50x512xi32, #tpu.memory_space<vmem>> -> memref<1x128xi32, #tpu.memory_space<vmem>>
    %dma_start3A_11 = tpu.memref_squeeze %dma_start3A_10 : memref<1x128xi32, #tpu.memory_space<vmem>> -> memref<128xi32, #tpu.memory_space<vmem>>
    %dma_start3A_12 = arith.constant 0 : i32
    %dma_start3A_13 = arith.constant 0 : i32
    %dma_start3A_14 = tpu.memref_slice %arg3[%dma_start3A_12, %dma_start3A_13] : memref<1000000x32xf32, #tpu.memory_space<hbm>> -> memref<1000000x32xf32, #tpu.memory_space<hbm>>
    tpu.enqueue_indirect_dma source(%dma_start3A_14 : memref<1000000x32xf32, #tpu.memory_space<hbm>>) target(%dma_start3A_8 : memref<128x32xf32, #tpu.memory_space<vmem>>) offsets(%dma_start3A_11 : memref<128xi32, #tpu.memory_space<vmem>>) semaphore(%arg10 : memref<!tpu.dma_semaphore, #tpu.memory_space<semaphore_mem>>)
    %dma_start3A_15 = arith.constant 0 : i32
    %dma_start3A_16 = arith.constant 128 : i32
    %dma_start3A_17 = arith.constant 0 : i32
    %dma_start3A_18 = tpu.memref_slice %arg6[%dma_start3A_16, %dma_start3A_17] : memref<512x32xf32, #tpu.memory_space<vmem>> -> memref<128x32xf32, #tpu.memory_space<vmem>>
    %dma_start3A_19 = arith.constant 128 : i32
    %dma_start3A_20 = tpu.memref_slice %arg5[%dma_start3A_15, %dma_start3A_19] : memref<50x512xi32, #tpu.memory_space<vmem>> -> memref<1x128xi32, #tpu.memory_space<vmem>>
    %dma_start3A_21 = tpu.memref_squeeze %dma_start3A_20 : memref<1x128xi32, #tpu.memory_space<vmem>> -> memref<128xi32, #tpu.memory_space<vmem>>
    %dma_start3A_22 = arith.constant 0 : i32
    %dma_start3A_23 = arith.constant 0 : i32
    %dma_start3A_24 = tpu.memref_slice %arg3[%dma_start3A_22, %dma_start3A_23] : memref<1000000x32xf32, #tpu.memory_space<hbm>> -> memref<1000000x32xf32, #tpu.memory_space<hbm>>
    tpu.enqueue_indirect_dma source(%dma_start3A_24 : memref<1000000x32xf32, #tpu.memory_space<hbm>>) target(%dma_start3A_18 : memref<128x32xf32, #tpu.memory_space<vmem>>) offsets(%dma_start3A_21 : memref<128xi32, #tpu.memory_space<vmem>>) semaphore(%arg10 : memref<!tpu.dma_semaphore, #tpu.memory_space<semaphore_mem>>)
    %dma_start3A_25 = arith.constant 0 : i32
    %dma_start3A_26 = arith.constant 256 : i32
    %dma_start3A_27 = arith.constant 0 : i32
    %dma_start3A_28 = tpu.memref_slice %arg6[%dma_start3A_26, %dma_start3A_27] : memref<512x32xf32, #tpu.memory_space<vmem>> -> memref<128x32xf32, #tpu.memory_space<vmem>>
    %dma_start3A_29 = arith.constant 256 : i32
    %dma_start3A_30 = tpu.memref_slice %arg5[%dma_start3A_25, %dma_start3A_29] : memref<50x512xi32, #tpu.memory_space<vmem>> -> memref<1x128xi32, #tpu.memory_space<vmem>>
    %dma_start3A_31 = tpu.memref_squeeze %dma_start3A_30 : memref<1x128xi32, #tpu.memory_space<vmem>> -> memref<128xi32, #tpu.memory_space<vmem>>
    %dma_start3A_32 = arith.constant 0 : i32
    %dma_start3A_33 = arith.constant 0 : i32
    %dma_start3A_34 = tpu.memref_slice %arg3[%dma_start3A_32, %dma_start3A_33] : memref<1000000x32xf32, #tpu.memory_space<hbm>> -> memref<1000000x32xf32, #tpu.memory_space<hbm>>
    tpu.enqueue_indirect_dma source(%dma_start3A_34 : memref<1000000x32xf32, #tpu.memory_space<hbm>>) target(%dma_start3A_28 : memref<128x32xf32, #tpu.memory_space<vmem>>) offsets(%dma_start3A_31 : memref<128xi32, #tpu.memory_space<vmem>>) semaphore(%arg10 : memref<!tpu.dma_semaphore, #tpu.memory_space<semaphore_mem>>)
    %dma_start3A_35 = arith.constant 0 : i32
    %dma_start3A_36 = arith.constant 384 : i32
    %dma_start3A_37 = arith.constant 0 : i32
    %dma_start3A_38 = tpu.memref_slice %arg6[%dma_start3A_36, %dma_start3A_37] : memref<512x32xf32, #tpu.memory_space<vmem>> -> memref<128x32xf32, #tpu.memory_space<vmem>>
    %dma_start3A_39 = arith.constant 384 : i32
    %dma_start3A_40 = tpu.memref_slice %arg5[%dma_start3A_35, %dma_start3A_39] : memref<50x512xi32, #tpu.memory_space<vmem>> -> memref<1x128xi32, #tpu.memory_space<vmem>>
    %dma_start3A_41 = tpu.memref_squeeze %dma_start3A_40 : memref<1x128xi32, #tpu.memory_space<vmem>> -> memref<128xi32, #tpu.memory_space<vmem>>
    %dma_start3A_42 = arith.constant 0 : i32
    %dma_start3A_43 = arith.constant 0 : i32
    %dma_start3A_44 = tpu.memref_slice %arg3[%dma_start3A_42, %dma_start3A_43] : memref<1000000x32xf32, #tpu.memory_space<hbm>> -> memref<1000000x32xf32, #tpu.memory_space<hbm>>
    tpu.enqueue_indirect_dma source(%dma_start3A_44 : memref<1000000x32xf32, #tpu.memory_space<hbm>>) target(%dma_start3A_38 : memref<128x32xf32, #tpu.memory_space<vmem>>) offsets(%dma_start3A_41 : memref<128xi32, #tpu.memory_space<vmem>>) semaphore(%arg10 : memref<!tpu.dma_semaphore, #tpu.memory_space<semaphore_mem>>)
    %scan3A = arith.constant 0 : i32
    %scan3A_45 = arith.constant 0 : i32
    %scan3A_46 = arith.constant 25 : i32
    %scan3A_47 = arith.addi %scan3A_45, %scan3A_46 : i32
    %scan3A_48 = arith.constant 1 : i32
    scf.for %scan3A_79 = %scan3A_45 to %scan3A_47 step %scan3A_48  : i32 {
      %mul3A_80 = arith.constant 2 : i32
      %mul3A_81 = arith.muli %mul3A_80, %scan3A_79 : i32
      %add3A_82 = arith.constant 1 : i32
      %add3A_83 = arith.addi %mul3A_81, %add3A_82 : i32
      %dma_start3A_84 = arith.constant 0 : i32
      %dma_start3A_85 = arith.constant 0 : i32
      %dma_start3A_86 = tpu.memref_slice %arg7[%dma_start3A_84, %dma_start3A_85] : memref<512x32xf32, #tpu.memory_space<vmem>> -> memref<128x32xf32, #tpu.memory_space<vmem>>
      %dma_start3A_87 = arith.constant 0 : i32
      %dma_start3A_88 = tpu.memref_slice %arg5[%add3A_83, %dma_start3A_87] : memref<50x512xi32, #tpu.memory_space<vmem>> -> memref<1x128xi32, #tpu.memory_space<vmem>>
      %dma_start3A_89 = tpu.memref_squeeze %dma_start3A_88 : memref<1x128xi32, #tpu.memory_space<vmem>> -> memref<128xi32, #tpu.memory_space<vmem>>
      %dma_start3A_90 = arith.constant 0 : i32
      %dma_start3A_91 = arith.constant 0 : i32
      %dma_start3A_92 = tpu.memref_slice %arg3[%dma_start3A_90, %dma_start3A_91] : memref<1000000x32xf32, #tpu.memory_space<hbm>> -> memref<1000000x32xf32, #tpu.memory_space<hbm>>
      tpu.enqueue_indirect_dma source(%dma_start3A_92 : memref<1000000x32xf32, #tpu.memory_space<hbm>>) target(%dma_start3A_86 : memref<128x32xf32, #tpu.memory_space<vmem>>) offsets(%dma_start3A_89 : memref<128xi32, #tpu.memory_space<vmem>>) semaphore(%arg11 : memref<!tpu.dma_semaphore, #tpu.memory_space<semaphore_mem>>)
      %dma_start3A_93 = arith.constant 128 : i32
      %dma_start3A_94 = arith.constant 0 : i32
      %dma_start3A_95 = tpu.memref_slice %arg7[%dma_start3A_93, %dma_start3A_94] : memref<512x32xf32, #tpu.memory_space<vmem>> -> memref<128x32xf32, #tpu.memory_space<vmem>>
      %dma_start3A_96 = arith.constant 128 : i32
      %dma_start3A_97 = tpu.memref_slice %arg5[%add3A_83, %dma_start3A_96] : memref<50x512xi32, #tpu.memory_space<vmem>> -> memref<1x128xi32, #tpu.memory_space<vmem>>
      %dma_start3A_98 = tpu.memref_squeeze %dma_start3A_97 : memref<1x128xi32, #tpu.memory_space<vmem>> -> memref<128xi32, #tpu.memory_space<vmem>>
      %dma_start3A_99 = arith.constant 0 : i32
      %dma_start3A_100 = arith.constant 0 : i32
      %dma_start3A_101 = tpu.memref_slice %arg3[%dma_start3A_99, %dma_start3A_100] : memref<1000000x32xf32, #tpu.memory_space<hbm>> -> memref<1000000x32xf32, #tpu.memory_space<hbm>>
      tpu.enqueue_indirect_dma source(%dma_start3A_101 : memref<1000000x32xf32, #tpu.memory_space<hbm>>) target(%dma_start3A_95 : memref<128x32xf32, #tpu.memory_space<vmem>>) offsets(%dma_start3A_98 : memref<128xi32, #tpu.memory_space<vmem>>) semaphore(%arg11 : memref<!tpu.dma_semaphore, #tpu.memory_space<semaphore_mem>>)
      %dma_start3A_102 = arith.constant 256 : i32
      %dma_start3A_103 = arith.constant 0 : i32
      %dma_start3A_104 = tpu.memref_slice %arg7[%dma_start3A_102, %dma_start3A_103] : memref<512x32xf32, #tpu.memory_space<vmem>> -> memref<128x32xf32, #tpu.memory_space<vmem>>
      %dma_start3A_105 = arith.constant 256 : i32
      %dma_start3A_106 = tpu.memref_slice %arg5[%add3A_83, %dma_start3A_105] : memref<50x512xi32, #tpu.memory_space<vmem>> -> memref<1x128xi32, #tpu.memory_space<vmem>>
      %dma_start3A_107 = tpu.memref_squeeze %dma_start3A_106 : memref<1x128xi32, #tpu.memory_space<vmem>> -> memref<128xi32, #tpu.memory_space<vmem>>
      %dma_start3A_108 = arith.constant 0 : i32
      %dma_start3A_109 = arith.constant 0 : i32
      %dma_start3A_110 = tpu.memref_slice %arg3[%dma_start3A_108, %dma_start3A_109] : memref<1000000x32xf32, #tpu.memory_space<hbm>> -> memref<1000000x32xf32, #tpu.memory_space<hbm>>
      tpu.enqueue_indirect_dma source(%dma_start3A_110 : memref<1000000x32xf32, #tpu.memory_space<hbm>>) target(%dma_start3A_104 : memref<128x32xf32, #tpu.memory_space<vmem>>) offsets(%dma_start3A_107 : memref<128xi32, #tpu.memory_space<vmem>>) semaphore(%arg11 : memref<!tpu.dma_semaphore, #tpu.memory_space<semaphore_mem>>)
      %dma_start3A_111 = arith.constant 384 : i32
      %dma_start3A_112 = arith.constant 0 : i32
      %dma_start3A_113 = tpu.memref_slice %arg7[%dma_start3A_111, %dma_start3A_112] : memref<512x32xf32, #tpu.memory_space<vmem>> -> memref<128x32xf32, #tpu.memory_space<vmem>>
      %dma_start3A_114 = arith.constant 384 : i32
      %dma_start3A_115 = tpu.memref_slice %arg5[%add3A_83, %dma_start3A_114] : memref<50x512xi32, #tpu.memory_space<vmem>> -> memref<1x128xi32, #tpu.memory_space<vmem>>
      %dma_start3A_116 = tpu.memref_squeeze %dma_start3A_115 : memref<1x128xi32, #tpu.memory_space<vmem>> -> memref<128xi32, #tpu.memory_space<vmem>>
      %dma_start3A_117 = arith.constant 0 : i32
      %dma_start3A_118 = arith.constant 0 : i32
      %dma_start3A_119 = tpu.memref_slice %arg3[%dma_start3A_117, %dma_start3A_118] : memref<1000000x32xf32, #tpu.memory_space<hbm>> -> memref<1000000x32xf32, #tpu.memory_space<hbm>>
      tpu.enqueue_indirect_dma source(%dma_start3A_119 : memref<1000000x32xf32, #tpu.memory_space<hbm>>) target(%dma_start3A_113 : memref<128x32xf32, #tpu.memory_space<vmem>>) offsets(%dma_start3A_116 : memref<128xi32, #tpu.memory_space<vmem>>) semaphore(%arg11 : memref<!tpu.dma_semaphore, #tpu.memory_space<semaphore_mem>>)
      %dma_wait3A_120 = arith.constant 0 : i32
      %dma_wait3A_121 = arith.constant 0 : i32
      %dma_wait3A_122 = tpu.memref_slice %arg3[%dma_wait3A_120, %dma_wait3A_121] : memref<1000000x32xf32, #tpu.memory_space<hbm>> -> memref<512x32xf32, #tpu.memory_space<hbm>>
      %dma_wait3A_123 = arith.constant 0 : i32
      %dma_wait3A_124 = arith.constant 0 : i32
      %dma_wait3A_125 = tpu.memref_slice %arg3[%dma_wait3A_123, %dma_wait3A_124] : memref<1000000x32xf32, #tpu.memory_space<hbm>> -> memref<512x32xf32, #tpu.memory_space<hbm>>
      tpu.wait_dma2 semaphore(%arg10 : memref<!tpu.dma_semaphore, #tpu.memory_space<semaphore_mem>>) src(%dma_wait3A_125 : memref<512x32xf32, #tpu.memory_space<hbm>>) dst(%arg6 : memref<512x32xf32, #tpu.memory_space<vmem>>)
      %gt3A = arith.constant 0 : i32
      %gt3A_126 = arith.cmpi sgt, %scan3A_79, %gt3A : i32
      %convert_element_type3A = arith.extui %gt3A_126 : i1 to i32
      %cond3A = arith.constant 0 : i32
      %cond3A_127 = arith.cmpi ne, %convert_element_type3A, %cond3A : i32
      scf.if %cond3A_127 {
        %dma_wait3A_179 = arith.constant 0 : i32
        %dma_wait3A_180 = arith.constant 0 : i32
        %dma_wait3A_181 = arith.constant 0 : i32
        %dma_wait3A_182 = tpu.memref_slice %arg8[%dma_wait3A_180, %dma_wait3A_181] : memref<32x521xf32, #tpu.memory_space<vmem>> -> memref<32x512xf32, #tpu.memory_space<vmem>>
        %dma_wait3A_183 = arith.constant 0 : i32
        %dma_wait3A_184 = arith.constant 0 : i32
        %dma_wait3A_185 = tpu.memref_slice %arg4[%dma_wait3A_179, %dma_wait3A_183, %dma_wait3A_184] : memref<50x32x16384xf32, #tpu.memory_space<hbm>> -> memref<1x32x512xf32, #tpu.memory_space<hbm>>
        %dma_wait3A_186 = tpu.memref_squeeze %dma_wait3A_185 : memref<1x32x512xf32, #tpu.memory_space<hbm>> -> memref<32x512xf32, #tpu.memory_space<hbm>>
        %dma_wait3A_187 = arith.constant 0 : i32
        %dma_wait3A_188 = arith.constant 0 : i32
        %dma_wait3A_189 = tpu.memref_slice %arg8[%dma_wait3A_187, %dma_wait3A_188] : memref<32x521xf32, #tpu.memory_space<vmem>> -> memref<32x512xf32, #tpu.memory_space<vmem>>
        %dma_wait3A_190 = arith.constant 0 : i32
        %dma_wait3A_191 = arith.constant 0 : i32
        %dma_wait3A_192 = tpu.memref_slice %arg4[%dma_wait3A_179, %dma_wait3A_190, %dma_wait3A_191] : memref<50x32x16384xf32, #tpu.memory_space<hbm>> -> memref<1x32x512xf32, #tpu.memory_space<hbm>>
        %dma_wait3A_193 = tpu.memref_squeeze %dma_wait3A_192 : memref<1x32x512xf32, #tpu.memory_space<hbm>> -> memref<32x512xf32, #tpu.memory_space<hbm>>
        tpu.wait_dma2 semaphore(%arg12 : memref<!tpu.dma_semaphore, #tpu.memory_space<semaphore_mem>>) src(%dma_wait3A_193 : memref<32x512xf32, #tpu.memory_space<hbm>>) dst(%dma_wait3A_189 : memref<32x512xf32, #tpu.memory_space<vmem>>)
      } else {
      }
      %scan3A_128 = arith.constant 0 : i32
      %scan3A_129 = arith.constant 0 : i32
      %scan3A_130 = arith.constant 64 : i32
      %scan3A_131 = arith.addi %scan3A_129, %scan3A_130 : i32
      %scan3A_132 = arith.constant 1 : i32
      scf.for %scan3A_179 = %scan3A_129 to %scan3A_131 step %scan3A_132  : i32 {
        %mul3A_180 = arith.constant 8 : i32
        %mul3A_181 = arith.muli %scan3A_179, %mul3A_180 : i32
        %add3A_182 = arith.constant 0 : i32
        %add3A_183 = arith.addi %mul3A_181, %add3A_182 : i32
        %broadcast_in_dim3A = arith.constant 0 : i32
        %broadcast_in_dim3A_184 = vector.broadcast %broadcast_in_dim3A : i32 to vector<16xi32>
        %add3A_185 = vector.broadcast %add3A_183 : i32 to vector<16xi32>
        %add3A_186 = arith.addi %broadcast_in_dim3A_184, %add3A_185 : vector<16xi32>
        %get3A = arith.index_cast %add3A_183 : i32 to index
        %get3A_187 = arith.constant 0 : index
        %get3A_188 = tpu.vector_load %arg6[%get3A, %get3A_187] {strides = array<i32>} : memref<512x32xf32, #tpu.memory_space<vmem>>, vector<16xf32>,
        %get3A_189 = arith.index_cast %add3A_183 : i32 to index
        %get3A_190 = arith.constant 16 : index
        %get3A_191 = tpu.vector_load %arg6[%get3A_189, %get3A_190] {strides = array<i32>} : memref<512x32xf32, #tpu.memory_space<vmem>>, vector<16xf32>,
        tpu.vector_store_idx %arg8[%iota3A, %add3A_186], %get3A_188 : memref<32x521xf32, #tpu.memory_space<vmem>>[vector<16xi32>, vector<16xi32>], vector<16xf32>,
        tpu.vector_store_idx %arg8[%add3A_5, %add3A_186], %get3A_191 : memref<32x521xf32, #tpu.memory_space<vmem>>[vector<16xi32>, vector<16xi32>], vector<16xf32>,
        %mul3A_192 = arith.constant 8 : i32
        %mul3A_193 = arith.muli %scan3A_179, %mul3A_192 : i32
        %add3A_194 = arith.constant 1 : i32
        %add3A_195 = arith.addi %mul3A_193, %add3A_194 : i32
        %broadcast_in_dim3A_196 = arith.constant 0 : i32
        %broadcast_in_dim3A_197 = vector.broadcast %broadcast_in_dim3A_196 : i32 to vector<16xi32>
        %add3A_198 = vector.broadcast %add3A_195 : i32 to vector<16xi32>
        %add3A_199 = arith.addi %broadcast_in_dim3A_197, %add3A_198 : vector<16xi32>
        %get3A_200 = arith.index_cast %add3A_195 : i32 to index
        %get3A_201 = arith.constant 0 : index
        %get3A_202 = tpu.vector_load %arg6[%get3A_200, %get3A_201] {strides = array<i32>} : memref<512x32xf32, #tpu.memory_space<vmem>>, vector<16xf32>,
        %get3A_203 = arith.index_cast %add3A_195 : i32 to index
        %get3A_204 = arith.constant 16 : index
        %get3A_205 = tpu.vector_load %arg6[%get3A_203, %get3A_204] {strides = array<i32>} : memref<512x32xf32, #tpu.memory_space<vmem>>, vector<16xf32>,
        tpu.vector_store_idx %arg8[%iota3A, %add3A_199], %get3A_202 : memref<32x521xf32, #tpu.memory_space<vmem>>[vector<16xi32>, vector<16xi32>], vector<16xf32>,
        tpu.vector_store_idx %arg8[%add3A_5, %add3A_199], %get3A_205 : memref<32x521xf32, #tpu.memory_space<vmem>>[vector<16xi32>, vector<16xi32>], vector<16xf32>,
        %mul3A_206 = arith.constant 8 : i32
        %mul3A_207 = arith.muli %scan3A_179, %mul3A_206 : i32
        %add3A_208 = arith.constant 2 : i32
        %add3A_209 = arith.addi %mul3A_207, %add3A_208 : i32
        %broadcast_in_dim3A_210 = arith.constant 0 : i32
        %broadcast_in_dim3A_211 = vector.broadcast %broadcast_in_dim3A_210 : i32 to vector<16xi32>
        %add3A_212 = vector.broadcast %add3A_209 : i32 to vector<16xi32>
        %add3A_213 = arith.addi %broadcast_in_dim3A_211, %add3A_212 : vector<16xi32>
        %get3A_214 = arith.index_cast %add3A_209 : i32 to index
        %get3A_215 = arith.constant 0 : index
        %get3A_216 = tpu.vector_load %arg6[%get3A_214, %get3A_215] {strides = array<i32>} : memref<512x32xf32, #tpu.memory_space<vmem>>, vector<16xf32>,
        %get3A_217 = arith.index_cast %add3A_209 : i32 to index
        %get3A_218 = arith.constant 16 : index
        %get3A_219 = tpu.vector_load %arg6[%get3A_217, %get3A_218] {strides = array<i32>} : memref<512x32xf32, #tpu.memory_space<vmem>>, vector<16xf32>,
        tpu.vector_store_idx %arg8[%iota3A, %add3A_213], %get3A_216 : memref<32x521xf32, #tpu.memory_space<vmem>>[vector<16xi32>, vector<16xi32>], vector<16xf32>,
        tpu.vector_store_idx %arg8[%add3A_5, %add3A_213], %get3A_219 : memref<32x521xf32, #tpu.memory_space<vmem>>[vector<16xi32>, vector<16xi32>], vector<16xf32>,
        %mul3A_220 = arith.constant 8 : i32
        %mul3A_221 = arith.muli %scan3A_179, %mul3A_220 : i32
        %add3A_222 = arith.constant 3 : i32
        %add3A_223 = arith.addi %mul3A_221, %add3A_222 : i32
        %broadcast_in_dim3A_224 = arith.constant 0 : i32
        %broadcast_in_dim3A_225 = vector.broadcast %broadcast_in_dim3A_224 : i32 to vector<16xi32>
        %add3A_226 = vector.broadcast %add3A_223 : i32 to vector<16xi32>
        %add3A_227 = arith.addi %broadcast_in_dim3A_225, %add3A_226 : vector<16xi32>
        %get3A_228 = arith.index_cast %add3A_223 : i32 to index
        %get3A_229 = arith.constant 0 : index
        %get3A_230 = tpu.vector_load %arg6[%get3A_228, %get3A_229] {strides = array<i32>} : memref<512x32xf32, #tpu.memory_space<vmem>>, vector<16xf32>,
        %get3A_231 = arith.index_cast %add3A_223 : i32 to index
        %get3A_232 = arith.constant 16 : index
        %get3A_233 = tpu.vector_load %arg6[%get3A_231, %get3A_232] {strides = array<i32>} : memref<512x32xf32, #tpu.memory_space<vmem>>, vector<16xf32>,
        tpu.vector_store_idx %arg8[%iota3A, %add3A_227], %get3A_230 : memref<32x521xf32, #tpu.memory_space<vmem>>[vector<16xi32>, vector<16xi32>], vector<16xf32>,
        tpu.vector_store_idx %arg8[%add3A_5, %add3A_227], %get3A_233 : memref<32x521xf32, #tpu.memory_space<vmem>>[vector<16xi32>, vector<16xi32>], vector<16xf32>,
        %mul3A_234 = arith.constant 8 : i32
        %mul3A_235 = arith.muli %scan3A_179, %mul3A_234 : i32
        %add3A_236 = arith.constant 4 : i32
        %add3A_237 = arith.addi %mul3A_235, %add3A_236 : i32
        %broadcast_in_dim3A_238 = arith.constant 0 : i32
        %broadcast_in_dim3A_239 = vector.broadcast %broadcast_in_dim3A_238 : i32 to vector<16xi32>
        %add3A_240 = vector.broadcast %add3A_237 : i32 to vector<16xi32>
        %add3A_241 = arith.addi %broadcast_in_dim3A_239, %add3A_240 : vector<16xi32>
        %get3A_242 = arith.index_cast %add3A_237 : i32 to index
        %get3A_243 = arith.constant 0 : index
        %get3A_244 = tpu.vector_load %arg6[%get3A_242, %get3A_243] {strides = array<i32>} : memref<512x32xf32, #tpu.memory_space<vmem>>, vector<16xf32>,
        %get3A_245 = arith.index_cast %add3A_237 : i32 to index
        %get3A_246 = arith.constant 16 : index
        %get3A_247 = tpu.vector_load %arg6[%get3A_245, %get3A_246] {strides = array<i32>} : memref<512x32xf32, #tpu.memory_space<vmem>>, vector<16xf32>,
        tpu.vector_store_idx %arg8[%iota3A, %add3A_241], %get3A_244 : memref<32x521xf32, #tpu.memory_space<vmem>>[vector<16xi32>, vector<16xi32>], vector<16xf32>,
        tpu.vector_store_idx %arg8[%add3A_5, %add3A_241], %get3A_247 : memref<32x521xf32, #tpu.memory_space<vmem>>[vector<16xi32>, vector<16xi32>], vector<16xf32>,
        %mul3A_248 = arith.constant 8 : i32
        %mul3A_249 = arith.muli %scan3A_179, %mul3A_248 : i32
        %add3A_250 = arith.constant 5 : i32
        %add3A_251 = arith.addi %mul3A_249, %add3A_250 : i32
        %broadcast_in_dim3A_252 = arith.constant 0 : i32
        %broadcast_in_dim3A_253 = vector.broadcast %broadcast_in_dim3A_252 : i32 to vector<16xi32>
        %add3A_254 = vector.broadcast %add3A_251 : i32 to vector<16xi32>
        %add3A_255 = arith.addi %broadcast_in_dim3A_253, %add3A_254 : vector<16xi32>
        %get3A_256 = arith.index_cast %add3A_251 : i32 to index
        %get3A_257 = arith.constant 0 : index
        %get3A_258 = tpu.vector_load %arg6[%get3A_256, %get3A_257] {strides = array<i32>} : memref<512x32xf32, #tpu.memory_space<vmem>>, vector<16xf32>,
        %get3A_259 = arith.index_cast %add3A_251 : i32 to index
        %get3A_260 = arith.constant 16 : index
        %get3A_261 = tpu.vector_load %arg6[%get3A_259, %get3A_260] {strides = array<i32>} : memref<512x32xf32, #tpu.memory_space<vmem>>, vector<16xf32>,
        tpu.vector_store_idx %arg8[%iota3A, %add3A_255], %get3A_258 : memref<32x521xf32, #tpu.memory_space<vmem>>[vector<16xi32>, vector<16xi32>], vector<16xf32>,
        tpu.vector_store_idx %arg8[%add3A_5, %add3A_255], %get3A_261 : memref<32x521xf32, #tpu.memory_space<vmem>>[vector<16xi32>, vector<16xi32>], vector<16xf32>,
        %mul3A_262 = arith.constant 8 : i32
        %mul3A_263 = arith.muli %scan3A_179, %mul3A_262 : i32
        %add3A_264 = arith.constant 6 : i32
        %add3A_265 = arith.addi %mul3A_263, %add3A_264 : i32
        %broadcast_in_dim3A_266 = arith.constant 0 : i32
        %broadcast_in_dim3A_267 = vector.broadcast %broadcast_in_dim3A_266 : i32 to vector<16xi32>
        %add3A_268 = vector.broadcast %add3A_265 : i32 to vector<16xi32>
        %add3A_269 = arith.addi %broadcast_in_dim3A_267, %add3A_268 : vector<16xi32>
        %get3A_270 = arith.index_cast %add3A_265 : i32 to index
        %get3A_271 = arith.constant 0 : index
        %get3A_272 = tpu.vector_load %arg6[%get3A_270, %get3A_271] {strides = array<i32>} : memref<512x32xf32, #tpu.memory_space<vmem>>, vector<16xf32>,
        %get3A_273 = arith.index_cast %add3A_265 : i32 to index
        %get3A_274 = arith.constant 16 : index
        %get3A_275 = tpu.vector_load %arg6[%get3A_273, %get3A_274] {strides = array<i32>} : memref<512x32xf32, #tpu.memory_space<vmem>>, vector<16xf32>,
        tpu.vector_store_idx %arg8[%iota3A, %add3A_269], %get3A_272 : memref<32x521xf32, #tpu.memory_space<vmem>>[vector<16xi32>, vector<16xi32>], vector<16xf32>,
        tpu.vector_store_idx %arg8[%add3A_5, %add3A_269], %get3A_275 : memref<32x521xf32, #tpu.memory_space<vmem>>[vector<16xi32>, vector<16xi32>], vector<16xf32>,
        %mul3A_276 = arith.constant 8 : i32
        %mul3A_277 = arith.muli %scan3A_179, %mul3A_276 : i32
        %add3A_278 = arith.constant 7 : i32
        %add3A_279 = arith.addi %mul3A_277, %add3A_278 : i32
        %broadcast_in_dim3A_280 = arith.constant 0 : i32
        %broadcast_in_dim3A_281 = vector.broadcast %broadcast_in_dim3A_280 : i32 to vector<16xi32>
        %add3A_282 = vector.broadcast %add3A_279 : i32 to vector<16xi32>
        %add3A_283 = arith.addi %broadcast_in_dim3A_281, %add3A_282 : vector<16xi32>
        %get3A_284 = arith.index_cast %add3A_279 : i32 to index
        %get3A_285 = arith.constant 0 : index
        %get3A_286 = tpu.vector_load %arg6[%get3A_284, %get3A_285] {strides = array<i32>} : memref<512x32xf32, #tpu.memory_space<vmem>>, vector<16xf32>,
        %get3A_287 = arith.index_cast %add3A_279 : i32 to index
        %get3A_288 = arith.constant 16 : index
        %get3A_289 = tpu.vector_load %arg6[%get3A_287, %get3A_288] {strides = array<i32>} : memref<512x32xf32, #tpu.memory_space<vmem>>, vector<16xf32>,
        tpu.vector_store_idx %arg8[%iota3A, %add3A_283], %get3A_286 : memref<32x521xf32, #tpu.memory_space<vmem>>[vector<16xi32>, vector<16xi32>], vector<16xf32>,
        tpu.vector_store_idx %arg8[%add3A_5, %add3A_283], %get3A_289 : memref<32x521xf32, #tpu.memory_space<vmem>>[vector<16xi32>, vector<16xi32>], vector<16xf32>,
      }
      %scan3A_133 = arith.constant 64 : i32
      %dma_start3A_134 = arith.constant 0 : i32
      %dma_start3A_135 = arith.constant 0 : i32
      %dma_start3A_136 = tpu.memref_slice %arg8[%dma_start3A_134, %dma_start3A_135] : memref<32x521xf32, #tpu.memory_space<vmem>> -> memref<32x512xf32, #tpu.memory_space<vmem>>
      %dma_start3A_137 = arith.constant 0 : i32
      %dma_start3A_138 = tpu.memref_slice %arg4[%mul3A_81, %dma_start3A_137, %mul3A_2] : memref<50x32x16384xf32, #tpu.memory_space<hbm>> -> memref<1x32x512xf32, #tpu.memory_space<hbm>>
      %dma_start3A_139 = tpu.memref_squeeze %dma_start3A_138 : memref<1x32x512xf32, #tpu.memory_space<hbm>> -> memref<32x512xf32, #tpu.memory_space<hbm>>
      %dma_start3A_140 = arith.constant 0 : i32
      %dma_start3A_141 = tpu.memref_slice %arg4[%mul3A_81, %dma_start3A_140, %mul3A_2] : memref<50x32x16384xf32, #tpu.memory_space<hbm>> -> memref<1x32x512xf32, #tpu.memory_space<hbm>>
      %dma_start3A_142 = tpu.memref_squeeze %dma_start3A_141 : memref<1x32x512xf32, #tpu.memory_space<hbm>> -> memref<32x512xf32, #tpu.memory_space<hbm>>
      %dma_start3A_143 = arith.constant 0 : i32
      %dma_start3A_144 = arith.constant 0 : i32
      %dma_start3A_145 = tpu.memref_slice %arg8[%dma_start3A_143, %dma_start3A_144] : memref<32x521xf32, #tpu.memory_space<vmem>> -> memref<32x512xf32, #tpu.memory_space<vmem>>
      tpu.enqueue_dma source(%dma_start3A_145 : memref<32x512xf32, #tpu.memory_space<vmem>>) target(%dma_start3A_142 : memref<32x512xf32, #tpu.memory_space<hbm>>) target_semaphore(%arg12 : memref<!tpu.dma_semaphore, #tpu.memory_space<semaphore_mem>>)
      %lt3A = arith.constant 24 : i32
      %lt3A_146 = arith.cmpi slt, %scan3A_79, %lt3A : i32
      %convert_element_type3A_147 = arith.extui %lt3A_146 : i1 to i32
      %cond3A_148 = arith.constant 0 : i32
      %cond3A_149 = arith.cmpi ne, %convert_element_type3A_147, %cond3A_148 : i32
      scf.if %cond3A_149 {
        %add3A_179 = arith.constant 2 : i32
        %add3A_180 = arith.addi %mul3A_81, %add3A_179 : i32
        %dma_start3A_181 = arith.constant 0 : i32
        %dma_start3A_182 = arith.constant 0 : i32
        %dma_start3A_183 = tpu.memref_slice %arg6[%dma_start3A_181, %dma_start3A_182] : memref<512x32xf32, #tpu.memory_space<vmem>> -> memref<128x32xf32, #tpu.memory_space<vmem>>
        %dma_start3A_184 = arith.constant 0 : i32
        %dma_start3A_185 = tpu.memref_slice %arg5[%add3A_180, %dma_start3A_184] : memref<50x512xi32, #tpu.memory_space<vmem>> -> memref<1x128xi32, #tpu.memory_space<vmem>>
        %dma_start3A_186 = tpu.memref_squeeze %dma_start3A_185 : memref<1x128xi32, #tpu.memory_space<vmem>> -> memref<128xi32, #tpu.memory_space<vmem>>
        %dma_start3A_187 = arith.constant 0 : i32
        %dma_start3A_188 = arith.constant 0 : i32
        %dma_start3A_189 = tpu.memref_slice %arg3[%dma_start3A_187, %dma_start3A_188] : memref<1000000x32xf32, #tpu.memory_space<hbm>> -> memref<1000000x32xf32, #tpu.memory_space<hbm>>
        tpu.enqueue_indirect_dma source(%dma_start3A_189 : memref<1000000x32xf32, #tpu.memory_space<hbm>>) target(%dma_start3A_183 : memref<128x32xf32, #tpu.memory_space<vmem>>) offsets(%dma_start3A_186 : memref<128xi32, #tpu.memory_space<vmem>>) semaphore(%arg10 : memref<!tpu.dma_semaphore, #tpu.memory_space<semaphore_mem>>)
        %dma_start3A_190 = arith.constant 128 : i32
        %dma_start3A_191 = arith.constant 0 : i32
        %dma_start3A_192 = tpu.memref_slice %arg6[%dma_start3A_190, %dma_start3A_191] : memref<512x32xf32, #tpu.memory_space<vmem>> -> memref<128x32xf32, #tpu.memory_space<vmem>>
        %dma_start3A_193 = arith.constant 128 : i32
        %dma_start3A_194 = tpu.memref_slice %arg5[%add3A_180, %dma_start3A_193] : memref<50x512xi32, #tpu.memory_space<vmem>> -> memref<1x128xi32, #tpu.memory_space<vmem>>
        %dma_start3A_195 = tpu.memref_squeeze %dma_start3A_194 : memref<1x128xi32, #tpu.memory_space<vmem>> -> memref<128xi32, #tpu.memory_space<vmem>>
        %dma_start3A_196 = arith.constant 0 : i32
        %dma_start3A_197 = arith.constant 0 : i32
        %dma_start3A_198 = tpu.memref_slice %arg3[%dma_start3A_196, %dma_start3A_197] : memref<1000000x32xf32, #tpu.memory_space<hbm>> -> memref<1000000x32xf32, #tpu.memory_space<hbm>>
        tpu.enqueue_indirect_dma source(%dma_start3A_198 : memref<1000000x32xf32, #tpu.memory_space<hbm>>) target(%dma_start3A_192 : memref<128x32xf32, #tpu.memory_space<vmem>>) offsets(%dma_start3A_195 : memref<128xi32, #tpu.memory_space<vmem>>) semaphore(%arg10 : memref<!tpu.dma_semaphore, #tpu.memory_space<semaphore_mem>>)
        %dma_start3A_199 = arith.constant 256 : i32
        %dma_start3A_200 = arith.constant 0 : i32
        %dma_start3A_201 = tpu.memref_slice %arg6[%dma_start3A_199, %dma_start3A_200] : memref<512x32xf32, #tpu.memory_space<vmem>> -> memref<128x32xf32, #tpu.memory_space<vmem>>
        %dma_start3A_202 = arith.constant 256 : i32
        %dma_start3A_203 = tpu.memref_slice %arg5[%add3A_180, %dma_start3A_202] : memref<50x512xi32, #tpu.memory_space<vmem>> -> memref<1x128xi32, #tpu.memory_space<vmem>>
        %dma_start3A_204 = tpu.memref_squeeze %dma_start3A_203 : memref<1x128xi32, #tpu.memory_space<vmem>> -> memref<128xi32, #tpu.memory_space<vmem>>
        %dma_start3A_205 = arith.constant 0 : i32
        %dma_start3A_206 = arith.constant 0 : i32
        %dma_start3A_207 = tpu.memref_slice %arg3[%dma_start3A_205, %dma_start3A_206] : memref<1000000x32xf32, #tpu.memory_space<hbm>> -> memref<1000000x32xf32, #tpu.memory_space<hbm>>
        tpu.enqueue_indirect_dma source(%dma_start3A_207 : memref<1000000x32xf32, #tpu.memory_space<hbm>>) target(%dma_start3A_201 : memref<128x32xf32, #tpu.memory_space<vmem>>) offsets(%dma_start3A_204 : memref<128xi32, #tpu.memory_space<vmem>>) semaphore(%arg10 : memref<!tpu.dma_semaphore, #tpu.memory_space<semaphore_mem>>)
        %dma_start3A_208 = arith.constant 384 : i32
        %dma_start3A_209 = arith.constant 0 : i32
        %dma_start3A_210 = tpu.memref_slice %arg6[%dma_start3A_208, %dma_start3A_209] : memref<512x32xf32, #tpu.memory_space<vmem>> -> memref<128x32xf32, #tpu.memory_space<vmem>>
        %dma_start3A_211 = arith.constant 384 : i32
        %dma_start3A_212 = tpu.memref_slice %arg5[%add3A_180, %dma_start3A_211] : memref<50x512xi32, #tpu.memory_space<vmem>> -> memref<1x128xi32, #tpu.memory_space<vmem>>
        %dma_start3A_213 = tpu.memref_squeeze %dma_start3A_212 : memref<1x128xi32, #tpu.memory_space<vmem>> -> memref<128xi32, #tpu.memory_space<vmem>>
        %dma_start3A_214 = arith.constant 0 : i32
        %dma_start3A_215 = arith.constant 0 : i32
        %dma_start3A_216 = tpu.memref_slice %arg3[%dma_start3A_214, %dma_start3A_215] : memref<1000000x32xf32, #tpu.memory_space<hbm>> -> memref<1000000x32xf32, #tpu.memory_space<hbm>>
        tpu.enqueue_indirect_dma source(%dma_start3A_216 : memref<1000000x32xf32, #tpu.memory_space<hbm>>) target(%dma_start3A_210 : memref<128x32xf32, #tpu.memory_space<vmem>>) offsets(%dma_start3A_213 : memref<128xi32, #tpu.memory_space<vmem>>) semaphore(%arg10 : memref<!tpu.dma_semaphore, #tpu.memory_space<semaphore_mem>>)
      } else {
      }
      %dma_wait3A_150 = arith.constant 0 : i32
      %dma_wait3A_151 = arith.constant 0 : i32
      %dma_wait3A_152 = tpu.memref_slice %arg3[%dma_wait3A_150, %dma_wait3A_151] : memref<1000000x32xf32, #tpu.memory_space<hbm>> -> memref<512x32xf32, #tpu.memory_space<hbm>>
      %dma_wait3A_153 = arith.constant 0 : i32
      %dma_wait3A_154 = arith.constant 0 : i32
      %dma_wait3A_155 = tpu.memref_slice %arg3[%dma_wait3A_153, %dma_wait3A_154] : memref<1000000x32xf32, #tpu.memory_space<hbm>> -> memref<512x32xf32, #tpu.memory_space<hbm>>
      tpu.wait_dma2 semaphore(%arg11 : memref<!tpu.dma_semaphore, #tpu.memory_space<semaphore_mem>>) src(%dma_wait3A_155 : memref<512x32xf32, #tpu.memory_space<hbm>>) dst(%arg7 : memref<512x32xf32, #tpu.memory_space<vmem>>)
      %gt3A_156 = arith.constant 0 : i32
      %gt3A_157 = arith.cmpi sgt, %scan3A_79, %gt3A_156 : i32
      %convert_element_type3A_158 = arith.extui %gt3A_157 : i1 to i32
      %cond3A_159 = arith.constant 0 : i32
      %cond3A_160 = arith.cmpi ne, %convert_element_type3A_158, %cond3A_159 : i32
      scf.if %cond3A_160 {
        %dma_wait3A_179 = arith.constant 0 : i32
        %dma_wait3A_180 = arith.constant 0 : i32
        %dma_wait3A_181 = arith.constant 0 : i32
        %dma_wait3A_182 = tpu.memref_slice %arg9[%dma_wait3A_180, %dma_wait3A_181] : memref<32x521xf32, #tpu.memory_space<vmem>> -> memref<32x512xf32, #tpu.memory_space<vmem>>
        %dma_wait3A_183 = arith.constant 0 : i32
        %dma_wait3A_184 = arith.constant 0 : i32
        %dma_wait3A_185 = tpu.memref_slice %arg4[%dma_wait3A_179, %dma_wait3A_183, %dma_wait3A_184] : memref<50x32x16384xf32, #tpu.memory_space<hbm>> -> memref<1x32x512xf32, #tpu.memory_space<hbm>>
        %dma_wait3A_186 = tpu.memref_squeeze %dma_wait3A_185 : memref<1x32x512xf32, #tpu.memory_space<hbm>> -> memref<32x512xf32, #tpu.memory_space<hbm>>
        %dma_wait3A_187 = arith.constant 0 : i32
        %dma_wait3A_188 = arith.constant 0 : i32
        %dma_wait3A_189 = tpu.memref_slice %arg9[%dma_wait3A_187, %dma_wait3A_188] : memref<32x521xf32, #tpu.memory_space<vmem>> -> memref<32x512xf32, #tpu.memory_space<vmem>>
        %dma_wait3A_190 = arith.constant 0 : i32
        %dma_wait3A_191 = arith.constant 0 : i32
        %dma_wait3A_192 = tpu.memref_slice %arg4[%dma_wait3A_179, %dma_wait3A_190, %dma_wait3A_191] : memref<50x32x16384xf32, #tpu.memory_space<hbm>> -> memref<1x32x512xf32, #tpu.memory_space<hbm>>
        %dma_wait3A_193 = tpu.memref_squeeze %dma_wait3A_192 : memref<1x32x512xf32, #tpu.memory_space<hbm>> -> memref<32x512xf32, #tpu.memory_space<hbm>>
        tpu.wait_dma2 semaphore(%arg13 : memref<!tpu.dma_semaphore, #tpu.memory_space<semaphore_mem>>) src(%dma_wait3A_193 : memref<32x512xf32, #tpu.memory_space<hbm>>) dst(%dma_wait3A_189 : memref<32x512xf32, #tpu.memory_space<vmem>>)
      } else {
      }
      %scan3A_161 = arith.constant 0 : i32
      %scan3A_162 = arith.constant 0 : i32
      %scan3A_163 = arith.constant 64 : i32
      %scan3A_164 = arith.addi %scan3A_162, %scan3A_163 : i32
      %scan3A_165 = arith.constant 1 : i32
      scf.for %scan3A_179 = %scan3A_162 to %scan3A_164 step %scan3A_165  : i32 {
        %mul3A_180 = arith.constant 8 : i32
        %mul3A_181 = arith.muli %scan3A_179, %mul3A_180 : i32
        %add3A_182 = arith.constant 0 : i32
        %add3A_183 = arith.addi %mul3A_181, %add3A_182 : i32
        %broadcast_in_dim3A = arith.constant 0 : i32
        %broadcast_in_dim3A_184 = vector.broadcast %broadcast_in_dim3A : i32 to vector<16xi32>
        %add3A_185 = vector.broadcast %add3A_183 : i32 to vector<16xi32>
        %add3A_186 = arith.addi %broadcast_in_dim3A_184, %add3A_185 : vector<16xi32>
        %get3A = arith.index_cast %add3A_183 : i32 to index
        %get3A_187 = arith.constant 0 : index
        %get3A_188 = tpu.vector_load %arg7[%get3A, %get3A_187] {strides = array<i32>} : memref<512x32xf32, #tpu.memory_space<vmem>>, vector<16xf32>,
        %get3A_189 = arith.index_cast %add3A_183 : i32 to index
        %get3A_190 = arith.constant 16 : index
        %get3A_191 = tpu.vector_load %arg7[%get3A_189, %get3A_190] {strides = array<i32>} : memref<512x32xf32, #tpu.memory_space<vmem>>, vector<16xf32>,
        tpu.vector_store_idx %arg9[%iota3A, %add3A_186], %get3A_188 : memref<32x521xf32, #tpu.memory_space<vmem>>[vector<16xi32>, vector<16xi32>], vector<16xf32>,
        tpu.vector_store_idx %arg9[%add3A_5, %add3A_186], %get3A_191 : memref<32x521xf32, #tpu.memory_space<vmem>>[vector<16xi32>, vector<16xi32>], vector<16xf32>,
        %mul3A_192 = arith.constant 8 : i32
        %mul3A_193 = arith.muli %scan3A_179, %mul3A_192 : i32
        %add3A_194 = arith.constant 1 : i32
        %add3A_195 = arith.addi %mul3A_193, %add3A_194 : i32
        %broadcast_in_dim3A_196 = arith.constant 0 : i32
        %broadcast_in_dim3A_197 = vector.broadcast %broadcast_in_dim3A_196 : i32 to vector<16xi32>
        %add3A_198 = vector.broadcast %add3A_195 : i32 to vector<16xi32>
        %add3A_199 = arith.addi %broadcast_in_dim3A_197, %add3A_198 : vector<16xi32>
        %get3A_200 = arith.index_cast %add3A_195 : i32 to index
        %get3A_201 = arith.constant 0 : index
        %get3A_202 = tpu.vector_load %arg7[%get3A_200, %get3A_201] {strides = array<i32>} : memref<512x32xf32, #tpu.memory_space<vmem>>, vector<16xf32>,
        %get3A_203 = arith.index_cast %add3A_195 : i32 to index
        %get3A_204 = arith.constant 16 : index
        %get3A_205 = tpu.vector_load %arg7[%get3A_203, %get3A_204] {strides = array<i32>} : memref<512x32xf32, #tpu.memory_space<vmem>>, vector<16xf32>,
        tpu.vector_store_idx %arg9[%iota3A, %add3A_199], %get3A_202 : memref<32x521xf32, #tpu.memory_space<vmem>>[vector<16xi32>, vector<16xi32>], vector<16xf32>,
        tpu.vector_store_idx %arg9[%add3A_5, %add3A_199], %get3A_205 : memref<32x521xf32, #tpu.memory_space<vmem>>[vector<16xi32>, vector<16xi32>], vector<16xf32>,
        %mul3A_206 = arith.constant 8 : i32
        %mul3A_207 = arith.muli %scan3A_179, %mul3A_206 : i32
        %add3A_208 = arith.constant 2 : i32
        %add3A_209 = arith.addi %mul3A_207, %add3A_208 : i32
        %broadcast_in_dim3A_210 = arith.constant 0 : i32
        %broadcast_in_dim3A_211 = vector.broadcast %broadcast_in_dim3A_210 : i32 to vector<16xi32>
        %add3A_212 = vector.broadcast %add3A_209 : i32 to vector<16xi32>
        %add3A_213 = arith.addi %broadcast_in_dim3A_211, %add3A_212 : vector<16xi32>
        %get3A_214 = arith.index_cast %add3A_209 : i32 to index
        %get3A_215 = arith.constant 0 : index
        %get3A_216 = tpu.vector_load %arg7[%get3A_214, %get3A_215] {strides = array<i32>} : memref<512x32xf32, #tpu.memory_space<vmem>>, vector<16xf32>,
        %get3A_217 = arith.index_cast %add3A_209 : i32 to index
        %get3A_218 = arith.constant 16 : index
        %get3A_219 = tpu.vector_load %arg7[%get3A_217, %get3A_218] {strides = array<i32>} : memref<512x32xf32, #tpu.memory_space<vmem>>, vector<16xf32>,
        tpu.vector_store_idx %arg9[%iota3A, %add3A_213], %get3A_216 : memref<32x521xf32, #tpu.memory_space<vmem>>[vector<16xi32>, vector<16xi32>], vector<16xf32>,
        tpu.vector_store_idx %arg9[%add3A_5, %add3A_213], %get3A_219 : memref<32x521xf32, #tpu.memory_space<vmem>>[vector<16xi32>, vector<16xi32>], vector<16xf32>,
        %mul3A_220 = arith.constant 8 : i32
        %mul3A_221 = arith.muli %scan3A_179, %mul3A_220 : i32
        %add3A_222 = arith.constant 3 : i32
        %add3A_223 = arith.addi %mul3A_221, %add3A_222 : i32
        %broadcast_in_dim3A_224 = arith.constant 0 : i32
        %broadcast_in_dim3A_225 = vector.broadcast %broadcast_in_dim3A_224 : i32 to vector<16xi32>
        %add3A_226 = vector.broadcast %add3A_223 : i32 to vector<16xi32>
        %add3A_227 = arith.addi %broadcast_in_dim3A_225, %add3A_226 : vector<16xi32>
        %get3A_228 = arith.index_cast %add3A_223 : i32 to index
        %get3A_229 = arith.constant 0 : index
        %get3A_230 = tpu.vector_load %arg7[%get3A_228, %get3A_229] {strides = array<i32>} : memref<512x32xf32, #tpu.memory_space<vmem>>, vector<16xf32>,
        %get3A_231 = arith.index_cast %add3A_223 : i32 to index
        %get3A_232 = arith.constant 16 : index
        %get3A_233 = tpu.vector_load %arg7[%get3A_231, %get3A_232] {strides = array<i32>} : memref<512x32xf32, #tpu.memory_space<vmem>>, vector<16xf32>,
        tpu.vector_store_idx %arg9[%iota3A, %add3A_227], %get3A_230 : memref<32x521xf32, #tpu.memory_space<vmem>>[vector<16xi32>, vector<16xi32>], vector<16xf32>,
        tpu.vector_store_idx %arg9[%add3A_5, %add3A_227], %get3A_233 : memref<32x521xf32, #tpu.memory_space<vmem>>[vector<16xi32>, vector<16xi32>], vector<16xf32>,
        %mul3A_234 = arith.constant 8 : i32
        %mul3A_235 = arith.muli %scan3A_179, %mul3A_234 : i32
        %add3A_236 = arith.constant 4 : i32
        %add3A_237 = arith.addi %mul3A_235, %add3A_236 : i32
        %broadcast_in_dim3A_238 = arith.constant 0 : i32
        %broadcast_in_dim3A_239 = vector.broadcast %broadcast_in_dim3A_238 : i32 to vector<16xi32>
        %add3A_240 = vector.broadcast %add3A_237 : i32 to vector<16xi32>
        %add3A_241 = arith.addi %broadcast_in_dim3A_239, %add3A_240 : vector<16xi32>
        %get3A_242 = arith.index_cast %add3A_237 : i32 to index
        %get3A_243 = arith.constant 0 : index
        %get3A_244 = tpu.vector_load %arg7[%get3A_242, %get3A_243] {strides = array<i32>} : memref<512x32xf32, #tpu.memory_space<vmem>>, vector<16xf32>,
        %get3A_245 = arith.index_cast %add3A_237 : i32 to index
        %get3A_246 = arith.constant 16 : index
        %get3A_247 = tpu.vector_load %arg7[%get3A_245, %get3A_246] {strides = array<i32>} : memref<512x32xf32, #tpu.memory_space<vmem>>, vector<16xf32>,
        tpu.vector_store_idx %arg9[%iota3A, %add3A_241], %get3A_244 : memref<32x521xf32, #tpu.memory_space<vmem>>[vector<16xi32>, vector<16xi32>], vector<16xf32>,
        tpu.vector_store_idx %arg9[%add3A_5, %add3A_241], %get3A_247 : memref<32x521xf32, #tpu.memory_space<vmem>>[vector<16xi32>, vector<16xi32>], vector<16xf32>,
        %mul3A_248 = arith.constant 8 : i32
        %mul3A_249 = arith.muli %scan3A_179, %mul3A_248 : i32
        %add3A_250 = arith.constant 5 : i32
        %add3A_251 = arith.addi %mul3A_249, %add3A_250 : i32
        %broadcast_in_dim3A_252 = arith.constant 0 : i32
        %broadcast_in_dim3A_253 = vector.broadcast %broadcast_in_dim3A_252 : i32 to vector<16xi32>
        %add3A_254 = vector.broadcast %add3A_251 : i32 to vector<16xi32>
        %add3A_255 = arith.addi %broadcast_in_dim3A_253, %add3A_254 : vector<16xi32>
        %get3A_256 = arith.index_cast %add3A_251 : i32 to index
        %get3A_257 = arith.constant 0 : index
        %get3A_258 = tpu.vector_load %arg7[%get3A_256, %get3A_257] {strides = array<i32>} : memref<512x32xf32, #tpu.memory_space<vmem>>, vector<16xf32>,
        %get3A_259 = arith.index_cast %add3A_251 : i32 to index
        %get3A_260 = arith.constant 16 : index
        %get3A_261 = tpu.vector_load %arg7[%get3A_259, %get3A_260] {strides = array<i32>} : memref<512x32xf32, #tpu.memory_space<vmem>>, vector<16xf32>,
        tpu.vector_store_idx %arg9[%iota3A, %add3A_255], %get3A_258 : memref<32x521xf32, #tpu.memory_space<vmem>>[vector<16xi32>, vector<16xi32>], vector<16xf32>,
        tpu.vector_store_idx %arg9[%add3A_5, %add3A_255], %get3A_261 : memref<32x521xf32, #tpu.memory_space<vmem>>[vector<16xi32>, vector<16xi32>], vector<16xf32>,
        %mul3A_262 = arith.constant 8 : i32
        %mul3A_263 = arith.muli %scan3A_179, %mul3A_262 : i32
        %add3A_264 = arith.constant 6 : i32
        %add3A_265 = arith.addi %mul3A_263, %add3A_264 : i32
        %broadcast_in_dim3A_266 = arith.constant 0 : i32
        %broadcast_in_dim3A_267 = vector.broadcast %broadcast_in_dim3A_266 : i32 to vector<16xi32>
        %add3A_268 = vector.broadcast %add3A_265 : i32 to vector<16xi32>
        %add3A_269 = arith.addi %broadcast_in_dim3A_267, %add3A_268 : vector<16xi32>
        %get3A_270 = arith.index_cast %add3A_265 : i32 to index
        %get3A_271 = arith.constant 0 : index
        %get3A_272 = tpu.vector_load %arg7[%get3A_270, %get3A_271] {strides = array<i32>} : memref<512x32xf32, #tpu.memory_space<vmem>>, vector<16xf32>,
        %get3A_273 = arith.index_cast %add3A_265 : i32 to index
        %get3A_274 = arith.constant 16 : index
        %get3A_275 = tpu.vector_load %arg7[%get3A_273, %get3A_274] {strides = array<i32>} : memref<512x32xf32, #tpu.memory_space<vmem>>, vector<16xf32>,
        tpu.vector_store_idx %arg9[%iota3A, %add3A_269], %get3A_272 : memref<32x521xf32, #tpu.memory_space<vmem>>[vector<16xi32>, vector<16xi32>], vector<16xf32>,
        tpu.vector_store_idx %arg9[%add3A_5, %add3A_269], %get3A_275 : memref<32x521xf32, #tpu.memory_space<vmem>>[vector<16xi32>, vector<16xi32>], vector<16xf32>,
        %mul3A_276 = arith.constant 8 : i32
        %mul3A_277 = arith.muli %scan3A_179, %mul3A_276 : i32
        %add3A_278 = arith.constant 7 : i32
        %add3A_279 = arith.addi %mul3A_277, %add3A_278 : i32
        %broadcast_in_dim3A_280 = arith.constant 0 : i32
        %broadcast_in_dim3A_281 = vector.broadcast %broadcast_in_dim3A_280 : i32 to vector<16xi32>
        %add3A_282 = vector.broadcast %add3A_279 : i32 to vector<16xi32>
        %add3A_283 = arith.addi %broadcast_in_dim3A_281, %add3A_282 : vector<16xi32>
        %get3A_284 = arith.index_cast %add3A_279 : i32 to index
        %get3A_285 = arith.constant 0 : index
        %get3A_286 = tpu.vector_load %arg7[%get3A_284, %get3A_285] {strides = array<i32>} : memref<512x32xf32, #tpu.memory_space<vmem>>, vector<16xf32>,
        %get3A_287 = arith.index_cast %add3A_279 : i32 to index
        %get3A_288 = arith.constant 16 : index
        %get3A_289 = tpu.vector_load %arg7[%get3A_287, %get3A_288] {strides = array<i32>} : memref<512x32xf32, #tpu.memory_space<vmem>>, vector<16xf32>,
        tpu.vector_store_idx %arg9[%iota3A, %add3A_283], %get3A_286 : memref<32x521xf32, #tpu.memory_space<vmem>>[vector<16xi32>, vector<16xi32>], vector<16xf32>,
        tpu.vector_store_idx %arg9[%add3A_5, %add3A_283], %get3A_289 : memref<32x521xf32, #tpu.memory_space<vmem>>[vector<16xi32>, vector<16xi32>], vector<16xf32>,
      }
      %scan3A_166 = arith.constant 64 : i32
      %dma_start3A_167 = arith.constant 0 : i32
      %dma_start3A_168 = arith.constant 0 : i32
      %dma_start3A_169 = tpu.memref_slice %arg9[%dma_start3A_167, %dma_start3A_168] : memref<32x521xf32, #tpu.memory_space<vmem>> -> memref<32x512xf32, #tpu.memory_space<vmem>>
      %dma_start3A_170 = arith.constant 0 : i32
      %dma_start3A_171 = tpu.memref_slice %arg4[%add3A_83, %dma_start3A_170, %mul3A_2] : memref<50x32x16384xf32, #tpu.memory_space<hbm>> -> memref<1x32x512xf32, #tpu.memory_space<hbm>>
      %dma_start3A_172 = tpu.memref_squeeze %dma_start3A_171 : memref<1x32x512xf32, #tpu.memory_space<hbm>> -> memref<32x512xf32, #tpu.memory_space<hbm>>
      %dma_start3A_173 = arith.constant 0 : i32
      %dma_start3A_174 = tpu.memref_slice %arg4[%add3A_83, %dma_start3A_173, %mul3A_2] : memref<50x32x16384xf32, #tpu.memory_space<hbm>> -> memref<1x32x512xf32, #tpu.memory_space<hbm>>
      %dma_start3A_175 = tpu.memref_squeeze %dma_start3A_174 : memref<1x32x512xf32, #tpu.memory_space<hbm>> -> memref<32x512xf32, #tpu.memory_space<hbm>>
      %dma_start3A_176 = arith.constant 0 : i32
      %dma_start3A_177 = arith.constant 0 : i32
      %dma_start3A_178 = tpu.memref_slice %arg9[%dma_start3A_176, %dma_start3A_177] : memref<32x521xf32, #tpu.memory_space<vmem>> -> memref<32x512xf32, #tpu.memory_space<vmem>>
      tpu.enqueue_dma source(%dma_start3A_178 : memref<32x512xf32, #tpu.memory_space<vmem>>) target(%dma_start3A_175 : memref<32x512xf32, #tpu.memory_space<hbm>>) target_semaphore(%arg13 : memref<!tpu.dma_semaphore, #tpu.memory_space<semaphore_mem>>)
    }
    %scan3A_49 = arith.constant 25 : i32
    %dma_wait3A = arith.constant 0 : i32
    %dma_wait3A_50 = arith.constant 0 : i32
    %dma_wait3A_51 = arith.constant 0 : i32
    %dma_wait3A_52 = tpu.memref_slice %arg8[%dma_wait3A_50, %dma_wait3A_51] : memref<32x521xf32, #tpu.memory_space<vmem>> -> memref<32x512xf32, #tpu.memory_space<vmem>>
    %dma_wait3A_53 = arith.constant 0 : i32
    %dma_wait3A_54 = arith.constant 0 : i32
    %dma_wait3A_55 = tpu.memref_slice %arg4[%dma_wait3A, %dma_wait3A_53, %dma_wait3A_54] : memref<50x32x16384xf32, #tpu.memory_space<hbm>> -> memref<1x32x512xf32, #tpu.memory_space<hbm>>
    %dma_wait3A_56 = tpu.memref_squeeze %dma_wait3A_55 : memref<1x32x512xf32, #tpu.memory_space<hbm>> -> memref<32x512xf32, #tpu.memory_space<hbm>>
    %dma_wait3A_57 = arith.constant 0 : i32
    %dma_wait3A_58 = arith.constant 0 : i32
    %dma_wait3A_59 = tpu.memref_slice %arg8[%dma_wait3A_57, %dma_wait3A_58] : memref<32x521xf32, #tpu.memory_space<vmem>> -> memref<32x512xf32, #tpu.memory_space<vmem>>
    %dma_wait3A_60 = arith.constant 0 : i32
    %dma_wait3A_61 = arith.constant 0 : i32
    %dma_wait3A_62 = tpu.memref_slice %arg4[%dma_wait3A, %dma_wait3A_60, %dma_wait3A_61] : memref<50x32x16384xf32, #tpu.memory_space<hbm>> -> memref<1x32x512xf32, #tpu.memory_space<hbm>>
    %dma_wait3A_63 = tpu.memref_squeeze %dma_wait3A_62 : memref<1x32x512xf32, #tpu.memory_space<hbm>> -> memref<32x512xf32, #tpu.memory_space<hbm>>
    tpu.wait_dma2 semaphore(%arg12 : memref<!tpu.dma_semaphore, #tpu.memory_space<semaphore_mem>>) src(%dma_wait3A_63 : memref<32x512xf32, #tpu.memory_space<hbm>>) dst(%dma_wait3A_59 : memref<32x512xf32, #tpu.memory_space<vmem>>)
    %dma_wait3A_64 = arith.constant 0 : i32
    %dma_wait3A_65 = arith.constant 0 : i32
    %dma_wait3A_66 = arith.constant 0 : i32
    %dma_wait3A_67 = tpu.memref_slice %arg9[%dma_wait3A_65, %dma_wait3A_66] : memref<32x521xf32, #tpu.memory_space<vmem>> -> memref<32x512xf32, #tpu.memory_space<vmem>>
    %dma_wait3A_68 = arith.constant 0 : i32
    %dma_wait3A_69 = arith.constant 0 : i32
    %dma_wait3A_70 = tpu.memref_slice %arg4[%dma_wait3A_64, %dma_wait3A_68, %dma_wait3A_69] : memref<50x32x16384xf32, #tpu.memory_space<hbm>> -> memref<1x32x512xf32, #tpu.memory_space<hbm>>
    %dma_wait3A_71 = tpu.memref_squeeze %dma_wait3A_70 : memref<1x32x512xf32, #tpu.memory_space<hbm>> -> memref<32x512xf32, #tpu.memory_space<hbm>>
    %dma_wait3A_72 = arith.constant 0 : i32
    %dma_wait3A_73 = arith.constant 0 : i32
    %dma_wait3A_74 = tpu.memref_slice %arg9[%dma_wait3A_72, %dma_wait3A_73] : memref<32x521xf32, #tpu.memory_space<vmem>> -> memref<32x512xf32, #tpu.memory_space<vmem>>
    %dma_wait3A_75 = arith.constant 0 : i32
    %dma_wait3A_76 = arith.constant 0 : i32
    %dma_wait3A_77 = tpu.memref_slice %arg4[%dma_wait3A_64, %dma_wait3A_75, %dma_wait3A_76] : memref<50x32x16384xf32, #tpu.memory_space<hbm>> -> memref<1x32x512xf32, #tpu.memory_space<hbm>>
    %dma_wait3A_78 = tpu.memref_squeeze %dma_wait3A_77 : memref<1x32x512xf32, #tpu.memory_space<hbm>> -> memref<32x512xf32, #tpu.memory_space<hbm>>
    tpu.wait_dma2 semaphore(%arg13 : memref<!tpu.dma_semaphore, #tpu.memory_space<semaphore_mem>>) src(%dma_wait3A_78 : memref<32x512xf32, #tpu.memory_space<hbm>>) dst(%dma_wait3A_74 : memref<32x512xf32, #tpu.memory_space<vmem>>)
    return
  }
}

#map = affine_map<(d0, d1) -> (0, 0)>
#map1 = affine_map<(d0, d1) -> (0)>
module attributes {stable_mosaic.version = 14 : i64} {
  func.func @k1(%arg0: i32, %arg1: i32, %arg2: memref<32x1000000xf32, #tpu.memory_space<hbm>>, %arg3: memref<2048xf32, #tpu.memory_space<hbm>>, %arg4: memref<32000000xf32, #tpu.memory_space<hbm>>, %arg5: memref<4x8x512xf32, #tpu.memory_space<vmem>>, %arg6: memref<4x8x512xf32, #tpu.memory_space<vmem>>, %arg7: memref<4x8x512xf32, #tpu.memory_space<vmem>>, %arg8: memref<16896xf32, #tpu.memory_space<vmem>>, %arg9: memref<16384xf32, #tpu.memory_space<vmem>>, %arg10: memref<16384xf32, #tpu.memory_space<vmem>>, %arg11: memref<16384xf32, #tpu.memory_space<vmem>>, %arg12: memref<2048xf32, #tpu.memory_space<vmem>>, %arg13: memref<!tpu.dma_semaphore, #tpu.memory_space<semaphore_mem>>, %arg14: memref<!tpu.dma_semaphore, #tpu.memory_space<semaphore_mem>>, %arg15: memref<!tpu.dma_semaphore, #tpu.memory_space<semaphore_mem>>, %arg16: memref<!tpu.dma_semaphore, #tpu.memory_space<semaphore_mem>>, %arg17: memref<!tpu.dma_semaphore, #tpu.memory_space<semaphore_mem>>, %arg18: memref<!tpu.dma_semaphore, #tpu.memory_space<semaphore_mem>>) attributes {dimension_semantics = [#tpu.dimension_semantics<core_parallel>, #tpu.dimension_semantics<subcore_parallel>], iteration_bounds = array<i64: 2, 16>, scalar_prefetch = 0 : i64, scratch_operands = 14 : i64, tpu.core_type = #tpu.core_type<sc_vector_subcore>, window_params = [{transform_indices = #map}, {transform_indices = #map1}, {transform_indices = #map1}]} {
    %mul3A = arith.constant 2 : i32
    %mul3A_0 = arith.muli %arg1, %mul3A : i32
    %add3A = arith.addi %mul3A_0, %arg0 : i32
    %iota3A = tpu.iota {dimensions = array<i32: 0>} : vector<16xi32>
    %mul3A_1 = arith.constant 33 : i32
    %mul3A_2 = vector.broadcast %mul3A_1 : i32 to vector<16xi32>
    %mul3A_3 = arith.muli %iota3A, %mul3A_2 : vector<16xi32>
    %add3A_4 = arith.constant 0 : i32
    %add3A_5 = arith.addi %add3A, %add3A_4 : i32
    %lt3A = arith.constant 1953 : i32
    %lt3A_6 = arith.cmpi slt, %add3A_5, %lt3A : i32
    %convert_element_type3A = arith.extui %lt3A_6 : i1 to i32
    %cond3A = arith.constant 0 : i32
    %cond3A_7 = arith.cmpi ne, %convert_element_type3A, %cond3A : i32
    scf.if %cond3A_7 {
      %add3A_35 = arith.constant 0 : i32
      %add3A_36 = arith.addi %add3A, %add3A_35 : i32
      %mul3A_37 = arith.constant 512 : i32
      %mul3A_38 = arith.muli %add3A_36, %mul3A_37 : i32
      %dma_start3A = arith.constant 0 : i32
      %dma_start3A_39 = arith.constant 0 : i32
      %dma_start3A_40 = arith.constant 0 : i32
      %dma_start3A_41 = tpu.memref_slice %arg5[%dma_start3A, %dma_start3A_39, %dma_start3A_40] : memref<4x8x512xf32, #tpu.memory_space<vmem>> -> memref<1x8x512xf32, #tpu.memory_space<vmem>>
      %dma_start3A_42 = tpu.memref_squeeze %dma_start3A_41 : memref<1x8x512xf32, #tpu.memory_space<vmem>> -> memref<8x512xf32, #tpu.memory_space<vmem>>
      %dma_start3A_43 = arith.constant 0 : i32
      %dma_start3A_44 = tpu.memref_slice %arg2[%dma_start3A_43, %mul3A_38] : memref<32x1000000xf32, #tpu.memory_space<hbm>> -> memref<8x512xf32, #tpu.memory_space<hbm>>
      %dma_start3A_45 = arith.constant 0 : i32
      %dma_start3A_46 = arith.constant 0 : i32
      %dma_start3A_47 = tpu.memref_slice %arg5[%dma_start3A, %dma_start3A_45, %dma_start3A_46] : memref<4x8x512xf32, #tpu.memory_space<vmem>> -> memref<1x8x512xf32, #tpu.memory_space<vmem>>
      %dma_start3A_48 = tpu.memref_squeeze %dma_start3A_47 : memref<1x8x512xf32, #tpu.memory_space<vmem>> -> memref<8x512xf32, #tpu.memory_space<vmem>>
      %dma_start3A_49 = arith.constant 0 : i32
      %dma_start3A_50 = tpu.memref_slice %arg2[%dma_start3A_49, %mul3A_38] : memref<32x1000000xf32, #tpu.memory_space<hbm>> -> memref<8x512xf32, #tpu.memory_space<hbm>>
      tpu.enqueue_dma source(%dma_start3A_50 : memref<8x512xf32, #tpu.memory_space<hbm>>) target(%dma_start3A_48 : memref<8x512xf32, #tpu.memory_space<vmem>>) target_semaphore(%arg13 : memref<!tpu.dma_semaphore, #tpu.memory_space<semaphore_mem>>)
      %dma_start3A_51 = arith.constant 1 : i32
      %dma_start3A_52 = arith.constant 0 : i32
      %dma_start3A_53 = arith.constant 0 : i32
      %dma_start3A_54 = tpu.memref_slice %arg5[%dma_start3A_51, %dma_start3A_52, %dma_start3A_53] : memref<4x8x512xf32, #tpu.memory_space<vmem>> -> memref<1x8x512xf32, #tpu.memory_space<vmem>>
      %dma_start3A_55 = tpu.memref_squeeze %dma_start3A_54 : memref<1x8x512xf32, #tpu.memory_space<vmem>> -> memref<8x512xf32, #tpu.memory_space<vmem>>
      %dma_start3A_56 = arith.constant 8 : i32
      %dma_start3A_57 = tpu.memref_slice %arg2[%dma_start3A_56, %mul3A_38] : memref<32x1000000xf32, #tpu.memory_space<hbm>> -> memref<8x512xf32, #tpu.memory_space<hbm>>
      %dma_start3A_58 = arith.constant 0 : i32
      %dma_start3A_59 = arith.constant 0 : i32
      %dma_start3A_60 = tpu.memref_slice %arg5[%dma_start3A_51, %dma_start3A_58, %dma_start3A_59] : memref<4x8x512xf32, #tpu.memory_space<vmem>> -> memref<1x8x512xf32, #tpu.memory_space<vmem>>
      %dma_start3A_61 = tpu.memref_squeeze %dma_start3A_60 : memref<1x8x512xf32, #tpu.memory_space<vmem>> -> memref<8x512xf32, #tpu.memory_space<vmem>>
      %dma_start3A_62 = arith.constant 8 : i32
      %dma_start3A_63 = tpu.memref_slice %arg2[%dma_start3A_62, %mul3A_38] : memref<32x1000000xf32, #tpu.memory_space<hbm>> -> memref<8x512xf32, #tpu.memory_space<hbm>>
      tpu.enqueue_dma source(%dma_start3A_63 : memref<8x512xf32, #tpu.memory_space<hbm>>) target(%dma_start3A_61 : memref<8x512xf32, #tpu.memory_space<vmem>>) target_semaphore(%arg13 : memref<!tpu.dma_semaphore, #tpu.memory_space<semaphore_mem>>)
      %dma_start3A_64 = arith.constant 2 : i32
      %dma_start3A_65 = arith.constant 0 : i32
      %dma_start3A_66 = arith.constant 0 : i32
      %dma_start3A_67 = tpu.memref_slice %arg5[%dma_start3A_64, %dma_start3A_65, %dma_start3A_66] : memref<4x8x512xf32, #tpu.memory_space<vmem>> -> memref<1x8x512xf32, #tpu.memory_space<vmem>>
      %dma_start3A_68 = tpu.memref_squeeze %dma_start3A_67 : memref<1x8x512xf32, #tpu.memory_space<vmem>> -> memref<8x512xf32, #tpu.memory_space<vmem>>
      %dma_start3A_69 = arith.constant 16 : i32
      %dma_start3A_70 = tpu.memref_slice %arg2[%dma_start3A_69, %mul3A_38] : memref<32x1000000xf32, #tpu.memory_space<hbm>> -> memref<8x512xf32, #tpu.memory_space<hbm>>
      %dma_start3A_71 = arith.constant 0 : i32
      %dma_start3A_72 = arith.constant 0 : i32
      %dma_start3A_73 = tpu.memref_slice %arg5[%dma_start3A_64, %dma_start3A_71, %dma_start3A_72] : memref<4x8x512xf32, #tpu.memory_space<vmem>> -> memref<1x8x512xf32, #tpu.memory_space<vmem>>
      %dma_start3A_74 = tpu.memref_squeeze %dma_start3A_73 : memref<1x8x512xf32, #tpu.memory_space<vmem>> -> memref<8x512xf32, #tpu.memory_space<vmem>>
      %dma_start3A_75 = arith.constant 16 : i32
      %dma_start3A_76 = tpu.memref_slice %arg2[%dma_start3A_75, %mul3A_38] : memref<32x1000000xf32, #tpu.memory_space<hbm>> -> memref<8x512xf32, #tpu.memory_space<hbm>>
      tpu.enqueue_dma source(%dma_start3A_76 : memref<8x512xf32, #tpu.memory_space<hbm>>) target(%dma_start3A_74 : memref<8x512xf32, #tpu.memory_space<vmem>>) target_semaphore(%arg13 : memref<!tpu.dma_semaphore, #tpu.memory_space<semaphore_mem>>)
      %dma_start3A_77 = arith.constant 3 : i32
      %dma_start3A_78 = arith.constant 0 : i32
      %dma_start3A_79 = arith.constant 0 : i32
      %dma_start3A_80 = tpu.memref_slice %arg5[%dma_start3A_77, %dma_start3A_78, %dma_start3A_79] : memref<4x8x512xf32, #tpu.memory_space<vmem>> -> memref<1x8x512xf32, #tpu.memory_space<vmem>>
      %dma_start3A_81 = tpu.memref_squeeze %dma_start3A_80 : memref<1x8x512xf32, #tpu.memory_space<vmem>> -> memref<8x512xf32, #tpu.memory_space<vmem>>
      %dma_start3A_82 = arith.constant 24 : i32
      %dma_start3A_83 = tpu.memref_slice %arg2[%dma_start3A_82, %mul3A_38] : memref<32x1000000xf32, #tpu.memory_space<hbm>> -> memref<8x512xf32, #tpu.memory_space<hbm>>
      %dma_start3A_84 = arith.constant 0 : i32
      %dma_start3A_85 = arith.constant 0 : i32
      %dma_start3A_86 = tpu.memref_slice %arg5[%dma_start3A_77, %dma_start3A_84, %dma_start3A_85] : memref<4x8x512xf32, #tpu.memory_space<vmem>> -> memref<1x8x512xf32, #tpu.memory_space<vmem>>
      %dma_start3A_87 = tpu.memref_squeeze %dma_start3A_86 : memref<1x8x512xf32, #tpu.memory_space<vmem>> -> memref<8x512xf32, #tpu.memory_space<vmem>>
      %dma_start3A_88 = arith.constant 24 : i32
      %dma_start3A_89 = tpu.memref_slice %arg2[%dma_start3A_88, %mul3A_38] : memref<32x1000000xf32, #tpu.memory_space<hbm>> -> memref<8x512xf32, #tpu.memory_space<hbm>>
      tpu.enqueue_dma source(%dma_start3A_89 : memref<8x512xf32, #tpu.memory_space<hbm>>) target(%dma_start3A_87 : memref<8x512xf32, #tpu.memory_space<vmem>>) target_semaphore(%arg13 : memref<!tpu.dma_semaphore, #tpu.memory_space<semaphore_mem>>)
    } else {
    }
    %add3A_8 = arith.constant 32 : i32
    %add3A_9 = arith.addi %add3A, %add3A_8 : i32
    %lt3A_10 = arith.constant 1953 : i32
    %lt3A_11 = arith.cmpi slt, %add3A_9, %lt3A_10 : i32
    %convert_element_type3A_12 = arith.extui %lt3A_11 : i1 to i32
    %cond3A_13 = arith.constant 0 : i32
    %cond3A_14 = arith.cmpi ne, %convert_element_type3A_12, %cond3A_13 : i32
    scf.if %cond3A_14 {
      %add3A_35 = arith.constant 32 : i32
      %add3A_36 = arith.addi %add3A, %add3A_35 : i32
      %mul3A_37 = arith.constant 512 : i32
      %mul3A_38 = arith.muli %add3A_36, %mul3A_37 : i32
      %dma_start3A = arith.constant 0 : i32
      %dma_start3A_39 = arith.constant 0 : i32
      %dma_start3A_40 = arith.constant 0 : i32
      %dma_start3A_41 = tpu.memref_slice %arg6[%dma_start3A, %dma_start3A_39, %dma_start3A_40] : memref<4x8x512xf32, #tpu.memory_space<vmem>> -> memref<1x8x512xf32, #tpu.memory_space<vmem>>
      %dma_start3A_42 = tpu.memref_squeeze %dma_start3A_41 : memref<1x8x512xf32, #tpu.memory_space<vmem>> -> memref<8x512xf32, #tpu.memory_space<vmem>>
      %dma_start3A_43 = arith.constant 0 : i32
      %dma_start3A_44 = tpu.memref_slice %arg2[%dma_start3A_43, %mul3A_38] : memref<32x1000000xf32, #tpu.memory_space<hbm>> -> memref<8x512xf32, #tpu.memory_space<hbm>>
      %dma_start3A_45 = arith.constant 0 : i32
      %dma_start3A_46 = arith.constant 0 : i32
      %dma_start3A_47 = tpu.memref_slice %arg6[%dma_start3A, %dma_start3A_45, %dma_start3A_46] : memref<4x8x512xf32, #tpu.memory_space<vmem>> -> memref<1x8x512xf32, #tpu.memory_space<vmem>>
      %dma_start3A_48 = tpu.memref_squeeze %dma_start3A_47 : memref<1x8x512xf32, #tpu.memory_space<vmem>> -> memref<8x512xf32, #tpu.memory_space<vmem>>
      %dma_start3A_49 = arith.constant 0 : i32
      %dma_start3A_50 = tpu.memref_slice %arg2[%dma_start3A_49, %mul3A_38] : memref<32x1000000xf32, #tpu.memory_space<hbm>> -> memref<8x512xf32, #tpu.memory_space<hbm>>
      tpu.enqueue_dma source(%dma_start3A_50 : memref<8x512xf32, #tpu.memory_space<hbm>>) target(%dma_start3A_48 : memref<8x512xf32, #tpu.memory_space<vmem>>) target_semaphore(%arg14 : memref<!tpu.dma_semaphore, #tpu.memory_space<semaphore_mem>>)
      %dma_start3A_51 = arith.constant 1 : i32
      %dma_start3A_52 = arith.constant 0 : i32
      %dma_start3A_53 = arith.constant 0 : i32
      %dma_start3A_54 = tpu.memref_slice %arg6[%dma_start3A_51, %dma_start3A_52, %dma_start3A_53] : memref<4x8x512xf32, #tpu.memory_space<vmem>> -> memref<1x8x512xf32, #tpu.memory_space<vmem>>
      %dma_start3A_55 = tpu.memref_squeeze %dma_start3A_54 : memref<1x8x512xf32, #tpu.memory_space<vmem>> -> memref<8x512xf32, #tpu.memory_space<vmem>>
      %dma_start3A_56 = arith.constant 8 : i32
      %dma_start3A_57 = tpu.memref_slice %arg2[%dma_start3A_56, %mul3A_38] : memref<32x1000000xf32, #tpu.memory_space<hbm>> -> memref<8x512xf32, #tpu.memory_space<hbm>>
      %dma_start3A_58 = arith.constant 0 : i32
      %dma_start3A_59 = arith.constant 0 : i32
      %dma_start3A_60 = tpu.memref_slice %arg6[%dma_start3A_51, %dma_start3A_58, %dma_start3A_59] : memref<4x8x512xf32, #tpu.memory_space<vmem>> -> memref<1x8x512xf32, #tpu.memory_space<vmem>>
      %dma_start3A_61 = tpu.memref_squeeze %dma_start3A_60 : memref<1x8x512xf32, #tpu.memory_space<vmem>> -> memref<8x512xf32, #tpu.memory_space<vmem>>
      %dma_start3A_62 = arith.constant 8 : i32
      %dma_start3A_63 = tpu.memref_slice %arg2[%dma_start3A_62, %mul3A_38] : memref<32x1000000xf32, #tpu.memory_space<hbm>> -> memref<8x512xf32, #tpu.memory_space<hbm>>
      tpu.enqueue_dma source(%dma_start3A_63 : memref<8x512xf32, #tpu.memory_space<hbm>>) target(%dma_start3A_61 : memref<8x512xf32, #tpu.memory_space<vmem>>) target_semaphore(%arg14 : memref<!tpu.dma_semaphore, #tpu.memory_space<semaphore_mem>>)
      %dma_start3A_64 = arith.constant 2 : i32
      %dma_start3A_65 = arith.constant 0 : i32
      %dma_start3A_66 = arith.constant 0 : i32
      %dma_start3A_67 = tpu.memref_slice %arg6[%dma_start3A_64, %dma_start3A_65, %dma_start3A_66] : memref<4x8x512xf32, #tpu.memory_space<vmem>> -> memref<1x8x512xf32, #tpu.memory_space<vmem>>
      %dma_start3A_68 = tpu.memref_squeeze %dma_start3A_67 : memref<1x8x512xf32, #tpu.memory_space<vmem>> -> memref<8x512xf32, #tpu.memory_space<vmem>>
      %dma_start3A_69 = arith.constant 16 : i32
      %dma_start3A_70 = tpu.memref_slice %arg2[%dma_start3A_69, %mul3A_38] : memref<32x1000000xf32, #tpu.memory_space<hbm>> -> memref<8x512xf32, #tpu.memory_space<hbm>>
      %dma_start3A_71 = arith.constant 0 : i32
      %dma_start3A_72 = arith.constant 0 : i32
      %dma_start3A_73 = tpu.memref_slice %arg6[%dma_start3A_64, %dma_start3A_71, %dma_start3A_72] : memref<4x8x512xf32, #tpu.memory_space<vmem>> -> memref<1x8x512xf32, #tpu.memory_space<vmem>>
      %dma_start3A_74 = tpu.memref_squeeze %dma_start3A_73 : memref<1x8x512xf32, #tpu.memory_space<vmem>> -> memref<8x512xf32, #tpu.memory_space<vmem>>
      %dma_start3A_75 = arith.constant 16 : i32
      %dma_start3A_76 = tpu.memref_slice %arg2[%dma_start3A_75, %mul3A_38] : memref<32x1000000xf32, #tpu.memory_space<hbm>> -> memref<8x512xf32, #tpu.memory_space<hbm>>
      tpu.enqueue_dma source(%dma_start3A_76 : memref<8x512xf32, #tpu.memory_space<hbm>>) target(%dma_start3A_74 : memref<8x512xf32, #tpu.memory_space<vmem>>) target_semaphore(%arg14 : memref<!tpu.dma_semaphore, #tpu.memory_space<semaphore_mem>>)
      %dma_start3A_77 = arith.constant 3 : i32
      %dma_start3A_78 = arith.constant 0 : i32
      %dma_start3A_79 = arith.constant 0 : i32
      %dma_start3A_80 = tpu.memref_slice %arg6[%dma_start3A_77, %dma_start3A_78, %dma_start3A_79] : memref<4x8x512xf32, #tpu.memory_space<vmem>> -> memref<1x8x512xf32, #tpu.memory_space<vmem>>
      %dma_start3A_81 = tpu.memref_squeeze %dma_start3A_80 : memref<1x8x512xf32, #tpu.memory_space<vmem>> -> memref<8x512xf32, #tpu.memory_space<vmem>>
      %dma_start3A_82 = arith.constant 24 : i32
      %dma_start3A_83 = tpu.memref_slice %arg2[%dma_start3A_82, %mul3A_38] : memref<32x1000000xf32, #tpu.memory_space<hbm>> -> memref<8x512xf32, #tpu.memory_space<hbm>>
      %dma_start3A_84 = arith.constant 0 : i32
      %dma_start3A_85 = arith.constant 0 : i32
      %dma_start3A_86 = tpu.memref_slice %arg6[%dma_start3A_77, %dma_start3A_84, %dma_start3A_85] : memref<4x8x512xf32, #tpu.memory_space<vmem>> -> memref<1x8x512xf32, #tpu.memory_space<vmem>>
      %dma_start3A_87 = tpu.memref_squeeze %dma_start3A_86 : memref<1x8x512xf32, #tpu.memory_space<vmem>> -> memref<8x512xf32, #tpu.memory_space<vmem>>
      %dma_start3A_88 = arith.constant 24 : i32
      %dma_start3A_89 = tpu.memref_slice %arg2[%dma_start3A_88, %mul3A_38] : memref<32x1000000xf32, #tpu.memory_space<hbm>> -> memref<8x512xf32, #tpu.memory_space<hbm>>
      tpu.enqueue_dma source(%dma_start3A_89 : memref<8x512xf32, #tpu.memory_space<hbm>>) target(%dma_start3A_87 : memref<8x512xf32, #tpu.memory_space<vmem>>) target_semaphore(%arg14 : memref<!tpu.dma_semaphore, #tpu.memory_space<semaphore_mem>>)
    } else {
    }
    %scan3A = arith.constant 0 : i32
    %scan3A_15 = arith.constant 0 : i32
    %scan3A_16 = arith.constant 21 : i32
    %scan3A_17 = arith.addi %scan3A_15, %scan3A_16 : i32
    %scan3A_18 = arith.constant 1 : i32
    scf.for %scan3A_35 = %scan3A_15 to %scan3A_17 step %scan3A_18  : i32 {
      %mul3A_36 = arith.constant 3 : i32
      %mul3A_37 = arith.muli %mul3A_36, %scan3A_35 : i32
      %add3A_38 = arith.constant 0 : i32
      %add3A_39 = arith.addi %mul3A_37, %add3A_38 : i32
      %add3A_40 = arith.constant 2 : i32
      %add3A_41 = arith.addi %add3A_39, %add3A_40 : i32
      %mul3A_42 = arith.constant 32 : i32
      %mul3A_43 = arith.muli %mul3A_42, %add3A_41 : i32
      %add3A_44 = arith.addi %add3A, %mul3A_43 : i32
      %lt3A_45 = arith.constant 1953 : i32
      %lt3A_46 = arith.cmpi slt, %add3A_44, %lt3A_45 : i32
      %convert_element_type3A_47 = arith.extui %lt3A_46 : i1 to i32
      %cond3A_48 = arith.constant 0 : i32
      %cond3A_49 = arith.cmpi ne, %convert_element_type3A_47, %cond3A_48 : i32
      scf.if %cond3A_49 {
        %mul3A_98 = arith.constant 32 : i32
        %mul3A_99 = arith.muli %mul3A_98, %add3A_41 : i32
        %add3A_100 = arith.addi %add3A, %mul3A_99 : i32
        %mul3A_101 = arith.constant 512 : i32
        %mul3A_102 = arith.muli %add3A_100, %mul3A_101 : i32
        %dma_start3A = arith.constant 0 : i32
        %dma_start3A_103 = arith.constant 0 : i32
        %dma_start3A_104 = arith.constant 0 : i32
        %dma_start3A_105 = tpu.memref_slice %arg7[%dma_start3A, %dma_start3A_103, %dma_start3A_104] : memref<4x8x512xf32, #tpu.memory_space<vmem>> -> memref<1x8x512xf32, #tpu.memory_space<vmem>>
        %dma_start3A_106 = tpu.memref_squeeze %dma_start3A_105 : memref<1x8x512xf32, #tpu.memory_space<vmem>> -> memref<8x512xf32, #tpu.memory_space<vmem>>
        %dma_start3A_107 = arith.constant 0 : i32
        %dma_start3A_108 = tpu.memref_slice %arg2[%dma_start3A_107, %mul3A_102] : memref<32x1000000xf32, #tpu.memory_space<hbm>> -> memref<8x512xf32, #tpu.memory_space<hbm>>
        %dma_start3A_109 = arith.constant 0 : i32
        %dma_start3A_110 = arith.constant 0 : i32
        %dma_start3A_111 = tpu.memref_slice %arg7[%dma_start3A, %dma_start3A_109, %dma_start3A_110] : memref<4x8x512xf32, #tpu.memory_space<vmem>> -> memref<1x8x512xf32, #tpu.memory_space<vmem>>
        %dma_start3A_112 = tpu.memref_squeeze %dma_start3A_111 : memref<1x8x512xf32, #tpu.memory_space<vmem>> -> memref<8x512xf32, #tpu.memory_space<vmem>>
        %dma_start3A_113 = arith.constant 0 : i32
        %dma_start3A_114 = tpu.memref_slice %arg2[%dma_start3A_113, %mul3A_102] : memref<32x1000000xf32, #tpu.memory_space<hbm>> -> memref<8x512xf32, #tpu.memory_space<hbm>>
        tpu.enqueue_dma source(%dma_start3A_114 : memref<8x512xf32, #tpu.memory_space<hbm>>) target(%dma_start3A_112 : memref<8x512xf32, #tpu.memory_space<vmem>>) target_semaphore(%arg15 : memref<!tpu.dma_semaphore, #tpu.memory_space<semaphore_mem>>)
        %dma_start3A_115 = arith.constant 1 : i32
        %dma_start3A_116 = arith.constant 0 : i32
        %dma_start3A_117 = arith.constant 0 : i32
        %dma_start3A_118 = tpu.memref_slice %arg7[%dma_start3A_115, %dma_start3A_116, %dma_start3A_117] : memref<4x8x512xf32, #tpu.memory_space<vmem>> -> memref<1x8x512xf32, #tpu.memory_space<vmem>>
        %dma_start3A_119 = tpu.memref_squeeze %dma_start3A_118 : memref<1x8x512xf32, #tpu.memory_space<vmem>> -> memref<8x512xf32, #tpu.memory_space<vmem>>
        %dma_start3A_120 = arith.constant 8 : i32
        %dma_start3A_121 = tpu.memref_slice %arg2[%dma_start3A_120, %mul3A_102] : memref<32x1000000xf32, #tpu.memory_space<hbm>> -> memref<8x512xf32, #tpu.memory_space<hbm>>
        %dma_start3A_122 = arith.constant 0 : i32
        %dma_start3A_123 = arith.constant 0 : i32
        %dma_start3A_124 = tpu.memref_slice %arg7[%dma_start3A_115, %dma_start3A_122, %dma_start3A_123] : memref<4x8x512xf32, #tpu.memory_space<vmem>> -> memref<1x8x512xf32, #tpu.memory_space<vmem>>
        %dma_start3A_125 = tpu.memref_squeeze %dma_start3A_124 : memref<1x8x512xf32, #tpu.memory_space<vmem>> -> memref<8x512xf32, #tpu.memory_space<vmem>>
        %dma_start3A_126 = arith.constant 8 : i32
        %dma_start3A_127 = tpu.memref_slice %arg2[%dma_start3A_126, %mul3A_102] : memref<32x1000000xf32, #tpu.memory_space<hbm>> -> memref<8x512xf32, #tpu.memory_space<hbm>>
        tpu.enqueue_dma source(%dma_start3A_127 : memref<8x512xf32, #tpu.memory_space<hbm>>) target(%dma_start3A_125 : memref<8x512xf32, #tpu.memory_space<vmem>>) target_semaphore(%arg15 : memref<!tpu.dma_semaphore, #tpu.memory_space<semaphore_mem>>)
        %dma_start3A_128 = arith.constant 2 : i32
        %dma_start3A_129 = arith.constant 0 : i32
        %dma_start3A_130 = arith.constant 0 : i32
        %dma_start3A_131 = tpu.memref_slice %arg7[%dma_start3A_128, %dma_start3A_129, %dma_start3A_130] : memref<4x8x512xf32, #tpu.memory_space<vmem>> -> memref<1x8x512xf32, #tpu.memory_space<vmem>>
        %dma_start3A_132 = tpu.memref_squeeze %dma_start3A_131 : memref<1x8x512xf32, #tpu.memory_space<vmem>> -> memref<8x512xf32, #tpu.memory_space<vmem>>
        %dma_start3A_133 = arith.constant 16 : i32
        %dma_start3A_134 = tpu.memref_slice %arg2[%dma_start3A_133, %mul3A_102] : memref<32x1000000xf32, #tpu.memory_space<hbm>> -> memref<8x512xf32, #tpu.memory_space<hbm>>
        %dma_start3A_135 = arith.constant 0 : i32
        %dma_start3A_136 = arith.constant 0 : i32
        %dma_start3A_137 = tpu.memref_slice %arg7[%dma_start3A_128, %dma_start3A_135, %dma_start3A_136] : memref<4x8x512xf32, #tpu.memory_space<vmem>> -> memref<1x8x512xf32, #tpu.memory_space<vmem>>
        %dma_start3A_138 = tpu.memref_squeeze %dma_start3A_137 : memref<1x8x512xf32, #tpu.memory_space<vmem>> -> memref<8x512xf32, #tpu.memory_space<vmem>>
        %dma_start3A_139 = arith.constant 16 : i32
        %dma_start3A_140 = tpu.memref_slice %arg2[%dma_start3A_139, %mul3A_102] : memref<32x1000000xf32, #tpu.memory_space<hbm>> -> memref<8x512xf32, #tpu.memory_space<hbm>>
        tpu.enqueue_dma source(%dma_start3A_140 : memref<8x512xf32, #tpu.memory_space<hbm>>) target(%dma_start3A_138 : memref<8x512xf32, #tpu.memory_space<vmem>>) target_semaphore(%arg15 : memref<!tpu.dma_semaphore, #tpu.memory_space<semaphore_mem>>)
        %dma_start3A_141 = arith.constant 3 : i32
        %dma_start3A_142 = arith.constant 0 : i32
        %dma_start3A_143 = arith.constant 0 : i32
        %dma_start3A_144 = tpu.memref_slice %arg7[%dma_start3A_141, %dma_start3A_142, %dma_start3A_143] : memref<4x8x512xf32, #tpu.memory_space<vmem>> -> memref<1x8x512xf32, #tpu.memory_space<vmem>>
        %dma_start3A_145 = tpu.memref_squeeze %dma_start3A_144 : memref<1x8x512xf32, #tpu.memory_space<vmem>> -> memref<8x512xf32, #tpu.memory_space<vmem>>
        %dma_start3A_146 = arith.constant 24 : i32
        %dma_start3A_147 = tpu.memref_slice %arg2[%dma_start3A_146, %mul3A_102] : memref<32x1000000xf32, #tpu.memory_space<hbm>> -> memref<8x512xf32, #tpu.memory_space<hbm>>
        %dma_start3A_148 = arith.constant 0 : i32
        %dma_start3A_149 = arith.constant 0 : i32
        %dma_start3A_150 = tpu.memref_slice %arg7[%dma_start3A_141, %dma_start3A_148, %dma_start3A_149] : memref<4x8x512xf32, #tpu.memory_space<vmem>> -> memref<1x8x512xf32, #tpu.memory_space<vmem>>
        %dma_start3A_151 = tpu.memref_squeeze %dma_start3A_150 : memref<1x8x512xf32, #tpu.memory_space<vmem>> -> memref<8x512xf32, #tpu.memory_space<vmem>>
        %dma_start3A_152 = arith.constant 24 : i32
        %dma_start3A_153 = tpu.memref_slice %arg2[%dma_start3A_152, %mul3A_102] : memref<32x1000000xf32, #tpu.memory_space<hbm>> -> memref<8x512xf32, #tpu.memory_space<hbm>>
        tpu.enqueue_dma source(%dma_start3A_153 : memref<8x512xf32, #tpu.memory_space<hbm>>) target(%dma_start3A_151 : memref<8x512xf32, #tpu.memory_space<vmem>>) target_semaphore(%arg15 : memref<!tpu.dma_semaphore, #tpu.memory_space<semaphore_mem>>)
      } else {
      }
      %mul3A_50 = arith.constant 32 : i32
      %mul3A_51 = arith.muli %mul3A_50, %add3A_39 : i32
      %add3A_52 = arith.addi %add3A, %mul3A_51 : i32
      %lt3A_53 = arith.constant 1953 : i32
      %lt3A_54 = arith.cmpi slt, %add3A_52, %lt3A_53 : i32
      %convert_element_type3A_55 = arith.extui %lt3A_54 : i1 to i32
      %cond3A_56 = arith.constant 0 : i32
      %cond3A_57 = arith.cmpi ne, %convert_element_type3A_55, %cond3A_56 : i32
      scf.if %cond3A_57 {
        %dma_wait3A_98 = arith.constant 0 : i32
        %dma_wait3A_99 = arith.constant 0 : i32
        %dma_wait3A_100 = arith.constant 0 : i32
        %dma_wait3A_101 = tpu.memref_slice %arg5[%dma_wait3A_98, %dma_wait3A_99, %dma_wait3A_100] : memref<4x8x512xf32, #tpu.memory_space<vmem>> -> memref<1x8x512xf32, #tpu.memory_space<vmem>>
        %dma_wait3A_102 = tpu.memref_squeeze %dma_wait3A_101 : memref<1x8x512xf32, #tpu.memory_space<vmem>> -> memref<8x512xf32, #tpu.memory_space<vmem>>
        %dma_wait3A_103 = arith.constant 0 : i32
        %dma_wait3A_104 = arith.constant 0 : i32
        %dma_wait3A_105 = tpu.memref_slice %arg2[%dma_wait3A_103, %dma_wait3A_104] : memref<32x1000000xf32, #tpu.memory_space<hbm>> -> memref<8x512xf32, #tpu.memory_space<hbm>>
        %dma_wait3A_106 = arith.constant 0 : i32
        %dma_wait3A_107 = arith.constant 0 : i32
        %dma_wait3A_108 = tpu.memref_slice %arg5[%dma_wait3A_98, %dma_wait3A_106, %dma_wait3A_107] : memref<4x8x512xf32, #tpu.memory_space<vmem>> -> memref<1x8x512xf32, #tpu.memory_space<vmem>>
        %dma_wait3A_109 = tpu.memref_squeeze %dma_wait3A_108 : memref<1x8x512xf32, #tpu.memory_space<vmem>> -> memref<8x512xf32, #tpu.memory_space<vmem>>
        %dma_wait3A_110 = arith.constant 0 : i32
        %dma_wait3A_111 = arith.constant 0 : i32
        %dma_wait3A_112 = tpu.memref_slice %arg2[%dma_wait3A_110, %dma_wait3A_111] : memref<32x1000000xf32, #tpu.memory_space<hbm>> -> memref<8x512xf32, #tpu.memory_space<hbm>>
        tpu.wait_dma2 semaphore(%arg13 : memref<!tpu.dma_semaphore, #tpu.memory_space<semaphore_mem>>) src(%dma_wait3A_112 : memref<8x512xf32, #tpu.memory_space<hbm>>) dst(%dma_wait3A_109 : memref<8x512xf32, #tpu.memory_space<vmem>>)
        %dma_wait3A_113 = arith.constant 1 : i32
        %dma_wait3A_114 = arith.constant 0 : i32
        %dma_wait3A_115 = arith.constant 0 : i32
        %dma_wait3A_116 = tpu.memref_slice %arg5[%dma_wait3A_113, %dma_wait3A_114, %dma_wait3A_115] : memref<4x8x512xf32, #tpu.memory_space<vmem>> -> memref<1x8x512xf32, #tpu.memory_space<vmem>>
        %dma_wait3A_117 = tpu.memref_squeeze %dma_wait3A_116 : memref<1x8x512xf32, #tpu.memory_space<vmem>> -> memref<8x512xf32, #tpu.memory_space<vmem>>
        %dma_wait3A_118 = arith.constant 0 : i32
        %dma_wait3A_119 = arith.constant 0 : i32
        %dma_wait3A_120 = tpu.memref_slice %arg2[%dma_wait3A_118, %dma_wait3A_119] : memref<32x1000000xf32, #tpu.memory_space<hbm>> -> memref<8x512xf32, #tpu.memory_space<hbm>>
        %dma_wait3A_121 = arith.constant 0 : i32
        %dma_wait3A_122 = arith.constant 0 : i32
        %dma_wait3A_123 = tpu.memref_slice %arg5[%dma_wait3A_113, %dma_wait3A_121, %dma_wait3A_122] : memref<4x8x512xf32, #tpu.memory_space<vmem>> -> memref<1x8x512xf32, #tpu.memory_space<vmem>>
        %dma_wait3A_124 = tpu.memref_squeeze %dma_wait3A_123 : memref<1x8x512xf32, #tpu.memory_space<vmem>> -> memref<8x512xf32, #tpu.memory_space<vmem>>
        %dma_wait3A_125 = arith.constant 0 : i32
        %dma_wait3A_126 = arith.constant 0 : i32
        %dma_wait3A_127 = tpu.memref_slice %arg2[%dma_wait3A_125, %dma_wait3A_126] : memref<32x1000000xf32, #tpu.memory_space<hbm>> -> memref<8x512xf32, #tpu.memory_space<hbm>>
        tpu.wait_dma2 semaphore(%arg13 : memref<!tpu.dma_semaphore, #tpu.memory_space<semaphore_mem>>) src(%dma_wait3A_127 : memref<8x512xf32, #tpu.memory_space<hbm>>) dst(%dma_wait3A_124 : memref<8x512xf32, #tpu.memory_space<vmem>>)
        %dma_wait3A_128 = arith.constant 2 : i32
        %dma_wait3A_129 = arith.constant 0 : i32
        %dma_wait3A_130 = arith.constant 0 : i32
        %dma_wait3A_131 = tpu.memref_slice %arg5[%dma_wait3A_128, %dma_wait3A_129, %dma_wait3A_130] : memref<4x8x512xf32, #tpu.memory_space<vmem>> -> memref<1x8x512xf32, #tpu.memory_space<vmem>>
        %dma_wait3A_132 = tpu.memref_squeeze %dma_wait3A_131 : memref<1x8x512xf32, #tpu.memory_space<vmem>> -> memref<8x512xf32, #tpu.memory_space<vmem>>
        %dma_wait3A_133 = arith.constant 0 : i32
        %dma_wait3A_134 = arith.constant 0 : i32
        %dma_wait3A_135 = tpu.memref_slice %arg2[%dma_wait3A_133, %dma_wait3A_134] : memref<32x1000000xf32, #tpu.memory_space<hbm>> -> memref<8x512xf32, #tpu.memory_space<hbm>>
        %dma_wait3A_136 = arith.constant 0 : i32
        %dma_wait3A_137 = arith.constant 0 : i32
        %dma_wait3A_138 = tpu.memref_slice %arg5[%dma_wait3A_128, %dma_wait3A_136, %dma_wait3A_137] : memref<4x8x512xf32, #tpu.memory_space<vmem>> -> memref<1x8x512xf32, #tpu.memory_space<vmem>>
        %dma_wait3A_139 = tpu.memref_squeeze %dma_wait3A_138 : memref<1x8x512xf32, #tpu.memory_space<vmem>> -> memref<8x512xf32, #tpu.memory_space<vmem>>
        %dma_wait3A_140 = arith.constant 0 : i32
        %dma_wait3A_141 = arith.constant 0 : i32
        %dma_wait3A_142 = tpu.memref_slice %arg2[%dma_wait3A_140, %dma_wait3A_141] : memref<32x1000000xf32, #tpu.memory_space<hbm>> -> memref<8x512xf32, #tpu.memory_space<hbm>>
        tpu.wait_dma2 semaphore(%arg13 : memref<!tpu.dma_semaphore, #tpu.memory_space<semaphore_mem>>) src(%dma_wait3A_142 : memref<8x512xf32, #tpu.memory_space<hbm>>) dst(%dma_wait3A_139 : memref<8x512xf32, #tpu.memory_space<vmem>>)
        %dma_wait3A_143 = arith.constant 3 : i32
        %dma_wait3A_144 = arith.constant 0 : i32
        %dma_wait3A_145 = arith.constant 0 : i32
        %dma_wait3A_146 = tpu.memref_slice %arg5[%dma_wait3A_143, %dma_wait3A_144, %dma_wait3A_145] : memref<4x8x512xf32, #tpu.memory_space<vmem>> -> memref<1x8x512xf32, #tpu.memory_space<vmem>>
        %dma_wait3A_147 = tpu.memref_squeeze %dma_wait3A_146 : memref<1x8x512xf32, #tpu.memory_space<vmem>> -> memref<8x512xf32, #tpu.memory_space<vmem>>
        %dma_wait3A_148 = arith.constant 0 : i32
        %dma_wait3A_149 = arith.constant 0 : i32
        %dma_wait3A_150 = tpu.memref_slice %arg2[%dma_wait3A_148, %dma_wait3A_149] : memref<32x1000000xf32, #tpu.memory_space<hbm>> -> memref<8x512xf32, #tpu.memory_space<hbm>>
        %dma_wait3A_151 = arith.constant 0 : i32
        %dma_wait3A_152 = arith.constant 0 : i32
        %dma_wait3A_153 = tpu.memref_slice %arg5[%dma_wait3A_143, %dma_wait3A_151, %dma_wait3A_152] : memref<4x8x512xf32, #tpu.memory_space<vmem>> -> memref<1x8x512xf32, #tpu.memory_space<vmem>>
        %dma_wait3A_154 = tpu.memref_squeeze %dma_wait3A_153 : memref<1x8x512xf32, #tpu.memory_space<vmem>> -> memref<8x512xf32, #tpu.memory_space<vmem>>
        %dma_wait3A_155 = arith.constant 0 : i32
        %dma_wait3A_156 = arith.constant 0 : i32
        %dma_wait3A_157 = tpu.memref_slice %arg2[%dma_wait3A_155, %dma_wait3A_156] : memref<32x1000000xf32, #tpu.memory_space<hbm>> -> memref<8x512xf32, #tpu.memory_space<hbm>>
        tpu.wait_dma2 semaphore(%arg13 : memref<!tpu.dma_semaphore, #tpu.memory_space<semaphore_mem>>) src(%dma_wait3A_157 : memref<8x512xf32, #tpu.memory_space<hbm>>) dst(%dma_wait3A_154 : memref<8x512xf32, #tpu.memory_space<vmem>>)
        %ge3A = arith.constant 3 : i32
        %ge3A_158 = arith.cmpi sge, %add3A_39, %ge3A : i32
        %convert_element_type3A_159 = arith.extui %ge3A_158 : i1 to i32
        %cond3A_160 = arith.constant 0 : i32
        %cond3A_161 = arith.cmpi ne, %convert_element_type3A_159, %cond3A_160 : i32
        scf.if %cond3A_161 {
          %dma_wait3A_180 = arith.constant 0 : i32
          %dma_wait3A_181 = tpu.memref_slice %arg4[%dma_wait3A_180] : memref<32000000xf32, #tpu.memory_space<hbm>> -> memref<16384xf32, #tpu.memory_space<hbm>>
          %dma_wait3A_182 = arith.constant 0 : i32
          %dma_wait3A_183 = tpu.memref_slice %arg4[%dma_wait3A_182] : memref<32000000xf32, #tpu.memory_space<hbm>> -> memref<16384xf32, #tpu.memory_space<hbm>>
          tpu.wait_dma2 semaphore(%arg16 : memref<!tpu.dma_semaphore, #tpu.memory_space<semaphore_mem>>) src(%dma_wait3A_183 : memref<16384xf32, #tpu.memory_space<hbm>>) dst(%arg9 : memref<16384xf32, #tpu.memory_space<vmem>>)
        } else {
        }
        %scan3A_162 = arith.constant 0 : i32
        %scan3A_163 = arith.constant 0 : i32
        %scan3A_164 = arith.constant 32 : i32
        %scan3A_165 = arith.addi %scan3A_163, %scan3A_164 : i32
        %scan3A_166 = arith.constant 1 : i32
        scf.for %scan3A_180 = %scan3A_163 to %scan3A_165 step %scan3A_166  : i32 {
          %mul3A_181 = arith.constant 528 : i32
          %mul3A_182 = arith.muli %scan3A_180, %mul3A_181 : i32
          %mul3A_183 = arith.constant 16 : i32
          %mul3A_184 = arith.muli %scan3A_180, %mul3A_183 : i32
          %get3A = arith.constant 0 : i32
          %get3A_185 = arith.constant 0 : i32
          %get3A_186 = arith.index_cast %get3A : i32 to index
          %get3A_187 = arith.index_cast %get3A_185 : i32 to index
          %get3A_188 = arith.index_cast %mul3A_184 : i32 to index
          %get3A_189 = tpu.vector_load %arg5[%get3A_186, %get3A_187, %get3A_188] {strides = array<i32>} : memref<4x8x512xf32, #tpu.memory_space<vmem>>, vector<16xf32>,
          %add3A_190 = arith.constant 0 : i32
          %add3A_191 = arith.addi %mul3A_182, %add3A_190 : i32
          %add3A_192 = vector.broadcast %add3A_191 : i32 to vector<16xi32>
          %add3A_193 = arith.addi %mul3A_3, %add3A_192 : vector<16xi32>
          tpu.vector_store_idx %arg8[%add3A_193], %get3A_189 : memref<16896xf32, #tpu.memory_space<vmem>>[vector<16xi32>], vector<16xf32>,
          %get3A_194 = arith.constant 0 : i32
          %get3A_195 = arith.constant 1 : i32
          %get3A_196 = arith.index_cast %get3A_194 : i32 to index
          %get3A_197 = arith.index_cast %get3A_195 : i32 to index
          %get3A_198 = arith.index_cast %mul3A_184 : i32 to index
          %get3A_199 = tpu.vector_load %arg5[%get3A_196, %get3A_197, %get3A_198] {strides = array<i32>} : memref<4x8x512xf32, #tpu.memory_space<vmem>>, vector<16xf32>,
          %add3A_200 = arith.constant 1 : i32
          %add3A_201 = arith.addi %mul3A_182, %add3A_200 : i32
          %add3A_202 = vector.broadcast %add3A_201 : i32 to vector<16xi32>
          %add3A_203 = arith.addi %mul3A_3, %add3A_202 : vector<16xi32>
          tpu.vector_store_idx %arg8[%add3A_203], %get3A_199 : memref<16896xf32, #tpu.memory_space<vmem>>[vector<16xi32>], vector<16xf32>,
          %get3A_204 = arith.constant 0 : i32
          %get3A_205 = arith.constant 2 : i32
          %get3A_206 = arith.index_cast %get3A_204 : i32 to index
          %get3A_207 = arith.index_cast %get3A_205 : i32 to index
          %get3A_208 = arith.index_cast %mul3A_184 : i32 to index
          %get3A_209 = tpu.vector_load %arg5[%get3A_206, %get3A_207, %get3A_208] {strides = array<i32>} : memref<4x8x512xf32, #tpu.memory_space<vmem>>, vector<16xf32>,
          %add3A_210 = arith.constant 2 : i32
          %add3A_211 = arith.addi %mul3A_182, %add3A_210 : i32
          %add3A_212 = vector.broadcast %add3A_211 : i32 to vector<16xi32>
          %add3A_213 = arith.addi %mul3A_3, %add3A_212 : vector<16xi32>
          tpu.vector_store_idx %arg8[%add3A_213], %get3A_209 : memref<16896xf32, #tpu.memory_space<vmem>>[vector<16xi32>], vector<16xf32>,
          %get3A_214 = arith.constant 0 : i32
          %get3A_215 = arith.constant 3 : i32
          %get3A_216 = arith.index_cast %get3A_214 : i32 to index
          %get3A_217 = arith.index_cast %get3A_215 : i32 to index
          %get3A_218 = arith.index_cast %mul3A_184 : i32 to index
          %get3A_219 = tpu.vector_load %arg5[%get3A_216, %get3A_217, %get3A_218] {strides = array<i32>} : memref<4x8x512xf32, #tpu.memory_space<vmem>>, vector<16xf32>,
          %add3A_220 = arith.constant 3 : i32
          %add3A_221 = arith.addi %mul3A_182, %add3A_220 : i32
          %add3A_222 = vector.broadcast %add3A_221 : i32 to vector<16xi32>
          %add3A_223 = arith.addi %mul3A_3, %add3A_222 : vector<16xi32>
          tpu.vector_store_idx %arg8[%add3A_223], %get3A_219 : memref<16896xf32, #tpu.memory_space<vmem>>[vector<16xi32>], vector<16xf32>,
          %get3A_224 = arith.constant 0 : i32
          %get3A_225 = arith.constant 4 : i32
          %get3A_226 = arith.index_cast %get3A_224 : i32 to index
          %get3A_227 = arith.index_cast %get3A_225 : i32 to index
          %get3A_228 = arith.index_cast %mul3A_184 : i32 to index
          %get3A_229 = tpu.vector_load %arg5[%get3A_226, %get3A_227, %get3A_228] {strides = array<i32>} : memref<4x8x512xf32, #tpu.memory_space<vmem>>, vector<16xf32>,
          %add3A_230 = arith.constant 4 : i32
          %add3A_231 = arith.addi %mul3A_182, %add3A_230 : i32
          %add3A_232 = vector.broadcast %add3A_231 : i32 to vector<16xi32>
          %add3A_233 = arith.addi %mul3A_3, %add3A_232 : vector<16xi32>
          tpu.vector_store_idx %arg8[%add3A_233], %get3A_229 : memref<16896xf32, #tpu.memory_space<vmem>>[vector<16xi32>], vector<16xf32>,
          %get3A_234 = arith.constant 0 : i32
          %get3A_235 = arith.constant 5 : i32
          %get3A_236 = arith.index_cast %get3A_234 : i32 to index
          %get3A_237 = arith.index_cast %get3A_235 : i32 to index
          %get3A_238 = arith.index_cast %mul3A_184 : i32 to index
          %get3A_239 = tpu.vector_load %arg5[%get3A_236, %get3A_237, %get3A_238] {strides = array<i32>} : memref<4x8x512xf32, #tpu.memory_space<vmem>>, vector<16xf32>,
          %add3A_240 = arith.constant 5 : i32
          %add3A_241 = arith.addi %mul3A_182, %add3A_240 : i32
          %add3A_242 = vector.broadcast %add3A_241 : i32 to vector<16xi32>
          %add3A_243 = arith.addi %mul3A_3, %add3A_242 : vector<16xi32>
          tpu.vector_store_idx %arg8[%add3A_243], %get3A_239 : memref<16896xf32, #tpu.memory_space<vmem>>[vector<16xi32>], vector<16xf32>,
          %get3A_244 = arith.constant 0 : i32
          %get3A_245 = arith.constant 6 : i32
          %get3A_246 = arith.index_cast %get3A_244 : i32 to index
          %get3A_247 = arith.index_cast %get3A_245 : i32 to index
          %get3A_248 = arith.index_cast %mul3A_184 : i32 to index
          %get3A_249 = tpu.vector_load %arg5[%get3A_246, %get3A_247, %get3A_248] {strides = array<i32>} : memref<4x8x512xf32, #tpu.memory_space<vmem>>, vector<16xf32>,
          %add3A_250 = arith.constant 6 : i32
          %add3A_251 = arith.addi %mul3A_182, %add3A_250 : i32
          %add3A_252 = vector.broadcast %add3A_251 : i32 to vector<16xi32>
          %add3A_253 = arith.addi %mul3A_3, %add3A_252 : vector<16xi32>
          tpu.vector_store_idx %arg8[%add3A_253], %get3A_249 : memref<16896xf32, #tpu.memory_space<vmem>>[vector<16xi32>], vector<16xf32>,
          %get3A_254 = arith.constant 0 : i32
          %get3A_255 = arith.constant 7 : i32
          %get3A_256 = arith.index_cast %get3A_254 : i32 to index
          %get3A_257 = arith.index_cast %get3A_255 : i32 to index
          %get3A_258 = arith.index_cast %mul3A_184 : i32 to index
          %get3A_259 = tpu.vector_load %arg5[%get3A_256, %get3A_257, %get3A_258] {strides = array<i32>} : memref<4x8x512xf32, #tpu.memory_space<vmem>>, vector<16xf32>,
          %add3A_260 = arith.constant 7 : i32
          %add3A_261 = arith.addi %mul3A_182, %add3A_260 : i32
          %add3A_262 = vector.broadcast %add3A_261 : i32 to vector<16xi32>
          %add3A_263 = arith.addi %mul3A_3, %add3A_262 : vector<16xi32>
          tpu.vector_store_idx %arg8[%add3A_263], %get3A_259 : memref<16896xf32, #tpu.memory_space<vmem>>[vector<16xi32>], vector<16xf32>,
          %get3A_264 = arith.constant 1 : i32
          %get3A_265 = arith.constant 0 : i32
          %get3A_266 = arith.index_cast %get3A_264 : i32 to index
          %get3A_267 = arith.index_cast %get3A_265 : i32 to index
          %get3A_268 = arith.index_cast %mul3A_184 : i32 to index
          %get3A_269 = tpu.vector_load %arg5[%get3A_266, %get3A_267, %get3A_268] {strides = array<i32>} : memref<4x8x512xf32, #tpu.memory_space<vmem>>, vector<16xf32>,
          %add3A_270 = arith.constant 8 : i32
          %add3A_271 = arith.addi %mul3A_182, %add3A_270 : i32
          %add3A_272 = vector.broadcast %add3A_271 : i32 to vector<16xi32>
          %add3A_273 = arith.addi %mul3A_3, %add3A_272 : vector<16xi32>
          tpu.vector_store_idx %arg8[%add3A_273], %get3A_269 : memref<16896xf32, #tpu.memory_space<vmem>>[vector<16xi32>], vector<16xf32>,
          %get3A_274 = arith.constant 1 : i32
          %get3A_275 = arith.constant 1 : i32
          %get3A_276 = arith.index_cast %get3A_274 : i32 to index
          %get3A_277 = arith.index_cast %get3A_275 : i32 to index
          %get3A_278 = arith.index_cast %mul3A_184 : i32 to index
          %get3A_279 = tpu.vector_load %arg5[%get3A_276, %get3A_277, %get3A_278] {strides = array<i32>} : memref<4x8x512xf32, #tpu.memory_space<vmem>>, vector<16xf32>,
          %add3A_280 = arith.constant 9 : i32
          %add3A_281 = arith.addi %mul3A_182, %add3A_280 : i32
          %add3A_282 = vector.broadcast %add3A_281 : i32 to vector<16xi32>
          %add3A_283 = arith.addi %mul3A_3, %add3A_282 : vector<16xi32>
          tpu.vector_store_idx %arg8[%add3A_283], %get3A_279 : memref<16896xf32, #tpu.memory_space<vmem>>[vector<16xi32>], vector<16xf32>,
          %get3A_284 = arith.constant 1 : i32
          %get3A_285 = arith.constant 2 : i32
          %get3A_286 = arith.index_cast %get3A_284 : i32 to index
          %get3A_287 = arith.index_cast %get3A_285 : i32 to index
          %get3A_288 = arith.index_cast %mul3A_184 : i32 to index
          %get3A_289 = tpu.vector_load %arg5[%get3A_286, %get3A_287, %get3A_288] {strides = array<i32>} : memref<4x8x512xf32, #tpu.memory_space<vmem>>, vector<16xf32>,
          %add3A_290 = arith.constant 10 : i32
          %add3A_291 = arith.addi %mul3A_182, %add3A_290 : i32
          %add3A_292 = vector.broadcast %add3A_291 : i32 to vector<16xi32>
          %add3A_293 = arith.addi %mul3A_3, %add3A_292 : vector<16xi32>
          tpu.vector_store_idx %arg8[%add3A_293], %get3A_289 : memref<16896xf32, #tpu.memory_space<vmem>>[vector<16xi32>], vector<16xf32>,
          %get3A_294 = arith.constant 1 : i32
          %get3A_295 = arith.constant 3 : i32
          %get3A_296 = arith.index_cast %get3A_294 : i32 to index
          %get3A_297 = arith.index_cast %get3A_295 : i32 to index
          %get3A_298 = arith.index_cast %mul3A_184 : i32 to index
          %get3A_299 = tpu.vector_load %arg5[%get3A_296, %get3A_297, %get3A_298] {strides = array<i32>} : memref<4x8x512xf32, #tpu.memory_space<vmem>>, vector<16xf32>,
          %add3A_300 = arith.constant 11 : i32
          %add3A_301 = arith.addi %mul3A_182, %add3A_300 : i32
          %add3A_302 = vector.broadcast %add3A_301 : i32 to vector<16xi32>
          %add3A_303 = arith.addi %mul3A_3, %add3A_302 : vector<16xi32>
          tpu.vector_store_idx %arg8[%add3A_303], %get3A_299 : memref<16896xf32, #tpu.memory_space<vmem>>[vector<16xi32>], vector<16xf32>,
          %get3A_304 = arith.constant 1 : i32
          %get3A_305 = arith.constant 4 : i32
          %get3A_306 = arith.index_cast %get3A_304 : i32 to index
          %get3A_307 = arith.index_cast %get3A_305 : i32 to index
          %get3A_308 = arith.index_cast %mul3A_184 : i32 to index
          %get3A_309 = tpu.vector_load %arg5[%get3A_306, %get3A_307, %get3A_308] {strides = array<i32>} : memref<4x8x512xf32, #tpu.memory_space<vmem>>, vector<16xf32>,
          %add3A_310 = arith.constant 12 : i32
          %add3A_311 = arith.addi %mul3A_182, %add3A_310 : i32
          %add3A_312 = vector.broadcast %add3A_311 : i32 to vector<16xi32>
          %add3A_313 = arith.addi %mul3A_3, %add3A_312 : vector<16xi32>
          tpu.vector_store_idx %arg8[%add3A_313], %get3A_309 : memref<16896xf32, #tpu.memory_space<vmem>>[vector<16xi32>], vector<16xf32>,
          %get3A_314 = arith.constant 1 : i32
          %get3A_315 = arith.constant 5 : i32
          %get3A_316 = arith.index_cast %get3A_314 : i32 to index
          %get3A_317 = arith.index_cast %get3A_315 : i32 to index
          %get3A_318 = arith.index_cast %mul3A_184 : i32 to index
          %get3A_319 = tpu.vector_load %arg5[%get3A_316, %get3A_317, %get3A_318] {strides = array<i32>} : memref<4x8x512xf32, #tpu.memory_space<vmem>>, vector<16xf32>,
          %add3A_320 = arith.constant 13 : i32
          %add3A_321 = arith.addi %mul3A_182, %add3A_320 : i32
          %add3A_322 = vector.broadcast %add3A_321 : i32 to vector<16xi32>
          %add3A_323 = arith.addi %mul3A_3, %add3A_322 : vector<16xi32>
          tpu.vector_store_idx %arg8[%add3A_323], %get3A_319 : memref<16896xf32, #tpu.memory_space<vmem>>[vector<16xi32>], vector<16xf32>,
          %get3A_324 = arith.constant 1 : i32
          %get3A_325 = arith.constant 6 : i32
          %get3A_326 = arith.index_cast %get3A_324 : i32 to index
          %get3A_327 = arith.index_cast %get3A_325 : i32 to index
          %get3A_328 = arith.index_cast %mul3A_184 : i32 to index
          %get3A_329 = tpu.vector_load %arg5[%get3A_326, %get3A_327, %get3A_328] {strides = array<i32>} : memref<4x8x512xf32, #tpu.memory_space<vmem>>, vector<16xf32>,
          %add3A_330 = arith.constant 14 : i32
          %add3A_331 = arith.addi %mul3A_182, %add3A_330 : i32
          %add3A_332 = vector.broadcast %add3A_331 : i32 to vector<16xi32>
          %add3A_333 = arith.addi %mul3A_3, %add3A_332 : vector<16xi32>
          tpu.vector_store_idx %arg8[%add3A_333], %get3A_329 : memref<16896xf32, #tpu.memory_space<vmem>>[vector<16xi32>], vector<16xf32>,
          %get3A_334 = arith.constant 1 : i32
          %get3A_335 = arith.constant 7 : i32
          %get3A_336 = arith.index_cast %get3A_334 : i32 to index
          %get3A_337 = arith.index_cast %get3A_335 : i32 to index
          %get3A_338 = arith.index_cast %mul3A_184 : i32 to index
          %get3A_339 = tpu.vector_load %arg5[%get3A_336, %get3A_337, %get3A_338] {strides = array<i32>} : memref<4x8x512xf32, #tpu.memory_space<vmem>>, vector<16xf32>,
          %add3A_340 = arith.constant 15 : i32
          %add3A_341 = arith.addi %mul3A_182, %add3A_340 : i32
          %add3A_342 = vector.broadcast %add3A_341 : i32 to vector<16xi32>
          %add3A_343 = arith.addi %mul3A_3, %add3A_342 : vector<16xi32>
          tpu.vector_store_idx %arg8[%add3A_343], %get3A_339 : memref<16896xf32, #tpu.memory_space<vmem>>[vector<16xi32>], vector<16xf32>,
          %get3A_344 = arith.constant 2 : i32
          %get3A_345 = arith.constant 0 : i32
          %get3A_346 = arith.index_cast %get3A_344 : i32 to index
          %get3A_347 = arith.index_cast %get3A_345 : i32 to index
          %get3A_348 = arith.index_cast %mul3A_184 : i32 to index
          %get3A_349 = tpu.vector_load %arg5[%get3A_346, %get3A_347, %get3A_348] {strides = array<i32>} : memref<4x8x512xf32, #tpu.memory_space<vmem>>, vector<16xf32>,
          %add3A_350 = arith.constant 16 : i32
          %add3A_351 = arith.addi %mul3A_182, %add3A_350 : i32
          %add3A_352 = vector.broadcast %add3A_351 : i32 to vector<16xi32>
          %add3A_353 = arith.addi %mul3A_3, %add3A_352 : vector<16xi32>
          tpu.vector_store_idx %arg8[%add3A_353], %get3A_349 : memref<16896xf32, #tpu.memory_space<vmem>>[vector<16xi32>], vector<16xf32>,
          %get3A_354 = arith.constant 2 : i32
          %get3A_355 = arith.constant 1 : i32
          %get3A_356 = arith.index_cast %get3A_354 : i32 to index
          %get3A_357 = arith.index_cast %get3A_355 : i32 to index
          %get3A_358 = arith.index_cast %mul3A_184 : i32 to index
          %get3A_359 = tpu.vector_load %arg5[%get3A_356, %get3A_357, %get3A_358] {strides = array<i32>} : memref<4x8x512xf32, #tpu.memory_space<vmem>>, vector<16xf32>,
          %add3A_360 = arith.constant 17 : i32
          %add3A_361 = arith.addi %mul3A_182, %add3A_360 : i32
          %add3A_362 = vector.broadcast %add3A_361 : i32 to vector<16xi32>
          %add3A_363 = arith.addi %mul3A_3, %add3A_362 : vector<16xi32>
          tpu.vector_store_idx %arg8[%add3A_363], %get3A_359 : memref<16896xf32, #tpu.memory_space<vmem>>[vector<16xi32>], vector<16xf32>,
          %get3A_364 = arith.constant 2 : i32
          %get3A_365 = arith.constant 2 : i32
          %get3A_366 = arith.index_cast %get3A_364 : i32 to index
          %get3A_367 = arith.index_cast %get3A_365 : i32 to index
          %get3A_368 = arith.index_cast %mul3A_184 : i32 to index
          %get3A_369 = tpu.vector_load %arg5[%get3A_366, %get3A_367, %get3A_368] {strides = array<i32>} : memref<4x8x512xf32, #tpu.memory_space<vmem>>, vector<16xf32>,
          %add3A_370 = arith.constant 18 : i32
          %add3A_371 = arith.addi %mul3A_182, %add3A_370 : i32
          %add3A_372 = vector.broadcast %add3A_371 : i32 to vector<16xi32>
          %add3A_373 = arith.addi %mul3A_3, %add3A_372 : vector<16xi32>
          tpu.vector_store_idx %arg8[%add3A_373], %get3A_369 : memref<16896xf32, #tpu.memory_space<vmem>>[vector<16xi32>], vector<16xf32>,
          %get3A_374 = arith.constant 2 : i32
          %get3A_375 = arith.constant 3 : i32
          %get3A_376 = arith.index_cast %get3A_374 : i32 to index
          %get3A_377 = arith.index_cast %get3A_375 : i32 to index
          %get3A_378 = arith.index_cast %mul3A_184 : i32 to index
          %get3A_379 = tpu.vector_load %arg5[%get3A_376, %get3A_377, %get3A_378] {strides = array<i32>} : memref<4x8x512xf32, #tpu.memory_space<vmem>>, vector<16xf32>,
          %add3A_380 = arith.constant 19 : i32
          %add3A_381 = arith.addi %mul3A_182, %add3A_380 : i32
          %add3A_382 = vector.broadcast %add3A_381 : i32 to vector<16xi32>
          %add3A_383 = arith.addi %mul3A_3, %add3A_382 : vector<16xi32>
          tpu.vector_store_idx %arg8[%add3A_383], %get3A_379 : memref<16896xf32, #tpu.memory_space<vmem>>[vector<16xi32>], vector<16xf32>,
          %get3A_384 = arith.constant 2 : i32
          %get3A_385 = arith.constant 4 : i32
          %get3A_386 = arith.index_cast %get3A_384 : i32 to index
          %get3A_387 = arith.index_cast %get3A_385 : i32 to index
          %get3A_388 = arith.index_cast %mul3A_184 : i32 to index
          %get3A_389 = tpu.vector_load %arg5[%get3A_386, %get3A_387, %get3A_388] {strides = array<i32>} : memref<4x8x512xf32, #tpu.memory_space<vmem>>, vector<16xf32>,
          %add3A_390 = arith.constant 20 : i32
          %add3A_391 = arith.addi %mul3A_182, %add3A_390 : i32
          %add3A_392 = vector.broadcast %add3A_391 : i32 to vector<16xi32>
          %add3A_393 = arith.addi %mul3A_3, %add3A_392 : vector<16xi32>
          tpu.vector_store_idx %arg8[%add3A_393], %get3A_389 : memref<16896xf32, #tpu.memory_space<vmem>>[vector<16xi32>], vector<16xf32>,
          %get3A_394 = arith.constant 2 : i32
          %get3A_395 = arith.constant 5 : i32
          %get3A_396 = arith.index_cast %get3A_394 : i32 to index
          %get3A_397 = arith.index_cast %get3A_395 : i32 to index
          %get3A_398 = arith.index_cast %mul3A_184 : i32 to index
          %get3A_399 = tpu.vector_load %arg5[%get3A_396, %get3A_397, %get3A_398] {strides = array<i32>} : memref<4x8x512xf32, #tpu.memory_space<vmem>>, vector<16xf32>,
          %add3A_400 = arith.constant 21 : i32
          %add3A_401 = arith.addi %mul3A_182, %add3A_400 : i32
          %add3A_402 = vector.broadcast %add3A_401 : i32 to vector<16xi32>
          %add3A_403 = arith.addi %mul3A_3, %add3A_402 : vector<16xi32>
          tpu.vector_store_idx %arg8[%add3A_403], %get3A_399 : memref<16896xf32, #tpu.memory_space<vmem>>[vector<16xi32>], vector<16xf32>,
          %get3A_404 = arith.constant 2 : i32
          %get3A_405 = arith.constant 6 : i32
          %get3A_406 = arith.index_cast %get3A_404 : i32 to index
          %get3A_407 = arith.index_cast %get3A_405 : i32 to index
          %get3A_408 = arith.index_cast %mul3A_184 : i32 to index
          %get3A_409 = tpu.vector_load %arg5[%get3A_406, %get3A_407, %get3A_408] {strides = array<i32>} : memref<4x8x512xf32, #tpu.memory_space<vmem>>, vector<16xf32>,
          %add3A_410 = arith.constant 22 : i32
          %add3A_411 = arith.addi %mul3A_182, %add3A_410 : i32
          %add3A_412 = vector.broadcast %add3A_411 : i32 to vector<16xi32>
          %add3A_413 = arith.addi %mul3A_3, %add3A_412 : vector<16xi32>
          tpu.vector_store_idx %arg8[%add3A_413], %get3A_409 : memref<16896xf32, #tpu.memory_space<vmem>>[vector<16xi32>], vector<16xf32>,
          %get3A_414 = arith.constant 2 : i32
          %get3A_415 = arith.constant 7 : i32
          %get3A_416 = arith.index_cast %get3A_414 : i32 to index
          %get3A_417 = arith.index_cast %get3A_415 : i32 to index
          %get3A_418 = arith.index_cast %mul3A_184 : i32 to index
          %get3A_419 = tpu.vector_load %arg5[%get3A_416, %get3A_417, %get3A_418] {strides = array<i32>} : memref<4x8x512xf32, #tpu.memory_space<vmem>>, vector<16xf32>,
          %add3A_420 = arith.constant 23 : i32
          %add3A_421 = arith.addi %mul3A_182, %add3A_420 : i32
          %add3A_422 = vector.broadcast %add3A_421 : i32 to vector<16xi32>
          %add3A_423 = arith.addi %mul3A_3, %add3A_422 : vector<16xi32>
          tpu.vector_store_idx %arg8[%add3A_423], %get3A_419 : memref<16896xf32, #tpu.memory_space<vmem>>[vector<16xi32>], vector<16xf32>,
          %get3A_424 = arith.constant 3 : i32
          %get3A_425 = arith.constant 0 : i32
          %get3A_426 = arith.index_cast %get3A_424 : i32 to index
          %get3A_427 = arith.index_cast %get3A_425 : i32 to index
          %get3A_428 = arith.index_cast %mul3A_184 : i32 to index
          %get3A_429 = tpu.vector_load %arg5[%get3A_426, %get3A_427, %get3A_428] {strides = array<i32>} : memref<4x8x512xf32, #tpu.memory_space<vmem>>, vector<16xf32>,
          %add3A_430 = arith.constant 24 : i32
          %add3A_431 = arith.addi %mul3A_182, %add3A_430 : i32
          %add3A_432 = vector.broadcast %add3A_431 : i32 to vector<16xi32>
          %add3A_433 = arith.addi %mul3A_3, %add3A_432 : vector<16xi32>
          tpu.vector_store_idx %arg8[%add3A_433], %get3A_429 : memref<16896xf32, #tpu.memory_space<vmem>>[vector<16xi32>], vector<16xf32>,
          %get3A_434 = arith.constant 3 : i32
          %get3A_435 = arith.constant 1 : i32
          %get3A_436 = arith.index_cast %get3A_434 : i32 to index
          %get3A_437 = arith.index_cast %get3A_435 : i32 to index
          %get3A_438 = arith.index_cast %mul3A_184 : i32 to index
          %get3A_439 = tpu.vector_load %arg5[%get3A_436, %get3A_437, %get3A_438] {strides = array<i32>} : memref<4x8x512xf32, #tpu.memory_space<vmem>>, vector<16xf32>,
          %add3A_440 = arith.constant 25 : i32
          %add3A_441 = arith.addi %mul3A_182, %add3A_440 : i32
          %add3A_442 = vector.broadcast %add3A_441 : i32 to vector<16xi32>
          %add3A_443 = arith.addi %mul3A_3, %add3A_442 : vector<16xi32>
          tpu.vector_store_idx %arg8[%add3A_443], %get3A_439 : memref<16896xf32, #tpu.memory_space<vmem>>[vector<16xi32>], vector<16xf32>,
          %get3A_444 = arith.constant 3 : i32
          %get3A_445 = arith.constant 2 : i32
          %get3A_446 = arith.index_cast %get3A_444 : i32 to index
          %get3A_447 = arith.index_cast %get3A_445 : i32 to index
          %get3A_448 = arith.index_cast %mul3A_184 : i32 to index
          %get3A_449 = tpu.vector_load %arg5[%get3A_446, %get3A_447, %get3A_448] {strides = array<i32>} : memref<4x8x512xf32, #tpu.memory_space<vmem>>, vector<16xf32>,
          %add3A_450 = arith.constant 26 : i32
          %add3A_451 = arith.addi %mul3A_182, %add3A_450 : i32
          %add3A_452 = vector.broadcast %add3A_451 : i32 to vector<16xi32>
          %add3A_453 = arith.addi %mul3A_3, %add3A_452 : vector<16xi32>
          tpu.vector_store_idx %arg8[%add3A_453], %get3A_449 : memref<16896xf32, #tpu.memory_space<vmem>>[vector<16xi32>], vector<16xf32>,
          %get3A_454 = arith.constant 3 : i32
          %get3A_455 = arith.constant 3 : i32
          %get3A_456 = arith.index_cast %get3A_454 : i32 to index
          %get3A_457 = arith.index_cast %get3A_455 : i32 to index
          %get3A_458 = arith.index_cast %mul3A_184 : i32 to index
          %get3A_459 = tpu.vector_load %arg5[%get3A_456, %get3A_457, %get3A_458] {strides = array<i32>} : memref<4x8x512xf32, #tpu.memory_space<vmem>>, vector<16xf32>,
          %add3A_460 = arith.constant 27 : i32
          %add3A_461 = arith.addi %mul3A_182, %add3A_460 : i32
          %add3A_462 = vector.broadcast %add3A_461 : i32 to vector<16xi32>
          %add3A_463 = arith.addi %mul3A_3, %add3A_462 : vector<16xi32>
          tpu.vector_store_idx %arg8[%add3A_463], %get3A_459 : memref<16896xf32, #tpu.memory_space<vmem>>[vector<16xi32>], vector<16xf32>,
          %get3A_464 = arith.constant 3 : i32
          %get3A_465 = arith.constant 4 : i32
          %get3A_466 = arith.index_cast %get3A_464 : i32 to index
          %get3A_467 = arith.index_cast %get3A_465 : i32 to index
          %get3A_468 = arith.index_cast %mul3A_184 : i32 to index
          %get3A_469 = tpu.vector_load %arg5[%get3A_466, %get3A_467, %get3A_468] {strides = array<i32>} : memref<4x8x512xf32, #tpu.memory_space<vmem>>, vector<16xf32>,
          %add3A_470 = arith.constant 28 : i32
          %add3A_471 = arith.addi %mul3A_182, %add3A_470 : i32
          %add3A_472 = vector.broadcast %add3A_471 : i32 to vector<16xi32>
          %add3A_473 = arith.addi %mul3A_3, %add3A_472 : vector<16xi32>
          tpu.vector_store_idx %arg8[%add3A_473], %get3A_469 : memref<16896xf32, #tpu.memory_space<vmem>>[vector<16xi32>], vector<16xf32>,
          %get3A_474 = arith.constant 3 : i32
          %get3A_475 = arith.constant 5 : i32
          %get3A_476 = arith.index_cast %get3A_474 : i32 to index
          %get3A_477 = arith.index_cast %get3A_475 : i32 to index
          %get3A_478 = arith.index_cast %mul3A_184 : i32 to index
          %get3A_479 = tpu.vector_load %arg5[%get3A_476, %get3A_477, %get3A_478] {strides = array<i32>} : memref<4x8x512xf32, #tpu.memory_space<vmem>>, vector<16xf32>,
          %add3A_480 = arith.constant 29 : i32
          %add3A_481 = arith.addi %mul3A_182, %add3A_480 : i32
          %add3A_482 = vector.broadcast %add3A_481 : i32 to vector<16xi32>
          %add3A_483 = arith.addi %mul3A_3, %add3A_482 : vector<16xi32>
          tpu.vector_store_idx %arg8[%add3A_483], %get3A_479 : memref<16896xf32, #tpu.memory_space<vmem>>[vector<16xi32>], vector<16xf32>,
          %get3A_484 = arith.constant 3 : i32
          %get3A_485 = arith.constant 6 : i32
          %get3A_486 = arith.index_cast %get3A_484 : i32 to index
          %get3A_487 = arith.index_cast %get3A_485 : i32 to index
          %get3A_488 = arith.index_cast %mul3A_184 : i32 to index
          %get3A_489 = tpu.vector_load %arg5[%get3A_486, %get3A_487, %get3A_488] {strides = array<i32>} : memref<4x8x512xf32, #tpu.memory_space<vmem>>, vector<16xf32>,
          %add3A_490 = arith.constant 30 : i32
          %add3A_491 = arith.addi %mul3A_182, %add3A_490 : i32
          %add3A_492 = vector.broadcast %add3A_491 : i32 to vector<16xi32>
          %add3A_493 = arith.addi %mul3A_3, %add3A_492 : vector<16xi32>
          tpu.vector_store_idx %arg8[%add3A_493], %get3A_489 : memref<16896xf32, #tpu.memory_space<vmem>>[vector<16xi32>], vector<16xf32>,
          %get3A_494 = arith.constant 3 : i32
          %get3A_495 = arith.constant 7 : i32
          %get3A_496 = arith.index_cast %get3A_494 : i32 to index
          %get3A_497 = arith.index_cast %get3A_495 : i32 to index
          %get3A_498 = arith.index_cast %mul3A_184 : i32 to index
          %get3A_499 = tpu.vector_load %arg5[%get3A_496, %get3A_497, %get3A_498] {strides = array<i32>} : memref<4x8x512xf32, #tpu.memory_space<vmem>>, vector<16xf32>,
          %add3A_500 = arith.constant 31 : i32
          %add3A_501 = arith.addi %mul3A_182, %add3A_500 : i32
          %add3A_502 = vector.broadcast %add3A_501 : i32 to vector<16xi32>
          %add3A_503 = arith.addi %mul3A_3, %add3A_502 : vector<16xi32>
          tpu.vector_store_idx %arg8[%add3A_503], %get3A_499 : memref<16896xf32, #tpu.memory_space<vmem>>[vector<16xi32>], vector<16xf32>,
        }
        %scan3A_167 = arith.constant 32 : i32
        %scan3A_168 = arith.constant 0 : i32
        %scan3A_169 = arith.constant 0 : i32
        %scan3A_170 = arith.constant 32 : i32
        %scan3A_171 = arith.addi %scan3A_169, %scan3A_170 : i32
        %scan3A_172 = arith.constant 1 : i32
        scf.for %scan3A_180 = %scan3A_169 to %scan3A_171 step %scan3A_172  : i32 {
          %mul3A_181 = arith.constant 16 : i32
          %mul3A_182 = arith.muli %scan3A_180, %mul3A_181 : i32
          %add3A_183 = arith.constant 0 : i32
          %add3A_184 = arith.addi %mul3A_182, %add3A_183 : i32
          %mul3A_185 = arith.constant 33 : i32
          %mul3A_186 = arith.muli %add3A_184, %mul3A_185 : i32
          %get3A = arith.index_cast %mul3A_186 : i32 to index
          %get3A_187 = tpu.vector_load %arg8[%get3A] {strides = array<i32>} : memref<16896xf32, #tpu.memory_space<vmem>>, vector<16xf32>,
          %mul3A_188 = arith.constant 32 : i32
          %mul3A_189 = arith.muli %add3A_184, %mul3A_188 : i32
          %swap3A = arith.index_cast %mul3A_189 : i32 to index
          %swap3A_190 = tpu.vector_load %arg9[%swap3A] {strides = array<i32>} : memref<16384xf32, #tpu.memory_space<vmem>>, vector<16xf32>,
          tpu.vector_store %arg9[%swap3A], %get3A_187 {strides = array<i32>} : memref<16384xf32, #tpu.memory_space<vmem>>, vector<16xf32>,
          %mul3A_191 = arith.constant 33 : i32
          %mul3A_192 = arith.muli %add3A_184, %mul3A_191 : i32
          %add3A_193 = arith.constant 16 : i32
          %add3A_194 = arith.addi %mul3A_192, %add3A_193 : i32
          %get3A_195 = arith.index_cast %add3A_194 : i32 to index
          %get3A_196 = tpu.vector_load %arg8[%get3A_195] {strides = array<i32>} : memref<16896xf32, #tpu.memory_space<vmem>>, vector<16xf32>,
          %mul3A_197 = arith.constant 32 : i32
          %mul3A_198 = arith.muli %add3A_184, %mul3A_197 : i32
          %add3A_199 = arith.constant 16 : i32
          %add3A_200 = arith.addi %mul3A_198, %add3A_199 : i32
          %swap3A_201 = arith.index_cast %add3A_200 : i32 to index
          %swap3A_202 = tpu.vector_load %arg9[%swap3A_201] {strides = array<i32>} : memref<16384xf32, #tpu.memory_space<vmem>>, vector<16xf32>,
          tpu.vector_store %arg9[%swap3A_201], %get3A_196 {strides = array<i32>} : memref<16384xf32, #tpu.memory_space<vmem>>, vector<16xf32>,
          %mul3A_203 = arith.constant 16 : i32
          %mul3A_204 = arith.muli %scan3A_180, %mul3A_203 : i32
          %add3A_205 = arith.constant 1 : i32
          %add3A_206 = arith.addi %mul3A_204, %add3A_205 : i32
          %mul3A_207 = arith.constant 33 : i32
          %mul3A_208 = arith.muli %add3A_206, %mul3A_207 : i32
          %get3A_209 = arith.index_cast %mul3A_208 : i32 to index
          %get3A_210 = tpu.vector_load %arg8[%get3A_209] {strides = array<i32>} : memref<16896xf32, #tpu.memory_space<vmem>>, vector<16xf32>,
          %mul3A_211 = arith.constant 32 : i32
          %mul3A_212 = arith.muli %add3A_206, %mul3A_211 : i32
          %swap3A_213 = arith.index_cast %mul3A_212 : i32 to index
          %swap3A_214 = tpu.vector_load %arg9[%swap3A_213] {strides = array<i32>} : memref<16384xf32, #tpu.memory_space<vmem>>, vector<16xf32>,
          tpu.vector_store %arg9[%swap3A_213], %get3A_210 {strides = array<i32>} : memref<16384xf32, #tpu.memory_space<vmem>>, vector<16xf32>,
          %mul3A_215 = arith.constant 33 : i32
          %mul3A_216 = arith.muli %add3A_206, %mul3A_215 : i32
          %add3A_217 = arith.constant 16 : i32
          %add3A_218 = arith.addi %mul3A_216, %add3A_217 : i32
          %get3A_219 = arith.index_cast %add3A_218 : i32 to index
          %get3A_220 = tpu.vector_load %arg8[%get3A_219] {strides = array<i32>} : memref<16896xf32, #tpu.memory_space<vmem>>, vector<16xf32>,
          %mul3A_221 = arith.constant 32 : i32
          %mul3A_222 = arith.muli %add3A_206, %mul3A_221 : i32
          %add3A_223 = arith.constant 16 : i32
          %add3A_224 = arith.addi %mul3A_222, %add3A_223 : i32
          %swap3A_225 = arith.index_cast %add3A_224 : i32 to index
          %swap3A_226 = tpu.vector_load %arg9[%swap3A_225] {strides = array<i32>} : memref<16384xf32, #tpu.memory_space<vmem>>, vector<16xf32>,
          tpu.vector_store %arg9[%swap3A_225], %get3A_220 {strides = array<i32>} : memref<16384xf32, #tpu.memory_space<vmem>>, vector<16xf32>,
          %mul3A_227 = arith.constant 16 : i32
          %mul3A_228 = arith.muli %scan3A_180, %mul3A_227 : i32
          %add3A_229 = arith.constant 2 : i32
          %add3A_230 = arith.addi %mul3A_228, %add3A_229 : i32
          %mul3A_231 = arith.constant 33 : i32
          %mul3A_232 = arith.muli %add3A_230, %mul3A_231 : i32
          %get3A_233 = arith.index_cast %mul3A_232 : i32 to index
          %get3A_234 = tpu.vector_load %arg8[%get3A_233] {strides = array<i32>} : memref<16896xf32, #tpu.memory_space<vmem>>, vector<16xf32>,
          %mul3A_235 = arith.constant 32 : i32
          %mul3A_236 = arith.muli %add3A_230, %mul3A_235 : i32
          %swap3A_237 = arith.index_cast %mul3A_236 : i32 to index
          %swap3A_238 = tpu.vector_load %arg9[%swap3A_237] {strides = array<i32>} : memref<16384xf32, #tpu.memory_space<vmem>>, vector<16xf32>,
          tpu.vector_store %arg9[%swap3A_237], %get3A_234 {strides = array<i32>} : memref<16384xf32, #tpu.memory_space<vmem>>, vector<16xf32>,
          %mul3A_239 = arith.constant 33 : i32
          %mul3A_240 = arith.muli %add3A_230, %mul3A_239 : i32
          %add3A_241 = arith.constant 16 : i32
          %add3A_242 = arith.addi %mul3A_240, %add3A_241 : i32
          %get3A_243 = arith.index_cast %add3A_242 : i32 to index
          %get3A_244 = tpu.vector_load %arg8[%get3A_243] {strides = array<i32>} : memref<16896xf32, #tpu.memory_space<vmem>>, vector<16xf32>,
          %mul3A_245 = arith.constant 32 : i32
          %mul3A_246 = arith.muli %add3A_230, %mul3A_245 : i32
          %add3A_247 = arith.constant 16 : i32
          %add3A_248 = arith.addi %mul3A_246, %add3A_247 : i32
          %swap3A_249 = arith.index_cast %add3A_248 : i32 to index
          %swap3A_250 = tpu.vector_load %arg9[%swap3A_249] {strides = array<i32>} : memref<16384xf32, #tpu.memory_space<vmem>>, vector<16xf32>,
          tpu.vector_store %arg9[%swap3A_249], %get3A_244 {strides = array<i32>} : memref<16384xf32, #tpu.memory_space<vmem>>, vector<16xf32>,
          %mul3A_251 = arith.constant 16 : i32
          %mul3A_252 = arith.muli %scan3A_180, %mul3A_251 : i32
          %add3A_253 = arith.constant 3 : i32
          %add3A_254 = arith.addi %mul3A_252, %add3A_253 : i32
          %mul3A_255 = arith.constant 33 : i32
          %mul3A_256 = arith.muli %add3A_254, %mul3A_255 : i32
          %get3A_257 = arith.index_cast %mul3A_256 : i32 to index
          %get3A_258 = tpu.vector_load %arg8[%get3A_257] {strides = array<i32>} : memref<16896xf32, #tpu.memory_space<vmem>>, vector<16xf32>,
          %mul3A_259 = arith.constant 32 : i32
          %mul3A_260 = arith.muli %add3A_254, %mul3A_259 : i32
          %swap3A_261 = arith.index_cast %mul3A_260 : i32 to index
          %swap3A_262 = tpu.vector_load %arg9[%swap3A_261] {strides = array<i32>} : memref<16384xf32, #tpu.memory_space<vmem>>, vector<16xf32>,
          tpu.vector_store %arg9[%swap3A_261], %get3A_258 {strides = array<i32>} : memref<16384xf32, #tpu.memory_space<vmem>>, vector<16xf32>,
          %mul3A_263 = arith.constant 33 : i32
          %mul3A_264 = arith.muli %add3A_254, %mul3A_263 : i32
          %add3A_265 = arith.constant 16 : i32
          %add3A_266 = arith.addi %mul3A_264, %add3A_265 : i32
          %get3A_267 = arith.index_cast %add3A_266 : i32 to index
          %get3A_268 = tpu.vector_load %arg8[%get3A_267] {strides = array<i32>} : memref<16896xf32, #tpu.memory_space<vmem>>, vector<16xf32>,
          %mul3A_269 = arith.constant 32 : i32
          %mul3A_270 = arith.muli %add3A_254, %mul3A_269 : i32
          %add3A_271 = arith.constant 16 : i32
          %add3A_272 = arith.addi %mul3A_270, %add3A_271 : i32
          %swap3A_273 = arith.index_cast %add3A_272 : i32 to index
          %swap3A_274 = tpu.vector_load %arg9[%swap3A_273] {strides = array<i32>} : memref<16384xf32, #tpu.memory_space<vmem>>, vector<16xf32>,
          tpu.vector_store %arg9[%swap3A_273], %get3A_268 {strides = array<i32>} : memref<16384xf32, #tpu.memory_space<vmem>>, vector<16xf32>,
          %mul3A_275 = arith.constant 16 : i32
          %mul3A_276 = arith.muli %scan3A_180, %mul3A_275 : i32
          %add3A_277 = arith.constant 4 : i32
          %add3A_278 = arith.addi %mul3A_276, %add3A_277 : i32
          %mul3A_279 = arith.constant 33 : i32
          %mul3A_280 = arith.muli %add3A_278, %mul3A_279 : i32
          %get3A_281 = arith.index_cast %mul3A_280 : i32 to index
          %get3A_282 = tpu.vector_load %arg8[%get3A_281] {strides = array<i32>} : memref<16896xf32, #tpu.memory_space<vmem>>, vector<16xf32>,
          %mul3A_283 = arith.constant 32 : i32
          %mul3A_284 = arith.muli %add3A_278, %mul3A_283 : i32
          %swap3A_285 = arith.index_cast %mul3A_284 : i32 to index
          %swap3A_286 = tpu.vector_load %arg9[%swap3A_285] {strides = array<i32>} : memref<16384xf32, #tpu.memory_space<vmem>>, vector<16xf32>,
          tpu.vector_store %arg9[%swap3A_285], %get3A_282 {strides = array<i32>} : memref<16384xf32, #tpu.memory_space<vmem>>, vector<16xf32>,
          %mul3A_287 = arith.constant 33 : i32
          %mul3A_288 = arith.muli %add3A_278, %mul3A_287 : i32
          %add3A_289 = arith.constant 16 : i32
          %add3A_290 = arith.addi %mul3A_288, %add3A_289 : i32
          %get3A_291 = arith.index_cast %add3A_290 : i32 to index
          %get3A_292 = tpu.vector_load %arg8[%get3A_291] {strides = array<i32>} : memref<16896xf32, #tpu.memory_space<vmem>>, vector<16xf32>,
          %mul3A_293 = arith.constant 32 : i32
          %mul3A_294 = arith.muli %add3A_278, %mul3A_293 : i32
          %add3A_295 = arith.constant 16 : i32
          %add3A_296 = arith.addi %mul3A_294, %add3A_295 : i32
          %swap3A_297 = arith.index_cast %add3A_296 : i32 to index
          %swap3A_298 = tpu.vector_load %arg9[%swap3A_297] {strides = array<i32>} : memref<16384xf32, #tpu.memory_space<vmem>>, vector<16xf32>,
          tpu.vector_store %arg9[%swap3A_297], %get3A_292 {strides = array<i32>} : memref<16384xf32, #tpu.memory_space<vmem>>, vector<16xf32>,
          %mul3A_299 = arith.constant 16 : i32
          %mul3A_300 = arith.muli %scan3A_180, %mul3A_299 : i32
          %add3A_301 = arith.constant 5 : i32
          %add3A_302 = arith.addi %mul3A_300, %add3A_301 : i32
          %mul3A_303 = arith.constant 33 : i32
          %mul3A_304 = arith.muli %add3A_302, %mul3A_303 : i32
          %get3A_305 = arith.index_cast %mul3A_304 : i32 to index
          %get3A_306 = tpu.vector_load %arg8[%get3A_305] {strides = array<i32>} : memref<16896xf32, #tpu.memory_space<vmem>>, vector<16xf32>,
          %mul3A_307 = arith.constant 32 : i32
          %mul3A_308 = arith.muli %add3A_302, %mul3A_307 : i32
          %swap3A_309 = arith.index_cast %mul3A_308 : i32 to index
          %swap3A_310 = tpu.vector_load %arg9[%swap3A_309] {strides = array<i32>} : memref<16384xf32, #tpu.memory_space<vmem>>, vector<16xf32>,
          tpu.vector_store %arg9[%swap3A_309], %get3A_306 {strides = array<i32>} : memref<16384xf32, #tpu.memory_space<vmem>>, vector<16xf32>,
          %mul3A_311 = arith.constant 33 : i32
          %mul3A_312 = arith.muli %add3A_302, %mul3A_311 : i32
          %add3A_313 = arith.constant 16 : i32
          %add3A_314 = arith.addi %mul3A_312, %add3A_313 : i32
          %get3A_315 = arith.index_cast %add3A_314 : i32 to index
          %get3A_316 = tpu.vector_load %arg8[%get3A_315] {strides = array<i32>} : memref<16896xf32, #tpu.memory_space<vmem>>, vector<16xf32>,
          %mul3A_317 = arith.constant 32 : i32
          %mul3A_318 = arith.muli %add3A_302, %mul3A_317 : i32
          %add3A_319 = arith.constant 16 : i32
          %add3A_320 = arith.addi %mul3A_318, %add3A_319 : i32
          %swap3A_321 = arith.index_cast %add3A_320 : i32 to index
          %swap3A_322 = tpu.vector_load %arg9[%swap3A_321] {strides = array<i32>} : memref<16384xf32, #tpu.memory_space<vmem>>, vector<16xf32>,
          tpu.vector_store %arg9[%swap3A_321], %get3A_316 {strides = array<i32>} : memref<16384xf32, #tpu.memory_space<vmem>>, vector<16xf32>,
          %mul3A_323 = arith.constant 16 : i32
          %mul3A_324 = arith.muli %scan3A_180, %mul3A_323 : i32
          %add3A_325 = arith.constant 6 : i32
          %add3A_326 = arith.addi %mul3A_324, %add3A_325 : i32
          %mul3A_327 = arith.constant 33 : i32
          %mul3A_328 = arith.muli %add3A_326, %mul3A_327 : i32
          %get3A_329 = arith.index_cast %mul3A_328 : i32 to index
          %get3A_330 = tpu.vector_load %arg8[%get3A_329] {strides = array<i32>} : memref<16896xf32, #tpu.memory_space<vmem>>, vector<16xf32>,
          %mul3A_331 = arith.constant 32 : i32
          %mul3A_332 = arith.muli %add3A_326, %mul3A_331 : i32
          %swap3A_333 = arith.index_cast %mul3A_332 : i32 to index
          %swap3A_334 = tpu.vector_load %arg9[%swap3A_333] {strides = array<i32>} : memref<16384xf32, #tpu.memory_space<vmem>>, vector<16xf32>,
          tpu.vector_store %arg9[%swap3A_333], %get3A_330 {strides = array<i32>} : memref<16384xf32, #tpu.memory_space<vmem>>, vector<16xf32>,
          %mul3A_335 = arith.constant 33 : i32
          %mul3A_336 = arith.muli %add3A_326, %mul3A_335 : i32
          %add3A_337 = arith.constant 16 : i32
          %add3A_338 = arith.addi %mul3A_336, %add3A_337 : i32
          %get3A_339 = arith.index_cast %add3A_338 : i32 to index
          %get3A_340 = tpu.vector_load %arg8[%get3A_339] {strides = array<i32>} : memref<16896xf32, #tpu.memory_space<vmem>>, vector<16xf32>,
          %mul3A_341 = arith.constant 32 : i32
          %mul3A_342 = arith.muli %add3A_326, %mul3A_341 : i32
          %add3A_343 = arith.constant 16 : i32
          %add3A_344 = arith.addi %mul3A_342, %add3A_343 : i32
          %swap3A_345 = arith.index_cast %add3A_344 : i32 to index
          %swap3A_346 = tpu.vector_load %arg9[%swap3A_345] {strides = array<i32>} : memref<16384xf32, #tpu.memory_space<vmem>>, vector<16xf32>,
          tpu.vector_store %arg9[%swap3A_345], %get3A_340 {strides = array<i32>} : memref<16384xf32, #tpu.memory_space<vmem>>, vector<16xf32>,
          %mul3A_347 = arith.constant 16 : i32
          %mul3A_348 = arith.muli %scan3A_180, %mul3A_347 : i32
          %add3A_349 = arith.constant 7 : i32
          %add3A_350 = arith.addi %mul3A_348, %add3A_349 : i32
          %mul3A_351 = arith.constant 33 : i32
          %mul3A_352 = arith.muli %add3A_350, %mul3A_351 : i32
          %get3A_353 = arith.index_cast %mul3A_352 : i32 to index
          %get3A_354 = tpu.vector_load %arg8[%get3A_353] {strides = array<i32>} : memref<16896xf32, #tpu.memory_space<vmem>>, vector<16xf32>,
          %mul3A_355 = arith.constant 32 : i32
          %mul3A_356 = arith.muli %add3A_350, %mul3A_355 : i32
          %swap3A_357 = arith.index_cast %mul3A_356 : i32 to index
          %swap3A_358 = tpu.vector_load %arg9[%swap3A_357] {strides = array<i32>} : memref<16384xf32, #tpu.memory_space<vmem>>, vector<16xf32>,
          tpu.vector_store %arg9[%swap3A_357], %get3A_354 {strides = array<i32>} : memref<16384xf32, #tpu.memory_space<vmem>>, vector<16xf32>,
          %mul3A_359 = arith.constant 33 : i32
          %mul3A_360 = arith.muli %add3A_350, %mul3A_359 : i32
          %add3A_361 = arith.constant 16 : i32
          %add3A_362 = arith.addi %mul3A_360, %add3A_361 : i32
          %get3A_363 = arith.index_cast %add3A_362 : i32 to index
          %get3A_364 = tpu.vector_load %arg8[%get3A_363] {strides = array<i32>} : memref<16896xf32, #tpu.memory_space<vmem>>, vector<16xf32>,
          %mul3A_365 = arith.constant 32 : i32
          %mul3A_366 = arith.muli %add3A_350, %mul3A_365 : i32
          %add3A_367 = arith.constant 16 : i32
          %add3A_368 = arith.addi %mul3A_366, %add3A_367 : i32
          %swap3A_369 = arith.index_cast %add3A_368 : i32 to index
          %swap3A_370 = tpu.vector_load %arg9[%swap3A_369] {strides = array<i32>} : memref<16384xf32, #tpu.memory_space<vmem>>, vector<16xf32>,
          tpu.vector_store %arg9[%swap3A_369], %get3A_364 {strides = array<i32>} : memref<16384xf32, #tpu.memory_space<vmem>>, vector<16xf32>,
          %mul3A_371 = arith.constant 16 : i32
          %mul3A_372 = arith.muli %scan3A_180, %mul3A_371 : i32
          %add3A_373 = arith.constant 8 : i32
          %add3A_374 = arith.addi %mul3A_372, %add3A_373 : i32
          %mul3A_375 = arith.constant 33 : i32
          %mul3A_376 = arith.muli %add3A_374, %mul3A_375 : i32
          %get3A_377 = arith.index_cast %mul3A_376 : i32 to index
          %get3A_378 = tpu.vector_load %arg8[%get3A_377] {strides = array<i32>} : memref<16896xf32, #tpu.memory_space<vmem>>, vector<16xf32>,
          %mul3A_379 = arith.constant 32 : i32
          %mul3A_380 = arith.muli %add3A_374, %mul3A_379 : i32
          %swap3A_381 = arith.index_cast %mul3A_380 : i32 to index
          %swap3A_382 = tpu.vector_load %arg9[%swap3A_381] {strides = array<i32>} : memref<16384xf32, #tpu.memory_space<vmem>>, vector<16xf32>,
          tpu.vector_store %arg9[%swap3A_381], %get3A_378 {strides = array<i32>} : memref<16384xf32, #tpu.memory_space<vmem>>, vector<16xf32>,
          %mul3A_383 = arith.constant 33 : i32
          %mul3A_384 = arith.muli %add3A_374, %mul3A_383 : i32
          %add3A_385 = arith.constant 16 : i32
          %add3A_386 = arith.addi %mul3A_384, %add3A_385 : i32
          %get3A_387 = arith.index_cast %add3A_386 : i32 to index
          %get3A_388 = tpu.vector_load %arg8[%get3A_387] {strides = array<i32>} : memref<16896xf32, #tpu.memory_space<vmem>>, vector<16xf32>,
          %mul3A_389 = arith.constant 32 : i32
          %mul3A_390 = arith.muli %add3A_374, %mul3A_389 : i32
          %add3A_391 = arith.constant 16 : i32
          %add3A_392 = arith.addi %mul3A_390, %add3A_391 : i32
          %swap3A_393 = arith.index_cast %add3A_392 : i32 to index
          %swap3A_394 = tpu.vector_load %arg9[%swap3A_393] {strides = array<i32>} : memref<16384xf32, #tpu.memory_space<vmem>>, vector<16xf32>,
          tpu.vector_store %arg9[%swap3A_393], %get3A_388 {strides = array<i32>} : memref<16384xf32, #tpu.memory_space<vmem>>, vector<16xf32>,
          %mul3A_395 = arith.constant 16 : i32
          %mul3A_396 = arith.muli %scan3A_180, %mul3A_395 : i32
          %add3A_397 = arith.constant 9 : i32
          %add3A_398 = arith.addi %mul3A_396, %add3A_397 : i32
          %mul3A_399 = arith.constant 33 : i32
          %mul3A_400 = arith.muli %add3A_398, %mul3A_399 : i32
          %get3A_401 = arith.index_cast %mul3A_400 : i32 to index
          %get3A_402 = tpu.vector_load %arg8[%get3A_401] {strides = array<i32>} : memref<16896xf32, #tpu.memory_space<vmem>>, vector<16xf32>,
          %mul3A_403 = arith.constant 32 : i32
          %mul3A_404 = arith.muli %add3A_398, %mul3A_403 : i32
          %swap3A_405 = arith.index_cast %mul3A_404 : i32 to index
          %swap3A_406 = tpu.vector_load %arg9[%swap3A_405] {strides = array<i32>} : memref<16384xf32, #tpu.memory_space<vmem>>, vector<16xf32>,
          tpu.vector_store %arg9[%swap3A_405], %get3A_402 {strides = array<i32>} : memref<16384xf32, #tpu.memory_space<vmem>>, vector<16xf32>,
          %mul3A_407 = arith.constant 33 : i32
          %mul3A_408 = arith.muli %add3A_398, %mul3A_407 : i32
          %add3A_409 = arith.constant 16 : i32
          %add3A_410 = arith.addi %mul3A_408, %add3A_409 : i32
          %get3A_411 = arith.index_cast %add3A_410 : i32 to index
          %get3A_412 = tpu.vector_load %arg8[%get3A_411] {strides = array<i32>} : memref<16896xf32, #tpu.memory_space<vmem>>, vector<16xf32>,
          %mul3A_413 = arith.constant 32 : i32
          %mul3A_414 = arith.muli %add3A_398, %mul3A_413 : i32
          %add3A_415 = arith.constant 16 : i32
          %add3A_416 = arith.addi %mul3A_414, %add3A_415 : i32
          %swap3A_417 = arith.index_cast %add3A_416 : i32 to index
          %swap3A_418 = tpu.vector_load %arg9[%swap3A_417] {strides = array<i32>} : memref<16384xf32, #tpu.memory_space<vmem>>, vector<16xf32>,
          tpu.vector_store %arg9[%swap3A_417], %get3A_412 {strides = array<i32>} : memref<16384xf32, #tpu.memory_space<vmem>>, vector<16xf32>,
          %mul3A_419 = arith.constant 16 : i32
          %mul3A_420 = arith.muli %scan3A_180, %mul3A_419 : i32
          %add3A_421 = arith.constant 10 : i32
          %add3A_422 = arith.addi %mul3A_420, %add3A_421 : i32
          %mul3A_423 = arith.constant 33 : i32
          %mul3A_424 = arith.muli %add3A_422, %mul3A_423 : i32
          %get3A_425 = arith.index_cast %mul3A_424 : i32 to index
          %get3A_426 = tpu.vector_load %arg8[%get3A_425] {strides = array<i32>} : memref<16896xf32, #tpu.memory_space<vmem>>, vector<16xf32>,
          %mul3A_427 = arith.constant 32 : i32
          %mul3A_428 = arith.muli %add3A_422, %mul3A_427 : i32
          %swap3A_429 = arith.index_cast %mul3A_428 : i32 to index
          %swap3A_430 = tpu.vector_load %arg9[%swap3A_429] {strides = array<i32>} : memref<16384xf32, #tpu.memory_space<vmem>>, vector<16xf32>,
          tpu.vector_store %arg9[%swap3A_429], %get3A_426 {strides = array<i32>} : memref<16384xf32, #tpu.memory_space<vmem>>, vector<16xf32>,
          %mul3A_431 = arith.constant 33 : i32
          %mul3A_432 = arith.muli %add3A_422, %mul3A_431 : i32
          %add3A_433 = arith.constant 16 : i32
          %add3A_434 = arith.addi %mul3A_432, %add3A_433 : i32
          %get3A_435 = arith.index_cast %add3A_434 : i32 to index
          %get3A_436 = tpu.vector_load %arg8[%get3A_435] {strides = array<i32>} : memref<16896xf32, #tpu.memory_space<vmem>>, vector<16xf32>,
          %mul3A_437 = arith.constant 32 : i32
          %mul3A_438 = arith.muli %add3A_422, %mul3A_437 : i32
          %add3A_439 = arith.constant 16 : i32
          %add3A_440 = arith.addi %mul3A_438, %add3A_439 : i32
          %swap3A_441 = arith.index_cast %add3A_440 : i32 to index
          %swap3A_442 = tpu.vector_load %arg9[%swap3A_441] {strides = array<i32>} : memref<16384xf32, #tpu.memory_space<vmem>>, vector<16xf32>,
          tpu.vector_store %arg9[%swap3A_441], %get3A_436 {strides = array<i32>} : memref<16384xf32, #tpu.memory_space<vmem>>, vector<16xf32>,
          %mul3A_443 = arith.constant 16 : i32
          %mul3A_444 = arith.muli %scan3A_180, %mul3A_443 : i32
          %add3A_445 = arith.constant 11 : i32
          %add3A_446 = arith.addi %mul3A_444, %add3A_445 : i32
          %mul3A_447 = arith.constant 33 : i32
          %mul3A_448 = arith.muli %add3A_446, %mul3A_447 : i32
          %get3A_449 = arith.index_cast %mul3A_448 : i32 to index
          %get3A_450 = tpu.vector_load %arg8[%get3A_449] {strides = array<i32>} : memref<16896xf32, #tpu.memory_space<vmem>>, vector<16xf32>,
          %mul3A_451 = arith.constant 32 : i32
          %mul3A_452 = arith.muli %add3A_446, %mul3A_451 : i32
          %swap3A_453 = arith.index_cast %mul3A_452 : i32 to index
          %swap3A_454 = tpu.vector_load %arg9[%swap3A_453] {strides = array<i32>} : memref<16384xf32, #tpu.memory_space<vmem>>, vector<16xf32>,
          tpu.vector_store %arg9[%swap3A_453], %get3A_450 {strides = array<i32>} : memref<16384xf32, #tpu.memory_space<vmem>>, vector<16xf32>,
          %mul3A_455 = arith.constant 33 : i32
          %mul3A_456 = arith.muli %add3A_446, %mul3A_455 : i32
          %add3A_457 = arith.constant 16 : i32
          %add3A_458 = arith.addi %mul3A_456, %add3A_457 : i32
          %get3A_459 = arith.index_cast %add3A_458 : i32 to index
          %get3A_460 = tpu.vector_load %arg8[%get3A_459] {strides = array<i32>} : memref<16896xf32, #tpu.memory_space<vmem>>, vector<16xf32>,
          %mul3A_461 = arith.constant 32 : i32
          %mul3A_462 = arith.muli %add3A_446, %mul3A_461 : i32
          %add3A_463 = arith.constant 16 : i32
          %add3A_464 = arith.addi %mul3A_462, %add3A_463 : i32
          %swap3A_465 = arith.index_cast %add3A_464 : i32 to index
          %swap3A_466 = tpu.vector_load %arg9[%swap3A_465] {strides = array<i32>} : memref<16384xf32, #tpu.memory_space<vmem>>, vector<16xf32>,
          tpu.vector_store %arg9[%swap3A_465], %get3A_460 {strides = array<i32>} : memref<16384xf32, #tpu.memory_space<vmem>>, vector<16xf32>,
          %mul3A_467 = arith.constant 16 : i32
          %mul3A_468 = arith.muli %scan3A_180, %mul3A_467 : i32
          %add3A_469 = arith.constant 12 : i32
          %add3A_470 = arith.addi %mul3A_468, %add3A_469 : i32
          %mul3A_471 = arith.constant 33 : i32
          %mul3A_472 = arith.muli %add3A_470, %mul3A_471 : i32
          %get3A_473 = arith.index_cast %mul3A_472 : i32 to index
          %get3A_474 = tpu.vector_load %arg8[%get3A_473] {strides = array<i32>} : memref<16896xf32, #tpu.memory_space<vmem>>, vector<16xf32>,
          %mul3A_475 = arith.constant 32 : i32
          %mul3A_476 = arith.muli %add3A_470, %mul3A_475 : i32
          %swap3A_477 = arith.index_cast %mul3A_476 : i32 to index
          %swap3A_478 = tpu.vector_load %arg9[%swap3A_477] {strides = array<i32>} : memref<16384xf32, #tpu.memory_space<vmem>>, vector<16xf32>,
          tpu.vector_store %arg9[%swap3A_477], %get3A_474 {strides = array<i32>} : memref<16384xf32, #tpu.memory_space<vmem>>, vector<16xf32>,
          %mul3A_479 = arith.constant 33 : i32
          %mul3A_480 = arith.muli %add3A_470, %mul3A_479 : i32
          %add3A_481 = arith.constant 16 : i32
          %add3A_482 = arith.addi %mul3A_480, %add3A_481 : i32
          %get3A_483 = arith.index_cast %add3A_482 : i32 to index
          %get3A_484 = tpu.vector_load %arg8[%get3A_483] {strides = array<i32>} : memref<16896xf32, #tpu.memory_space<vmem>>, vector<16xf32>,
          %mul3A_485 = arith.constant 32 : i32
          %mul3A_486 = arith.muli %add3A_470, %mul3A_485 : i32
          %add3A_487 = arith.constant 16 : i32
          %add3A_488 = arith.addi %mul3A_486, %add3A_487 : i32
          %swap3A_489 = arith.index_cast %add3A_488 : i32 to index
          %swap3A_490 = tpu.vector_load %arg9[%swap3A_489] {strides = array<i32>} : memref<16384xf32, #tpu.memory_space<vmem>>, vector<16xf32>,
          tpu.vector_store %arg9[%swap3A_489], %get3A_484 {strides = array<i32>} : memref<16384xf32, #tpu.memory_space<vmem>>, vector<16xf32>,
          %mul3A_491 = arith.constant 16 : i32
          %mul3A_492 = arith.muli %scan3A_180, %mul3A_491 : i32
          %add3A_493 = arith.constant 13 : i32
          %add3A_494 = arith.addi %mul3A_492, %add3A_493 : i32
          %mul3A_495 = arith.constant 33 : i32
          %mul3A_496 = arith.muli %add3A_494, %mul3A_495 : i32
          %get3A_497 = arith.index_cast %mul3A_496 : i32 to index
          %get3A_498 = tpu.vector_load %arg8[%get3A_497] {strides = array<i32>} : memref<16896xf32, #tpu.memory_space<vmem>>, vector<16xf32>,
          %mul3A_499 = arith.constant 32 : i32
          %mul3A_500 = arith.muli %add3A_494, %mul3A_499 : i32
          %swap3A_501 = arith.index_cast %mul3A_500 : i32 to index
          %swap3A_502 = tpu.vector_load %arg9[%swap3A_501] {strides = array<i32>} : memref<16384xf32, #tpu.memory_space<vmem>>, vector<16xf32>,
          tpu.vector_store %arg9[%swap3A_501], %get3A_498 {strides = array<i32>} : memref<16384xf32, #tpu.memory_space<vmem>>, vector<16xf32>,
          %mul3A_503 = arith.constant 33 : i32
          %mul3A_504 = arith.muli %add3A_494, %mul3A_503 : i32
          %add3A_505 = arith.constant 16 : i32
          %add3A_506 = arith.addi %mul3A_504, %add3A_505 : i32
          %get3A_507 = arith.index_cast %add3A_506 : i32 to index
          %get3A_508 = tpu.vector_load %arg8[%get3A_507] {strides = array<i32>} : memref<16896xf32, #tpu.memory_space<vmem>>, vector<16xf32>,
          %mul3A_509 = arith.constant 32 : i32
          %mul3A_510 = arith.muli %add3A_494, %mul3A_509 : i32
          %add3A_511 = arith.constant 16 : i32
          %add3A_512 = arith.addi %mul3A_510, %add3A_511 : i32
          %swap3A_513 = arith.index_cast %add3A_512 : i32 to index
          %swap3A_514 = tpu.vector_load %arg9[%swap3A_513] {strides = array<i32>} : memref<16384xf32, #tpu.memory_space<vmem>>, vector<16xf32>,
          tpu.vector_store %arg9[%swap3A_513], %get3A_508 {strides = array<i32>} : memref<16384xf32, #tpu.memory_space<vmem>>, vector<16xf32>,
          %mul3A_515 = arith.constant 16 : i32
          %mul3A_516 = arith.muli %scan3A_180, %mul3A_515 : i32
          %add3A_517 = arith.constant 14 : i32
          %add3A_518 = arith.addi %mul3A_516, %add3A_517 : i32
          %mul3A_519 = arith.constant 33 : i32
          %mul3A_520 = arith.muli %add3A_518, %mul3A_519 : i32
          %get3A_521 = arith.index_cast %mul3A_520 : i32 to index
          %get3A_522 = tpu.vector_load %arg8[%get3A_521] {strides = array<i32>} : memref<16896xf32, #tpu.memory_space<vmem>>, vector<16xf32>,
          %mul3A_523 = arith.constant 32 : i32
          %mul3A_524 = arith.muli %add3A_518, %mul3A_523 : i32
          %swap3A_525 = arith.index_cast %mul3A_524 : i32 to index
          %swap3A_526 = tpu.vector_load %arg9[%swap3A_525] {strides = array<i32>} : memref<16384xf32, #tpu.memory_space<vmem>>, vector<16xf32>,
          tpu.vector_store %arg9[%swap3A_525], %get3A_522 {strides = array<i32>} : memref<16384xf32, #tpu.memory_space<vmem>>, vector<16xf32>,
          %mul3A_527 = arith.constant 33 : i32
          %mul3A_528 = arith.muli %add3A_518, %mul3A_527 : i32
          %add3A_529 = arith.constant 16 : i32
          %add3A_530 = arith.addi %mul3A_528, %add3A_529 : i32
          %get3A_531 = arith.index_cast %add3A_530 : i32 to index
          %get3A_532 = tpu.vector_load %arg8[%get3A_531] {strides = array<i32>} : memref<16896xf32, #tpu.memory_space<vmem>>, vector<16xf32>,
          %mul3A_533 = arith.constant 32 : i32
          %mul3A_534 = arith.muli %add3A_518, %mul3A_533 : i32
          %add3A_535 = arith.constant 16 : i32
          %add3A_536 = arith.addi %mul3A_534, %add3A_535 : i32
          %swap3A_537 = arith.index_cast %add3A_536 : i32 to index
          %swap3A_538 = tpu.vector_load %arg9[%swap3A_537] {strides = array<i32>} : memref<16384xf32, #tpu.memory_space<vmem>>, vector<16xf32>,
          tpu.vector_store %arg9[%swap3A_537], %get3A_532 {strides = array<i32>} : memref<16384xf32, #tpu.memory_space<vmem>>, vector<16xf32>,
          %mul3A_539 = arith.constant 16 : i32
          %mul3A_540 = arith.muli %scan3A_180, %mul3A_539 : i32
          %add3A_541 = arith.constant 15 : i32
          %add3A_542 = arith.addi %mul3A_540, %add3A_541 : i32
          %mul3A_543 = arith.constant 33 : i32
          %mul3A_544 = arith.muli %add3A_542, %mul3A_543 : i32
          %get3A_545 = arith.index_cast %mul3A_544 : i32 to index
          %get3A_546 = tpu.vector_load %arg8[%get3A_545] {strides = array<i32>} : memref<16896xf32, #tpu.memory_space<vmem>>, vector<16xf32>,
          %mul3A_547 = arith.constant 32 : i32
          %mul3A_548 = arith.muli %add3A_542, %mul3A_547 : i32
          %swap3A_549 = arith.index_cast %mul3A_548 : i32 to index
          %swap3A_550 = tpu.vector_load %arg9[%swap3A_549] {strides = array<i32>} : memref<16384xf32, #tpu.memory_space<vmem>>, vector<16xf32>,
          tpu.vector_store %arg9[%swap3A_549], %get3A_546 {strides = array<i32>} : memref<16384xf32, #tpu.memory_space<vmem>>, vector<16xf32>,
          %mul3A_551 = arith.constant 33 : i32
          %mul3A_552 = arith.muli %add3A_542, %mul3A_551 : i32
          %add3A_553 = arith.constant 16 : i32
          %add3A_554 = arith.addi %mul3A_552, %add3A_553 : i32
          %get3A_555 = arith.index_cast %add3A_554 : i32 to index
          %get3A_556 = tpu.vector_load %arg8[%get3A_555] {strides = array<i32>} : memref<16896xf32, #tpu.memory_space<vmem>>, vector<16xf32>,
          %mul3A_557 = arith.constant 32 : i32
          %mul3A_558 = arith.muli %add3A_542, %mul3A_557 : i32
          %add3A_559 = arith.constant 16 : i32
          %add3A_560 = arith.addi %mul3A_558, %add3A_559 : i32
          %swap3A_561 = arith.index_cast %add3A_560 : i32 to index
          %swap3A_562 = tpu.vector_load %arg9[%swap3A_561] {strides = array<i32>} : memref<16384xf32, #tpu.memory_space<vmem>>, vector<16xf32>,
          tpu.vector_store %arg9[%swap3A_561], %get3A_556 {strides = array<i32>} : memref<16384xf32, #tpu.memory_space<vmem>>, vector<16xf32>,
        }
        %scan3A_173 = arith.constant 32 : i32
        %mul3A_174 = arith.constant 32 : i32
        %mul3A_175 = arith.muli %mul3A_174, %add3A_39 : i32
        %add3A_176 = arith.addi %add3A, %mul3A_175 : i32
        %mul3A_177 = arith.constant 16384 : i32
        %mul3A_178 = arith.muli %add3A_176, %mul3A_177 : i32
        %dma_start3A = tpu.memref_slice %arg4[%mul3A_178] : memref<32000000xf32, #tpu.memory_space<hbm>> -> memref<16384xf32, #tpu.memory_space<hbm>>
        %dma_start3A_179 = tpu.memref_slice %arg4[%mul3A_178] : memref<32000000xf32, #tpu.memory_space<hbm>> -> memref<16384xf32, #tpu.memory_space<hbm>>
        tpu.enqueue_dma source(%arg9 : memref<16384xf32, #tpu.memory_space<vmem>>) target(%dma_start3A_179 : memref<16384xf32, #tpu.memory_space<hbm>>) target_semaphore(%arg16 : memref<!tpu.dma_semaphore, #tpu.memory_space<semaphore_mem>>)
      } else {
      }
      %add3A_58 = arith.constant 1 : i32
      %add3A_59 = arith.addi %mul3A_37, %add3A_58 : i32
      %add3A_60 = arith.constant 2 : i32
      %add3A_61 = arith.addi %add3A_59, %add3A_60 : i32
      %mul3A_62 = arith.constant 32 : i32
      %mul3A_63 = arith.muli %mul3A_62, %add3A_61 : i32
      %add3A_64 = arith.addi %add3A, %mul3A_63 : i32
      %lt3A_65 = arith.constant 1953 : i32
      %lt3A_66 = arith.cmpi slt, %add3A_64, %lt3A_65 : i32
      %convert_element_type3A_67 = arith.extui %lt3A_66 : i1 to i32
      %cond3A_68 = arith.constant 0 : i32
      %cond3A_69 = arith.cmpi ne, %convert_element_type3A_67, %cond3A_68 : i32
      scf.if %cond3A_69 {
        %mul3A_98 = arith.constant 32 : i32
        %mul3A_99 = arith.muli %mul3A_98, %add3A_61 : i32
        %add3A_100 = arith.addi %add3A, %mul3A_99 : i32
        %mul3A_101 = arith.constant 512 : i32
        %mul3A_102 = arith.muli %add3A_100, %mul3A_101 : i32
        %dma_start3A = arith.constant 0 : i32
        %dma_start3A_103 = arith.constant 0 : i32
        %dma_start3A_104 = arith.constant 0 : i32
        %dma_start3A_105 = tpu.memref_slice %arg5[%dma_start3A, %dma_start3A_103, %dma_start3A_104] : memref<4x8x512xf32, #tpu.memory_space<vmem>> -> memref<1x8x512xf32, #tpu.memory_space<vmem>>
        %dma_start3A_106 = tpu.memref_squeeze %dma_start3A_105 : memref<1x8x512xf32, #tpu.memory_space<vmem>> -> memref<8x512xf32, #tpu.memory_space<vmem>>
        %dma_start3A_107 = arith.constant 0 : i32
        %dma_start3A_108 = tpu.memref_slice %arg2[%dma_start3A_107, %mul3A_102] : memref<32x1000000xf32, #tpu.memory_space<hbm>> -> memref<8x512xf32, #tpu.memory_space<hbm>>
        %dma_start3A_109 = arith.constant 0 : i32
        %dma_start3A_110 = arith.constant 0 : i32
        %dma_start3A_111 = tpu.memref_slice %arg5[%dma_start3A, %dma_start3A_109, %dma_start3A_110] : memref<4x8x512xf32, #tpu.memory_space<vmem>> -> memref<1x8x512xf32, #tpu.memory_space<vmem>>
        %dma_start3A_112 = tpu.memref_squeeze %dma_start3A_111 : memref<1x8x512xf32, #tpu.memory_space<vmem>> -> memref<8x512xf32, #tpu.memory_space<vmem>>
        %dma_start3A_113 = arith.constant 0 : i32
        %dma_start3A_114 = tpu.memref_slice %arg2[%dma_start3A_113, %mul3A_102] : memref<32x1000000xf32, #tpu.memory_space<hbm>> -> memref<8x512xf32, #tpu.memory_space<hbm>>
        tpu.enqueue_dma source(%dma_start3A_114 : memref<8x512xf32, #tpu.memory_space<hbm>>) target(%dma_start3A_112 : memref<8x512xf32, #tpu.memory_space<vmem>>) target_semaphore(%arg13 : memref<!tpu.dma_semaphore, #tpu.memory_space<semaphore_mem>>)
        %dma_start3A_115 = arith.constant 1 : i32
        %dma_start3A_116 = arith.constant 0 : i32
        %dma_start3A_117 = arith.constant 0 : i32
        %dma_start3A_118 = tpu.memref_slice %arg5[%dma_start3A_115, %dma_start3A_116, %dma_start3A_117] : memref<4x8x512xf32, #tpu.memory_space<vmem>> -> memref<1x8x512xf32, #tpu.memory_space<vmem>>
        %dma_start3A_119 = tpu.memref_squeeze %dma_start3A_118 : memref<1x8x512xf32, #tpu.memory_space<vmem>> -> memref<8x512xf32, #tpu.memory_space<vmem>>
        %dma_start3A_120 = arith.constant 8 : i32
        %dma_start3A_121 = tpu.memref_slice %arg2[%dma_start3A_120, %mul3A_102] : memref<32x1000000xf32, #tpu.memory_space<hbm>> -> memref<8x512xf32, #tpu.memory_space<hbm>>
        %dma_start3A_122 = arith.constant 0 : i32
        %dma_start3A_123 = arith.constant 0 : i32
        %dma_start3A_124 = tpu.memref_slice %arg5[%dma_start3A_115, %dma_start3A_122, %dma_start3A_123] : memref<4x8x512xf32, #tpu.memory_space<vmem>> -> memref<1x8x512xf32, #tpu.memory_space<vmem>>
        %dma_start3A_125 = tpu.memref_squeeze %dma_start3A_124 : memref<1x8x512xf32, #tpu.memory_space<vmem>> -> memref<8x512xf32, #tpu.memory_space<vmem>>
        %dma_start3A_126 = arith.constant 8 : i32
        %dma_start3A_127 = tpu.memref_slice %arg2[%dma_start3A_126, %mul3A_102] : memref<32x1000000xf32, #tpu.memory_space<hbm>> -> memref<8x512xf32, #tpu.memory_space<hbm>>
        tpu.enqueue_dma source(%dma_start3A_127 : memref<8x512xf32, #tpu.memory_space<hbm>>) target(%dma_start3A_125 : memref<8x512xf32, #tpu.memory_space<vmem>>) target_semaphore(%arg13 : memref<!tpu.dma_semaphore, #tpu.memory_space<semaphore_mem>>)
        %dma_start3A_128 = arith.constant 2 : i32
        %dma_start3A_129 = arith.constant 0 : i32
        %dma_start3A_130 = arith.constant 0 : i32
        %dma_start3A_131 = tpu.memref_slice %arg5[%dma_start3A_128, %dma_start3A_129, %dma_start3A_130] : memref<4x8x512xf32, #tpu.memory_space<vmem>> -> memref<1x8x512xf32, #tpu.memory_space<vmem>>
        %dma_start3A_132 = tpu.memref_squeeze %dma_start3A_131 : memref<1x8x512xf32, #tpu.memory_space<vmem>> -> memref<8x512xf32, #tpu.memory_space<vmem>>
        %dma_start3A_133 = arith.constant 16 : i32
        %dma_start3A_134 = tpu.memref_slice %arg2[%dma_start3A_133, %mul3A_102] : memref<32x1000000xf32, #tpu.memory_space<hbm>> -> memref<8x512xf32, #tpu.memory_space<hbm>>
        %dma_start3A_135 = arith.constant 0 : i32
        %dma_start3A_136 = arith.constant 0 : i32
        %dma_start3A_137 = tpu.memref_slice %arg5[%dma_start3A_128, %dma_start3A_135, %dma_start3A_136] : memref<4x8x512xf32, #tpu.memory_space<vmem>> -> memref<1x8x512xf32, #tpu.memory_space<vmem>>
        %dma_start3A_138 = tpu.memref_squeeze %dma_start3A_137 : memref<1x8x512xf32, #tpu.memory_space<vmem>> -> memref<8x512xf32, #tpu.memory_space<vmem>>
        %dma_start3A_139 = arith.constant 16 : i32
        %dma_start3A_140 = tpu.memref_slice %arg2[%dma_start3A_139, %mul3A_102] : memref<32x1000000xf32, #tpu.memory_space<hbm>> -> memref<8x512xf32, #tpu.memory_space<hbm>>
        tpu.enqueue_dma source(%dma_start3A_140 : memref<8x512xf32, #tpu.memory_space<hbm>>) target(%dma_start3A_138 : memref<8x512xf32, #tpu.memory_space<vmem>>) target_semaphore(%arg13 : memref<!tpu.dma_semaphore, #tpu.memory_space<semaphore_mem>>)
        %dma_start3A_141 = arith.constant 3 : i32
        %dma_start3A_142 = arith.constant 0 : i32
        %dma_start3A_143 = arith.constant 0 : i32
        %dma_start3A_144 = tpu.memref_slice %arg5[%dma_start3A_141, %dma_start3A_142, %dma_start3A_143] : memref<4x8x512xf32, #tpu.memory_space<vmem>> -> memref<1x8x512xf32, #tpu.memory_space<vmem>>
        %dma_start3A_145 = tpu.memref_squeeze %dma_start3A_144 : memref<1x8x512xf32, #tpu.memory_space<vmem>> -> memref<8x512xf32, #tpu.memory_space<vmem>>
        %dma_start3A_146 = arith.constant 24 : i32
        %dma_start3A_147 = tpu.memref_slice %arg2[%dma_start3A_146, %mul3A_102] : memref<32x1000000xf32, #tpu.memory_space<hbm>> -> memref<8x512xf32, #tpu.memory_space<hbm>>
        %dma_start3A_148 = arith.constant 0 : i32
        %dma_start3A_149 = arith.constant 0 : i32
        %dma_start3A_150 = tpu.memref_slice %arg5[%dma_start3A_141, %dma_start3A_148, %dma_start3A_149] : memref<4x8x512xf32, #tpu.memory_space<vmem>> -> memref<1x8x512xf32, #tpu.memory_space<vmem>>
        %dma_start3A_151 = tpu.memref_squeeze %dma_start3A_150 : memref<1x8x512xf32, #tpu.memory_space<vmem>> -> memref<8x512xf32, #tpu.memory_space<vmem>>
        %dma_start3A_152 = arith.constant 24 : i32
        %dma_start3A_153 = tpu.memref_slice %arg2[%dma_start3A_152, %mul3A_102] : memref<32x1000000xf32, #tpu.memory_space<hbm>> -> memref<8x512xf32, #tpu.memory_space<hbm>>
        tpu.enqueue_dma source(%dma_start3A_153 : memref<8x512xf32, #tpu.memory_space<hbm>>) target(%dma_start3A_151 : memref<8x512xf32, #tpu.memory_space<vmem>>) target_semaphore(%arg13 : memref<!tpu.dma_semaphore, #tpu.memory_space<semaphore_mem>>)
      } else {
      }
      %mul3A_70 = arith.constant 32 : i32
      %mul3A_71 = arith.muli %mul3A_70, %add3A_59 : i32
      %add3A_72 = arith.addi %add3A, %mul3A_71 : i32
      %lt3A_73 = arith.constant 1953 : i32
      %lt3A_74 = arith.cmpi slt, %add3A_72, %lt3A_73 : i32
      %convert_element_type3A_75 = arith.extui %lt3A_74 : i1 to i32
      %cond3A_76 = arith.constant 0 : i32
      %cond3A_77 = arith.cmpi ne, %convert_element_type3A_75, %cond3A_76 : i32
      scf.if %cond3A_77 {
        %dma_wait3A_98 = arith.constant 0 : i32
        %dma_wait3A_99 = arith.constant 0 : i32
        %dma_wait3A_100 = arith.constant 0 : i32
        %dma_wait3A_101 = tpu.memref_slice %arg6[%dma_wait3A_98, %dma_wait3A_99, %dma_wait3A_100] : memref<4x8x512xf32, #tpu.memory_space<vmem>> -> memref<1x8x512xf32, #tpu.memory_space<vmem>>
        %dma_wait3A_102 = tpu.memref_squeeze %dma_wait3A_101 : memref<1x8x512xf32, #tpu.memory_space<vmem>> -> memref<8x512xf32, #tpu.memory_space<vmem>>
        %dma_wait3A_103 = arith.constant 0 : i32
        %dma_wait3A_104 = arith.constant 0 : i32
        %dma_wait3A_105 = tpu.memref_slice %arg2[%dma_wait3A_103, %dma_wait3A_104] : memref<32x1000000xf32, #tpu.memory_space<hbm>> -> memref<8x512xf32, #tpu.memory_space<hbm>>
        %dma_wait3A_106 = arith.constant 0 : i32
        %dma_wait3A_107 = arith.constant 0 : i32
        %dma_wait3A_108 = tpu.memref_slice %arg6[%dma_wait3A_98, %dma_wait3A_106, %dma_wait3A_107] : memref<4x8x512xf32, #tpu.memory_space<vmem>> -> memref<1x8x512xf32, #tpu.memory_space<vmem>>
        %dma_wait3A_109 = tpu.memref_squeeze %dma_wait3A_108 : memref<1x8x512xf32, #tpu.memory_space<vmem>> -> memref<8x512xf32, #tpu.memory_space<vmem>>
        %dma_wait3A_110 = arith.constant 0 : i32
        %dma_wait3A_111 = arith.constant 0 : i32
        %dma_wait3A_112 = tpu.memref_slice %arg2[%dma_wait3A_110, %dma_wait3A_111] : memref<32x1000000xf32, #tpu.memory_space<hbm>> -> memref<8x512xf32, #tpu.memory_space<hbm>>
        tpu.wait_dma2 semaphore(%arg14 : memref<!tpu.dma_semaphore, #tpu.memory_space<semaphore_mem>>) src(%dma_wait3A_112 : memref<8x512xf32, #tpu.memory_space<hbm>>) dst(%dma_wait3A_109 : memref<8x512xf32, #tpu.memory_space<vmem>>)
        %dma_wait3A_113 = arith.constant 1 : i32
        %dma_wait3A_114 = arith.constant 0 : i32
        %dma_wait3A_115 = arith.constant 0 : i32
        %dma_wait3A_116 = tpu.memref_slice %arg6[%dma_wait3A_113, %dma_wait3A_114, %dma_wait3A_115] : memref<4x8x512xf32, #tpu.memory_space<vmem>> -> memref<1x8x512xf32, #tpu.memory_space<vmem>>
        %dma_wait3A_117 = tpu.memref_squeeze %dma_wait3A_116 : memref<1x8x512xf32, #tpu.memory_space<vmem>> -> memref<8x512xf32, #tpu.memory_space<vmem>>
        %dma_wait3A_118 = arith.constant 0 : i32
        %dma_wait3A_119 = arith.constant 0 : i32
        %dma_wait3A_120 = tpu.memref_slice %arg2[%dma_wait3A_118, %dma_wait3A_119] : memref<32x1000000xf32, #tpu.memory_space<hbm>> -> memref<8x512xf32, #tpu.memory_space<hbm>>
        %dma_wait3A_121 = arith.constant 0 : i32
        %dma_wait3A_122 = arith.constant 0 : i32
        %dma_wait3A_123 = tpu.memref_slice %arg6[%dma_wait3A_113, %dma_wait3A_121, %dma_wait3A_122] : memref<4x8x512xf32, #tpu.memory_space<vmem>> -> memref<1x8x512xf32, #tpu.memory_space<vmem>>
        %dma_wait3A_124 = tpu.memref_squeeze %dma_wait3A_123 : memref<1x8x512xf32, #tpu.memory_space<vmem>> -> memref<8x512xf32, #tpu.memory_space<vmem>>
        %dma_wait3A_125 = arith.constant 0 : i32
        %dma_wait3A_126 = arith.constant 0 : i32
        %dma_wait3A_127 = tpu.memref_slice %arg2[%dma_wait3A_125, %dma_wait3A_126] : memref<32x1000000xf32, #tpu.memory_space<hbm>> -> memref<8x512xf32, #tpu.memory_space<hbm>>
        tpu.wait_dma2 semaphore(%arg14 : memref<!tpu.dma_semaphore, #tpu.memory_space<semaphore_mem>>) src(%dma_wait3A_127 : memref<8x512xf32, #tpu.memory_space<hbm>>) dst(%dma_wait3A_124 : memref<8x512xf32, #tpu.memory_space<vmem>>)
        %dma_wait3A_128 = arith.constant 2 : i32
        %dma_wait3A_129 = arith.constant 0 : i32
        %dma_wait3A_130 = arith.constant 0 : i32
        %dma_wait3A_131 = tpu.memref_slice %arg6[%dma_wait3A_128, %dma_wait3A_129, %dma_wait3A_130] : memref<4x8x512xf32, #tpu.memory_space<vmem>> -> memref<1x8x512xf32, #tpu.memory_space<vmem>>
        %dma_wait3A_132 = tpu.memref_squeeze %dma_wait3A_131 : memref<1x8x512xf32, #tpu.memory_space<vmem>> -> memref<8x512xf32, #tpu.memory_space<vmem>>
        %dma_wait3A_133 = arith.constant 0 : i32
        %dma_wait3A_134 = arith.constant 0 : i32
        %dma_wait3A_135 = tpu.memref_slice %arg2[%dma_wait3A_133, %dma_wait3A_134] : memref<32x1000000xf32, #tpu.memory_space<hbm>> -> memref<8x512xf32, #tpu.memory_space<hbm>>
        %dma_wait3A_136 = arith.constant 0 : i32
        %dma_wait3A_137 = arith.constant 0 : i32
        %dma_wait3A_138 = tpu.memref_slice %arg6[%dma_wait3A_128, %dma_wait3A_136, %dma_wait3A_137] : memref<4x8x512xf32, #tpu.memory_space<vmem>> -> memref<1x8x512xf32, #tpu.memory_space<vmem>>
        %dma_wait3A_139 = tpu.memref_squeeze %dma_wait3A_138 : memref<1x8x512xf32, #tpu.memory_space<vmem>> -> memref<8x512xf32, #tpu.memory_space<vmem>>
        %dma_wait3A_140 = arith.constant 0 : i32
        %dma_wait3A_141 = arith.constant 0 : i32
        %dma_wait3A_142 = tpu.memref_slice %arg2[%dma_wait3A_140, %dma_wait3A_141] : memref<32x1000000xf32, #tpu.memory_space<hbm>> -> memref<8x512xf32, #tpu.memory_space<hbm>>
        tpu.wait_dma2 semaphore(%arg14 : memref<!tpu.dma_semaphore, #tpu.memory_space<semaphore_mem>>) src(%dma_wait3A_142 : memref<8x512xf32, #tpu.memory_space<hbm>>) dst(%dma_wait3A_139 : memref<8x512xf32, #tpu.memory_space<vmem>>)
        %dma_wait3A_143 = arith.constant 3 : i32
        %dma_wait3A_144 = arith.constant 0 : i32
        %dma_wait3A_145 = arith.constant 0 : i32
        %dma_wait3A_146 = tpu.memref_slice %arg6[%dma_wait3A_143, %dma_wait3A_144, %dma_wait3A_145] : memref<4x8x512xf32, #tpu.memory_space<vmem>> -> memref<1x8x512xf32, #tpu.memory_space<vmem>>
        %dma_wait3A_147 = tpu.memref_squeeze %dma_wait3A_146 : memref<1x8x512xf32, #tpu.memory_space<vmem>> -> memref<8x512xf32, #tpu.memory_space<vmem>>
        %dma_wait3A_148 = arith.constant 0 : i32
        %dma_wait3A_149 = arith.constant 0 : i32
        %dma_wait3A_150 = tpu.memref_slice %arg2[%dma_wait3A_148, %dma_wait3A_149] : memref<32x1000000xf32, #tpu.memory_space<hbm>> -> memref<8x512xf32, #tpu.memory_space<hbm>>
        %dma_wait3A_151 = arith.constant 0 : i32
        %dma_wait3A_152 = arith.constant 0 : i32
        %dma_wait3A_153 = tpu.memref_slice %arg6[%dma_wait3A_143, %dma_wait3A_151, %dma_wait3A_152] : memref<4x8x512xf32, #tpu.memory_space<vmem>> -> memref<1x8x512xf32, #tpu.memory_space<vmem>>
        %dma_wait3A_154 = tpu.memref_squeeze %dma_wait3A_153 : memref<1x8x512xf32, #tpu.memory_space<vmem>> -> memref<8x512xf32, #tpu.memory_space<vmem>>
        %dma_wait3A_155 = arith.constant 0 : i32
        %dma_wait3A_156 = arith.constant 0 : i32
        %dma_wait3A_157 = tpu.memref_slice %arg2[%dma_wait3A_155, %dma_wait3A_156] : memref<32x1000000xf32, #tpu.memory_space<hbm>> -> memref<8x512xf32, #tpu.memory_space<hbm>>
        tpu.wait_dma2 semaphore(%arg14 : memref<!tpu.dma_semaphore, #tpu.memory_space<semaphore_mem>>) src(%dma_wait3A_157 : memref<8x512xf32, #tpu.memory_space<hbm>>) dst(%dma_wait3A_154 : memref<8x512xf32, #tpu.memory_space<vmem>>)
        %ge3A = arith.constant 3 : i32
        %ge3A_158 = arith.cmpi sge, %add3A_59, %ge3A : i32
        %convert_element_type3A_159 = arith.extui %ge3A_158 : i1 to i32
        %cond3A_160 = arith.constant 0 : i32
        %cond3A_161 = arith.cmpi ne, %convert_element_type3A_159, %cond3A_160 : i32
        scf.if %cond3A_161 {
          %dma_wait3A_180 = arith.constant 0 : i32
          %dma_wait3A_181 = tpu.memref_slice %arg4[%dma_wait3A_180] : memref<32000000xf32, #tpu.memory_space<hbm>> -> memref<16384xf32, #tpu.memory_space<hbm>>
          %dma_wait3A_182 = arith.constant 0 : i32
          %dma_wait3A_183 = tpu.memref_slice %arg4[%dma_wait3A_182] : memref<32000000xf32, #tpu.memory_space<hbm>> -> memref<16384xf32, #tpu.memory_space<hbm>>
          tpu.wait_dma2 semaphore(%arg17 : memref<!tpu.dma_semaphore, #tpu.memory_space<semaphore_mem>>) src(%dma_wait3A_183 : memref<16384xf32, #tpu.memory_space<hbm>>) dst(%arg10 : memref<16384xf32, #tpu.memory_space<vmem>>)
        } else {
        }
        %scan3A_162 = arith.constant 0 : i32
        %scan3A_163 = arith.constant 0 : i32
        %scan3A_164 = arith.constant 32 : i32
        %scan3A_165 = arith.addi %scan3A_163, %scan3A_164 : i32
        %scan3A_166 = arith.constant 1 : i32
        scf.for %scan3A_180 = %scan3A_163 to %scan3A_165 step %scan3A_166  : i32 {
          %mul3A_181 = arith.constant 528 : i32
          %mul3A_182 = arith.muli %scan3A_180, %mul3A_181 : i32
          %mul3A_183 = arith.constant 16 : i32
          %mul3A_184 = arith.muli %scan3A_180, %mul3A_183 : i32
          %get3A = arith.constant 0 : i32
          %get3A_185 = arith.constant 0 : i32
          %get3A_186 = arith.index_cast %get3A : i32 to index
          %get3A_187 = arith.index_cast %get3A_185 : i32 to index
          %get3A_188 = arith.index_cast %mul3A_184 : i32 to index
          %get3A_189 = tpu.vector_load %arg6[%get3A_186, %get3A_187, %get3A_188] {strides = array<i32>} : memref<4x8x512xf32, #tpu.memory_space<vmem>>, vector<16xf32>,
          %add3A_190 = arith.constant 0 : i32
          %add3A_191 = arith.addi %mul3A_182, %add3A_190 : i32
          %add3A_192 = vector.broadcast %add3A_191 : i32 to vector<16xi32>
          %add3A_193 = arith.addi %mul3A_3, %add3A_192 : vector<16xi32>
          tpu.vector_store_idx %arg8[%add3A_193], %get3A_189 : memref<16896xf32, #tpu.memory_space<vmem>>[vector<16xi32>], vector<16xf32>,
          %get3A_194 = arith.constant 0 : i32
          %get3A_195 = arith.constant 1 : i32
          %get3A_196 = arith.index_cast %get3A_194 : i32 to index
          %get3A_197 = arith.index_cast %get3A_195 : i32 to index
          %get3A_198 = arith.index_cast %mul3A_184 : i32 to index
          %get3A_199 = tpu.vector_load %arg6[%get3A_196, %get3A_197, %get3A_198] {strides = array<i32>} : memref<4x8x512xf32, #tpu.memory_space<vmem>>, vector<16xf32>,
          %add3A_200 = arith.constant 1 : i32
          %add3A_201 = arith.addi %mul3A_182, %add3A_200 : i32
          %add3A_202 = vector.broadcast %add3A_201 : i32 to vector<16xi32>
          %add3A_203 = arith.addi %mul3A_3, %add3A_202 : vector<16xi32>
          tpu.vector_store_idx %arg8[%add3A_203], %get3A_199 : memref<16896xf32, #tpu.memory_space<vmem>>[vector<16xi32>], vector<16xf32>,
          %get3A_204 = arith.constant 0 : i32
          %get3A_205 = arith.constant 2 : i32
          %get3A_206 = arith.index_cast %get3A_204 : i32 to index
          %get3A_207 = arith.index_cast %get3A_205 : i32 to index
          %get3A_208 = arith.index_cast %mul3A_184 : i32 to index
          %get3A_209 = tpu.vector_load %arg6[%get3A_206, %get3A_207, %get3A_208] {strides = array<i32>} : memref<4x8x512xf32, #tpu.memory_space<vmem>>, vector<16xf32>,
          %add3A_210 = arith.constant 2 : i32
          %add3A_211 = arith.addi %mul3A_182, %add3A_210 : i32
          %add3A_212 = vector.broadcast %add3A_211 : i32 to vector<16xi32>
          %add3A_213 = arith.addi %mul3A_3, %add3A_212 : vector<16xi32>
          tpu.vector_store_idx %arg8[%add3A_213], %get3A_209 : memref<16896xf32, #tpu.memory_space<vmem>>[vector<16xi32>], vector<16xf32>,
          %get3A_214 = arith.constant 0 : i32
          %get3A_215 = arith.constant 3 : i32
          %get3A_216 = arith.index_cast %get3A_214 : i32 to index
          %get3A_217 = arith.index_cast %get3A_215 : i32 to index
          %get3A_218 = arith.index_cast %mul3A_184 : i32 to index
          %get3A_219 = tpu.vector_load %arg6[%get3A_216, %get3A_217, %get3A_218] {strides = array<i32>} : memref<4x8x512xf32, #tpu.memory_space<vmem>>, vector<16xf32>,
          %add3A_220 = arith.constant 3 : i32
          %add3A_221 = arith.addi %mul3A_182, %add3A_220 : i32
          %add3A_222 = vector.broadcast %add3A_221 : i32 to vector<16xi32>
          %add3A_223 = arith.addi %mul3A_3, %add3A_222 : vector<16xi32>
          tpu.vector_store_idx %arg8[%add3A_223], %get3A_219 : memref<16896xf32, #tpu.memory_space<vmem>>[vector<16xi32>], vector<16xf32>,
          %get3A_224 = arith.constant 0 : i32
          %get3A_225 = arith.constant 4 : i32
          %get3A_226 = arith.index_cast %get3A_224 : i32 to index
          %get3A_227 = arith.index_cast %get3A_225 : i32 to index
          %get3A_228 = arith.index_cast %mul3A_184 : i32 to index
          %get3A_229 = tpu.vector_load %arg6[%get3A_226, %get3A_227, %get3A_228] {strides = array<i32>} : memref<4x8x512xf32, #tpu.memory_space<vmem>>, vector<16xf32>,
          %add3A_230 = arith.constant 4 : i32
          %add3A_231 = arith.addi %mul3A_182, %add3A_230 : i32
          %add3A_232 = vector.broadcast %add3A_231 : i32 to vector<16xi32>
          %add3A_233 = arith.addi %mul3A_3, %add3A_232 : vector<16xi32>
          tpu.vector_store_idx %arg8[%add3A_233], %get3A_229 : memref<16896xf32, #tpu.memory_space<vmem>>[vector<16xi32>], vector<16xf32>,
          %get3A_234 = arith.constant 0 : i32
          %get3A_235 = arith.constant 5 : i32
          %get3A_236 = arith.index_cast %get3A_234 : i32 to index
          %get3A_237 = arith.index_cast %get3A_235 : i32 to index
          %get3A_238 = arith.index_cast %mul3A_184 : i32 to index
          %get3A_239 = tpu.vector_load %arg6[%get3A_236, %get3A_237, %get3A_238] {strides = array<i32>} : memref<4x8x512xf32, #tpu.memory_space<vmem>>, vector<16xf32>,
          %add3A_240 = arith.constant 5 : i32
          %add3A_241 = arith.addi %mul3A_182, %add3A_240 : i32
          %add3A_242 = vector.broadcast %add3A_241 : i32 to vector<16xi32>
          %add3A_243 = arith.addi %mul3A_3, %add3A_242 : vector<16xi32>
          tpu.vector_store_idx %arg8[%add3A_243], %get3A_239 : memref<16896xf32, #tpu.memory_space<vmem>>[vector<16xi32>], vector<16xf32>,
          %get3A_244 = arith.constant 0 : i32
          %get3A_245 = arith.constant 6 : i32
          %get3A_246 = arith.index_cast %get3A_244 : i32 to index
          %get3A_247 = arith.index_cast %get3A_245 : i32 to index
          %get3A_248 = arith.index_cast %mul3A_184 : i32 to index
          %get3A_249 = tpu.vector_load %arg6[%get3A_246, %get3A_247, %get3A_248] {strides = array<i32>} : memref<4x8x512xf32, #tpu.memory_space<vmem>>, vector<16xf32>,
          %add3A_250 = arith.constant 6 : i32
          %add3A_251 = arith.addi %mul3A_182, %add3A_250 : i32
          %add3A_252 = vector.broadcast %add3A_251 : i32 to vector<16xi32>
          %add3A_253 = arith.addi %mul3A_3, %add3A_252 : vector<16xi32>
          tpu.vector_store_idx %arg8[%add3A_253], %get3A_249 : memref<16896xf32, #tpu.memory_space<vmem>>[vector<16xi32>], vector<16xf32>,
          %get3A_254 = arith.constant 0 : i32
          %get3A_255 = arith.constant 7 : i32
          %get3A_256 = arith.index_cast %get3A_254 : i32 to index
          %get3A_257 = arith.index_cast %get3A_255 : i32 to index
          %get3A_258 = arith.index_cast %mul3A_184 : i32 to index
          %get3A_259 = tpu.vector_load %arg6[%get3A_256, %get3A_257, %get3A_258] {strides = array<i32>} : memref<4x8x512xf32, #tpu.memory_space<vmem>>, vector<16xf32>,
          %add3A_260 = arith.constant 7 : i32
          %add3A_261 = arith.addi %mul3A_182, %add3A_260 : i32
          %add3A_262 = vector.broadcast %add3A_261 : i32 to vector<16xi32>
          %add3A_263 = arith.addi %mul3A_3, %add3A_262 : vector<16xi32>
          tpu.vector_store_idx %arg8[%add3A_263], %get3A_259 : memref<16896xf32, #tpu.memory_space<vmem>>[vector<16xi32>], vector<16xf32>,
          %get3A_264 = arith.constant 1 : i32
          %get3A_265 = arith.constant 0 : i32
          %get3A_266 = arith.index_cast %get3A_264 : i32 to index
          %get3A_267 = arith.index_cast %get3A_265 : i32 to index
          %get3A_268 = arith.index_cast %mul3A_184 : i32 to index
          %get3A_269 = tpu.vector_load %arg6[%get3A_266, %get3A_267, %get3A_268] {strides = array<i32>} : memref<4x8x512xf32, #tpu.memory_space<vmem>>, vector<16xf32>,
          %add3A_270 = arith.constant 8 : i32
          %add3A_271 = arith.addi %mul3A_182, %add3A_270 : i32
          %add3A_272 = vector.broadcast %add3A_271 : i32 to vector<16xi32>
          %add3A_273 = arith.addi %mul3A_3, %add3A_272 : vector<16xi32>
          tpu.vector_store_idx %arg8[%add3A_273], %get3A_269 : memref<16896xf32, #tpu.memory_space<vmem>>[vector<16xi32>], vector<16xf32>,
          %get3A_274 = arith.constant 1 : i32
          %get3A_275 = arith.constant 1 : i32
          %get3A_276 = arith.index_cast %get3A_274 : i32 to index
          %get3A_277 = arith.index_cast %get3A_275 : i32 to index
          %get3A_278 = arith.index_cast %mul3A_184 : i32 to index
          %get3A_279 = tpu.vector_load %arg6[%get3A_276, %get3A_277, %get3A_278] {strides = array<i32>} : memref<4x8x512xf32, #tpu.memory_space<vmem>>, vector<16xf32>,
          %add3A_280 = arith.constant 9 : i32
          %add3A_281 = arith.addi %mul3A_182, %add3A_280 : i32
          %add3A_282 = vector.broadcast %add3A_281 : i32 to vector<16xi32>
          %add3A_283 = arith.addi %mul3A_3, %add3A_282 : vector<16xi32>
          tpu.vector_store_idx %arg8[%add3A_283], %get3A_279 : memref<16896xf32, #tpu.memory_space<vmem>>[vector<16xi32>], vector<16xf32>,
          %get3A_284 = arith.constant 1 : i32
          %get3A_285 = arith.constant 2 : i32
          %get3A_286 = arith.index_cast %get3A_284 : i32 to index
          %get3A_287 = arith.index_cast %get3A_285 : i32 to index
          %get3A_288 = arith.index_cast %mul3A_184 : i32 to index
          %get3A_289 = tpu.vector_load %arg6[%get3A_286, %get3A_287, %get3A_288] {strides = array<i32>} : memref<4x8x512xf32, #tpu.memory_space<vmem>>, vector<16xf32>,
          %add3A_290 = arith.constant 10 : i32
          %add3A_291 = arith.addi %mul3A_182, %add3A_290 : i32
          %add3A_292 = vector.broadcast %add3A_291 : i32 to vector<16xi32>
          %add3A_293 = arith.addi %mul3A_3, %add3A_292 : vector<16xi32>
          tpu.vector_store_idx %arg8[%add3A_293], %get3A_289 : memref<16896xf32, #tpu.memory_space<vmem>>[vector<16xi32>], vector<16xf32>,
          %get3A_294 = arith.constant 1 : i32
          %get3A_295 = arith.constant 3 : i32
          %get3A_296 = arith.index_cast %get3A_294 : i32 to index
          %get3A_297 = arith.index_cast %get3A_295 : i32 to index
          %get3A_298 = arith.index_cast %mul3A_184 : i32 to index
          %get3A_299 = tpu.vector_load %arg6[%get3A_296, %get3A_297, %get3A_298] {strides = array<i32>} : memref<4x8x512xf32, #tpu.memory_space<vmem>>, vector<16xf32>,
          %add3A_300 = arith.constant 11 : i32
          %add3A_301 = arith.addi %mul3A_182, %add3A_300 : i32
          %add3A_302 = vector.broadcast %add3A_301 : i32 to vector<16xi32>
          %add3A_303 = arith.addi %mul3A_3, %add3A_302 : vector<16xi32>
          tpu.vector_store_idx %arg8[%add3A_303], %get3A_299 : memref<16896xf32, #tpu.memory_space<vmem>>[vector<16xi32>], vector<16xf32>,
          %get3A_304 = arith.constant 1 : i32
          %get3A_305 = arith.constant 4 : i32
          %get3A_306 = arith.index_cast %get3A_304 : i32 to index
          %get3A_307 = arith.index_cast %get3A_305 : i32 to index
          %get3A_308 = arith.index_cast %mul3A_184 : i32 to index
          %get3A_309 = tpu.vector_load %arg6[%get3A_306, %get3A_307, %get3A_308] {strides = array<i32>} : memref<4x8x512xf32, #tpu.memory_space<vmem>>, vector<16xf32>,
          %add3A_310 = arith.constant 12 : i32
          %add3A_311 = arith.addi %mul3A_182, %add3A_310 : i32
          %add3A_312 = vector.broadcast %add3A_311 : i32 to vector<16xi32>
          %add3A_313 = arith.addi %mul3A_3, %add3A_312 : vector<16xi32>
          tpu.vector_store_idx %arg8[%add3A_313], %get3A_309 : memref<16896xf32, #tpu.memory_space<vmem>>[vector<16xi32>], vector<16xf32>,
          %get3A_314 = arith.constant 1 : i32
          %get3A_315 = arith.constant 5 : i32
          %get3A_316 = arith.index_cast %get3A_314 : i32 to index
          %get3A_317 = arith.index_cast %get3A_315 : i32 to index
          %get3A_318 = arith.index_cast %mul3A_184 : i32 to index
          %get3A_319 = tpu.vector_load %arg6[%get3A_316, %get3A_317, %get3A_318] {strides = array<i32>} : memref<4x8x512xf32, #tpu.memory_space<vmem>>, vector<16xf32>,
          %add3A_320 = arith.constant 13 : i32
          %add3A_321 = arith.addi %mul3A_182, %add3A_320 : i32
          %add3A_322 = vector.broadcast %add3A_321 : i32 to vector<16xi32>
          %add3A_323 = arith.addi %mul3A_3, %add3A_322 : vector<16xi32>
          tpu.vector_store_idx %arg8[%add3A_323], %get3A_319 : memref<16896xf32, #tpu.memory_space<vmem>>[vector<16xi32>], vector<16xf32>,
          %get3A_324 = arith.constant 1 : i32
          %get3A_325 = arith.constant 6 : i32
          %get3A_326 = arith.index_cast %get3A_324 : i32 to index
          %get3A_327 = arith.index_cast %get3A_325 : i32 to index
          %get3A_328 = arith.index_cast %mul3A_184 : i32 to index
          %get3A_329 = tpu.vector_load %arg6[%get3A_326, %get3A_327, %get3A_328] {strides = array<i32>} : memref<4x8x512xf32, #tpu.memory_space<vmem>>, vector<16xf32>,
          %add3A_330 = arith.constant 14 : i32
          %add3A_331 = arith.addi %mul3A_182, %add3A_330 : i32
          %add3A_332 = vector.broadcast %add3A_331 : i32 to vector<16xi32>
          %add3A_333 = arith.addi %mul3A_3, %add3A_332 : vector<16xi32>
          tpu.vector_store_idx %arg8[%add3A_333], %get3A_329 : memref<16896xf32, #tpu.memory_space<vmem>>[vector<16xi32>], vector<16xf32>,
          %get3A_334 = arith.constant 1 : i32
          %get3A_335 = arith.constant 7 : i32
          %get3A_336 = arith.index_cast %get3A_334 : i32 to index
          %get3A_337 = arith.index_cast %get3A_335 : i32 to index
          %get3A_338 = arith.index_cast %mul3A_184 : i32 to index
          %get3A_339 = tpu.vector_load %arg6[%get3A_336, %get3A_337, %get3A_338] {strides = array<i32>} : memref<4x8x512xf32, #tpu.memory_space<vmem>>, vector<16xf32>,
          %add3A_340 = arith.constant 15 : i32
          %add3A_341 = arith.addi %mul3A_182, %add3A_340 : i32
          %add3A_342 = vector.broadcast %add3A_341 : i32 to vector<16xi32>
          %add3A_343 = arith.addi %mul3A_3, %add3A_342 : vector<16xi32>
          tpu.vector_store_idx %arg8[%add3A_343], %get3A_339 : memref<16896xf32, #tpu.memory_space<vmem>>[vector<16xi32>], vector<16xf32>,
          %get3A_344 = arith.constant 2 : i32
          %get3A_345 = arith.constant 0 : i32
          %get3A_346 = arith.index_cast %get3A_344 : i32 to index
          %get3A_347 = arith.index_cast %get3A_345 : i32 to index
          %get3A_348 = arith.index_cast %mul3A_184 : i32 to index
          %get3A_349 = tpu.vector_load %arg6[%get3A_346, %get3A_347, %get3A_348] {strides = array<i32>} : memref<4x8x512xf32, #tpu.memory_space<vmem>>, vector<16xf32>,
          %add3A_350 = arith.constant 16 : i32
          %add3A_351 = arith.addi %mul3A_182, %add3A_350 : i32
          %add3A_352 = vector.broadcast %add3A_351 : i32 to vector<16xi32>
          %add3A_353 = arith.addi %mul3A_3, %add3A_352 : vector<16xi32>
          tpu.vector_store_idx %arg8[%add3A_353], %get3A_349 : memref<16896xf32, #tpu.memory_space<vmem>>[vector<16xi32>], vector<16xf32>,
          %get3A_354 = arith.constant 2 : i32
          %get3A_355 = arith.constant 1 : i32
          %get3A_356 = arith.index_cast %get3A_354 : i32 to index
          %get3A_357 = arith.index_cast %get3A_355 : i32 to index
          %get3A_358 = arith.index_cast %mul3A_184 : i32 to index
          %get3A_359 = tpu.vector_load %arg6[%get3A_356, %get3A_357, %get3A_358] {strides = array<i32>} : memref<4x8x512xf32, #tpu.memory_space<vmem>>, vector<16xf32>,
          %add3A_360 = arith.constant 17 : i32
          %add3A_361 = arith.addi %mul3A_182, %add3A_360 : i32
          %add3A_362 = vector.broadcast %add3A_361 : i32 to vector<16xi32>
          %add3A_363 = arith.addi %mul3A_3, %add3A_362 : vector<16xi32>
          tpu.vector_store_idx %arg8[%add3A_363], %get3A_359 : memref<16896xf32, #tpu.memory_space<vmem>>[vector<16xi32>], vector<16xf32>,
          %get3A_364 = arith.constant 2 : i32
          %get3A_365 = arith.constant 2 : i32
          %get3A_366 = arith.index_cast %get3A_364 : i32 to index
          %get3A_367 = arith.index_cast %get3A_365 : i32 to index
          %get3A_368 = arith.index_cast %mul3A_184 : i32 to index
          %get3A_369 = tpu.vector_load %arg6[%get3A_366, %get3A_367, %get3A_368] {strides = array<i32>} : memref<4x8x512xf32, #tpu.memory_space<vmem>>, vector<16xf32>,
          %add3A_370 = arith.constant 18 : i32
          %add3A_371 = arith.addi %mul3A_182, %add3A_370 : i32
          %add3A_372 = vector.broadcast %add3A_371 : i32 to vector<16xi32>
          %add3A_373 = arith.addi %mul3A_3, %add3A_372 : vector<16xi32>
          tpu.vector_store_idx %arg8[%add3A_373], %get3A_369 : memref<16896xf32, #tpu.memory_space<vmem>>[vector<16xi32>], vector<16xf32>,
          %get3A_374 = arith.constant 2 : i32
          %get3A_375 = arith.constant 3 : i32
          %get3A_376 = arith.index_cast %get3A_374 : i32 to index
          %get3A_377 = arith.index_cast %get3A_375 : i32 to index
          %get3A_378 = arith.index_cast %mul3A_184 : i32 to index
          %get3A_379 = tpu.vector_load %arg6[%get3A_376, %get3A_377, %get3A_378] {strides = array<i32>} : memref<4x8x512xf32, #tpu.memory_space<vmem>>, vector<16xf32>,
          %add3A_380 = arith.constant 19 : i32
          %add3A_381 = arith.addi %mul3A_182, %add3A_380 : i32
          %add3A_382 = vector.broadcast %add3A_381 : i32 to vector<16xi32>
          %add3A_383 = arith.addi %mul3A_3, %add3A_382 : vector<16xi32>
          tpu.vector_store_idx %arg8[%add3A_383], %get3A_379 : memref<16896xf32, #tpu.memory_space<vmem>>[vector<16xi32>], vector<16xf32>,
          %get3A_384 = arith.constant 2 : i32
          %get3A_385 = arith.constant 4 : i32
          %get3A_386 = arith.index_cast %get3A_384 : i32 to index
          %get3A_387 = arith.index_cast %get3A_385 : i32 to index
          %get3A_388 = arith.index_cast %mul3A_184 : i32 to index
          %get3A_389 = tpu.vector_load %arg6[%get3A_386, %get3A_387, %get3A_388] {strides = array<i32>} : memref<4x8x512xf32, #tpu.memory_space<vmem>>, vector<16xf32>,
          %add3A_390 = arith.constant 20 : i32
          %add3A_391 = arith.addi %mul3A_182, %add3A_390 : i32
          %add3A_392 = vector.broadcast %add3A_391 : i32 to vector<16xi32>
          %add3A_393 = arith.addi %mul3A_3, %add3A_392 : vector<16xi32>
          tpu.vector_store_idx %arg8[%add3A_393], %get3A_389 : memref<16896xf32, #tpu.memory_space<vmem>>[vector<16xi32>], vector<16xf32>,
          %get3A_394 = arith.constant 2 : i32
          %get3A_395 = arith.constant 5 : i32
          %get3A_396 = arith.index_cast %get3A_394 : i32 to index
          %get3A_397 = arith.index_cast %get3A_395 : i32 to index
          %get3A_398 = arith.index_cast %mul3A_184 : i32 to index
          %get3A_399 = tpu.vector_load %arg6[%get3A_396, %get3A_397, %get3A_398] {strides = array<i32>} : memref<4x8x512xf32, #tpu.memory_space<vmem>>, vector<16xf32>,
          %add3A_400 = arith.constant 21 : i32
          %add3A_401 = arith.addi %mul3A_182, %add3A_400 : i32
          %add3A_402 = vector.broadcast %add3A_401 : i32 to vector<16xi32>
          %add3A_403 = arith.addi %mul3A_3, %add3A_402 : vector<16xi32>
          tpu.vector_store_idx %arg8[%add3A_403], %get3A_399 : memref<16896xf32, #tpu.memory_space<vmem>>[vector<16xi32>], vector<16xf32>,
          %get3A_404 = arith.constant 2 : i32
          %get3A_405 = arith.constant 6 : i32
          %get3A_406 = arith.index_cast %get3A_404 : i32 to index
          %get3A_407 = arith.index_cast %get3A_405 : i32 to index
          %get3A_408 = arith.index_cast %mul3A_184 : i32 to index
          %get3A_409 = tpu.vector_load %arg6[%get3A_406, %get3A_407, %get3A_408] {strides = array<i32>} : memref<4x8x512xf32, #tpu.memory_space<vmem>>, vector<16xf32>,
          %add3A_410 = arith.constant 22 : i32
          %add3A_411 = arith.addi %mul3A_182, %add3A_410 : i32
          %add3A_412 = vector.broadcast %add3A_411 : i32 to vector<16xi32>
          %add3A_413 = arith.addi %mul3A_3, %add3A_412 : vector<16xi32>
          tpu.vector_store_idx %arg8[%add3A_413], %get3A_409 : memref<16896xf32, #tpu.memory_space<vmem>>[vector<16xi32>], vector<16xf32>,
          %get3A_414 = arith.constant 2 : i32
          %get3A_415 = arith.constant 7 : i32
          %get3A_416 = arith.index_cast %get3A_414 : i32 to index
          %get3A_417 = arith.index_cast %get3A_415 : i32 to index
          %get3A_418 = arith.index_cast %mul3A_184 : i32 to index
          %get3A_419 = tpu.vector_load %arg6[%get3A_416, %get3A_417, %get3A_418] {strides = array<i32>} : memref<4x8x512xf32, #tpu.memory_space<vmem>>, vector<16xf32>,
          %add3A_420 = arith.constant 23 : i32
          %add3A_421 = arith.addi %mul3A_182, %add3A_420 : i32
          %add3A_422 = vector.broadcast %add3A_421 : i32 to vector<16xi32>
          %add3A_423 = arith.addi %mul3A_3, %add3A_422 : vector<16xi32>
          tpu.vector_store_idx %arg8[%add3A_423], %get3A_419 : memref<16896xf32, #tpu.memory_space<vmem>>[vector<16xi32>], vector<16xf32>,
          %get3A_424 = arith.constant 3 : i32
          %get3A_425 = arith.constant 0 : i32
          %get3A_426 = arith.index_cast %get3A_424 : i32 to index
          %get3A_427 = arith.index_cast %get3A_425 : i32 to index
          %get3A_428 = arith.index_cast %mul3A_184 : i32 to index
          %get3A_429 = tpu.vector_load %arg6[%get3A_426, %get3A_427, %get3A_428] {strides = array<i32>} : memref<4x8x512xf32, #tpu.memory_space<vmem>>, vector<16xf32>,
          %add3A_430 = arith.constant 24 : i32
          %add3A_431 = arith.addi %mul3A_182, %add3A_430 : i32
          %add3A_432 = vector.broadcast %add3A_431 : i32 to vector<16xi32>
          %add3A_433 = arith.addi %mul3A_3, %add3A_432 : vector<16xi32>
          tpu.vector_store_idx %arg8[%add3A_433], %get3A_429 : memref<16896xf32, #tpu.memory_space<vmem>>[vector<16xi32>], vector<16xf32>,
          %get3A_434 = arith.constant 3 : i32
          %get3A_435 = arith.constant 1 : i32
          %get3A_436 = arith.index_cast %get3A_434 : i32 to index
          %get3A_437 = arith.index_cast %get3A_435 : i32 to index
          %get3A_438 = arith.index_cast %mul3A_184 : i32 to index
          %get3A_439 = tpu.vector_load %arg6[%get3A_436, %get3A_437, %get3A_438] {strides = array<i32>} : memref<4x8x512xf32, #tpu.memory_space<vmem>>, vector<16xf32>,
          %add3A_440 = arith.constant 25 : i32
          %add3A_441 = arith.addi %mul3A_182, %add3A_440 : i32
          %add3A_442 = vector.broadcast %add3A_441 : i32 to vector<16xi32>
          %add3A_443 = arith.addi %mul3A_3, %add3A_442 : vector<16xi32>
          tpu.vector_store_idx %arg8[%add3A_443], %get3A_439 : memref<16896xf32, #tpu.memory_space<vmem>>[vector<16xi32>], vector<16xf32>,
          %get3A_444 = arith.constant 3 : i32
          %get3A_445 = arith.constant 2 : i32
          %get3A_446 = arith.index_cast %get3A_444 : i32 to index
          %get3A_447 = arith.index_cast %get3A_445 : i32 to index
          %get3A_448 = arith.index_cast %mul3A_184 : i32 to index
          %get3A_449 = tpu.vector_load %arg6[%get3A_446, %get3A_447, %get3A_448] {strides = array<i32>} : memref<4x8x512xf32, #tpu.memory_space<vmem>>, vector<16xf32>,
          %add3A_450 = arith.constant 26 : i32
          %add3A_451 = arith.addi %mul3A_182, %add3A_450 : i32
          %add3A_452 = vector.broadcast %add3A_451 : i32 to vector<16xi32>
          %add3A_453 = arith.addi %mul3A_3, %add3A_452 : vector<16xi32>
          tpu.vector_store_idx %arg8[%add3A_453], %get3A_449 : memref<16896xf32, #tpu.memory_space<vmem>>[vector<16xi32>], vector<16xf32>,
          %get3A_454 = arith.constant 3 : i32
          %get3A_455 = arith.constant 3 : i32
          %get3A_456 = arith.index_cast %get3A_454 : i32 to index
          %get3A_457 = arith.index_cast %get3A_455 : i32 to index
          %get3A_458 = arith.index_cast %mul3A_184 : i32 to index
          %get3A_459 = tpu.vector_load %arg6[%get3A_456, %get3A_457, %get3A_458] {strides = array<i32>} : memref<4x8x512xf32, #tpu.memory_space<vmem>>, vector<16xf32>,
          %add3A_460 = arith.constant 27 : i32
          %add3A_461 = arith.addi %mul3A_182, %add3A_460 : i32
          %add3A_462 = vector.broadcast %add3A_461 : i32 to vector<16xi32>
          %add3A_463 = arith.addi %mul3A_3, %add3A_462 : vector<16xi32>
          tpu.vector_store_idx %arg8[%add3A_463], %get3A_459 : memref<16896xf32, #tpu.memory_space<vmem>>[vector<16xi32>], vector<16xf32>,
          %get3A_464 = arith.constant 3 : i32
          %get3A_465 = arith.constant 4 : i32
          %get3A_466 = arith.index_cast %get3A_464 : i32 to index
          %get3A_467 = arith.index_cast %get3A_465 : i32 to index
          %get3A_468 = arith.index_cast %mul3A_184 : i32 to index
          %get3A_469 = tpu.vector_load %arg6[%get3A_466, %get3A_467, %get3A_468] {strides = array<i32>} : memref<4x8x512xf32, #tpu.memory_space<vmem>>, vector<16xf32>,
          %add3A_470 = arith.constant 28 : i32
          %add3A_471 = arith.addi %mul3A_182, %add3A_470 : i32
          %add3A_472 = vector.broadcast %add3A_471 : i32 to vector<16xi32>
          %add3A_473 = arith.addi %mul3A_3, %add3A_472 : vector<16xi32>
          tpu.vector_store_idx %arg8[%add3A_473], %get3A_469 : memref<16896xf32, #tpu.memory_space<vmem>>[vector<16xi32>], vector<16xf32>,
          %get3A_474 = arith.constant 3 : i32
          %get3A_475 = arith.constant 5 : i32
          %get3A_476 = arith.index_cast %get3A_474 : i32 to index
          %get3A_477 = arith.index_cast %get3A_475 : i32 to index
          %get3A_478 = arith.index_cast %mul3A_184 : i32 to index
          %get3A_479 = tpu.vector_load %arg6[%get3A_476, %get3A_477, %get3A_478] {strides = array<i32>} : memref<4x8x512xf32, #tpu.memory_space<vmem>>, vector<16xf32>,
          %add3A_480 = arith.constant 29 : i32
          %add3A_481 = arith.addi %mul3A_182, %add3A_480 : i32
          %add3A_482 = vector.broadcast %add3A_481 : i32 to vector<16xi32>
          %add3A_483 = arith.addi %mul3A_3, %add3A_482 : vector<16xi32>
          tpu.vector_store_idx %arg8[%add3A_483], %get3A_479 : memref<16896xf32, #tpu.memory_space<vmem>>[vector<16xi32>], vector<16xf32>,
          %get3A_484 = arith.constant 3 : i32
          %get3A_485 = arith.constant 6 : i32
          %get3A_486 = arith.index_cast %get3A_484 : i32 to index
          %get3A_487 = arith.index_cast %get3A_485 : i32 to index
          %get3A_488 = arith.index_cast %mul3A_184 : i32 to index
          %get3A_489 = tpu.vector_load %arg6[%get3A_486, %get3A_487, %get3A_488] {strides = array<i32>} : memref<4x8x512xf32, #tpu.memory_space<vmem>>, vector<16xf32>,
          %add3A_490 = arith.constant 30 : i32
          %add3A_491 = arith.addi %mul3A_182, %add3A_490 : i32
          %add3A_492 = vector.broadcast %add3A_491 : i32 to vector<16xi32>
          %add3A_493 = arith.addi %mul3A_3, %add3A_492 : vector<16xi32>
          tpu.vector_store_idx %arg8[%add3A_493], %get3A_489 : memref<16896xf32, #tpu.memory_space<vmem>>[vector<16xi32>], vector<16xf32>,
          %get3A_494 = arith.constant 3 : i32
          %get3A_495 = arith.constant 7 : i32
          %get3A_496 = arith.index_cast %get3A_494 : i32 to index
          %get3A_497 = arith.index_cast %get3A_495 : i32 to index
          %get3A_498 = arith.index_cast %mul3A_184 : i32 to index
          %get3A_499 = tpu.vector_load %arg6[%get3A_496, %get3A_497, %get3A_498] {strides = array<i32>} : memref<4x8x512xf32, #tpu.memory_space<vmem>>, vector<16xf32>,
          %add3A_500 = arith.constant 31 : i32
          %add3A_501 = arith.addi %mul3A_182, %add3A_500 : i32
          %add3A_502 = vector.broadcast %add3A_501 : i32 to vector<16xi32>
          %add3A_503 = arith.addi %mul3A_3, %add3A_502 : vector<16xi32>
          tpu.vector_store_idx %arg8[%add3A_503], %get3A_499 : memref<16896xf32, #tpu.memory_space<vmem>>[vector<16xi32>], vector<16xf32>,
        }
        %scan3A_167 = arith.constant 32 : i32
        %scan3A_168 = arith.constant 0 : i32
        %scan3A_169 = arith.constant 0 : i32
        %scan3A_170 = arith.constant 32 : i32
        %scan3A_171 = arith.addi %scan3A_169, %scan3A_170 : i32
        %scan3A_172 = arith.constant 1 : i32
        scf.for %scan3A_180 = %scan3A_169 to %scan3A_171 step %scan3A_172  : i32 {
          %mul3A_181 = arith.constant 16 : i32
          %mul3A_182 = arith.muli %scan3A_180, %mul3A_181 : i32
          %add3A_183 = arith.constant 0 : i32
          %add3A_184 = arith.addi %mul3A_182, %add3A_183 : i32
          %mul3A_185 = arith.constant 33 : i32
          %mul3A_186 = arith.muli %add3A_184, %mul3A_185 : i32
          %get3A = arith.index_cast %mul3A_186 : i32 to index
          %get3A_187 = tpu.vector_load %arg8[%get3A] {strides = array<i32>} : memref<16896xf32, #tpu.memory_space<vmem>>, vector<16xf32>,
          %mul3A_188 = arith.constant 32 : i32
          %mul3A_189 = arith.muli %add3A_184, %mul3A_188 : i32
          %swap3A = arith.index_cast %mul3A_189 : i32 to index
          %swap3A_190 = tpu.vector_load %arg10[%swap3A] {strides = array<i32>} : memref<16384xf32, #tpu.memory_space<vmem>>, vector<16xf32>,
          tpu.vector_store %arg10[%swap3A], %get3A_187 {strides = array<i32>} : memref<16384xf32, #tpu.memory_space<vmem>>, vector<16xf32>,
          %mul3A_191 = arith.constant 33 : i32
          %mul3A_192 = arith.muli %add3A_184, %mul3A_191 : i32
          %add3A_193 = arith.constant 16 : i32
          %add3A_194 = arith.addi %mul3A_192, %add3A_193 : i32
          %get3A_195 = arith.index_cast %add3A_194 : i32 to index
          %get3A_196 = tpu.vector_load %arg8[%get3A_195] {strides = array<i32>} : memref<16896xf32, #tpu.memory_space<vmem>>, vector<16xf32>,
          %mul3A_197 = arith.constant 32 : i32
          %mul3A_198 = arith.muli %add3A_184, %mul3A_197 : i32
          %add3A_199 = arith.constant 16 : i32
          %add3A_200 = arith.addi %mul3A_198, %add3A_199 : i32
          %swap3A_201 = arith.index_cast %add3A_200 : i32 to index
          %swap3A_202 = tpu.vector_load %arg10[%swap3A_201] {strides = array<i32>} : memref<16384xf32, #tpu.memory_space<vmem>>, vector<16xf32>,
          tpu.vector_store %arg10[%swap3A_201], %get3A_196 {strides = array<i32>} : memref<16384xf32, #tpu.memory_space<vmem>>, vector<16xf32>,
          %mul3A_203 = arith.constant 16 : i32
          %mul3A_204 = arith.muli %scan3A_180, %mul3A_203 : i32
          %add3A_205 = arith.constant 1 : i32
          %add3A_206 = arith.addi %mul3A_204, %add3A_205 : i32
          %mul3A_207 = arith.constant 33 : i32
          %mul3A_208 = arith.muli %add3A_206, %mul3A_207 : i32
          %get3A_209 = arith.index_cast %mul3A_208 : i32 to index
          %get3A_210 = tpu.vector_load %arg8[%get3A_209] {strides = array<i32>} : memref<16896xf32, #tpu.memory_space<vmem>>, vector<16xf32>,
          %mul3A_211 = arith.constant 32 : i32
          %mul3A_212 = arith.muli %add3A_206, %mul3A_211 : i32
          %swap3A_213 = arith.index_cast %mul3A_212 : i32 to index
          %swap3A_214 = tpu.vector_load %arg10[%swap3A_213] {strides = array<i32>} : memref<16384xf32, #tpu.memory_space<vmem>>, vector<16xf32>,
          tpu.vector_store %arg10[%swap3A_213], %get3A_210 {strides = array<i32>} : memref<16384xf32, #tpu.memory_space<vmem>>, vector<16xf32>,
          %mul3A_215 = arith.constant 33 : i32
          %mul3A_216 = arith.muli %add3A_206, %mul3A_215 : i32
          %add3A_217 = arith.constant 16 : i32
          %add3A_218 = arith.addi %mul3A_216, %add3A_217 : i32
          %get3A_219 = arith.index_cast %add3A_218 : i32 to index
          %get3A_220 = tpu.vector_load %arg8[%get3A_219] {strides = array<i32>} : memref<16896xf32, #tpu.memory_space<vmem>>, vector<16xf32>,
          %mul3A_221 = arith.constant 32 : i32
          %mul3A_222 = arith.muli %add3A_206, %mul3A_221 : i32
          %add3A_223 = arith.constant 16 : i32
          %add3A_224 = arith.addi %mul3A_222, %add3A_223 : i32
          %swap3A_225 = arith.index_cast %add3A_224 : i32 to index
          %swap3A_226 = tpu.vector_load %arg10[%swap3A_225] {strides = array<i32>} : memref<16384xf32, #tpu.memory_space<vmem>>, vector<16xf32>,
          tpu.vector_store %arg10[%swap3A_225], %get3A_220 {strides = array<i32>} : memref<16384xf32, #tpu.memory_space<vmem>>, vector<16xf32>,
          %mul3A_227 = arith.constant 16 : i32
          %mul3A_228 = arith.muli %scan3A_180, %mul3A_227 : i32
          %add3A_229 = arith.constant 2 : i32
          %add3A_230 = arith.addi %mul3A_228, %add3A_229 : i32
          %mul3A_231 = arith.constant 33 : i32
          %mul3A_232 = arith.muli %add3A_230, %mul3A_231 : i32
          %get3A_233 = arith.index_cast %mul3A_232 : i32 to index
          %get3A_234 = tpu.vector_load %arg8[%get3A_233] {strides = array<i32>} : memref<16896xf32, #tpu.memory_space<vmem>>, vector<16xf32>,
          %mul3A_235 = arith.constant 32 : i32
          %mul3A_236 = arith.muli %add3A_230, %mul3A_235 : i32
          %swap3A_237 = arith.index_cast %mul3A_236 : i32 to index
          %swap3A_238 = tpu.vector_load %arg10[%swap3A_237] {strides = array<i32>} : memref<16384xf32, #tpu.memory_space<vmem>>, vector<16xf32>,
          tpu.vector_store %arg10[%swap3A_237], %get3A_234 {strides = array<i32>} : memref<16384xf32, #tpu.memory_space<vmem>>, vector<16xf32>,
          %mul3A_239 = arith.constant 33 : i32
          %mul3A_240 = arith.muli %add3A_230, %mul3A_239 : i32
          %add3A_241 = arith.constant 16 : i32
          %add3A_242 = arith.addi %mul3A_240, %add3A_241 : i32
          %get3A_243 = arith.index_cast %add3A_242 : i32 to index
          %get3A_244 = tpu.vector_load %arg8[%get3A_243] {strides = array<i32>} : memref<16896xf32, #tpu.memory_space<vmem>>, vector<16xf32>,
          %mul3A_245 = arith.constant 32 : i32
          %mul3A_246 = arith.muli %add3A_230, %mul3A_245 : i32
          %add3A_247 = arith.constant 16 : i32
          %add3A_248 = arith.addi %mul3A_246, %add3A_247 : i32
          %swap3A_249 = arith.index_cast %add3A_248 : i32 to index
          %swap3A_250 = tpu.vector_load %arg10[%swap3A_249] {strides = array<i32>} : memref<16384xf32, #tpu.memory_space<vmem>>, vector<16xf32>,
          tpu.vector_store %arg10[%swap3A_249], %get3A_244 {strides = array<i32>} : memref<16384xf32, #tpu.memory_space<vmem>>, vector<16xf32>,
          %mul3A_251 = arith.constant 16 : i32
          %mul3A_252 = arith.muli %scan3A_180, %mul3A_251 : i32
          %add3A_253 = arith.constant 3 : i32
          %add3A_254 = arith.addi %mul3A_252, %add3A_253 : i32
          %mul3A_255 = arith.constant 33 : i32
          %mul3A_256 = arith.muli %add3A_254, %mul3A_255 : i32
          %get3A_257 = arith.index_cast %mul3A_256 : i32 to index
          %get3A_258 = tpu.vector_load %arg8[%get3A_257] {strides = array<i32>} : memref<16896xf32, #tpu.memory_space<vmem>>, vector<16xf32>,
          %mul3A_259 = arith.constant 32 : i32
          %mul3A_260 = arith.muli %add3A_254, %mul3A_259 : i32
          %swap3A_261 = arith.index_cast %mul3A_260 : i32 to index
          %swap3A_262 = tpu.vector_load %arg10[%swap3A_261] {strides = array<i32>} : memref<16384xf32, #tpu.memory_space<vmem>>, vector<16xf32>,
          tpu.vector_store %arg10[%swap3A_261], %get3A_258 {strides = array<i32>} : memref<16384xf32, #tpu.memory_space<vmem>>, vector<16xf32>,
          %mul3A_263 = arith.constant 33 : i32
          %mul3A_264 = arith.muli %add3A_254, %mul3A_263 : i32
          %add3A_265 = arith.constant 16 : i32
          %add3A_266 = arith.addi %mul3A_264, %add3A_265 : i32
          %get3A_267 = arith.index_cast %add3A_266 : i32 to index
          %get3A_268 = tpu.vector_load %arg8[%get3A_267] {strides = array<i32>} : memref<16896xf32, #tpu.memory_space<vmem>>, vector<16xf32>,
          %mul3A_269 = arith.constant 32 : i32
          %mul3A_270 = arith.muli %add3A_254, %mul3A_269 : i32
          %add3A_271 = arith.constant 16 : i32
          %add3A_272 = arith.addi %mul3A_270, %add3A_271 : i32
          %swap3A_273 = arith.index_cast %add3A_272 : i32 to index
          %swap3A_274 = tpu.vector_load %arg10[%swap3A_273] {strides = array<i32>} : memref<16384xf32, #tpu.memory_space<vmem>>, vector<16xf32>,
          tpu.vector_store %arg10[%swap3A_273], %get3A_268 {strides = array<i32>} : memref<16384xf32, #tpu.memory_space<vmem>>, vector<16xf32>,
          %mul3A_275 = arith.constant 16 : i32
          %mul3A_276 = arith.muli %scan3A_180, %mul3A_275 : i32
          %add3A_277 = arith.constant 4 : i32
          %add3A_278 = arith.addi %mul3A_276, %add3A_277 : i32
          %mul3A_279 = arith.constant 33 : i32
          %mul3A_280 = arith.muli %add3A_278, %mul3A_279 : i32
          %get3A_281 = arith.index_cast %mul3A_280 : i32 to index
          %get3A_282 = tpu.vector_load %arg8[%get3A_281] {strides = array<i32>} : memref<16896xf32, #tpu.memory_space<vmem>>, vector<16xf32>,
          %mul3A_283 = arith.constant 32 : i32
          %mul3A_284 = arith.muli %add3A_278, %mul3A_283 : i32
          %swap3A_285 = arith.index_cast %mul3A_284 : i32 to index
          %swap3A_286 = tpu.vector_load %arg10[%swap3A_285] {strides = array<i32>} : memref<16384xf32, #tpu.memory_space<vmem>>, vector<16xf32>,
          tpu.vector_store %arg10[%swap3A_285], %get3A_282 {strides = array<i32>} : memref<16384xf32, #tpu.memory_space<vmem>>, vector<16xf32>,
          %mul3A_287 = arith.constant 33 : i32
          %mul3A_288 = arith.muli %add3A_278, %mul3A_287 : i32
          %add3A_289 = arith.constant 16 : i32
          %add3A_290 = arith.addi %mul3A_288, %add3A_289 : i32
          %get3A_291 = arith.index_cast %add3A_290 : i32 to index
          %get3A_292 = tpu.vector_load %arg8[%get3A_291] {strides = array<i32>} : memref<16896xf32, #tpu.memory_space<vmem>>, vector<16xf32>,
          %mul3A_293 = arith.constant 32 : i32
          %mul3A_294 = arith.muli %add3A_278, %mul3A_293 : i32
          %add3A_295 = arith.constant 16 : i32
          %add3A_296 = arith.addi %mul3A_294, %add3A_295 : i32
          %swap3A_297 = arith.index_cast %add3A_296 : i32 to index
          %swap3A_298 = tpu.vector_load %arg10[%swap3A_297] {strides = array<i32>} : memref<16384xf32, #tpu.memory_space<vmem>>, vector<16xf32>,
          tpu.vector_store %arg10[%swap3A_297], %get3A_292 {strides = array<i32>} : memref<16384xf32, #tpu.memory_space<vmem>>, vector<16xf32>,
          %mul3A_299 = arith.constant 16 : i32
          %mul3A_300 = arith.muli %scan3A_180, %mul3A_299 : i32
          %add3A_301 = arith.constant 5 : i32
          %add3A_302 = arith.addi %mul3A_300, %add3A_301 : i32
          %mul3A_303 = arith.constant 33 : i32
          %mul3A_304 = arith.muli %add3A_302, %mul3A_303 : i32
          %get3A_305 = arith.index_cast %mul3A_304 : i32 to index
          %get3A_306 = tpu.vector_load %arg8[%get3A_305] {strides = array<i32>} : memref<16896xf32, #tpu.memory_space<vmem>>, vector<16xf32>,
          %mul3A_307 = arith.constant 32 : i32
          %mul3A_308 = arith.muli %add3A_302, %mul3A_307 : i32
          %swap3A_309 = arith.index_cast %mul3A_308 : i32 to index
          %swap3A_310 = tpu.vector_load %arg10[%swap3A_309] {strides = array<i32>} : memref<16384xf32, #tpu.memory_space<vmem>>, vector<16xf32>,
          tpu.vector_store %arg10[%swap3A_309], %get3A_306 {strides = array<i32>} : memref<16384xf32, #tpu.memory_space<vmem>>, vector<16xf32>,
          %mul3A_311 = arith.constant 33 : i32
          %mul3A_312 = arith.muli %add3A_302, %mul3A_311 : i32
          %add3A_313 = arith.constant 16 : i32
          %add3A_314 = arith.addi %mul3A_312, %add3A_313 : i32
          %get3A_315 = arith.index_cast %add3A_314 : i32 to index
          %get3A_316 = tpu.vector_load %arg8[%get3A_315] {strides = array<i32>} : memref<16896xf32, #tpu.memory_space<vmem>>, vector<16xf32>,
          %mul3A_317 = arith.constant 32 : i32
          %mul3A_318 = arith.muli %add3A_302, %mul3A_317 : i32
          %add3A_319 = arith.constant 16 : i32
          %add3A_320 = arith.addi %mul3A_318, %add3A_319 : i32
          %swap3A_321 = arith.index_cast %add3A_320 : i32 to index
          %swap3A_322 = tpu.vector_load %arg10[%swap3A_321] {strides = array<i32>} : memref<16384xf32, #tpu.memory_space<vmem>>, vector<16xf32>,
          tpu.vector_store %arg10[%swap3A_321], %get3A_316 {strides = array<i32>} : memref<16384xf32, #tpu.memory_space<vmem>>, vector<16xf32>,
          %mul3A_323 = arith.constant 16 : i32
          %mul3A_324 = arith.muli %scan3A_180, %mul3A_323 : i32
          %add3A_325 = arith.constant 6 : i32
          %add3A_326 = arith.addi %mul3A_324, %add3A_325 : i32
          %mul3A_327 = arith.constant 33 : i32
          %mul3A_328 = arith.muli %add3A_326, %mul3A_327 : i32
          %get3A_329 = arith.index_cast %mul3A_328 : i32 to index
          %get3A_330 = tpu.vector_load %arg8[%get3A_329] {strides = array<i32>} : memref<16896xf32, #tpu.memory_space<vmem>>, vector<16xf32>,
          %mul3A_331 = arith.constant 32 : i32
          %mul3A_332 = arith.muli %add3A_326, %mul3A_331 : i32
          %swap3A_333 = arith.index_cast %mul3A_332 : i32 to index
          %swap3A_334 = tpu.vector_load %arg10[%swap3A_333] {strides = array<i32>} : memref<16384xf32, #tpu.memory_space<vmem>>, vector<16xf32>,
          tpu.vector_store %arg10[%swap3A_333], %get3A_330 {strides = array<i32>} : memref<16384xf32, #tpu.memory_space<vmem>>, vector<16xf32>,
          %mul3A_335 = arith.constant 33 : i32
          %mul3A_336 = arith.muli %add3A_326, %mul3A_335 : i32
          %add3A_337 = arith.constant 16 : i32
          %add3A_338 = arith.addi %mul3A_336, %add3A_337 : i32
          %get3A_339 = arith.index_cast %add3A_338 : i32 to index
          %get3A_340 = tpu.vector_load %arg8[%get3A_339] {strides = array<i32>} : memref<16896xf32, #tpu.memory_space<vmem>>, vector<16xf32>,
          %mul3A_341 = arith.constant 32 : i32
          %mul3A_342 = arith.muli %add3A_326, %mul3A_341 : i32
          %add3A_343 = arith.constant 16 : i32
          %add3A_344 = arith.addi %mul3A_342, %add3A_343 : i32
          %swap3A_345 = arith.index_cast %add3A_344 : i32 to index
          %swap3A_346 = tpu.vector_load %arg10[%swap3A_345] {strides = array<i32>} : memref<16384xf32, #tpu.memory_space<vmem>>, vector<16xf32>,
          tpu.vector_store %arg10[%swap3A_345], %get3A_340 {strides = array<i32>} : memref<16384xf32, #tpu.memory_space<vmem>>, vector<16xf32>,
          %mul3A_347 = arith.constant 16 : i32
          %mul3A_348 = arith.muli %scan3A_180, %mul3A_347 : i32
          %add3A_349 = arith.constant 7 : i32
          %add3A_350 = arith.addi %mul3A_348, %add3A_349 : i32
          %mul3A_351 = arith.constant 33 : i32
          %mul3A_352 = arith.muli %add3A_350, %mul3A_351 : i32
          %get3A_353 = arith.index_cast %mul3A_352 : i32 to index
          %get3A_354 = tpu.vector_load %arg8[%get3A_353] {strides = array<i32>} : memref<16896xf32, #tpu.memory_space<vmem>>, vector<16xf32>,
          %mul3A_355 = arith.constant 32 : i32
          %mul3A_356 = arith.muli %add3A_350, %mul3A_355 : i32
          %swap3A_357 = arith.index_cast %mul3A_356 : i32 to index
          %swap3A_358 = tpu.vector_load %arg10[%swap3A_357] {strides = array<i32>} : memref<16384xf32, #tpu.memory_space<vmem>>, vector<16xf32>,
          tpu.vector_store %arg10[%swap3A_357], %get3A_354 {strides = array<i32>} : memref<16384xf32, #tpu.memory_space<vmem>>, vector<16xf32>,
          %mul3A_359 = arith.constant 33 : i32
          %mul3A_360 = arith.muli %add3A_350, %mul3A_359 : i32
          %add3A_361 = arith.constant 16 : i32
          %add3A_362 = arith.addi %mul3A_360, %add3A_361 : i32
          %get3A_363 = arith.index_cast %add3A_362 : i32 to index
          %get3A_364 = tpu.vector_load %arg8[%get3A_363] {strides = array<i32>} : memref<16896xf32, #tpu.memory_space<vmem>>, vector<16xf32>,
          %mul3A_365 = arith.constant 32 : i32
          %mul3A_366 = arith.muli %add3A_350, %mul3A_365 : i32
          %add3A_367 = arith.constant 16 : i32
          %add3A_368 = arith.addi %mul3A_366, %add3A_367 : i32
          %swap3A_369 = arith.index_cast %add3A_368 : i32 to index
          %swap3A_370 = tpu.vector_load %arg10[%swap3A_369] {strides = array<i32>} : memref<16384xf32, #tpu.memory_space<vmem>>, vector<16xf32>,
          tpu.vector_store %arg10[%swap3A_369], %get3A_364 {strides = array<i32>} : memref<16384xf32, #tpu.memory_space<vmem>>, vector<16xf32>,
          %mul3A_371 = arith.constant 16 : i32
          %mul3A_372 = arith.muli %scan3A_180, %mul3A_371 : i32
          %add3A_373 = arith.constant 8 : i32
          %add3A_374 = arith.addi %mul3A_372, %add3A_373 : i32
          %mul3A_375 = arith.constant 33 : i32
          %mul3A_376 = arith.muli %add3A_374, %mul3A_375 : i32
          %get3A_377 = arith.index_cast %mul3A_376 : i32 to index
          %get3A_378 = tpu.vector_load %arg8[%get3A_377] {strides = array<i32>} : memref<16896xf32, #tpu.memory_space<vmem>>, vector<16xf32>,
          %mul3A_379 = arith.constant 32 : i32
          %mul3A_380 = arith.muli %add3A_374, %mul3A_379 : i32
          %swap3A_381 = arith.index_cast %mul3A_380 : i32 to index
          %swap3A_382 = tpu.vector_load %arg10[%swap3A_381] {strides = array<i32>} : memref<16384xf32, #tpu.memory_space<vmem>>, vector<16xf32>,
          tpu.vector_store %arg10[%swap3A_381], %get3A_378 {strides = array<i32>} : memref<16384xf32, #tpu.memory_space<vmem>>, vector<16xf32>,
          %mul3A_383 = arith.constant 33 : i32
          %mul3A_384 = arith.muli %add3A_374, %mul3A_383 : i32
          %add3A_385 = arith.constant 16 : i32
          %add3A_386 = arith.addi %mul3A_384, %add3A_385 : i32
          %get3A_387 = arith.index_cast %add3A_386 : i32 to index
          %get3A_388 = tpu.vector_load %arg8[%get3A_387] {strides = array<i32>} : memref<16896xf32, #tpu.memory_space<vmem>>, vector<16xf32>,
          %mul3A_389 = arith.constant 32 : i32
          %mul3A_390 = arith.muli %add3A_374, %mul3A_389 : i32
          %add3A_391 = arith.constant 16 : i32
          %add3A_392 = arith.addi %mul3A_390, %add3A_391 : i32
          %swap3A_393 = arith.index_cast %add3A_392 : i32 to index
          %swap3A_394 = tpu.vector_load %arg10[%swap3A_393] {strides = array<i32>} : memref<16384xf32, #tpu.memory_space<vmem>>, vector<16xf32>,
          tpu.vector_store %arg10[%swap3A_393], %get3A_388 {strides = array<i32>} : memref<16384xf32, #tpu.memory_space<vmem>>, vector<16xf32>,
          %mul3A_395 = arith.constant 16 : i32
          %mul3A_396 = arith.muli %scan3A_180, %mul3A_395 : i32
          %add3A_397 = arith.constant 9 : i32
          %add3A_398 = arith.addi %mul3A_396, %add3A_397 : i32
          %mul3A_399 = arith.constant 33 : i32
          %mul3A_400 = arith.muli %add3A_398, %mul3A_399 : i32
          %get3A_401 = arith.index_cast %mul3A_400 : i32 to index
          %get3A_402 = tpu.vector_load %arg8[%get3A_401] {strides = array<i32>} : memref<16896xf32, #tpu.memory_space<vmem>>, vector<16xf32>,
          %mul3A_403 = arith.constant 32 : i32
          %mul3A_404 = arith.muli %add3A_398, %mul3A_403 : i32
          %swap3A_405 = arith.index_cast %mul3A_404 : i32 to index
          %swap3A_406 = tpu.vector_load %arg10[%swap3A_405] {strides = array<i32>} : memref<16384xf32, #tpu.memory_space<vmem>>, vector<16xf32>,
          tpu.vector_store %arg10[%swap3A_405], %get3A_402 {strides = array<i32>} : memref<16384xf32, #tpu.memory_space<vmem>>, vector<16xf32>,
          %mul3A_407 = arith.constant 33 : i32
          %mul3A_408 = arith.muli %add3A_398, %mul3A_407 : i32
          %add3A_409 = arith.constant 16 : i32
          %add3A_410 = arith.addi %mul3A_408, %add3A_409 : i32
          %get3A_411 = arith.index_cast %add3A_410 : i32 to index
          %get3A_412 = tpu.vector_load %arg8[%get3A_411] {strides = array<i32>} : memref<16896xf32, #tpu.memory_space<vmem>>, vector<16xf32>,
          %mul3A_413 = arith.constant 32 : i32
          %mul3A_414 = arith.muli %add3A_398, %mul3A_413 : i32
          %add3A_415 = arith.constant 16 : i32
          %add3A_416 = arith.addi %mul3A_414, %add3A_415 : i32
          %swap3A_417 = arith.index_cast %add3A_416 : i32 to index
          %swap3A_418 = tpu.vector_load %arg10[%swap3A_417] {strides = array<i32>} : memref<16384xf32, #tpu.memory_space<vmem>>, vector<16xf32>,
          tpu.vector_store %arg10[%swap3A_417], %get3A_412 {strides = array<i32>} : memref<16384xf32, #tpu.memory_space<vmem>>, vector<16xf32>,
          %mul3A_419 = arith.constant 16 : i32
          %mul3A_420 = arith.muli %scan3A_180, %mul3A_419 : i32
          %add3A_421 = arith.constant 10 : i32
          %add3A_422 = arith.addi %mul3A_420, %add3A_421 : i32
          %mul3A_423 = arith.constant 33 : i32
          %mul3A_424 = arith.muli %add3A_422, %mul3A_423 : i32
          %get3A_425 = arith.index_cast %mul3A_424 : i32 to index
          %get3A_426 = tpu.vector_load %arg8[%get3A_425] {strides = array<i32>} : memref<16896xf32, #tpu.memory_space<vmem>>, vector<16xf32>,
          %mul3A_427 = arith.constant 32 : i32
          %mul3A_428 = arith.muli %add3A_422, %mul3A_427 : i32
          %swap3A_429 = arith.index_cast %mul3A_428 : i32 to index
          %swap3A_430 = tpu.vector_load %arg10[%swap3A_429] {strides = array<i32>} : memref<16384xf32, #tpu.memory_space<vmem>>, vector<16xf32>,
          tpu.vector_store %arg10[%swap3A_429], %get3A_426 {strides = array<i32>} : memref<16384xf32, #tpu.memory_space<vmem>>, vector<16xf32>,
          %mul3A_431 = arith.constant 33 : i32
          %mul3A_432 = arith.muli %add3A_422, %mul3A_431 : i32
          %add3A_433 = arith.constant 16 : i32
          %add3A_434 = arith.addi %mul3A_432, %add3A_433 : i32
          %get3A_435 = arith.index_cast %add3A_434 : i32 to index
          %get3A_436 = tpu.vector_load %arg8[%get3A_435] {strides = array<i32>} : memref<16896xf32, #tpu.memory_space<vmem>>, vector<16xf32>,
          %mul3A_437 = arith.constant 32 : i32
          %mul3A_438 = arith.muli %add3A_422, %mul3A_437 : i32
          %add3A_439 = arith.constant 16 : i32
          %add3A_440 = arith.addi %mul3A_438, %add3A_439 : i32
          %swap3A_441 = arith.index_cast %add3A_440 : i32 to index
          %swap3A_442 = tpu.vector_load %arg10[%swap3A_441] {strides = array<i32>} : memref<16384xf32, #tpu.memory_space<vmem>>, vector<16xf32>,
          tpu.vector_store %arg10[%swap3A_441], %get3A_436 {strides = array<i32>} : memref<16384xf32, #tpu.memory_space<vmem>>, vector<16xf32>,
          %mul3A_443 = arith.constant 16 : i32
          %mul3A_444 = arith.muli %scan3A_180, %mul3A_443 : i32
          %add3A_445 = arith.constant 11 : i32
          %add3A_446 = arith.addi %mul3A_444, %add3A_445 : i32
          %mul3A_447 = arith.constant 33 : i32
          %mul3A_448 = arith.muli %add3A_446, %mul3A_447 : i32
          %get3A_449 = arith.index_cast %mul3A_448 : i32 to index
          %get3A_450 = tpu.vector_load %arg8[%get3A_449] {strides = array<i32>} : memref<16896xf32, #tpu.memory_space<vmem>>, vector<16xf32>,
          %mul3A_451 = arith.constant 32 : i32
          %mul3A_452 = arith.muli %add3A_446, %mul3A_451 : i32
          %swap3A_453 = arith.index_cast %mul3A_452 : i32 to index
          %swap3A_454 = tpu.vector_load %arg10[%swap3A_453] {strides = array<i32>} : memref<16384xf32, #tpu.memory_space<vmem>>, vector<16xf32>,
          tpu.vector_store %arg10[%swap3A_453], %get3A_450 {strides = array<i32>} : memref<16384xf32, #tpu.memory_space<vmem>>, vector<16xf32>,
          %mul3A_455 = arith.constant 33 : i32
          %mul3A_456 = arith.muli %add3A_446, %mul3A_455 : i32
          %add3A_457 = arith.constant 16 : i32
          %add3A_458 = arith.addi %mul3A_456, %add3A_457 : i32
          %get3A_459 = arith.index_cast %add3A_458 : i32 to index
          %get3A_460 = tpu.vector_load %arg8[%get3A_459] {strides = array<i32>} : memref<16896xf32, #tpu.memory_space<vmem>>, vector<16xf32>,
          %mul3A_461 = arith.constant 32 : i32
          %mul3A_462 = arith.muli %add3A_446, %mul3A_461 : i32
          %add3A_463 = arith.constant 16 : i32
          %add3A_464 = arith.addi %mul3A_462, %add3A_463 : i32
          %swap3A_465 = arith.index_cast %add3A_464 : i32 to index
          %swap3A_466 = tpu.vector_load %arg10[%swap3A_465] {strides = array<i32>} : memref<16384xf32, #tpu.memory_space<vmem>>, vector<16xf32>,
          tpu.vector_store %arg10[%swap3A_465], %get3A_460 {strides = array<i32>} : memref<16384xf32, #tpu.memory_space<vmem>>, vector<16xf32>,
          %mul3A_467 = arith.constant 16 : i32
          %mul3A_468 = arith.muli %scan3A_180, %mul3A_467 : i32
          %add3A_469 = arith.constant 12 : i32
          %add3A_470 = arith.addi %mul3A_468, %add3A_469 : i32
          %mul3A_471 = arith.constant 33 : i32
          %mul3A_472 = arith.muli %add3A_470, %mul3A_471 : i32
          %get3A_473 = arith.index_cast %mul3A_472 : i32 to index
          %get3A_474 = tpu.vector_load %arg8[%get3A_473] {strides = array<i32>} : memref<16896xf32, #tpu.memory_space<vmem>>, vector<16xf32>,
          %mul3A_475 = arith.constant 32 : i32
          %mul3A_476 = arith.muli %add3A_470, %mul3A_475 : i32
          %swap3A_477 = arith.index_cast %mul3A_476 : i32 to index
          %swap3A_478 = tpu.vector_load %arg10[%swap3A_477] {strides = array<i32>} : memref<16384xf32, #tpu.memory_space<vmem>>, vector<16xf32>,
          tpu.vector_store %arg10[%swap3A_477], %get3A_474 {strides = array<i32>} : memref<16384xf32, #tpu.memory_space<vmem>>, vector<16xf32>,
          %mul3A_479 = arith.constant 33 : i32
          %mul3A_480 = arith.muli %add3A_470, %mul3A_479 : i32
          %add3A_481 = arith.constant 16 : i32
          %add3A_482 = arith.addi %mul3A_480, %add3A_481 : i32
          %get3A_483 = arith.index_cast %add3A_482 : i32 to index
          %get3A_484 = tpu.vector_load %arg8[%get3A_483] {strides = array<i32>} : memref<16896xf32, #tpu.memory_space<vmem>>, vector<16xf32>,
          %mul3A_485 = arith.constant 32 : i32
          %mul3A_486 = arith.muli %add3A_470, %mul3A_485 : i32
          %add3A_487 = arith.constant 16 : i32
          %add3A_488 = arith.addi %mul3A_486, %add3A_487 : i32
          %swap3A_489 = arith.index_cast %add3A_488 : i32 to index
          %swap3A_490 = tpu.vector_load %arg10[%swap3A_489] {strides = array<i32>} : memref<16384xf32, #tpu.memory_space<vmem>>, vector<16xf32>,
          tpu.vector_store %arg10[%swap3A_489], %get3A_484 {strides = array<i32>} : memref<16384xf32, #tpu.memory_space<vmem>>, vector<16xf32>,
          %mul3A_491 = arith.constant 16 : i32
          %mul3A_492 = arith.muli %scan3A_180, %mul3A_491 : i32
          %add3A_493 = arith.constant 13 : i32
          %add3A_494 = arith.addi %mul3A_492, %add3A_493 : i32
          %mul3A_495 = arith.constant 33 : i32
          %mul3A_496 = arith.muli %add3A_494, %mul3A_495 : i32
          %get3A_497 = arith.index_cast %mul3A_496 : i32 to index
          %get3A_498 = tpu.vector_load %arg8[%get3A_497] {strides = array<i32>} : memref<16896xf32, #tpu.memory_space<vmem>>, vector<16xf32>,
          %mul3A_499 = arith.constant 32 : i32
          %mul3A_500 = arith.muli %add3A_494, %mul3A_499 : i32
          %swap3A_501 = arith.index_cast %mul3A_500 : i32 to index
          %swap3A_502 = tpu.vector_load %arg10[%swap3A_501] {strides = array<i32>} : memref<16384xf32, #tpu.memory_space<vmem>>, vector<16xf32>,
          tpu.vector_store %arg10[%swap3A_501], %get3A_498 {strides = array<i32>} : memref<16384xf32, #tpu.memory_space<vmem>>, vector<16xf32>,
          %mul3A_503 = arith.constant 33 : i32
          %mul3A_504 = arith.muli %add3A_494, %mul3A_503 : i32
          %add3A_505 = arith.constant 16 : i32
          %add3A_506 = arith.addi %mul3A_504, %add3A_505 : i32
          %get3A_507 = arith.index_cast %add3A_506 : i32 to index
          %get3A_508 = tpu.vector_load %arg8[%get3A_507] {strides = array<i32>} : memref<16896xf32, #tpu.memory_space<vmem>>, vector<16xf32>,
          %mul3A_509 = arith.constant 32 : i32
          %mul3A_510 = arith.muli %add3A_494, %mul3A_509 : i32
          %add3A_511 = arith.constant 16 : i32
          %add3A_512 = arith.addi %mul3A_510, %add3A_511 : i32
          %swap3A_513 = arith.index_cast %add3A_512 : i32 to index
          %swap3A_514 = tpu.vector_load %arg10[%swap3A_513] {strides = array<i32>} : memref<16384xf32, #tpu.memory_space<vmem>>, vector<16xf32>,
          tpu.vector_store %arg10[%swap3A_513], %get3A_508 {strides = array<i32>} : memref<16384xf32, #tpu.memory_space<vmem>>, vector<16xf32>,
          %mul3A_515 = arith.constant 16 : i32
          %mul3A_516 = arith.muli %scan3A_180, %mul3A_515 : i32
          %add3A_517 = arith.constant 14 : i32
          %add3A_518 = arith.addi %mul3A_516, %add3A_517 : i32
          %mul3A_519 = arith.constant 33 : i32
          %mul3A_520 = arith.muli %add3A_518, %mul3A_519 : i32
          %get3A_521 = arith.index_cast %mul3A_520 : i32 to index
          %get3A_522 = tpu.vector_load %arg8[%get3A_521] {strides = array<i32>} : memref<16896xf32, #tpu.memory_space<vmem>>, vector<16xf32>,
          %mul3A_523 = arith.constant 32 : i32
          %mul3A_524 = arith.muli %add3A_518, %mul3A_523 : i32
          %swap3A_525 = arith.index_cast %mul3A_524 : i32 to index
          %swap3A_526 = tpu.vector_load %arg10[%swap3A_525] {strides = array<i32>} : memref<16384xf32, #tpu.memory_space<vmem>>, vector<16xf32>,
          tpu.vector_store %arg10[%swap3A_525], %get3A_522 {strides = array<i32>} : memref<16384xf32, #tpu.memory_space<vmem>>, vector<16xf32>,
          %mul3A_527 = arith.constant 33 : i32
          %mul3A_528 = arith.muli %add3A_518, %mul3A_527 : i32
          %add3A_529 = arith.constant 16 : i32
          %add3A_530 = arith.addi %mul3A_528, %add3A_529 : i32
          %get3A_531 = arith.index_cast %add3A_530 : i32 to index
          %get3A_532 = tpu.vector_load %arg8[%get3A_531] {strides = array<i32>} : memref<16896xf32, #tpu.memory_space<vmem>>, vector<16xf32>,
          %mul3A_533 = arith.constant 32 : i32
          %mul3A_534 = arith.muli %add3A_518, %mul3A_533 : i32
          %add3A_535 = arith.constant 16 : i32
          %add3A_536 = arith.addi %mul3A_534, %add3A_535 : i32
          %swap3A_537 = arith.index_cast %add3A_536 : i32 to index
          %swap3A_538 = tpu.vector_load %arg10[%swap3A_537] {strides = array<i32>} : memref<16384xf32, #tpu.memory_space<vmem>>, vector<16xf32>,
          tpu.vector_store %arg10[%swap3A_537], %get3A_532 {strides = array<i32>} : memref<16384xf32, #tpu.memory_space<vmem>>, vector<16xf32>,
          %mul3A_539 = arith.constant 16 : i32
          %mul3A_540 = arith.muli %scan3A_180, %mul3A_539 : i32
          %add3A_541 = arith.constant 15 : i32
          %add3A_542 = arith.addi %mul3A_540, %add3A_541 : i32
          %mul3A_543 = arith.constant 33 : i32
          %mul3A_544 = arith.muli %add3A_542, %mul3A_543 : i32
          %get3A_545 = arith.index_cast %mul3A_544 : i32 to index
          %get3A_546 = tpu.vector_load %arg8[%get3A_545] {strides = array<i32>} : memref<16896xf32, #tpu.memory_space<vmem>>, vector<16xf32>,
          %mul3A_547 = arith.constant 32 : i32
          %mul3A_548 = arith.muli %add3A_542, %mul3A_547 : i32
          %swap3A_549 = arith.index_cast %mul3A_548 : i32 to index
          %swap3A_550 = tpu.vector_load %arg10[%swap3A_549] {strides = array<i32>} : memref<16384xf32, #tpu.memory_space<vmem>>, vector<16xf32>,
          tpu.vector_store %arg10[%swap3A_549], %get3A_546 {strides = array<i32>} : memref<16384xf32, #tpu.memory_space<vmem>>, vector<16xf32>,
          %mul3A_551 = arith.constant 33 : i32
          %mul3A_552 = arith.muli %add3A_542, %mul3A_551 : i32
          %add3A_553 = arith.constant 16 : i32
          %add3A_554 = arith.addi %mul3A_552, %add3A_553 : i32
          %get3A_555 = arith.index_cast %add3A_554 : i32 to index
          %get3A_556 = tpu.vector_load %arg8[%get3A_555] {strides = array<i32>} : memref<16896xf32, #tpu.memory_space<vmem>>, vector<16xf32>,
          %mul3A_557 = arith.constant 32 : i32
          %mul3A_558 = arith.muli %add3A_542, %mul3A_557 : i32
          %add3A_559 = arith.constant 16 : i32
          %add3A_560 = arith.addi %mul3A_558, %add3A_559 : i32
          %swap3A_561 = arith.index_cast %add3A_560 : i32 to index
          %swap3A_562 = tpu.vector_load %arg10[%swap3A_561] {strides = array<i32>} : memref<16384xf32, #tpu.memory_space<vmem>>, vector<16xf32>,
          tpu.vector_store %arg10[%swap3A_561], %get3A_556 {strides = array<i32>} : memref<16384xf32, #tpu.memory_space<vmem>>, vector<16xf32>,
        }
        %scan3A_173 = arith.constant 32 : i32
        %mul3A_174 = arith.constant 32 : i32
        %mul3A_175 = arith.muli %mul3A_174, %add3A_59 : i32
        %add3A_176 = arith.addi %add3A, %mul3A_175 : i32
        %mul3A_177 = arith.constant 16384 : i32
        %mul3A_178 = arith.muli %add3A_176, %mul3A_177 : i32
        %dma_start3A = tpu.memref_slice %arg4[%mul3A_178] : memref<32000000xf32, #tpu.memory_space<hbm>> -> memref<16384xf32, #tpu.memory_space<hbm>>
        %dma_start3A_179 = tpu.memref_slice %arg4[%mul3A_178] : memref<32000000xf32, #tpu.memory_space<hbm>> -> memref<16384xf32, #tpu.memory_space<hbm>>
        tpu.enqueue_dma source(%arg10 : memref<16384xf32, #tpu.memory_space<vmem>>) target(%dma_start3A_179 : memref<16384xf32, #tpu.memory_space<hbm>>) target_semaphore(%arg17 : memref<!tpu.dma_semaphore, #tpu.memory_space<semaphore_mem>>)
      } else {
      }
      %add3A_78 = arith.constant 2 : i32
      %add3A_79 = arith.addi %mul3A_37, %add3A_78 : i32
      %add3A_80 = arith.constant 2 : i32
      %add3A_81 = arith.addi %add3A_79, %add3A_80 : i32
      %mul3A_82 = arith.constant 32 : i32
      %mul3A_83 = arith.muli %mul3A_82, %add3A_81 : i32
      %add3A_84 = arith.addi %add3A, %mul3A_83 : i32
      %lt3A_85 = arith.constant 1953 : i32
      %lt3A_86 = arith.cmpi slt, %add3A_84, %lt3A_85 : i32
      %convert_element_type3A_87 = arith.extui %lt3A_86 : i1 to i32
      %cond3A_88 = arith.constant 0 : i32
      %cond3A_89 = arith.cmpi ne, %convert_element_type3A_87, %cond3A_88 : i32
      scf.if %cond3A_89 {
        %mul3A_98 = arith.constant 32 : i32
        %mul3A_99 = arith.muli %mul3A_98, %add3A_81 : i32
        %add3A_100 = arith.addi %add3A, %mul3A_99 : i32
        %mul3A_101 = arith.constant 512 : i32
        %mul3A_102 = arith.muli %add3A_100, %mul3A_101 : i32
        %dma_start3A = arith.constant 0 : i32
        %dma_start3A_103 = arith.constant 0 : i32
        %dma_start3A_104 = arith.constant 0 : i32
        %dma_start3A_105 = tpu.memref_slice %arg6[%dma_start3A, %dma_start3A_103, %dma_start3A_104] : memref<4x8x512xf32, #tpu.memory_space<vmem>> -> memref<1x8x512xf32, #tpu.memory_space<vmem>>
        %dma_start3A_106 = tpu.memref_squeeze %dma_start3A_105 : memref<1x8x512xf32, #tpu.memory_space<vmem>> -> memref<8x512xf32, #tpu.memory_space<vmem>>
        %dma_start3A_107 = arith.constant 0 : i32
        %dma_start3A_108 = tpu.memref_slice %arg2[%dma_start3A_107, %mul3A_102] : memref<32x1000000xf32, #tpu.memory_space<hbm>> -> memref<8x512xf32, #tpu.memory_space<hbm>>
        %dma_start3A_109 = arith.constant 0 : i32
        %dma_start3A_110 = arith.constant 0 : i32
        %dma_start3A_111 = tpu.memref_slice %arg6[%dma_start3A, %dma_start3A_109, %dma_start3A_110] : memref<4x8x512xf32, #tpu.memory_space<vmem>> -> memref<1x8x512xf32, #tpu.memory_space<vmem>>
        %dma_start3A_112 = tpu.memref_squeeze %dma_start3A_111 : memref<1x8x512xf32, #tpu.memory_space<vmem>> -> memref<8x512xf32, #tpu.memory_space<vmem>>
        %dma_start3A_113 = arith.constant 0 : i32
        %dma_start3A_114 = tpu.memref_slice %arg2[%dma_start3A_113, %mul3A_102] : memref<32x1000000xf32, #tpu.memory_space<hbm>> -> memref<8x512xf32, #tpu.memory_space<hbm>>
        tpu.enqueue_dma source(%dma_start3A_114 : memref<8x512xf32, #tpu.memory_space<hbm>>) target(%dma_start3A_112 : memref<8x512xf32, #tpu.memory_space<vmem>>) target_semaphore(%arg14 : memref<!tpu.dma_semaphore, #tpu.memory_space<semaphore_mem>>)
        %dma_start3A_115 = arith.constant 1 : i32
        %dma_start3A_116 = arith.constant 0 : i32
        %dma_start3A_117 = arith.constant 0 : i32
        %dma_start3A_118 = tpu.memref_slice %arg6[%dma_start3A_115, %dma_start3A_116, %dma_start3A_117] : memref<4x8x512xf32, #tpu.memory_space<vmem>> -> memref<1x8x512xf32, #tpu.memory_space<vmem>>
        %dma_start3A_119 = tpu.memref_squeeze %dma_start3A_118 : memref<1x8x512xf32, #tpu.memory_space<vmem>> -> memref<8x512xf32, #tpu.memory_space<vmem>>
        %dma_start3A_120 = arith.constant 8 : i32
        %dma_start3A_121 = tpu.memref_slice %arg2[%dma_start3A_120, %mul3A_102] : memref<32x1000000xf32, #tpu.memory_space<hbm>> -> memref<8x512xf32, #tpu.memory_space<hbm>>
        %dma_start3A_122 = arith.constant 0 : i32
        %dma_start3A_123 = arith.constant 0 : i32
        %dma_start3A_124 = tpu.memref_slice %arg6[%dma_start3A_115, %dma_start3A_122, %dma_start3A_123] : memref<4x8x512xf32, #tpu.memory_space<vmem>> -> memref<1x8x512xf32, #tpu.memory_space<vmem>>
        %dma_start3A_125 = tpu.memref_squeeze %dma_start3A_124 : memref<1x8x512xf32, #tpu.memory_space<vmem>> -> memref<8x512xf32, #tpu.memory_space<vmem>>
        %dma_start3A_126 = arith.constant 8 : i32
        %dma_start3A_127 = tpu.memref_slice %arg2[%dma_start3A_126, %mul3A_102] : memref<32x1000000xf32, #tpu.memory_space<hbm>> -> memref<8x512xf32, #tpu.memory_space<hbm>>
        tpu.enqueue_dma source(%dma_start3A_127 : memref<8x512xf32, #tpu.memory_space<hbm>>) target(%dma_start3A_125 : memref<8x512xf32, #tpu.memory_space<vmem>>) target_semaphore(%arg14 : memref<!tpu.dma_semaphore, #tpu.memory_space<semaphore_mem>>)
        %dma_start3A_128 = arith.constant 2 : i32
        %dma_start3A_129 = arith.constant 0 : i32
        %dma_start3A_130 = arith.constant 0 : i32
        %dma_start3A_131 = tpu.memref_slice %arg6[%dma_start3A_128, %dma_start3A_129, %dma_start3A_130] : memref<4x8x512xf32, #tpu.memory_space<vmem>> -> memref<1x8x512xf32, #tpu.memory_space<vmem>>
        %dma_start3A_132 = tpu.memref_squeeze %dma_start3A_131 : memref<1x8x512xf32, #tpu.memory_space<vmem>> -> memref<8x512xf32, #tpu.memory_space<vmem>>
        %dma_start3A_133 = arith.constant 16 : i32
        %dma_start3A_134 = tpu.memref_slice %arg2[%dma_start3A_133, %mul3A_102] : memref<32x1000000xf32, #tpu.memory_space<hbm>> -> memref<8x512xf32, #tpu.memory_space<hbm>>
        %dma_start3A_135 = arith.constant 0 : i32
        %dma_start3A_136 = arith.constant 0 : i32
        %dma_start3A_137 = tpu.memref_slice %arg6[%dma_start3A_128, %dma_start3A_135, %dma_start3A_136] : memref<4x8x512xf32, #tpu.memory_space<vmem>> -> memref<1x8x512xf32, #tpu.memory_space<vmem>>
        %dma_start3A_138 = tpu.memref_squeeze %dma_start3A_137 : memref<1x8x512xf32, #tpu.memory_space<vmem>> -> memref<8x512xf32, #tpu.memory_space<vmem>>
        %dma_start3A_139 = arith.constant 16 : i32
        %dma_start3A_140 = tpu.memref_slice %arg2[%dma_start3A_139, %mul3A_102] : memref<32x1000000xf32, #tpu.memory_space<hbm>> -> memref<8x512xf32, #tpu.memory_space<hbm>>
        tpu.enqueue_dma source(%dma_start3A_140 : memref<8x512xf32, #tpu.memory_space<hbm>>) target(%dma_start3A_138 : memref<8x512xf32, #tpu.memory_space<vmem>>) target_semaphore(%arg14 : memref<!tpu.dma_semaphore, #tpu.memory_space<semaphore_mem>>)
        %dma_start3A_141 = arith.constant 3 : i32
        %dma_start3A_142 = arith.constant 0 : i32
        %dma_start3A_143 = arith.constant 0 : i32
        %dma_start3A_144 = tpu.memref_slice %arg6[%dma_start3A_141, %dma_start3A_142, %dma_start3A_143] : memref<4x8x512xf32, #tpu.memory_space<vmem>> -> memref<1x8x512xf32, #tpu.memory_space<vmem>>
        %dma_start3A_145 = tpu.memref_squeeze %dma_start3A_144 : memref<1x8x512xf32, #tpu.memory_space<vmem>> -> memref<8x512xf32, #tpu.memory_space<vmem>>
        %dma_start3A_146 = arith.constant 24 : i32
        %dma_start3A_147 = tpu.memref_slice %arg2[%dma_start3A_146, %mul3A_102] : memref<32x1000000xf32, #tpu.memory_space<hbm>> -> memref<8x512xf32, #tpu.memory_space<hbm>>
        %dma_start3A_148 = arith.constant 0 : i32
        %dma_start3A_149 = arith.constant 0 : i32
        %dma_start3A_150 = tpu.memref_slice %arg6[%dma_start3A_141, %dma_start3A_148, %dma_start3A_149] : memref<4x8x512xf32, #tpu.memory_space<vmem>> -> memref<1x8x512xf32, #tpu.memory_space<vmem>>
        %dma_start3A_151 = tpu.memref_squeeze %dma_start3A_150 : memref<1x8x512xf32, #tpu.memory_space<vmem>> -> memref<8x512xf32, #tpu.memory_space<vmem>>
        %dma_start3A_152 = arith.constant 24 : i32
        %dma_start3A_153 = tpu.memref_slice %arg2[%dma_start3A_152, %mul3A_102] : memref<32x1000000xf32, #tpu.memory_space<hbm>> -> memref<8x512xf32, #tpu.memory_space<hbm>>
        tpu.enqueue_dma source(%dma_start3A_153 : memref<8x512xf32, #tpu.memory_space<hbm>>) target(%dma_start3A_151 : memref<8x512xf32, #tpu.memory_space<vmem>>) target_semaphore(%arg14 : memref<!tpu.dma_semaphore, #tpu.memory_space<semaphore_mem>>)
      } else {
      }
      %mul3A_90 = arith.constant 32 : i32
      %mul3A_91 = arith.muli %mul3A_90, %add3A_79 : i32
      %add3A_92 = arith.addi %add3A, %mul3A_91 : i32
      %lt3A_93 = arith.constant 1953 : i32
      %lt3A_94 = arith.cmpi slt, %add3A_92, %lt3A_93 : i32
      %convert_element_type3A_95 = arith.extui %lt3A_94 : i1 to i32
      %cond3A_96 = arith.constant 0 : i32
      %cond3A_97 = arith.cmpi ne, %convert_element_type3A_95, %cond3A_96 : i32
      scf.if %cond3A_97 {
        %dma_wait3A_98 = arith.constant 0 : i32
        %dma_wait3A_99 = arith.constant 0 : i32
        %dma_wait3A_100 = arith.constant 0 : i32
        %dma_wait3A_101 = tpu.memref_slice %arg7[%dma_wait3A_98, %dma_wait3A_99, %dma_wait3A_100] : memref<4x8x512xf32, #tpu.memory_space<vmem>> -> memref<1x8x512xf32, #tpu.memory_space<vmem>>
        %dma_wait3A_102 = tpu.memref_squeeze %dma_wait3A_101 : memref<1x8x512xf32, #tpu.memory_space<vmem>> -> memref<8x512xf32, #tpu.memory_space<vmem>>
        %dma_wait3A_103 = arith.constant 0 : i32
        %dma_wait3A_104 = arith.constant 0 : i32
        %dma_wait3A_105 = tpu.memref_slice %arg2[%dma_wait3A_103, %dma_wait3A_104] : memref<32x1000000xf32, #tpu.memory_space<hbm>> -> memref<8x512xf32, #tpu.memory_space<hbm>>
        %dma_wait3A_106 = arith.constant 0 : i32
        %dma_wait3A_107 = arith.constant 0 : i32
        %dma_wait3A_108 = tpu.memref_slice %arg7[%dma_wait3A_98, %dma_wait3A_106, %dma_wait3A_107] : memref<4x8x512xf32, #tpu.memory_space<vmem>> -> memref<1x8x512xf32, #tpu.memory_space<vmem>>
        %dma_wait3A_109 = tpu.memref_squeeze %dma_wait3A_108 : memref<1x8x512xf32, #tpu.memory_space<vmem>> -> memref<8x512xf32, #tpu.memory_space<vmem>>
        %dma_wait3A_110 = arith.constant 0 : i32
        %dma_wait3A_111 = arith.constant 0 : i32
        %dma_wait3A_112 = tpu.memref_slice %arg2[%dma_wait3A_110, %dma_wait3A_111] : memref<32x1000000xf32, #tpu.memory_space<hbm>> -> memref<8x512xf32, #tpu.memory_space<hbm>>
        tpu.wait_dma2 semaphore(%arg15 : memref<!tpu.dma_semaphore, #tpu.memory_space<semaphore_mem>>) src(%dma_wait3A_112 : memref<8x512xf32, #tpu.memory_space<hbm>>) dst(%dma_wait3A_109 : memref<8x512xf32, #tpu.memory_space<vmem>>)
        %dma_wait3A_113 = arith.constant 1 : i32
        %dma_wait3A_114 = arith.constant 0 : i32
        %dma_wait3A_115 = arith.constant 0 : i32
        %dma_wait3A_116 = tpu.memref_slice %arg7[%dma_wait3A_113, %dma_wait3A_114, %dma_wait3A_115] : memref<4x8x512xf32, #tpu.memory_space<vmem>> -> memref<1x8x512xf32, #tpu.memory_space<vmem>>
        %dma_wait3A_117 = tpu.memref_squeeze %dma_wait3A_116 : memref<1x8x512xf32, #tpu.memory_space<vmem>> -> memref<8x512xf32, #tpu.memory_space<vmem>>
        %dma_wait3A_118 = arith.constant 0 : i32
        %dma_wait3A_119 = arith.constant 0 : i32
        %dma_wait3A_120 = tpu.memref_slice %arg2[%dma_wait3A_118, %dma_wait3A_119] : memref<32x1000000xf32, #tpu.memory_space<hbm>> -> memref<8x512xf32, #tpu.memory_space<hbm>>
        %dma_wait3A_121 = arith.constant 0 : i32
        %dma_wait3A_122 = arith.constant 0 : i32
        %dma_wait3A_123 = tpu.memref_slice %arg7[%dma_wait3A_113, %dma_wait3A_121, %dma_wait3A_122] : memref<4x8x512xf32, #tpu.memory_space<vmem>> -> memref<1x8x512xf32, #tpu.memory_space<vmem>>
        %dma_wait3A_124 = tpu.memref_squeeze %dma_wait3A_123 : memref<1x8x512xf32, #tpu.memory_space<vmem>> -> memref<8x512xf32, #tpu.memory_space<vmem>>
        %dma_wait3A_125 = arith.constant 0 : i32
        %dma_wait3A_126 = arith.constant 0 : i32
        %dma_wait3A_127 = tpu.memref_slice %arg2[%dma_wait3A_125, %dma_wait3A_126] : memref<32x1000000xf32, #tpu.memory_space<hbm>> -> memref<8x512xf32, #tpu.memory_space<hbm>>
        tpu.wait_dma2 semaphore(%arg15 : memref<!tpu.dma_semaphore, #tpu.memory_space<semaphore_mem>>) src(%dma_wait3A_127 : memref<8x512xf32, #tpu.memory_space<hbm>>) dst(%dma_wait3A_124 : memref<8x512xf32, #tpu.memory_space<vmem>>)
        %dma_wait3A_128 = arith.constant 2 : i32
        %dma_wait3A_129 = arith.constant 0 : i32
        %dma_wait3A_130 = arith.constant 0 : i32
        %dma_wait3A_131 = tpu.memref_slice %arg7[%dma_wait3A_128, %dma_wait3A_129, %dma_wait3A_130] : memref<4x8x512xf32, #tpu.memory_space<vmem>> -> memref<1x8x512xf32, #tpu.memory_space<vmem>>
        %dma_wait3A_132 = tpu.memref_squeeze %dma_wait3A_131 : memref<1x8x512xf32, #tpu.memory_space<vmem>> -> memref<8x512xf32, #tpu.memory_space<vmem>>
        %dma_wait3A_133 = arith.constant 0 : i32
        %dma_wait3A_134 = arith.constant 0 : i32
        %dma_wait3A_135 = tpu.memref_slice %arg2[%dma_wait3A_133, %dma_wait3A_134] : memref<32x1000000xf32, #tpu.memory_space<hbm>> -> memref<8x512xf32, #tpu.memory_space<hbm>>
        %dma_wait3A_136 = arith.constant 0 : i32
        %dma_wait3A_137 = arith.constant 0 : i32
        %dma_wait3A_138 = tpu.memref_slice %arg7[%dma_wait3A_128, %dma_wait3A_136, %dma_wait3A_137] : memref<4x8x512xf32, #tpu.memory_space<vmem>> -> memref<1x8x512xf32, #tpu.memory_space<vmem>>
        %dma_wait3A_139 = tpu.memref_squeeze %dma_wait3A_138 : memref<1x8x512xf32, #tpu.memory_space<vmem>> -> memref<8x512xf32, #tpu.memory_space<vmem>>
        %dma_wait3A_140 = arith.constant 0 : i32
        %dma_wait3A_141 = arith.constant 0 : i32
        %dma_wait3A_142 = tpu.memref_slice %arg2[%dma_wait3A_140, %dma_wait3A_141] : memref<32x1000000xf32, #tpu.memory_space<hbm>> -> memref<8x512xf32, #tpu.memory_space<hbm>>
        tpu.wait_dma2 semaphore(%arg15 : memref<!tpu.dma_semaphore, #tpu.memory_space<semaphore_mem>>) src(%dma_wait3A_142 : memref<8x512xf32, #tpu.memory_space<hbm>>) dst(%dma_wait3A_139 : memref<8x512xf32, #tpu.memory_space<vmem>>)
        %dma_wait3A_143 = arith.constant 3 : i32
        %dma_wait3A_144 = arith.constant 0 : i32
        %dma_wait3A_145 = arith.constant 0 : i32
        %dma_wait3A_146 = tpu.memref_slice %arg7[%dma_wait3A_143, %dma_wait3A_144, %dma_wait3A_145] : memref<4x8x512xf32, #tpu.memory_space<vmem>> -> memref<1x8x512xf32, #tpu.memory_space<vmem>>
        %dma_wait3A_147 = tpu.memref_squeeze %dma_wait3A_146 : memref<1x8x512xf32, #tpu.memory_space<vmem>> -> memref<8x512xf32, #tpu.memory_space<vmem>>
        %dma_wait3A_148 = arith.constant 0 : i32
        %dma_wait3A_149 = arith.constant 0 : i32
        %dma_wait3A_150 = tpu.memref_slice %arg2[%dma_wait3A_148, %dma_wait3A_149] : memref<32x1000000xf32, #tpu.memory_space<hbm>> -> memref<8x512xf32, #tpu.memory_space<hbm>>
        %dma_wait3A_151 = arith.constant 0 : i32
        %dma_wait3A_152 = arith.constant 0 : i32
        %dma_wait3A_153 = tpu.memref_slice %arg7[%dma_wait3A_143, %dma_wait3A_151, %dma_wait3A_152] : memref<4x8x512xf32, #tpu.memory_space<vmem>> -> memref<1x8x512xf32, #tpu.memory_space<vmem>>
        %dma_wait3A_154 = tpu.memref_squeeze %dma_wait3A_153 : memref<1x8x512xf32, #tpu.memory_space<vmem>> -> memref<8x512xf32, #tpu.memory_space<vmem>>
        %dma_wait3A_155 = arith.constant 0 : i32
        %dma_wait3A_156 = arith.constant 0 : i32
        %dma_wait3A_157 = tpu.memref_slice %arg2[%dma_wait3A_155, %dma_wait3A_156] : memref<32x1000000xf32, #tpu.memory_space<hbm>> -> memref<8x512xf32, #tpu.memory_space<hbm>>
        tpu.wait_dma2 semaphore(%arg15 : memref<!tpu.dma_semaphore, #tpu.memory_space<semaphore_mem>>) src(%dma_wait3A_157 : memref<8x512xf32, #tpu.memory_space<hbm>>) dst(%dma_wait3A_154 : memref<8x512xf32, #tpu.memory_space<vmem>>)
        %ge3A = arith.constant 3 : i32
        %ge3A_158 = arith.cmpi sge, %add3A_79, %ge3A : i32
        %convert_element_type3A_159 = arith.extui %ge3A_158 : i1 to i32
        %cond3A_160 = arith.constant 0 : i32
        %cond3A_161 = arith.cmpi ne, %convert_element_type3A_159, %cond3A_160 : i32
        scf.if %cond3A_161 {
          %dma_wait3A_180 = arith.constant 0 : i32
          %dma_wait3A_181 = tpu.memref_slice %arg4[%dma_wait3A_180] : memref<32000000xf32, #tpu.memory_space<hbm>> -> memref<16384xf32, #tpu.memory_space<hbm>>
          %dma_wait3A_182 = arith.constant 0 : i32
          %dma_wait3A_183 = tpu.memref_slice %arg4[%dma_wait3A_182] : memref<32000000xf32, #tpu.memory_space<hbm>> -> memref<16384xf32, #tpu.memory_space<hbm>>
          tpu.wait_dma2 semaphore(%arg18 : memref<!tpu.dma_semaphore, #tpu.memory_space<semaphore_mem>>) src(%dma_wait3A_183 : memref<16384xf32, #tpu.memory_space<hbm>>) dst(%arg11 : memref<16384xf32, #tpu.memory_space<vmem>>)
        } else {
        }
        %scan3A_162 = arith.constant 0 : i32
        %scan3A_163 = arith.constant 0 : i32
        %scan3A_164 = arith.constant 32 : i32
        %scan3A_165 = arith.addi %scan3A_163, %scan3A_164 : i32
        %scan3A_166 = arith.constant 1 : i32
        scf.for %scan3A_180 = %scan3A_163 to %scan3A_165 step %scan3A_166  : i32 {
          %mul3A_181 = arith.constant 528 : i32
          %mul3A_182 = arith.muli %scan3A_180, %mul3A_181 : i32
          %mul3A_183 = arith.constant 16 : i32
          %mul3A_184 = arith.muli %scan3A_180, %mul3A_183 : i32
          %get3A = arith.constant 0 : i32
          %get3A_185 = arith.constant 0 : i32
          %get3A_186 = arith.index_cast %get3A : i32 to index
          %get3A_187 = arith.index_cast %get3A_185 : i32 to index
          %get3A_188 = arith.index_cast %mul3A_184 : i32 to index
          %get3A_189 = tpu.vector_load %arg7[%get3A_186, %get3A_187, %get3A_188] {strides = array<i32>} : memref<4x8x512xf32, #tpu.memory_space<vmem>>, vector<16xf32>,
          %add3A_190 = arith.constant 0 : i32
          %add3A_191 = arith.addi %mul3A_182, %add3A_190 : i32
          %add3A_192 = vector.broadcast %add3A_191 : i32 to vector<16xi32>
          %add3A_193 = arith.addi %mul3A_3, %add3A_192 : vector<16xi32>
          tpu.vector_store_idx %arg8[%add3A_193], %get3A_189 : memref<16896xf32, #tpu.memory_space<vmem>>[vector<16xi32>], vector<16xf32>,
          %get3A_194 = arith.constant 0 : i32
          %get3A_195 = arith.constant 1 : i32
          %get3A_196 = arith.index_cast %get3A_194 : i32 to index
          %get3A_197 = arith.index_cast %get3A_195 : i32 to index
          %get3A_198 = arith.index_cast %mul3A_184 : i32 to index
          %get3A_199 = tpu.vector_load %arg7[%get3A_196, %get3A_197, %get3A_198] {strides = array<i32>} : memref<4x8x512xf32, #tpu.memory_space<vmem>>, vector<16xf32>,
          %add3A_200 = arith.constant 1 : i32
          %add3A_201 = arith.addi %mul3A_182, %add3A_200 : i32
          %add3A_202 = vector.broadcast %add3A_201 : i32 to vector<16xi32>
          %add3A_203 = arith.addi %mul3A_3, %add3A_202 : vector<16xi32>
          tpu.vector_store_idx %arg8[%add3A_203], %get3A_199 : memref<16896xf32, #tpu.memory_space<vmem>>[vector<16xi32>], vector<16xf32>,
          %get3A_204 = arith.constant 0 : i32
          %get3A_205 = arith.constant 2 : i32
          %get3A_206 = arith.index_cast %get3A_204 : i32 to index
          %get3A_207 = arith.index_cast %get3A_205 : i32 to index
          %get3A_208 = arith.index_cast %mul3A_184 : i32 to index
          %get3A_209 = tpu.vector_load %arg7[%get3A_206, %get3A_207, %get3A_208] {strides = array<i32>} : memref<4x8x512xf32, #tpu.memory_space<vmem>>, vector<16xf32>,
          %add3A_210 = arith.constant 2 : i32
          %add3A_211 = arith.addi %mul3A_182, %add3A_210 : i32
          %add3A_212 = vector.broadcast %add3A_211 : i32 to vector<16xi32>
          %add3A_213 = arith.addi %mul3A_3, %add3A_212 : vector<16xi32>
          tpu.vector_store_idx %arg8[%add3A_213], %get3A_209 : memref<16896xf32, #tpu.memory_space<vmem>>[vector<16xi32>], vector<16xf32>,
          %get3A_214 = arith.constant 0 : i32
          %get3A_215 = arith.constant 3 : i32
          %get3A_216 = arith.index_cast %get3A_214 : i32 to index
          %get3A_217 = arith.index_cast %get3A_215 : i32 to index
          %get3A_218 = arith.index_cast %mul3A_184 : i32 to index
          %get3A_219 = tpu.vector_load %arg7[%get3A_216, %get3A_217, %get3A_218] {strides = array<i32>} : memref<4x8x512xf32, #tpu.memory_space<vmem>>, vector<16xf32>,
          %add3A_220 = arith.constant 3 : i32
          %add3A_221 = arith.addi %mul3A_182, %add3A_220 : i32
          %add3A_222 = vector.broadcast %add3A_221 : i32 to vector<16xi32>
          %add3A_223 = arith.addi %mul3A_3, %add3A_222 : vector<16xi32>
          tpu.vector_store_idx %arg8[%add3A_223], %get3A_219 : memref<16896xf32, #tpu.memory_space<vmem>>[vector<16xi32>], vector<16xf32>,
          %get3A_224 = arith.constant 0 : i32
          %get3A_225 = arith.constant 4 : i32
          %get3A_226 = arith.index_cast %get3A_224 : i32 to index
          %get3A_227 = arith.index_cast %get3A_225 : i32 to index
          %get3A_228 = arith.index_cast %mul3A_184 : i32 to index
          %get3A_229 = tpu.vector_load %arg7[%get3A_226, %get3A_227, %get3A_228] {strides = array<i32>} : memref<4x8x512xf32, #tpu.memory_space<vmem>>, vector<16xf32>,
          %add3A_230 = arith.constant 4 : i32
          %add3A_231 = arith.addi %mul3A_182, %add3A_230 : i32
          %add3A_232 = vector.broadcast %add3A_231 : i32 to vector<16xi32>
          %add3A_233 = arith.addi %mul3A_3, %add3A_232 : vector<16xi32>
          tpu.vector_store_idx %arg8[%add3A_233], %get3A_229 : memref<16896xf32, #tpu.memory_space<vmem>>[vector<16xi32>], vector<16xf32>,
          %get3A_234 = arith.constant 0 : i32
          %get3A_235 = arith.constant 5 : i32
          %get3A_236 = arith.index_cast %get3A_234 : i32 to index
          %get3A_237 = arith.index_cast %get3A_235 : i32 to index
          %get3A_238 = arith.index_cast %mul3A_184 : i32 to index
          %get3A_239 = tpu.vector_load %arg7[%get3A_236, %get3A_237, %get3A_238] {strides = array<i32>} : memref<4x8x512xf32, #tpu.memory_space<vmem>>, vector<16xf32>,
          %add3A_240 = arith.constant 5 : i32
          %add3A_241 = arith.addi %mul3A_182, %add3A_240 : i32
          %add3A_242 = vector.broadcast %add3A_241 : i32 to vector<16xi32>
          %add3A_243 = arith.addi %mul3A_3, %add3A_242 : vector<16xi32>
          tpu.vector_store_idx %arg8[%add3A_243], %get3A_239 : memref<16896xf32, #tpu.memory_space<vmem>>[vector<16xi32>], vector<16xf32>,
          %get3A_244 = arith.constant 0 : i32
          %get3A_245 = arith.constant 6 : i32
          %get3A_246 = arith.index_cast %get3A_244 : i32 to index
          %get3A_247 = arith.index_cast %get3A_245 : i32 to index
          %get3A_248 = arith.index_cast %mul3A_184 : i32 to index
          %get3A_249 = tpu.vector_load %arg7[%get3A_246, %get3A_247, %get3A_248] {strides = array<i32>} : memref<4x8x512xf32, #tpu.memory_space<vmem>>, vector<16xf32>,
          %add3A_250 = arith.constant 6 : i32
          %add3A_251 = arith.addi %mul3A_182, %add3A_250 : i32
          %add3A_252 = vector.broadcast %add3A_251 : i32 to vector<16xi32>
          %add3A_253 = arith.addi %mul3A_3, %add3A_252 : vector<16xi32>
          tpu.vector_store_idx %arg8[%add3A_253], %get3A_249 : memref<16896xf32, #tpu.memory_space<vmem>>[vector<16xi32>], vector<16xf32>,
          %get3A_254 = arith.constant 0 : i32
          %get3A_255 = arith.constant 7 : i32
          %get3A_256 = arith.index_cast %get3A_254 : i32 to index
          %get3A_257 = arith.index_cast %get3A_255 : i32 to index
          %get3A_258 = arith.index_cast %mul3A_184 : i32 to index
          %get3A_259 = tpu.vector_load %arg7[%get3A_256, %get3A_257, %get3A_258] {strides = array<i32>} : memref<4x8x512xf32, #tpu.memory_space<vmem>>, vector<16xf32>,
          %add3A_260 = arith.constant 7 : i32
          %add3A_261 = arith.addi %mul3A_182, %add3A_260 : i32
          %add3A_262 = vector.broadcast %add3A_261 : i32 to vector<16xi32>
          %add3A_263 = arith.addi %mul3A_3, %add3A_262 : vector<16xi32>
          tpu.vector_store_idx %arg8[%add3A_263], %get3A_259 : memref<16896xf32, #tpu.memory_space<vmem>>[vector<16xi32>], vector<16xf32>,
          %get3A_264 = arith.constant 1 : i32
          %get3A_265 = arith.constant 0 : i32
          %get3A_266 = arith.index_cast %get3A_264 : i32 to index
          %get3A_267 = arith.index_cast %get3A_265 : i32 to index
          %get3A_268 = arith.index_cast %mul3A_184 : i32 to index
          %get3A_269 = tpu.vector_load %arg7[%get3A_266, %get3A_267, %get3A_268] {strides = array<i32>} : memref<4x8x512xf32, #tpu.memory_space<vmem>>, vector<16xf32>,
          %add3A_270 = arith.constant 8 : i32
          %add3A_271 = arith.addi %mul3A_182, %add3A_270 : i32
          %add3A_272 = vector.broadcast %add3A_271 : i32 to vector<16xi32>
          %add3A_273 = arith.addi %mul3A_3, %add3A_272 : vector<16xi32>
          tpu.vector_store_idx %arg8[%add3A_273], %get3A_269 : memref<16896xf32, #tpu.memory_space<vmem>>[vector<16xi32>], vector<16xf32>,
          %get3A_274 = arith.constant 1 : i32
          %get3A_275 = arith.constant 1 : i32
          %get3A_276 = arith.index_cast %get3A_274 : i32 to index
          %get3A_277 = arith.index_cast %get3A_275 : i32 to index
          %get3A_278 = arith.index_cast %mul3A_184 : i32 to index
          %get3A_279 = tpu.vector_load %arg7[%get3A_276, %get3A_277, %get3A_278] {strides = array<i32>} : memref<4x8x512xf32, #tpu.memory_space<vmem>>, vector<16xf32>,
          %add3A_280 = arith.constant 9 : i32
          %add3A_281 = arith.addi %mul3A_182, %add3A_280 : i32
          %add3A_282 = vector.broadcast %add3A_281 : i32 to vector<16xi32>
          %add3A_283 = arith.addi %mul3A_3, %add3A_282 : vector<16xi32>
          tpu.vector_store_idx %arg8[%add3A_283], %get3A_279 : memref<16896xf32, #tpu.memory_space<vmem>>[vector<16xi32>], vector<16xf32>,
          %get3A_284 = arith.constant 1 : i32
          %get3A_285 = arith.constant 2 : i32
          %get3A_286 = arith.index_cast %get3A_284 : i32 to index
          %get3A_287 = arith.index_cast %get3A_285 : i32 to index
          %get3A_288 = arith.index_cast %mul3A_184 : i32 to index
          %get3A_289 = tpu.vector_load %arg7[%get3A_286, %get3A_287, %get3A_288] {strides = array<i32>} : memref<4x8x512xf32, #tpu.memory_space<vmem>>, vector<16xf32>,
          %add3A_290 = arith.constant 10 : i32
          %add3A_291 = arith.addi %mul3A_182, %add3A_290 : i32
          %add3A_292 = vector.broadcast %add3A_291 : i32 to vector<16xi32>
          %add3A_293 = arith.addi %mul3A_3, %add3A_292 : vector<16xi32>
          tpu.vector_store_idx %arg8[%add3A_293], %get3A_289 : memref<16896xf32, #tpu.memory_space<vmem>>[vector<16xi32>], vector<16xf32>,
          %get3A_294 = arith.constant 1 : i32
          %get3A_295 = arith.constant 3 : i32
          %get3A_296 = arith.index_cast %get3A_294 : i32 to index
          %get3A_297 = arith.index_cast %get3A_295 : i32 to index
          %get3A_298 = arith.index_cast %mul3A_184 : i32 to index
          %get3A_299 = tpu.vector_load %arg7[%get3A_296, %get3A_297, %get3A_298] {strides = array<i32>} : memref<4x8x512xf32, #tpu.memory_space<vmem>>, vector<16xf32>,
          %add3A_300 = arith.constant 11 : i32
          %add3A_301 = arith.addi %mul3A_182, %add3A_300 : i32
          %add3A_302 = vector.broadcast %add3A_301 : i32 to vector<16xi32>
          %add3A_303 = arith.addi %mul3A_3, %add3A_302 : vector<16xi32>
          tpu.vector_store_idx %arg8[%add3A_303], %get3A_299 : memref<16896xf32, #tpu.memory_space<vmem>>[vector<16xi32>], vector<16xf32>,
          %get3A_304 = arith.constant 1 : i32
          %get3A_305 = arith.constant 4 : i32
          %get3A_306 = arith.index_cast %get3A_304 : i32 to index
          %get3A_307 = arith.index_cast %get3A_305 : i32 to index
          %get3A_308 = arith.index_cast %mul3A_184 : i32 to index
          %get3A_309 = tpu.vector_load %arg7[%get3A_306, %get3A_307, %get3A_308] {strides = array<i32>} : memref<4x8x512xf32, #tpu.memory_space<vmem>>, vector<16xf32>,
          %add3A_310 = arith.constant 12 : i32
          %add3A_311 = arith.addi %mul3A_182, %add3A_310 : i32
          %add3A_312 = vector.broadcast %add3A_311 : i32 to vector<16xi32>
          %add3A_313 = arith.addi %mul3A_3, %add3A_312 : vector<16xi32>
          tpu.vector_store_idx %arg8[%add3A_313], %get3A_309 : memref<16896xf32, #tpu.memory_space<vmem>>[vector<16xi32>], vector<16xf32>,
          %get3A_314 = arith.constant 1 : i32
          %get3A_315 = arith.constant 5 : i32
          %get3A_316 = arith.index_cast %get3A_314 : i32 to index
          %get3A_317 = arith.index_cast %get3A_315 : i32 to index
          %get3A_318 = arith.index_cast %mul3A_184 : i32 to index
          %get3A_319 = tpu.vector_load %arg7[%get3A_316, %get3A_317, %get3A_318] {strides = array<i32>} : memref<4x8x512xf32, #tpu.memory_space<vmem>>, vector<16xf32>,
          %add3A_320 = arith.constant 13 : i32
          %add3A_321 = arith.addi %mul3A_182, %add3A_320 : i32
          %add3A_322 = vector.broadcast %add3A_321 : i32 to vector<16xi32>
          %add3A_323 = arith.addi %mul3A_3, %add3A_322 : vector<16xi32>
          tpu.vector_store_idx %arg8[%add3A_323], %get3A_319 : memref<16896xf32, #tpu.memory_space<vmem>>[vector<16xi32>], vector<16xf32>,
          %get3A_324 = arith.constant 1 : i32
          %get3A_325 = arith.constant 6 : i32
          %get3A_326 = arith.index_cast %get3A_324 : i32 to index
          %get3A_327 = arith.index_cast %get3A_325 : i32 to index
          %get3A_328 = arith.index_cast %mul3A_184 : i32 to index
          %get3A_329 = tpu.vector_load %arg7[%get3A_326, %get3A_327, %get3A_328] {strides = array<i32>} : memref<4x8x512xf32, #tpu.memory_space<vmem>>, vector<16xf32>,
          %add3A_330 = arith.constant 14 : i32
          %add3A_331 = arith.addi %mul3A_182, %add3A_330 : i32
          %add3A_332 = vector.broadcast %add3A_331 : i32 to vector<16xi32>
          %add3A_333 = arith.addi %mul3A_3, %add3A_332 : vector<16xi32>
          tpu.vector_store_idx %arg8[%add3A_333], %get3A_329 : memref<16896xf32, #tpu.memory_space<vmem>>[vector<16xi32>], vector<16xf32>,
          %get3A_334 = arith.constant 1 : i32
          %get3A_335 = arith.constant 7 : i32
          %get3A_336 = arith.index_cast %get3A_334 : i32 to index
          %get3A_337 = arith.index_cast %get3A_335 : i32 to index
          %get3A_338 = arith.index_cast %mul3A_184 : i32 to index
          %get3A_339 = tpu.vector_load %arg7[%get3A_336, %get3A_337, %get3A_338] {strides = array<i32>} : memref<4x8x512xf32, #tpu.memory_space<vmem>>, vector<16xf32>,
          %add3A_340 = arith.constant 15 : i32
          %add3A_341 = arith.addi %mul3A_182, %add3A_340 : i32
          %add3A_342 = vector.broadcast %add3A_341 : i32 to vector<16xi32>
          %add3A_343 = arith.addi %mul3A_3, %add3A_342 : vector<16xi32>
          tpu.vector_store_idx %arg8[%add3A_343], %get3A_339 : memref<16896xf32, #tpu.memory_space<vmem>>[vector<16xi32>], vector<16xf32>,
          %get3A_344 = arith.constant 2 : i32
          %get3A_345 = arith.constant 0 : i32
          %get3A_346 = arith.index_cast %get3A_344 : i32 to index
          %get3A_347 = arith.index_cast %get3A_345 : i32 to index
          %get3A_348 = arith.index_cast %mul3A_184 : i32 to index
          %get3A_349 = tpu.vector_load %arg7[%get3A_346, %get3A_347, %get3A_348] {strides = array<i32>} : memref<4x8x512xf32, #tpu.memory_space<vmem>>, vector<16xf32>,
          %add3A_350 = arith.constant 16 : i32
          %add3A_351 = arith.addi %mul3A_182, %add3A_350 : i32
          %add3A_352 = vector.broadcast %add3A_351 : i32 to vector<16xi32>
          %add3A_353 = arith.addi %mul3A_3, %add3A_352 : vector<16xi32>
          tpu.vector_store_idx %arg8[%add3A_353], %get3A_349 : memref<16896xf32, #tpu.memory_space<vmem>>[vector<16xi32>], vector<16xf32>,
          %get3A_354 = arith.constant 2 : i32
          %get3A_355 = arith.constant 1 : i32
          %get3A_356 = arith.index_cast %get3A_354 : i32 to index
          %get3A_357 = arith.index_cast %get3A_355 : i32 to index
          %get3A_358 = arith.index_cast %mul3A_184 : i32 to index
          %get3A_359 = tpu.vector_load %arg7[%get3A_356, %get3A_357, %get3A_358] {strides = array<i32>} : memref<4x8x512xf32, #tpu.memory_space<vmem>>, vector<16xf32>,
          %add3A_360 = arith.constant 17 : i32
          %add3A_361 = arith.addi %mul3A_182, %add3A_360 : i32
          %add3A_362 = vector.broadcast %add3A_361 : i32 to vector<16xi32>
          %add3A_363 = arith.addi %mul3A_3, %add3A_362 : vector<16xi32>
          tpu.vector_store_idx %arg8[%add3A_363], %get3A_359 : memref<16896xf32, #tpu.memory_space<vmem>>[vector<16xi32>], vector<16xf32>,
          %get3A_364 = arith.constant 2 : i32
          %get3A_365 = arith.constant 2 : i32
          %get3A_366 = arith.index_cast %get3A_364 : i32 to index
          %get3A_367 = arith.index_cast %get3A_365 : i32 to index
          %get3A_368 = arith.index_cast %mul3A_184 : i32 to index
          %get3A_369 = tpu.vector_load %arg7[%get3A_366, %get3A_367, %get3A_368] {strides = array<i32>} : memref<4x8x512xf32, #tpu.memory_space<vmem>>, vector<16xf32>,
          %add3A_370 = arith.constant 18 : i32
          %add3A_371 = arith.addi %mul3A_182, %add3A_370 : i32
          %add3A_372 = vector.broadcast %add3A_371 : i32 to vector<16xi32>
          %add3A_373 = arith.addi %mul3A_3, %add3A_372 : vector<16xi32>
          tpu.vector_store_idx %arg8[%add3A_373], %get3A_369 : memref<16896xf32, #tpu.memory_space<vmem>>[vector<16xi32>], vector<16xf32>,
          %get3A_374 = arith.constant 2 : i32
          %get3A_375 = arith.constant 3 : i32
          %get3A_376 = arith.index_cast %get3A_374 : i32 to index
          %get3A_377 = arith.index_cast %get3A_375 : i32 to index
          %get3A_378 = arith.index_cast %mul3A_184 : i32 to index
          %get3A_379 = tpu.vector_load %arg7[%get3A_376, %get3A_377, %get3A_378] {strides = array<i32>} : memref<4x8x512xf32, #tpu.memory_space<vmem>>, vector<16xf32>,
          %add3A_380 = arith.constant 19 : i32
          %add3A_381 = arith.addi %mul3A_182, %add3A_380 : i32
          %add3A_382 = vector.broadcast %add3A_381 : i32 to vector<16xi32>
          %add3A_383 = arith.addi %mul3A_3, %add3A_382 : vector<16xi32>
          tpu.vector_store_idx %arg8[%add3A_383], %get3A_379 : memref<16896xf32, #tpu.memory_space<vmem>>[vector<16xi32>], vector<16xf32>,
          %get3A_384 = arith.constant 2 : i32
          %get3A_385 = arith.constant 4 : i32
          %get3A_386 = arith.index_cast %get3A_384 : i32 to index
          %get3A_387 = arith.index_cast %get3A_385 : i32 to index
          %get3A_388 = arith.index_cast %mul3A_184 : i32 to index
          %get3A_389 = tpu.vector_load %arg7[%get3A_386, %get3A_387, %get3A_388] {strides = array<i32>} : memref<4x8x512xf32, #tpu.memory_space<vmem>>, vector<16xf32>,
          %add3A_390 = arith.constant 20 : i32
          %add3A_391 = arith.addi %mul3A_182, %add3A_390 : i32
          %add3A_392 = vector.broadcast %add3A_391 : i32 to vector<16xi32>
          %add3A_393 = arith.addi %mul3A_3, %add3A_392 : vector<16xi32>
          tpu.vector_store_idx %arg8[%add3A_393], %get3A_389 : memref<16896xf32, #tpu.memory_space<vmem>>[vector<16xi32>], vector<16xf32>,
          %get3A_394 = arith.constant 2 : i32
          %get3A_395 = arith.constant 5 : i32
          %get3A_396 = arith.index_cast %get3A_394 : i32 to index
          %get3A_397 = arith.index_cast %get3A_395 : i32 to index
          %get3A_398 = arith.index_cast %mul3A_184 : i32 to index
          %get3A_399 = tpu.vector_load %arg7[%get3A_396, %get3A_397, %get3A_398] {strides = array<i32>} : memref<4x8x512xf32, #tpu.memory_space<vmem>>, vector<16xf32>,
          %add3A_400 = arith.constant 21 : i32
          %add3A_401 = arith.addi %mul3A_182, %add3A_400 : i32
          %add3A_402 = vector.broadcast %add3A_401 : i32 to vector<16xi32>
          %add3A_403 = arith.addi %mul3A_3, %add3A_402 : vector<16xi32>
          tpu.vector_store_idx %arg8[%add3A_403], %get3A_399 : memref<16896xf32, #tpu.memory_space<vmem>>[vector<16xi32>], vector<16xf32>,
          %get3A_404 = arith.constant 2 : i32
          %get3A_405 = arith.constant 6 : i32
          %get3A_406 = arith.index_cast %get3A_404 : i32 to index
          %get3A_407 = arith.index_cast %get3A_405 : i32 to index
          %get3A_408 = arith.index_cast %mul3A_184 : i32 to index
          %get3A_409 = tpu.vector_load %arg7[%get3A_406, %get3A_407, %get3A_408] {strides = array<i32>} : memref<4x8x512xf32, #tpu.memory_space<vmem>>, vector<16xf32>,
          %add3A_410 = arith.constant 22 : i32
          %add3A_411 = arith.addi %mul3A_182, %add3A_410 : i32
          %add3A_412 = vector.broadcast %add3A_411 : i32 to vector<16xi32>
          %add3A_413 = arith.addi %mul3A_3, %add3A_412 : vector<16xi32>
          tpu.vector_store_idx %arg8[%add3A_413], %get3A_409 : memref<16896xf32, #tpu.memory_space<vmem>>[vector<16xi32>], vector<16xf32>,
          %get3A_414 = arith.constant 2 : i32
          %get3A_415 = arith.constant 7 : i32
          %get3A_416 = arith.index_cast %get3A_414 : i32 to index
          %get3A_417 = arith.index_cast %get3A_415 : i32 to index
          %get3A_418 = arith.index_cast %mul3A_184 : i32 to index
          %get3A_419 = tpu.vector_load %arg7[%get3A_416, %get3A_417, %get3A_418] {strides = array<i32>} : memref<4x8x512xf32, #tpu.memory_space<vmem>>, vector<16xf32>,
          %add3A_420 = arith.constant 23 : i32
          %add3A_421 = arith.addi %mul3A_182, %add3A_420 : i32
          %add3A_422 = vector.broadcast %add3A_421 : i32 to vector<16xi32>
          %add3A_423 = arith.addi %mul3A_3, %add3A_422 : vector<16xi32>
          tpu.vector_store_idx %arg8[%add3A_423], %get3A_419 : memref<16896xf32, #tpu.memory_space<vmem>>[vector<16xi32>], vector<16xf32>,
          %get3A_424 = arith.constant 3 : i32
          %get3A_425 = arith.constant 0 : i32
          %get3A_426 = arith.index_cast %get3A_424 : i32 to index
          %get3A_427 = arith.index_cast %get3A_425 : i32 to index
          %get3A_428 = arith.index_cast %mul3A_184 : i32 to index
          %get3A_429 = tpu.vector_load %arg7[%get3A_426, %get3A_427, %get3A_428] {strides = array<i32>} : memref<4x8x512xf32, #tpu.memory_space<vmem>>, vector<16xf32>,
          %add3A_430 = arith.constant 24 : i32
          %add3A_431 = arith.addi %mul3A_182, %add3A_430 : i32
          %add3A_432 = vector.broadcast %add3A_431 : i32 to vector<16xi32>
          %add3A_433 = arith.addi %mul3A_3, %add3A_432 : vector<16xi32>
          tpu.vector_store_idx %arg8[%add3A_433], %get3A_429 : memref<16896xf32, #tpu.memory_space<vmem>>[vector<16xi32>], vector<16xf32>,
          %get3A_434 = arith.constant 3 : i32
          %get3A_435 = arith.constant 1 : i32
          %get3A_436 = arith.index_cast %get3A_434 : i32 to index
          %get3A_437 = arith.index_cast %get3A_435 : i32 to index
          %get3A_438 = arith.index_cast %mul3A_184 : i32 to index
          %get3A_439 = tpu.vector_load %arg7[%get3A_436, %get3A_437, %get3A_438] {strides = array<i32>} : memref<4x8x512xf32, #tpu.memory_space<vmem>>, vector<16xf32>,
          %add3A_440 = arith.constant 25 : i32
          %add3A_441 = arith.addi %mul3A_182, %add3A_440 : i32
          %add3A_442 = vector.broadcast %add3A_441 : i32 to vector<16xi32>
          %add3A_443 = arith.addi %mul3A_3, %add3A_442 : vector<16xi32>
          tpu.vector_store_idx %arg8[%add3A_443], %get3A_439 : memref<16896xf32, #tpu.memory_space<vmem>>[vector<16xi32>], vector<16xf32>,
          %get3A_444 = arith.constant 3 : i32
          %get3A_445 = arith.constant 2 : i32
          %get3A_446 = arith.index_cast %get3A_444 : i32 to index
          %get3A_447 = arith.index_cast %get3A_445 : i32 to index
          %get3A_448 = arith.index_cast %mul3A_184 : i32 to index
          %get3A_449 = tpu.vector_load %arg7[%get3A_446, %get3A_447, %get3A_448] {strides = array<i32>} : memref<4x8x512xf32, #tpu.memory_space<vmem>>, vector<16xf32>,
          %add3A_450 = arith.constant 26 : i32
          %add3A_451 = arith.addi %mul3A_182, %add3A_450 : i32
          %add3A_452 = vector.broadcast %add3A_451 : i32 to vector<16xi32>
          %add3A_453 = arith.addi %mul3A_3, %add3A_452 : vector<16xi32>
          tpu.vector_store_idx %arg8[%add3A_453], %get3A_449 : memref<16896xf32, #tpu.memory_space<vmem>>[vector<16xi32>], vector<16xf32>,
          %get3A_454 = arith.constant 3 : i32
          %get3A_455 = arith.constant 3 : i32
          %get3A_456 = arith.index_cast %get3A_454 : i32 to index
          %get3A_457 = arith.index_cast %get3A_455 : i32 to index
          %get3A_458 = arith.index_cast %mul3A_184 : i32 to index
          %get3A_459 = tpu.vector_load %arg7[%get3A_456, %get3A_457, %get3A_458] {strides = array<i32>} : memref<4x8x512xf32, #tpu.memory_space<vmem>>, vector<16xf32>,
          %add3A_460 = arith.constant 27 : i32
          %add3A_461 = arith.addi %mul3A_182, %add3A_460 : i32
          %add3A_462 = vector.broadcast %add3A_461 : i32 to vector<16xi32>
          %add3A_463 = arith.addi %mul3A_3, %add3A_462 : vector<16xi32>
          tpu.vector_store_idx %arg8[%add3A_463], %get3A_459 : memref<16896xf32, #tpu.memory_space<vmem>>[vector<16xi32>], vector<16xf32>,
          %get3A_464 = arith.constant 3 : i32
          %get3A_465 = arith.constant 4 : i32
          %get3A_466 = arith.index_cast %get3A_464 : i32 to index
          %get3A_467 = arith.index_cast %get3A_465 : i32 to index
          %get3A_468 = arith.index_cast %mul3A_184 : i32 to index
          %get3A_469 = tpu.vector_load %arg7[%get3A_466, %get3A_467, %get3A_468] {strides = array<i32>} : memref<4x8x512xf32, #tpu.memory_space<vmem>>, vector<16xf32>,
          %add3A_470 = arith.constant 28 : i32
          %add3A_471 = arith.addi %mul3A_182, %add3A_470 : i32
          %add3A_472 = vector.broadcast %add3A_471 : i32 to vector<16xi32>
          %add3A_473 = arith.addi %mul3A_3, %add3A_472 : vector<16xi32>
          tpu.vector_store_idx %arg8[%add3A_473], %get3A_469 : memref<16896xf32, #tpu.memory_space<vmem>>[vector<16xi32>], vector<16xf32>,
          %get3A_474 = arith.constant 3 : i32
          %get3A_475 = arith.constant 5 : i32
          %get3A_476 = arith.index_cast %get3A_474 : i32 to index
          %get3A_477 = arith.index_cast %get3A_475 : i32 to index
          %get3A_478 = arith.index_cast %mul3A_184 : i32 to index
          %get3A_479 = tpu.vector_load %arg7[%get3A_476, %get3A_477, %get3A_478] {strides = array<i32>} : memref<4x8x512xf32, #tpu.memory_space<vmem>>, vector<16xf32>,
          %add3A_480 = arith.constant 29 : i32
          %add3A_481 = arith.addi %mul3A_182, %add3A_480 : i32
          %add3A_482 = vector.broadcast %add3A_481 : i32 to vector<16xi32>
          %add3A_483 = arith.addi %mul3A_3, %add3A_482 : vector<16xi32>
          tpu.vector_store_idx %arg8[%add3A_483], %get3A_479 : memref<16896xf32, #tpu.memory_space<vmem>>[vector<16xi32>], vector<16xf32>,
          %get3A_484 = arith.constant 3 : i32
          %get3A_485 = arith.constant 6 : i32
          %get3A_486 = arith.index_cast %get3A_484 : i32 to index
          %get3A_487 = arith.index_cast %get3A_485 : i32 to index
          %get3A_488 = arith.index_cast %mul3A_184 : i32 to index
          %get3A_489 = tpu.vector_load %arg7[%get3A_486, %get3A_487, %get3A_488] {strides = array<i32>} : memref<4x8x512xf32, #tpu.memory_space<vmem>>, vector<16xf32>,
          %add3A_490 = arith.constant 30 : i32
          %add3A_491 = arith.addi %mul3A_182, %add3A_490 : i32
          %add3A_492 = vector.broadcast %add3A_491 : i32 to vector<16xi32>
          %add3A_493 = arith.addi %mul3A_3, %add3A_492 : vector<16xi32>
          tpu.vector_store_idx %arg8[%add3A_493], %get3A_489 : memref<16896xf32, #tpu.memory_space<vmem>>[vector<16xi32>], vector<16xf32>,
          %get3A_494 = arith.constant 3 : i32
          %get3A_495 = arith.constant 7 : i32
          %get3A_496 = arith.index_cast %get3A_494 : i32 to index
          %get3A_497 = arith.index_cast %get3A_495 : i32 to index
          %get3A_498 = arith.index_cast %mul3A_184 : i32 to index
          %get3A_499 = tpu.vector_load %arg7[%get3A_496, %get3A_497, %get3A_498] {strides = array<i32>} : memref<4x8x512xf32, #tpu.memory_space<vmem>>, vector<16xf32>,
          %add3A_500 = arith.constant 31 : i32
          %add3A_501 = arith.addi %mul3A_182, %add3A_500 : i32
          %add3A_502 = vector.broadcast %add3A_501 : i32 to vector<16xi32>
          %add3A_503 = arith.addi %mul3A_3, %add3A_502 : vector<16xi32>
          tpu.vector_store_idx %arg8[%add3A_503], %get3A_499 : memref<16896xf32, #tpu.memory_space<vmem>>[vector<16xi32>], vector<16xf32>,
        }
        %scan3A_167 = arith.constant 32 : i32
        %scan3A_168 = arith.constant 0 : i32
        %scan3A_169 = arith.constant 0 : i32
        %scan3A_170 = arith.constant 32 : i32
        %scan3A_171 = arith.addi %scan3A_169, %scan3A_170 : i32
        %scan3A_172 = arith.constant 1 : i32
        scf.for %scan3A_180 = %scan3A_169 to %scan3A_171 step %scan3A_172  : i32 {
          %mul3A_181 = arith.constant 16 : i32
          %mul3A_182 = arith.muli %scan3A_180, %mul3A_181 : i32
          %add3A_183 = arith.constant 0 : i32
          %add3A_184 = arith.addi %mul3A_182, %add3A_183 : i32
          %mul3A_185 = arith.constant 33 : i32
          %mul3A_186 = arith.muli %add3A_184, %mul3A_185 : i32
          %get3A = arith.index_cast %mul3A_186 : i32 to index
          %get3A_187 = tpu.vector_load %arg8[%get3A] {strides = array<i32>} : memref<16896xf32, #tpu.memory_space<vmem>>, vector<16xf32>,
          %mul3A_188 = arith.constant 32 : i32
          %mul3A_189 = arith.muli %add3A_184, %mul3A_188 : i32
          %swap3A = arith.index_cast %mul3A_189 : i32 to index
          %swap3A_190 = tpu.vector_load %arg11[%swap3A] {strides = array<i32>} : memref<16384xf32, #tpu.memory_space<vmem>>, vector<16xf32>,
          tpu.vector_store %arg11[%swap3A], %get3A_187 {strides = array<i32>} : memref<16384xf32, #tpu.memory_space<vmem>>, vector<16xf32>,
          %mul3A_191 = arith.constant 33 : i32
          %mul3A_192 = arith.muli %add3A_184, %mul3A_191 : i32
          %add3A_193 = arith.constant 16 : i32
          %add3A_194 = arith.addi %mul3A_192, %add3A_193 : i32
          %get3A_195 = arith.index_cast %add3A_194 : i32 to index
          %get3A_196 = tpu.vector_load %arg8[%get3A_195] {strides = array<i32>} : memref<16896xf32, #tpu.memory_space<vmem>>, vector<16xf32>,
          %mul3A_197 = arith.constant 32 : i32
          %mul3A_198 = arith.muli %add3A_184, %mul3A_197 : i32
          %add3A_199 = arith.constant 16 : i32
          %add3A_200 = arith.addi %mul3A_198, %add3A_199 : i32
          %swap3A_201 = arith.index_cast %add3A_200 : i32 to index
          %swap3A_202 = tpu.vector_load %arg11[%swap3A_201] {strides = array<i32>} : memref<16384xf32, #tpu.memory_space<vmem>>, vector<16xf32>,
          tpu.vector_store %arg11[%swap3A_201], %get3A_196 {strides = array<i32>} : memref<16384xf32, #tpu.memory_space<vmem>>, vector<16xf32>,
          %mul3A_203 = arith.constant 16 : i32
          %mul3A_204 = arith.muli %scan3A_180, %mul3A_203 : i32
          %add3A_205 = arith.constant 1 : i32
          %add3A_206 = arith.addi %mul3A_204, %add3A_205 : i32
          %mul3A_207 = arith.constant 33 : i32
          %mul3A_208 = arith.muli %add3A_206, %mul3A_207 : i32
          %get3A_209 = arith.index_cast %mul3A_208 : i32 to index
          %get3A_210 = tpu.vector_load %arg8[%get3A_209] {strides = array<i32>} : memref<16896xf32, #tpu.memory_space<vmem>>, vector<16xf32>,
          %mul3A_211 = arith.constant 32 : i32
          %mul3A_212 = arith.muli %add3A_206, %mul3A_211 : i32
          %swap3A_213 = arith.index_cast %mul3A_212 : i32 to index
          %swap3A_214 = tpu.vector_load %arg11[%swap3A_213] {strides = array<i32>} : memref<16384xf32, #tpu.memory_space<vmem>>, vector<16xf32>,
          tpu.vector_store %arg11[%swap3A_213], %get3A_210 {strides = array<i32>} : memref<16384xf32, #tpu.memory_space<vmem>>, vector<16xf32>,
          %mul3A_215 = arith.constant 33 : i32
          %mul3A_216 = arith.muli %add3A_206, %mul3A_215 : i32
          %add3A_217 = arith.constant 16 : i32
          %add3A_218 = arith.addi %mul3A_216, %add3A_217 : i32
          %get3A_219 = arith.index_cast %add3A_218 : i32 to index
          %get3A_220 = tpu.vector_load %arg8[%get3A_219] {strides = array<i32>} : memref<16896xf32, #tpu.memory_space<vmem>>, vector<16xf32>,
          %mul3A_221 = arith.constant 32 : i32
          %mul3A_222 = arith.muli %add3A_206, %mul3A_221 : i32
          %add3A_223 = arith.constant 16 : i32
          %add3A_224 = arith.addi %mul3A_222, %add3A_223 : i32
          %swap3A_225 = arith.index_cast %add3A_224 : i32 to index
          %swap3A_226 = tpu.vector_load %arg11[%swap3A_225] {strides = array<i32>} : memref<16384xf32, #tpu.memory_space<vmem>>, vector<16xf32>,
          tpu.vector_store %arg11[%swap3A_225], %get3A_220 {strides = array<i32>} : memref<16384xf32, #tpu.memory_space<vmem>>, vector<16xf32>,
          %mul3A_227 = arith.constant 16 : i32
          %mul3A_228 = arith.muli %scan3A_180, %mul3A_227 : i32
          %add3A_229 = arith.constant 2 : i32
          %add3A_230 = arith.addi %mul3A_228, %add3A_229 : i32
          %mul3A_231 = arith.constant 33 : i32
          %mul3A_232 = arith.muli %add3A_230, %mul3A_231 : i32
          %get3A_233 = arith.index_cast %mul3A_232 : i32 to index
          %get3A_234 = tpu.vector_load %arg8[%get3A_233] {strides = array<i32>} : memref<16896xf32, #tpu.memory_space<vmem>>, vector<16xf32>,
          %mul3A_235 = arith.constant 32 : i32
          %mul3A_236 = arith.muli %add3A_230, %mul3A_235 : i32
          %swap3A_237 = arith.index_cast %mul3A_236 : i32 to index
          %swap3A_238 = tpu.vector_load %arg11[%swap3A_237] {strides = array<i32>} : memref<16384xf32, #tpu.memory_space<vmem>>, vector<16xf32>,
          tpu.vector_store %arg11[%swap3A_237], %get3A_234 {strides = array<i32>} : memref<16384xf32, #tpu.memory_space<vmem>>, vector<16xf32>,
          %mul3A_239 = arith.constant 33 : i32
          %mul3A_240 = arith.muli %add3A_230, %mul3A_239 : i32
          %add3A_241 = arith.constant 16 : i32
          %add3A_242 = arith.addi %mul3A_240, %add3A_241 : i32
          %get3A_243 = arith.index_cast %add3A_242 : i32 to index
          %get3A_244 = tpu.vector_load %arg8[%get3A_243] {strides = array<i32>} : memref<16896xf32, #tpu.memory_space<vmem>>, vector<16xf32>,
          %mul3A_245 = arith.constant 32 : i32
          %mul3A_246 = arith.muli %add3A_230, %mul3A_245 : i32
          %add3A_247 = arith.constant 16 : i32
          %add3A_248 = arith.addi %mul3A_246, %add3A_247 : i32
          %swap3A_249 = arith.index_cast %add3A_248 : i32 to index
          %swap3A_250 = tpu.vector_load %arg11[%swap3A_249] {strides = array<i32>} : memref<16384xf32, #tpu.memory_space<vmem>>, vector<16xf32>,
          tpu.vector_store %arg11[%swap3A_249], %get3A_244 {strides = array<i32>} : memref<16384xf32, #tpu.memory_space<vmem>>, vector<16xf32>,
          %mul3A_251 = arith.constant 16 : i32
          %mul3A_252 = arith.muli %scan3A_180, %mul3A_251 : i32
          %add3A_253 = arith.constant 3 : i32
          %add3A_254 = arith.addi %mul3A_252, %add3A_253 : i32
          %mul3A_255 = arith.constant 33 : i32
          %mul3A_256 = arith.muli %add3A_254, %mul3A_255 : i32
          %get3A_257 = arith.index_cast %mul3A_256 : i32 to index
          %get3A_258 = tpu.vector_load %arg8[%get3A_257] {strides = array<i32>} : memref<16896xf32, #tpu.memory_space<vmem>>, vector<16xf32>,
          %mul3A_259 = arith.constant 32 : i32
          %mul3A_260 = arith.muli %add3A_254, %mul3A_259 : i32
          %swap3A_261 = arith.index_cast %mul3A_260 : i32 to index
          %swap3A_262 = tpu.vector_load %arg11[%swap3A_261] {strides = array<i32>} : memref<16384xf32, #tpu.memory_space<vmem>>, vector<16xf32>,
          tpu.vector_store %arg11[%swap3A_261], %get3A_258 {strides = array<i32>} : memref<16384xf32, #tpu.memory_space<vmem>>, vector<16xf32>,
          %mul3A_263 = arith.constant 33 : i32
          %mul3A_264 = arith.muli %add3A_254, %mul3A_263 : i32
          %add3A_265 = arith.constant 16 : i32
          %add3A_266 = arith.addi %mul3A_264, %add3A_265 : i32
          %get3A_267 = arith.index_cast %add3A_266 : i32 to index
          %get3A_268 = tpu.vector_load %arg8[%get3A_267] {strides = array<i32>} : memref<16896xf32, #tpu.memory_space<vmem>>, vector<16xf32>,
          %mul3A_269 = arith.constant 32 : i32
          %mul3A_270 = arith.muli %add3A_254, %mul3A_269 : i32
          %add3A_271 = arith.constant 16 : i32
          %add3A_272 = arith.addi %mul3A_270, %add3A_271 : i32
          %swap3A_273 = arith.index_cast %add3A_272 : i32 to index
          %swap3A_274 = tpu.vector_load %arg11[%swap3A_273] {strides = array<i32>} : memref<16384xf32, #tpu.memory_space<vmem>>, vector<16xf32>,
          tpu.vector_store %arg11[%swap3A_273], %get3A_268 {strides = array<i32>} : memref<16384xf32, #tpu.memory_space<vmem>>, vector<16xf32>,
          %mul3A_275 = arith.constant 16 : i32
          %mul3A_276 = arith.muli %scan3A_180, %mul3A_275 : i32
          %add3A_277 = arith.constant 4 : i32
          %add3A_278 = arith.addi %mul3A_276, %add3A_277 : i32
          %mul3A_279 = arith.constant 33 : i32
          %mul3A_280 = arith.muli %add3A_278, %mul3A_279 : i32
          %get3A_281 = arith.index_cast %mul3A_280 : i32 to index
          %get3A_282 = tpu.vector_load %arg8[%get3A_281] {strides = array<i32>} : memref<16896xf32, #tpu.memory_space<vmem>>, vector<16xf32>,
          %mul3A_283 = arith.constant 32 : i32
          %mul3A_284 = arith.muli %add3A_278, %mul3A_283 : i32
          %swap3A_285 = arith.index_cast %mul3A_284 : i32 to index
          %swap3A_286 = tpu.vector_load %arg11[%swap3A_285] {strides = array<i32>} : memref<16384xf32, #tpu.memory_space<vmem>>, vector<16xf32>,
          tpu.vector_store %arg11[%swap3A_285], %get3A_282 {strides = array<i32>} : memref<16384xf32, #tpu.memory_space<vmem>>, vector<16xf32>,
          %mul3A_287 = arith.constant 33 : i32
          %mul3A_288 = arith.muli %add3A_278, %mul3A_287 : i32
          %add3A_289 = arith.constant 16 : i32
          %add3A_290 = arith.addi %mul3A_288, %add3A_289 : i32
          %get3A_291 = arith.index_cast %add3A_290 : i32 to index
          %get3A_292 = tpu.vector_load %arg8[%get3A_291] {strides = array<i32>} : memref<16896xf32, #tpu.memory_space<vmem>>, vector<16xf32>,
          %mul3A_293 = arith.constant 32 : i32
          %mul3A_294 = arith.muli %add3A_278, %mul3A_293 : i32
          %add3A_295 = arith.constant 16 : i32
          %add3A_296 = arith.addi %mul3A_294, %add3A_295 : i32
          %swap3A_297 = arith.index_cast %add3A_296 : i32 to index
          %swap3A_298 = tpu.vector_load %arg11[%swap3A_297] {strides = array<i32>} : memref<16384xf32, #tpu.memory_space<vmem>>, vector<16xf32>,
          tpu.vector_store %arg11[%swap3A_297], %get3A_292 {strides = array<i32>} : memref<16384xf32, #tpu.memory_space<vmem>>, vector<16xf32>,
          %mul3A_299 = arith.constant 16 : i32
          %mul3A_300 = arith.muli %scan3A_180, %mul3A_299 : i32
          %add3A_301 = arith.constant 5 : i32
          %add3A_302 = arith.addi %mul3A_300, %add3A_301 : i32
          %mul3A_303 = arith.constant 33 : i32
          %mul3A_304 = arith.muli %add3A_302, %mul3A_303 : i32
          %get3A_305 = arith.index_cast %mul3A_304 : i32 to index
          %get3A_306 = tpu.vector_load %arg8[%get3A_305] {strides = array<i32>} : memref<16896xf32, #tpu.memory_space<vmem>>, vector<16xf32>,
          %mul3A_307 = arith.constant 32 : i32
          %mul3A_308 = arith.muli %add3A_302, %mul3A_307 : i32
          %swap3A_309 = arith.index_cast %mul3A_308 : i32 to index
          %swap3A_310 = tpu.vector_load %arg11[%swap3A_309] {strides = array<i32>} : memref<16384xf32, #tpu.memory_space<vmem>>, vector<16xf32>,
          tpu.vector_store %arg11[%swap3A_309], %get3A_306 {strides = array<i32>} : memref<16384xf32, #tpu.memory_space<vmem>>, vector<16xf32>,
          %mul3A_311 = arith.constant 33 : i32
          %mul3A_312 = arith.muli %add3A_302, %mul3A_311 : i32
          %add3A_313 = arith.constant 16 : i32
          %add3A_314 = arith.addi %mul3A_312, %add3A_313 : i32
          %get3A_315 = arith.index_cast %add3A_314 : i32 to index
          %get3A_316 = tpu.vector_load %arg8[%get3A_315] {strides = array<i32>} : memref<16896xf32, #tpu.memory_space<vmem>>, vector<16xf32>,
          %mul3A_317 = arith.constant 32 : i32
          %mul3A_318 = arith.muli %add3A_302, %mul3A_317 : i32
          %add3A_319 = arith.constant 16 : i32
          %add3A_320 = arith.addi %mul3A_318, %add3A_319 : i32
          %swap3A_321 = arith.index_cast %add3A_320 : i32 to index
          %swap3A_322 = tpu.vector_load %arg11[%swap3A_321] {strides = array<i32>} : memref<16384xf32, #tpu.memory_space<vmem>>, vector<16xf32>,
          tpu.vector_store %arg11[%swap3A_321], %get3A_316 {strides = array<i32>} : memref<16384xf32, #tpu.memory_space<vmem>>, vector<16xf32>,
          %mul3A_323 = arith.constant 16 : i32
          %mul3A_324 = arith.muli %scan3A_180, %mul3A_323 : i32
          %add3A_325 = arith.constant 6 : i32
          %add3A_326 = arith.addi %mul3A_324, %add3A_325 : i32
          %mul3A_327 = arith.constant 33 : i32
          %mul3A_328 = arith.muli %add3A_326, %mul3A_327 : i32
          %get3A_329 = arith.index_cast %mul3A_328 : i32 to index
          %get3A_330 = tpu.vector_load %arg8[%get3A_329] {strides = array<i32>} : memref<16896xf32, #tpu.memory_space<vmem>>, vector<16xf32>,
          %mul3A_331 = arith.constant 32 : i32
          %mul3A_332 = arith.muli %add3A_326, %mul3A_331 : i32
          %swap3A_333 = arith.index_cast %mul3A_332 : i32 to index
          %swap3A_334 = tpu.vector_load %arg11[%swap3A_333] {strides = array<i32>} : memref<16384xf32, #tpu.memory_space<vmem>>, vector<16xf32>,
          tpu.vector_store %arg11[%swap3A_333], %get3A_330 {strides = array<i32>} : memref<16384xf32, #tpu.memory_space<vmem>>, vector<16xf32>,
          %mul3A_335 = arith.constant 33 : i32
          %mul3A_336 = arith.muli %add3A_326, %mul3A_335 : i32
          %add3A_337 = arith.constant 16 : i32
          %add3A_338 = arith.addi %mul3A_336, %add3A_337 : i32
          %get3A_339 = arith.index_cast %add3A_338 : i32 to index
          %get3A_340 = tpu.vector_load %arg8[%get3A_339] {strides = array<i32>} : memref<16896xf32, #tpu.memory_space<vmem>>, vector<16xf32>,
          %mul3A_341 = arith.constant 32 : i32
          %mul3A_342 = arith.muli %add3A_326, %mul3A_341 : i32
          %add3A_343 = arith.constant 16 : i32
          %add3A_344 = arith.addi %mul3A_342, %add3A_343 : i32
          %swap3A_345 = arith.index_cast %add3A_344 : i32 to index
          %swap3A_346 = tpu.vector_load %arg11[%swap3A_345] {strides = array<i32>} : memref<16384xf32, #tpu.memory_space<vmem>>, vector<16xf32>,
          tpu.vector_store %arg11[%swap3A_345], %get3A_340 {strides = array<i32>} : memref<16384xf32, #tpu.memory_space<vmem>>, vector<16xf32>,
          %mul3A_347 = arith.constant 16 : i32
          %mul3A_348 = arith.muli %scan3A_180, %mul3A_347 : i32
          %add3A_349 = arith.constant 7 : i32
          %add3A_350 = arith.addi %mul3A_348, %add3A_349 : i32
          %mul3A_351 = arith.constant 33 : i32
          %mul3A_352 = arith.muli %add3A_350, %mul3A_351 : i32
          %get3A_353 = arith.index_cast %mul3A_352 : i32 to index
          %get3A_354 = tpu.vector_load %arg8[%get3A_353] {strides = array<i32>} : memref<16896xf32, #tpu.memory_space<vmem>>, vector<16xf32>,
          %mul3A_355 = arith.constant 32 : i32
          %mul3A_356 = arith.muli %add3A_350, %mul3A_355 : i32
          %swap3A_357 = arith.index_cast %mul3A_356 : i32 to index
          %swap3A_358 = tpu.vector_load %arg11[%swap3A_357] {strides = array<i32>} : memref<16384xf32, #tpu.memory_space<vmem>>, vector<16xf32>,
          tpu.vector_store %arg11[%swap3A_357], %get3A_354 {strides = array<i32>} : memref<16384xf32, #tpu.memory_space<vmem>>, vector<16xf32>,
          %mul3A_359 = arith.constant 33 : i32
          %mul3A_360 = arith.muli %add3A_350, %mul3A_359 : i32
          %add3A_361 = arith.constant 16 : i32
          %add3A_362 = arith.addi %mul3A_360, %add3A_361 : i32
          %get3A_363 = arith.index_cast %add3A_362 : i32 to index
          %get3A_364 = tpu.vector_load %arg8[%get3A_363] {strides = array<i32>} : memref<16896xf32, #tpu.memory_space<vmem>>, vector<16xf32>,
          %mul3A_365 = arith.constant 32 : i32
          %mul3A_366 = arith.muli %add3A_350, %mul3A_365 : i32
          %add3A_367 = arith.constant 16 : i32
          %add3A_368 = arith.addi %mul3A_366, %add3A_367 : i32
          %swap3A_369 = arith.index_cast %add3A_368 : i32 to index
          %swap3A_370 = tpu.vector_load %arg11[%swap3A_369] {strides = array<i32>} : memref<16384xf32, #tpu.memory_space<vmem>>, vector<16xf32>,
          tpu.vector_store %arg11[%swap3A_369], %get3A_364 {strides = array<i32>} : memref<16384xf32, #tpu.memory_space<vmem>>, vector<16xf32>,
          %mul3A_371 = arith.constant 16 : i32
          %mul3A_372 = arith.muli %scan3A_180, %mul3A_371 : i32
          %add3A_373 = arith.constant 8 : i32
          %add3A_374 = arith.addi %mul3A_372, %add3A_373 : i32
          %mul3A_375 = arith.constant 33 : i32
          %mul3A_376 = arith.muli %add3A_374, %mul3A_375 : i32
          %get3A_377 = arith.index_cast %mul3A_376 : i32 to index
          %get3A_378 = tpu.vector_load %arg8[%get3A_377] {strides = array<i32>} : memref<16896xf32, #tpu.memory_space<vmem>>, vector<16xf32>,
          %mul3A_379 = arith.constant 32 : i32
          %mul3A_380 = arith.muli %add3A_374, %mul3A_379 : i32
          %swap3A_381 = arith.index_cast %mul3A_380 : i32 to index
          %swap3A_382 = tpu.vector_load %arg11[%swap3A_381] {strides = array<i32>} : memref<16384xf32, #tpu.memory_space<vmem>>, vector<16xf32>,
          tpu.vector_store %arg11[%swap3A_381], %get3A_378 {strides = array<i32>} : memref<16384xf32, #tpu.memory_space<vmem>>, vector<16xf32>,
          %mul3A_383 = arith.constant 33 : i32
          %mul3A_384 = arith.muli %add3A_374, %mul3A_383 : i32
          %add3A_385 = arith.constant 16 : i32
          %add3A_386 = arith.addi %mul3A_384, %add3A_385 : i32
          %get3A_387 = arith.index_cast %add3A_386 : i32 to index
          %get3A_388 = tpu.vector_load %arg8[%get3A_387] {strides = array<i32>} : memref<16896xf32, #tpu.memory_space<vmem>>, vector<16xf32>,
          %mul3A_389 = arith.constant 32 : i32
          %mul3A_390 = arith.muli %add3A_374, %mul3A_389 : i32
          %add3A_391 = arith.constant 16 : i32
          %add3A_392 = arith.addi %mul3A_390, %add3A_391 : i32
          %swap3A_393 = arith.index_cast %add3A_392 : i32 to index
          %swap3A_394 = tpu.vector_load %arg11[%swap3A_393] {strides = array<i32>} : memref<16384xf32, #tpu.memory_space<vmem>>, vector<16xf32>,
          tpu.vector_store %arg11[%swap3A_393], %get3A_388 {strides = array<i32>} : memref<16384xf32, #tpu.memory_space<vmem>>, vector<16xf32>,
          %mul3A_395 = arith.constant 16 : i32
          %mul3A_396 = arith.muli %scan3A_180, %mul3A_395 : i32
          %add3A_397 = arith.constant 9 : i32
          %add3A_398 = arith.addi %mul3A_396, %add3A_397 : i32
          %mul3A_399 = arith.constant 33 : i32
          %mul3A_400 = arith.muli %add3A_398, %mul3A_399 : i32
          %get3A_401 = arith.index_cast %mul3A_400 : i32 to index
          %get3A_402 = tpu.vector_load %arg8[%get3A_401] {strides = array<i32>} : memref<16896xf32, #tpu.memory_space<vmem>>, vector<16xf32>,
          %mul3A_403 = arith.constant 32 : i32
          %mul3A_404 = arith.muli %add3A_398, %mul3A_403 : i32
          %swap3A_405 = arith.index_cast %mul3A_404 : i32 to index
          %swap3A_406 = tpu.vector_load %arg11[%swap3A_405] {strides = array<i32>} : memref<16384xf32, #tpu.memory_space<vmem>>, vector<16xf32>,
          tpu.vector_store %arg11[%swap3A_405], %get3A_402 {strides = array<i32>} : memref<16384xf32, #tpu.memory_space<vmem>>, vector<16xf32>,
          %mul3A_407 = arith.constant 33 : i32
          %mul3A_408 = arith.muli %add3A_398, %mul3A_407 : i32
          %add3A_409 = arith.constant 16 : i32
          %add3A_410 = arith.addi %mul3A_408, %add3A_409 : i32
          %get3A_411 = arith.index_cast %add3A_410 : i32 to index
          %get3A_412 = tpu.vector_load %arg8[%get3A_411] {strides = array<i32>} : memref<16896xf32, #tpu.memory_space<vmem>>, vector<16xf32>,
          %mul3A_413 = arith.constant 32 : i32
          %mul3A_414 = arith.muli %add3A_398, %mul3A_413 : i32
          %add3A_415 = arith.constant 16 : i32
          %add3A_416 = arith.addi %mul3A_414, %add3A_415 : i32
          %swap3A_417 = arith.index_cast %add3A_416 : i32 to index
          %swap3A_418 = tpu.vector_load %arg11[%swap3A_417] {strides = array<i32>} : memref<16384xf32, #tpu.memory_space<vmem>>, vector<16xf32>,
          tpu.vector_store %arg11[%swap3A_417], %get3A_412 {strides = array<i32>} : memref<16384xf32, #tpu.memory_space<vmem>>, vector<16xf32>,
          %mul3A_419 = arith.constant 16 : i32
          %mul3A_420 = arith.muli %scan3A_180, %mul3A_419 : i32
          %add3A_421 = arith.constant 10 : i32
          %add3A_422 = arith.addi %mul3A_420, %add3A_421 : i32
          %mul3A_423 = arith.constant 33 : i32
          %mul3A_424 = arith.muli %add3A_422, %mul3A_423 : i32
          %get3A_425 = arith.index_cast %mul3A_424 : i32 to index
          %get3A_426 = tpu.vector_load %arg8[%get3A_425] {strides = array<i32>} : memref<16896xf32, #tpu.memory_space<vmem>>, vector<16xf32>,
          %mul3A_427 = arith.constant 32 : i32
          %mul3A_428 = arith.muli %add3A_422, %mul3A_427 : i32
          %swap3A_429 = arith.index_cast %mul3A_428 : i32 to index
          %swap3A_430 = tpu.vector_load %arg11[%swap3A_429] {strides = array<i32>} : memref<16384xf32, #tpu.memory_space<vmem>>, vector<16xf32>,
          tpu.vector_store %arg11[%swap3A_429], %get3A_426 {strides = array<i32>} : memref<16384xf32, #tpu.memory_space<vmem>>, vector<16xf32>,
          %mul3A_431 = arith.constant 33 : i32
          %mul3A_432 = arith.muli %add3A_422, %mul3A_431 : i32
          %add3A_433 = arith.constant 16 : i32
          %add3A_434 = arith.addi %mul3A_432, %add3A_433 : i32
          %get3A_435 = arith.index_cast %add3A_434 : i32 to index
          %get3A_436 = tpu.vector_load %arg8[%get3A_435] {strides = array<i32>} : memref<16896xf32, #tpu.memory_space<vmem>>, vector<16xf32>,
          %mul3A_437 = arith.constant 32 : i32
          %mul3A_438 = arith.muli %add3A_422, %mul3A_437 : i32
          %add3A_439 = arith.constant 16 : i32
          %add3A_440 = arith.addi %mul3A_438, %add3A_439 : i32
          %swap3A_441 = arith.index_cast %add3A_440 : i32 to index
          %swap3A_442 = tpu.vector_load %arg11[%swap3A_441] {strides = array<i32>} : memref<16384xf32, #tpu.memory_space<vmem>>, vector<16xf32>,
          tpu.vector_store %arg11[%swap3A_441], %get3A_436 {strides = array<i32>} : memref<16384xf32, #tpu.memory_space<vmem>>, vector<16xf32>,
          %mul3A_443 = arith.constant 16 : i32
          %mul3A_444 = arith.muli %scan3A_180, %mul3A_443 : i32
          %add3A_445 = arith.constant 11 : i32
          %add3A_446 = arith.addi %mul3A_444, %add3A_445 : i32
          %mul3A_447 = arith.constant 33 : i32
          %mul3A_448 = arith.muli %add3A_446, %mul3A_447 : i32
          %get3A_449 = arith.index_cast %mul3A_448 : i32 to index
          %get3A_450 = tpu.vector_load %arg8[%get3A_449] {strides = array<i32>} : memref<16896xf32, #tpu.memory_space<vmem>>, vector<16xf32>,
          %mul3A_451 = arith.constant 32 : i32
          %mul3A_452 = arith.muli %add3A_446, %mul3A_451 : i32
          %swap3A_453 = arith.index_cast %mul3A_452 : i32 to index
          %swap3A_454 = tpu.vector_load %arg11[%swap3A_453] {strides = array<i32>} : memref<16384xf32, #tpu.memory_space<vmem>>, vector<16xf32>,
          tpu.vector_store %arg11[%swap3A_453], %get3A_450 {strides = array<i32>} : memref<16384xf32, #tpu.memory_space<vmem>>, vector<16xf32>,
          %mul3A_455 = arith.constant 33 : i32
          %mul3A_456 = arith.muli %add3A_446, %mul3A_455 : i32
          %add3A_457 = arith.constant 16 : i32
          %add3A_458 = arith.addi %mul3A_456, %add3A_457 : i32
          %get3A_459 = arith.index_cast %add3A_458 : i32 to index
          %get3A_460 = tpu.vector_load %arg8[%get3A_459] {strides = array<i32>} : memref<16896xf32, #tpu.memory_space<vmem>>, vector<16xf32>,
          %mul3A_461 = arith.constant 32 : i32
          %mul3A_462 = arith.muli %add3A_446, %mul3A_461 : i32
          %add3A_463 = arith.constant 16 : i32
          %add3A_464 = arith.addi %mul3A_462, %add3A_463 : i32
          %swap3A_465 = arith.index_cast %add3A_464 : i32 to index
          %swap3A_466 = tpu.vector_load %arg11[%swap3A_465] {strides = array<i32>} : memref<16384xf32, #tpu.memory_space<vmem>>, vector<16xf32>,
          tpu.vector_store %arg11[%swap3A_465], %get3A_460 {strides = array<i32>} : memref<16384xf32, #tpu.memory_space<vmem>>, vector<16xf32>,
          %mul3A_467 = arith.constant 16 : i32
          %mul3A_468 = arith.muli %scan3A_180, %mul3A_467 : i32
          %add3A_469 = arith.constant 12 : i32
          %add3A_470 = arith.addi %mul3A_468, %add3A_469 : i32
          %mul3A_471 = arith.constant 33 : i32
          %mul3A_472 = arith.muli %add3A_470, %mul3A_471 : i32
          %get3A_473 = arith.index_cast %mul3A_472 : i32 to index
          %get3A_474 = tpu.vector_load %arg8[%get3A_473] {strides = array<i32>} : memref<16896xf32, #tpu.memory_space<vmem>>, vector<16xf32>,
          %mul3A_475 = arith.constant 32 : i32
          %mul3A_476 = arith.muli %add3A_470, %mul3A_475 : i32
          %swap3A_477 = arith.index_cast %mul3A_476 : i32 to index
          %swap3A_478 = tpu.vector_load %arg11[%swap3A_477] {strides = array<i32>} : memref<16384xf32, #tpu.memory_space<vmem>>, vector<16xf32>,
          tpu.vector_store %arg11[%swap3A_477], %get3A_474 {strides = array<i32>} : memref<16384xf32, #tpu.memory_space<vmem>>, vector<16xf32>,
          %mul3A_479 = arith.constant 33 : i32
          %mul3A_480 = arith.muli %add3A_470, %mul3A_479 : i32
          %add3A_481 = arith.constant 16 : i32
          %add3A_482 = arith.addi %mul3A_480, %add3A_481 : i32
          %get3A_483 = arith.index_cast %add3A_482 : i32 to index
          %get3A_484 = tpu.vector_load %arg8[%get3A_483] {strides = array<i32>} : memref<16896xf32, #tpu.memory_space<vmem>>, vector<16xf32>,
          %mul3A_485 = arith.constant 32 : i32
          %mul3A_486 = arith.muli %add3A_470, %mul3A_485 : i32
          %add3A_487 = arith.constant 16 : i32
          %add3A_488 = arith.addi %mul3A_486, %add3A_487 : i32
          %swap3A_489 = arith.index_cast %add3A_488 : i32 to index
          %swap3A_490 = tpu.vector_load %arg11[%swap3A_489] {strides = array<i32>} : memref<16384xf32, #tpu.memory_space<vmem>>, vector<16xf32>,
          tpu.vector_store %arg11[%swap3A_489], %get3A_484 {strides = array<i32>} : memref<16384xf32, #tpu.memory_space<vmem>>, vector<16xf32>,
          %mul3A_491 = arith.constant 16 : i32
          %mul3A_492 = arith.muli %scan3A_180, %mul3A_491 : i32
          %add3A_493 = arith.constant 13 : i32
          %add3A_494 = arith.addi %mul3A_492, %add3A_493 : i32
          %mul3A_495 = arith.constant 33 : i32
          %mul3A_496 = arith.muli %add3A_494, %mul3A_495 : i32
          %get3A_497 = arith.index_cast %mul3A_496 : i32 to index
          %get3A_498 = tpu.vector_load %arg8[%get3A_497] {strides = array<i32>} : memref<16896xf32, #tpu.memory_space<vmem>>, vector<16xf32>,
          %mul3A_499 = arith.constant 32 : i32
          %mul3A_500 = arith.muli %add3A_494, %mul3A_499 : i32
          %swap3A_501 = arith.index_cast %mul3A_500 : i32 to index
          %swap3A_502 = tpu.vector_load %arg11[%swap3A_501] {strides = array<i32>} : memref<16384xf32, #tpu.memory_space<vmem>>, vector<16xf32>,
          tpu.vector_store %arg11[%swap3A_501], %get3A_498 {strides = array<i32>} : memref<16384xf32, #tpu.memory_space<vmem>>, vector<16xf32>,
          %mul3A_503 = arith.constant 33 : i32
          %mul3A_504 = arith.muli %add3A_494, %mul3A_503 : i32
          %add3A_505 = arith.constant 16 : i32
          %add3A_506 = arith.addi %mul3A_504, %add3A_505 : i32
          %get3A_507 = arith.index_cast %add3A_506 : i32 to index
          %get3A_508 = tpu.vector_load %arg8[%get3A_507] {strides = array<i32>} : memref<16896xf32, #tpu.memory_space<vmem>>, vector<16xf32>,
          %mul3A_509 = arith.constant 32 : i32
          %mul3A_510 = arith.muli %add3A_494, %mul3A_509 : i32
          %add3A_511 = arith.constant 16 : i32
          %add3A_512 = arith.addi %mul3A_510, %add3A_511 : i32
          %swap3A_513 = arith.index_cast %add3A_512 : i32 to index
          %swap3A_514 = tpu.vector_load %arg11[%swap3A_513] {strides = array<i32>} : memref<16384xf32, #tpu.memory_space<vmem>>, vector<16xf32>,
          tpu.vector_store %arg11[%swap3A_513], %get3A_508 {strides = array<i32>} : memref<16384xf32, #tpu.memory_space<vmem>>, vector<16xf32>,
          %mul3A_515 = arith.constant 16 : i32
          %mul3A_516 = arith.muli %scan3A_180, %mul3A_515 : i32
          %add3A_517 = arith.constant 14 : i32
          %add3A_518 = arith.addi %mul3A_516, %add3A_517 : i32
          %mul3A_519 = arith.constant 33 : i32
          %mul3A_520 = arith.muli %add3A_518, %mul3A_519 : i32
          %get3A_521 = arith.index_cast %mul3A_520 : i32 to index
          %get3A_522 = tpu.vector_load %arg8[%get3A_521] {strides = array<i32>} : memref<16896xf32, #tpu.memory_space<vmem>>, vector<16xf32>,
          %mul3A_523 = arith.constant 32 : i32
          %mul3A_524 = arith.muli %add3A_518, %mul3A_523 : i32
          %swap3A_525 = arith.index_cast %mul3A_524 : i32 to index
          %swap3A_526 = tpu.vector_load %arg11[%swap3A_525] {strides = array<i32>} : memref<16384xf32, #tpu.memory_space<vmem>>, vector<16xf32>,
          tpu.vector_store %arg11[%swap3A_525], %get3A_522 {strides = array<i32>} : memref<16384xf32, #tpu.memory_space<vmem>>, vector<16xf32>,
          %mul3A_527 = arith.constant 33 : i32
          %mul3A_528 = arith.muli %add3A_518, %mul3A_527 : i32
          %add3A_529 = arith.constant 16 : i32
          %add3A_530 = arith.addi %mul3A_528, %add3A_529 : i32
          %get3A_531 = arith.index_cast %add3A_530 : i32 to index
          %get3A_532 = tpu.vector_load %arg8[%get3A_531] {strides = array<i32>} : memref<16896xf32, #tpu.memory_space<vmem>>, vector<16xf32>,
          %mul3A_533 = arith.constant 32 : i32
          %mul3A_534 = arith.muli %add3A_518, %mul3A_533 : i32
          %add3A_535 = arith.constant 16 : i32
          %add3A_536 = arith.addi %mul3A_534, %add3A_535 : i32
          %swap3A_537 = arith.index_cast %add3A_536 : i32 to index
          %swap3A_538 = tpu.vector_load %arg11[%swap3A_537] {strides = array<i32>} : memref<16384xf32, #tpu.memory_space<vmem>>, vector<16xf32>,
          tpu.vector_store %arg11[%swap3A_537], %get3A_532 {strides = array<i32>} : memref<16384xf32, #tpu.memory_space<vmem>>, vector<16xf32>,
          %mul3A_539 = arith.constant 16 : i32
          %mul3A_540 = arith.muli %scan3A_180, %mul3A_539 : i32
          %add3A_541 = arith.constant 15 : i32
          %add3A_542 = arith.addi %mul3A_540, %add3A_541 : i32
          %mul3A_543 = arith.constant 33 : i32
          %mul3A_544 = arith.muli %add3A_542, %mul3A_543 : i32
          %get3A_545 = arith.index_cast %mul3A_544 : i32 to index
          %get3A_546 = tpu.vector_load %arg8[%get3A_545] {strides = array<i32>} : memref<16896xf32, #tpu.memory_space<vmem>>, vector<16xf32>,
          %mul3A_547 = arith.constant 32 : i32
          %mul3A_548 = arith.muli %add3A_542, %mul3A_547 : i32
          %swap3A_549 = arith.index_cast %mul3A_548 : i32 to index
          %swap3A_550 = tpu.vector_load %arg11[%swap3A_549] {strides = array<i32>} : memref<16384xf32, #tpu.memory_space<vmem>>, vector<16xf32>,
          tpu.vector_store %arg11[%swap3A_549], %get3A_546 {strides = array<i32>} : memref<16384xf32, #tpu.memory_space<vmem>>, vector<16xf32>,
          %mul3A_551 = arith.constant 33 : i32
          %mul3A_552 = arith.muli %add3A_542, %mul3A_551 : i32
          %add3A_553 = arith.constant 16 : i32
          %add3A_554 = arith.addi %mul3A_552, %add3A_553 : i32
          %get3A_555 = arith.index_cast %add3A_554 : i32 to index
          %get3A_556 = tpu.vector_load %arg8[%get3A_555] {strides = array<i32>} : memref<16896xf32, #tpu.memory_space<vmem>>, vector<16xf32>,
          %mul3A_557 = arith.constant 32 : i32
          %mul3A_558 = arith.muli %add3A_542, %mul3A_557 : i32
          %add3A_559 = arith.constant 16 : i32
          %add3A_560 = arith.addi %mul3A_558, %add3A_559 : i32
          %swap3A_561 = arith.index_cast %add3A_560 : i32 to index
          %swap3A_562 = tpu.vector_load %arg11[%swap3A_561] {strides = array<i32>} : memref<16384xf32, #tpu.memory_space<vmem>>, vector<16xf32>,
          tpu.vector_store %arg11[%swap3A_561], %get3A_556 {strides = array<i32>} : memref<16384xf32, #tpu.memory_space<vmem>>, vector<16xf32>,
        }
        %scan3A_173 = arith.constant 32 : i32
        %mul3A_174 = arith.constant 32 : i32
        %mul3A_175 = arith.muli %mul3A_174, %add3A_79 : i32
        %add3A_176 = arith.addi %add3A, %mul3A_175 : i32
        %mul3A_177 = arith.constant 16384 : i32
        %mul3A_178 = arith.muli %add3A_176, %mul3A_177 : i32
        %dma_start3A = tpu.memref_slice %arg4[%mul3A_178] : memref<32000000xf32, #tpu.memory_space<hbm>> -> memref<16384xf32, #tpu.memory_space<hbm>>
        %dma_start3A_179 = tpu.memref_slice %arg4[%mul3A_178] : memref<32000000xf32, #tpu.memory_space<hbm>> -> memref<16384xf32, #tpu.memory_space<hbm>>
        tpu.enqueue_dma source(%arg11 : memref<16384xf32, #tpu.memory_space<vmem>>) target(%dma_start3A_179 : memref<16384xf32, #tpu.memory_space<hbm>>) target_semaphore(%arg18 : memref<!tpu.dma_semaphore, #tpu.memory_space<semaphore_mem>>)
      } else {
      }
    }
    %scan3A_19 = arith.constant 21 : i32
    %dma_wait3A = arith.constant 0 : i32
    %dma_wait3A_20 = tpu.memref_slice %arg4[%dma_wait3A] : memref<32000000xf32, #tpu.memory_space<hbm>> -> memref<16384xf32, #tpu.memory_space<hbm>>
    %dma_wait3A_21 = arith.constant 0 : i32
    %dma_wait3A_22 = tpu.memref_slice %arg4[%dma_wait3A_21] : memref<32000000xf32, #tpu.memory_space<hbm>> -> memref<16384xf32, #tpu.memory_space<hbm>>
    tpu.wait_dma2 semaphore(%arg16 : memref<!tpu.dma_semaphore, #tpu.memory_space<semaphore_mem>>) src(%dma_wait3A_22 : memref<16384xf32, #tpu.memory_space<hbm>>) dst(%arg9 : memref<16384xf32, #tpu.memory_space<vmem>>)
    %dma_wait3A_23 = arith.constant 0 : i32
    %dma_wait3A_24 = tpu.memref_slice %arg4[%dma_wait3A_23] : memref<32000000xf32, #tpu.memory_space<hbm>> -> memref<16384xf32, #tpu.memory_space<hbm>>
    %dma_wait3A_25 = arith.constant 0 : i32
    %dma_wait3A_26 = tpu.memref_slice %arg4[%dma_wait3A_25] : memref<32000000xf32, #tpu.memory_space<hbm>> -> memref<16384xf32, #tpu.memory_space<hbm>>
    tpu.wait_dma2 semaphore(%arg17 : memref<!tpu.dma_semaphore, #tpu.memory_space<semaphore_mem>>) src(%dma_wait3A_26 : memref<16384xf32, #tpu.memory_space<hbm>>) dst(%arg10 : memref<16384xf32, #tpu.memory_space<vmem>>)
    %dma_wait3A_27 = arith.constant 0 : i32
    %dma_wait3A_28 = tpu.memref_slice %arg4[%dma_wait3A_27] : memref<32000000xf32, #tpu.memory_space<hbm>> -> memref<16384xf32, #tpu.memory_space<hbm>>
    %dma_wait3A_29 = arith.constant 0 : i32
    %dma_wait3A_30 = tpu.memref_slice %arg4[%dma_wait3A_29] : memref<32000000xf32, #tpu.memory_space<hbm>> -> memref<16384xf32, #tpu.memory_space<hbm>>
    tpu.wait_dma2 semaphore(%arg18 : memref<!tpu.dma_semaphore, #tpu.memory_space<semaphore_mem>>) src(%dma_wait3A_30 : memref<16384xf32, #tpu.memory_space<hbm>>) dst(%arg11 : memref<16384xf32, #tpu.memory_space<vmem>>)
    %eq3A = arith.constant 0 : i32
    %eq3A_31 = arith.cmpi eq, %add3A, %eq3A : i32
    %convert_element_type3A_32 = arith.extui %eq3A_31 : i1 to i32
    %cond3A_33 = arith.constant 0 : i32
    %cond3A_34 = arith.cmpi ne, %convert_element_type3A_32, %cond3A_33 : i32
    scf.if %cond3A_34 {
      "tpu.region"() ({
        %run_scoped3A = tpu.sem_alloc : memref<!tpu.dma_semaphore, #tpu.memory_space<semaphore_mem>>
        tpu.enqueue_dma source(%arg3 : memref<2048xf32, #tpu.memory_space<hbm>>) target(%arg12 : memref<2048xf32, #tpu.memory_space<vmem>>) target_semaphore(%run_scoped3A : memref<!tpu.dma_semaphore, #tpu.memory_space<semaphore_mem>>)
        tpu.wait_dma2 semaphore(%run_scoped3A : memref<!tpu.dma_semaphore, #tpu.memory_space<semaphore_mem>>) src(%arg3 : memref<2048xf32, #tpu.memory_space<hbm>>) dst(%arg12 : memref<2048xf32, #tpu.memory_space<vmem>>)
        tpu.yield
      }) : () -> ()
      "tpu.region"() ({
        %run_scoped3A = tpu.sem_alloc : memref<!tpu.dma_semaphore, #tpu.memory_space<semaphore_mem>>
        %dma_start3A = arith.constant 31997952 : i32
        %dma_start3A_35 = tpu.memref_slice %arg4[%dma_start3A] : memref<32000000xf32, #tpu.memory_space<hbm>> -> memref<2048xf32, #tpu.memory_space<hbm>>
        %dma_start3A_36 = arith.constant 31997952 : i32
        %dma_start3A_37 = tpu.memref_slice %arg4[%dma_start3A_36] : memref<32000000xf32, #tpu.memory_space<hbm>> -> memref<2048xf32, #tpu.memory_space<hbm>>
        tpu.enqueue_dma source(%arg12 : memref<2048xf32, #tpu.memory_space<vmem>>) target(%dma_start3A_37 : memref<2048xf32, #tpu.memory_space<hbm>>) target_semaphore(%run_scoped3A : memref<!tpu.dma_semaphore, #tpu.memory_space<semaphore_mem>>)
        %dma_wait3A_38 = arith.constant 31997952 : i32
        %dma_wait3A_39 = tpu.memref_slice %arg4[%dma_wait3A_38] : memref<32000000xf32, #tpu.memory_space<hbm>> -> memref<2048xf32, #tpu.memory_space<hbm>>
        %dma_wait3A_40 = arith.constant 31997952 : i32
        %dma_wait3A_41 = tpu.memref_slice %arg4[%dma_wait3A_40] : memref<32000000xf32, #tpu.memory_space<hbm>> -> memref<2048xf32, #tpu.memory_space<hbm>>
        tpu.wait_dma2 semaphore(%run_scoped3A : memref<!tpu.dma_semaphore, #tpu.memory_space<semaphore_mem>>) src(%arg12 : memref<2048xf32, #tpu.memory_space<vmem>>) dst(%dma_wait3A_41 : memref<2048xf32, #tpu.memory_space<hbm>>)
        tpu.yield
      }) : () -> ()
    } else {
    }
    return
  }
}

</mosaic_0001>

<sc_bundles>
// kernel: kernel.4.cloned.1.call-start
scs
__scs_entry_jumppad:
0x0: {  	(pc) =	sbr.rel $0x88, $3  }
0x1: {  	(tag) =	ssettag $0x0;
	lr =	simm.s32 $0x1  }
0x2: {  	[smem:$0x3F9F] =	sst lr;
	_ =	strace $0xD0000000  }
0x3: {  	_ = 	snop  }
0x4: {  	_ = 	snop  }
0x5: {  	_ = 	snop  }
0x6: {  	_ = 	snop  }
0x7: {  	_ = 	snop  }
__scs_overlays_trampoline_lowered:
0x8: {  	[smem:$0x3FAE] =	sst s0  }
0x9: {  	[smem:$0x3FAF] =	sst s1  }
0xa: {  	[smem:$0x3FB0] =	sst s2  }
0xb: {  	[smem:$0x3FB1] =	sst s3  }
0xc: {  	[smem:$0x3FB2] =	sst s4  }
0xd: {  	[smem:$0x3FB3] =	sst s5  }
0xe: {  	[smem:$0x3FB4] =	sst s6  }
0xf: {  	[smem:$0x3FB5] =	sst s7  }
0x10: {  	[smem:$0x3FB6] =	sst s8  }
0x11: {  	[smem:$0x3FB7] =	sst s9;
	s0 =	simm.s32 @!p0 $0x0  }
0x12: {  	s1 =	sld [smem:$0x3F9D];
	s0 =	simm.s32 @p0 $0x1  }
0x13: {  	[smem:$0x3FB8] =	sst s0;
	s0 =	simm.s32 @!p1 $0x0  }
0x14: {  	s2 =	sld [smem:$0x3F9C];
	s0 =	simm.s32 @p1 $0x1  }
0x15: {  	[smem:$0x3FB9] =	sst s0;
	s0 =	simm.s32 @!p2 $0x0  }
0x16: {  	s3 =	sld [smem:$0x3FDB];
	s0 =	simm.s32 @p2 $0x1  }
0x17: {  	s4 =	simm.s32 $0x1BF5;
	[smem:$0x3FBB] =	sst s0  }
0x18: {  	s0 =	sld [smem:$0x3F9E];
	_ =	swait.ge [sflag:s4], $0x0  }
0x19: {  	s7 =	sld [smem:$0x3F9F]  }
0x1a: {  	s8 =	sadd.s32 $0xFFFFE003, lr  }
0x1b: {  	s9 =	sadd.s32 $0xFFFFFEF7, lr;
	s5 =	simm.s32 $0xFFFFFFFF;
	p2 =	slt.u32 s8, $0xFFFFF086  }
0x1c: {  	p1 =	slt.u32 s9, $0xF7A;
	s5 =	simm.s32 @!p2 $0x0  }
0x1d: {  	s5 =	simm.s32 @p1 $0x1;
	p0 =	seq.s32 s7, s2  }
0x1e: {  	s7 =	smul.u32 @!p0 $0xF7A, s2;
	p2 =	seq.s32 @!p0 s5, $0x0  }
0x1f: {  	s9 =	smul.u32 $0xF7A, s1;
	s8 =	simm.s32 @!p0 $0x1BF5;
	p2 =	por !p2, p0  }
0x20: {  	[sflag:s8] =	ssyncset.s32 @!p0 $0xFFFFF086;
	s6 =	sadd.s32 @!p0 s3, s7;
	s7 =	simm.s32 @!p0 $0x108  }
0x21: {  	s3 =	sadd.s32 s3, s9;
	s6 =	sadd.s32 @!p0 $0x88, s6;
	s7 =	simm.s32 @p2 $0x1082  }
0x22: {  	[simem:s7], [sflag:s8] =	dma.local @!p0 [hbm:s6], $0xF7A  }
0x23: {  	s9 =	sor.u32 $0xD0000000, s2;
	s6 =	simm.s32 $0x108;
	_ =	swait.ge @!p0 [sflag:s8], $0x0  }
0x24: {  	s3 =	sadd.s32 $0x88, s3;
	s6 =	simm.s32 @!p1 $0x1082;
	[sflag:s4] =	ssyncset.s32 $0xFFFFF086  }
0x25: {  	[simem:s6], [sflag:s4] =	dma.local [hbm:s3], $0xF7A  }
0x26: {  	[smem:$0x3F9F] =	sst s1;
	(tag) =	ssettag s2;
	_ =	strace s9  }
0x27: {  	s1 =	sld [smem:$0x3FAF]  }
0x28: {  	s2 =	sld [smem:$0x3FB0]  }
0x29: {  	s4 =	sld [smem:$0x3FB2]  }
0x2a: {  	p0 =	seq.s32 s5, $0x0;
	s5 =	sld [smem:$0x3FB3]  }
0x2b: {  	s6 =	sld [smem:$0x3FB4]  }
0x2c: {  	s7 =	sld [smem:$0x3FB5]  }
0x2d: {  	s3 =	simm.s32 $0x108;
	s8 =	sld [smem:$0x3FB6]  }
0x2e: {  	s3 =	simm.s32 @!p0 $0x1082;
	s9 =	sld [smem:$0x3FB7]  }
0x2f: {  	lr =	sadd.s32 s0, s3;
	s0 =	sld [smem:$0x3FAE]  }
0x30: {  	s3 =	sld [smem:$0x3FB1]  }
0x31: {  	[smem:$0x3FBA] =	sst s10  }
0x32: {  	s10 =	sld [smem:$0x3FB8];
	_ =	sdelay $0x3  }
0x33: {  	p0 =	seq.s32 s10, $0x1;
	s10 =	sld [smem:$0x3FBA];
	_ =	sdelay $0x3  }
0x34: {  	[smem:$0x3FBA] =	sst s10  }
0x35: {  	s10 =	sld [smem:$0x3FB9];
	_ =	sdelay $0x3  }
0x36: {  	p1 =	seq.s32 s10, $0x1;
	s10 =	sld [smem:$0x3FBA];
	_ =	sdelay $0x3  }
0x37: {  	[smem:$0x3FBA] =	sst s10  }
0x38: {  	s10 =	sld [smem:$0x3FBB]  }
0x39: {  	_ = 	snop;
	(pc) =	sbr.ind lr, $3  }
0x3a: {  	_ = 	snop  }
0x3b: {  	_ = 	snop  }
0x3c: {  	p2 =	seq.s32 s10, $0x1;
	s10 =	sld [smem:$0x3FBA]  }
0x3d: {  	_ =	shalt  }
0x3e: {  	_ =	shalt  }
0x3f: {  	_ =	shalt  }
0x40: {  	_ =	shalt  }
0x41: {  	_ =	shalt  }
0x42: {  	_ =	shalt  }
0x43: {  	_ =	shalt  }
0x44: {  	_ =	shalt  }
0x45: {  	_ =	shalt  }
0x46: {  	_ =	shalt  }
0x47: {  	_ =	shalt  }
0x48: {  	_ =	shalt  }
0x49: {  	_ =	shalt  }
0x4a: {  	_ =	shalt  }
0x4b: {  	_ =	shalt  }
0x4c: {  	_ =	shalt  }
0x4d: {  	_ =	shalt  }
0x4e: {  	_ =	shalt  }
0x4f: {  	_ =	shalt  }
0x50: {  	_ =	shalt  }
0x51: {  	_ =	shalt  }
0x52: {  	_ =	shalt  }
0x53: {  	_ =	shalt  }
0x54: {  	_ =	shalt  }
0x55: {  	_ =	shalt  }
0x56: {  	_ =	shalt  }
0x57: {  	_ =	shalt  }
0x58: {  	_ =	shalt  }
0x59: {  	_ =	shalt  }
0x5a: {  	_ =	shalt  }
0x5b: {  	_ =	shalt  }
0x5c: {  	_ =	shalt  }
0x5d: {  	_ =	shalt  }
0x5e: {  	_ =	shalt  }
0x5f: {  	_ =	shalt  }
0x60: {  	_ =	shalt  }
0x61: {  	_ =	shalt  }
0x62: {  	_ =	shalt  }
0x63: {  	_ =	shalt  }
0x64: {  	_ =	shalt  }
0x65: {  	_ =	shalt  }
0x66: {  	_ =	shalt  }
0x67: {  	_ =	shalt  }
0x68: {  	_ =	shalt  }
0x69: {  	_ =	shalt  }
0x6a: {  	_ =	shalt  }
0x6b: {  	_ =	shalt  }
0x6c: {  	_ =	shalt  }
0x6d: {  	_ =	shalt  }
0x6e: {  	_ =	shalt  }
0x6f: {  	_ =	shalt  }
0x70: {  	_ =	shalt  }
0x71: {  	_ =	shalt  }
0x72: {  	_ =	shalt  }
0x73: {  	_ =	shalt  }
0x74: {  	_ =	shalt  }
0x75: {  	_ =	shalt  }
0x76: {  	_ =	shalt  }
0x77: {  	_ =	shalt  }
0x78: {  	_ =	shalt  }
0x79: {  	_ =	shalt  }
0x7a: {  	_ =	shalt  }
0x7b: {  	_ =	shalt  }
0x7c: {  	_ =	shalt  }
0x7d: {  	_ =	shalt  }
0x7e: {  	_ =	shalt  }
0x7f: {  	_ =	shalt  }
0x80: {  	_ =	shalt  }
0x81: {  	_ =	shalt  }
0x82: {  	_ =	shalt  }
0x83: {  	_ =	shalt  }
0x84: {  	_ =	shalt  }
0x85: {  	_ =	shalt  }
0x86: {  	_ =	shalt  }
0x87: {  	_ =	shalt  }
.Lfunc_end0:
.L_simem_size_0:
called_computation_lowered:
.L_overlay_start_0:
0x88: {  	s2 =	sld [smem:$0x3FD9]  }
0x89: {  	s3 =	sld [smem:$0x3FFE];
	_ =	sdelay $0x1  }
0x8a: {  	s1 =	srdreg.scid  }
0x8b: {  	s0 =	sand.u32 $0x1, s1  }
0x8c: {  	s17 =	sshll.u32 s0, $0xA;
	s2 =	sadd.s32 s3, s2  }
0x8d: {  	s2 =	sadd.s32 s2, s17  }
0x8e: {  	[smem:$0x3FC6] =	sst s2  }
0x8f: {  	_ = 	snop  }
0x90: {  	s2 =	sld [smem:$0x3FC8];
	(tm) =	ssettm $0x1  }
0x91: {  	s18 =	sld [smem:$0x3FFB];
	_ =	sdelay $0x3  }
0x92: {  	_ =	strace s18  }
0x93: {  	s3 =	sld [smem:$0x3FFC];
	_ =	sdelay $0x3  }
0x94: {  	_ =	strace s3  }
0x95: {  	s3 =	sld [smem:$0x3FFD];
	_ =	sdelay $0x3  }
0x96: {  	_ =	strace s3  }
0x97: {  	_ =	strace $0x8FFFFFFF  }
0x98: {  	s19 =	sld [smem:$0x3FDB];
	_ =	sdelay $0x1  }
0x99: {  	s4 =	simm.s32 $_scs_section_size  }
0x9a: {  	s5 =	simm.s32 $_size__tile_overlayer_lowered;
	s6 =	simm.s32 $_tile_overlayer_lowered  }
0x9b: {  	s22 =	simm.s32 $0x1BFF;
	s21 =	sshll.u32 s6, $0x1;
	s3 =	sadd.s32 s4, s19  }
0x9c: {  	s7 =	simm.s32 $0x0;
	s20 =	sshll.u32 s5, $0x1;
	s5 =	sadd.s32 s21, s3  }
0x9d: {  	[timem:s7], [sflag:s22] =	dma.local [hbm:s5], s20  }
0x9e: {  	_ =	swait.ge [sflag:s22], s20  }
0x9f: {  	s4 =	ssub.s32 $0x0, s20;
	[sflag:s22] =	ssyncset.done $0x0  }
0xa0: {  	[sflag:s22] =	ssyncadd.s32 s4;
	_ =	sdelay $0x1  }
0xa1: {  	s23 =	simm.s32 $0x1B8B  }
0xa2: {  	_ =	swait.ge [sflag:s23], $0x1  }
0xa3: {  	[sflag:s23] =	ssyncset.done $0x0  }
0xa4: {  	s25 =	simm.s32 $0x1B8E;
	s24 =	sld [smem:$0x3FFE];
	[sflag:s23] =	ssyncadd.s32 $0xFFFFFFFF  }
0xa5: {  	s26 =	simm.s32 $execute0_lowered;
	[smem:$0x3FD2] =	sst s25  }
0xa6: {  	s5 =	sshll.u32 s26, $0x1;
	_ =	strace $0x80000046;
	[dreg:$0x1] =	wrdreg $0xFFFFFFFF  }
0xa7: {  	s28 =	simm.s32 $_size_execute0_lowered;
	s3 =	sadd.s32 s3, s5;
	[dreg:$0x0] =	wrdreg $0x0  }
0xa8: {  	s5 =	sshll.u32 s28, $0x1;
	[dreg:$0x2] =	wrdreg s3  }
0xa9: {  	[dreg:$0x3] =	wrdreg s5  }
0xaa: {  	[dreg:$0x4] =	wrdreg $0xC0  }
0xab: {  	_ =	task [dreg:s7], $0x5FFFF  }
0xac: {  	[dreg:$0x1] =	wrdreg $0xFFFFFFFF  }
0xad: {  	[dreg:$0x0] =	wrdreg $0x60  }
0xae: {  	[dreg:$0x2] =	wrdreg s2  }
0xaf: {  	[dreg:$0x3] =	wrdreg s24  }
0xb0: {  	[dreg:$0x4] =	wrdreg $0x9  }
0xb1: {  	_ =	task.clear_ibuf [dreg:s7], $0x5FFFF;
	_ =	strace $0x90000046  }
0xb2: {  	s29 =	simm.s32 $0x9;
	_ =	strace $0x80000048  }
0xb3: {  	_ =	swait.ge [sflag:s29], $0x1  }
0xb4: {  	[sflag:s29] =	ssyncadd.s32 $0xFFFFFFFF  }
0xb5: {  	_ =	strace $0x90000048  }
0xb6: {  	_ =	sfence  }
0xb7: {  	s30 =	sld [smem:$0x0];
	_ =	sdelay $0x2  }
0xb8: {  	s31 =	sshll.u32 s1, $0xD;
	s1 =	sshrl.u32 s1, $0x2  }
0xb9: {  	s3 =	sand.u32 $0x4000, s31;
	s1 =	sadd.s32 s1, s30  }
0xba: {  	s0 =	sor.u32 s3, s0;
	s1 =	sshll.u32 s1, $0x11  }
0xbb: {  	s0 =	sor.u32 s1, s0  }
0xbc: {  	s0 =	sadd.s32 $0x8F2B, s0  }
0xbd: {  	[sflag:s0] =	ssyncadd.remote.s32 $0x1  }
0xbe: {  	_ =	sfence.sel $0xFFFF  }
0xbf: {  	[dreg:$0x0] =	wrdreg $0xFFFFFFFF;
	(pc) =	sbr.abs _section_cstart, $3  }
0xc0: {  	[dreg:$0x1] =	wrdreg $0xFFFFFFFF  }
0xc1: {  	_ =	task.clear_ibuf [dreg:s7], $0x2FFFF;
	_ =	strace $0x9FFFFFFF  }
0xc2: {  	(tm) =	ssettm $0x7FFFFFFF  }
0xc3: {  	_ =	shalt  }
tec
execute0_lowered:
.L_overlay_start_1:
0x0: {  	(tag) =	ssettag $0x1  }
0x1: {  	s1 =	rddreg [dreg:$0x0]  }
0x2: {  	s0 =	rddreg [dreg:$0x1]  }
0x3: {  	s3 =	simm.s32 $0x0;
	s2 =	srdreg.scid;
	s4 =	stileid.u32  }
0x4: {  	s29 =	simm.s32 $0x1;
	s30 =	simm.s32 $0xC000;
	[smem:$0x7FF] =	sst s3  }
0x5: {  	s2 =	sand.u32 $0x1, s2;
	s4 =	sshll.u32 s4, $0x1;
	s5 =	sadd.s32 $0xA00, s0  }
0x6: {  	s6 =	sadd.s32 $0xC00, s0;
	s0 =	sadd.s32 $0x3D1400, s0;
	s4 =	sor.u32 s2, s4  }
0x7: {  	s31 =	simm.s32 $0x10200;
	_ =	strace $0x80000047;
	s20 =	sshll.u32 s4, $0x9  }
0x8: {  	[dreg:$0x3] =	wrdreg s5;
	s2 =	ssub.s32 $0x2, s2;
	s7 =	sadd.s32 s1, s20  }
0x9: {  	[dreg:$0xb] =	wrdreg s0;
	s0 =	simm.s32 $0x2;
	s5 =	sadd.s32 $0xF4280, s7  }
0xa: {  	s8 =	sshrl.u32 s2, $0x1;
	s21 =	sadd.s32 $0x1E8500, s7;
	[dreg:$0x4] =	wrdreg s5  }
0xb: {  	s15 =	sor.u32 $0x40, s4;
	s22 =	sadd.s32 $0x2DC780, s7;
	[dreg:$0x5] =	wrdreg s21  }
0xc: {  	s16 =	sor.u32 $0x60, s4;
	s23 =	sadd.s32 $0x4000, s7;
	[dreg:$0x6] =	wrdreg s22  }
0xd: {  	s17 =	sor.u32 $0x20, s4;
	s24 =	sadd.s32 $0xF8280, s7;
	[dreg:$0x7] =	wrdreg s23  }
0xe: {  	s2 =	ssub.s32 s2, s8;
	s25 =	sadd.s32 $0x1EC500, s7;
	[dreg:$0x8] =	wrdreg s24  }
.Ltmp0:
0xf: {  	s26 =	sadd.s32 $0x2E0780, s7;
	[dreg:$0x9] =	wrdreg s25;
	(pc) =	sbr.rel .LBB2_1-.Ltmp0, $4  }
0x10: {  	s18 =	sor.u32 $0x80, s4;
	s28 =	smax.u32 s2, $0x1;
	[dreg:$0xa] =	wrdreg s26  }
0x11: {  	p0 =	sne.s32 s4, $0x0;
	s2 =	simm.s32 $0x14200;
	[dreg:$0xc] =	wrdreg s28  }
0x12: {  	v0 =	vlaneseq.u32;
	s21 =	simm.s32 $0x3;
	s22 =	simm.s32 $0x18200;
	s23 =	simm.s32 $0x4  }
0x13: {  	v0 =	vmul.u32 $0x21, v0;
	s24 =	simm.s32 $0x5;
	s25 =	simm.s32 $0x6;
	s26 =	simm.s32 $0x0  }
.LBB2_19:
0x14: {  	_ =	swait.ge [sflag:s23], $0x4000  }
0x15: {  	[sflag:s23] =	ssyncset.done $0x0  }
0x16: {  	[sflag:s23] =	ssyncadd.s32 $0xFFFFC000  }
0x17: {  	_ =	swait.ge [sflag:s24], $0x4000  }
0x18: {  	[sflag:s24] =	ssyncset.done $0x0  }
0x19: {  	[sflag:s24] =	ssyncadd.s32 $0xFFFFC000  }
0x1a: {  	_ =	swait.ge [sflag:s25], $0x4000  }
0x1b: {  	s5 =	simm.s32 @!p0 $0x0;
	[sflag:s25] =	ssyncset.done $0x0  }
0x1c: {  	s8 =	simm.s32 @!p0 $0x1C200;
	s9 =	rddreg [dreg:$0x3];
	[sflag:s25] =	ssyncadd.s32 $0xFFFFC000  }
0x1d: {  	[tilespmem:s8], [sflag:$0x7] =	stream.linear.gather @!p0 [hbm4b:s9+s5], $0x800, $0x38;
	[tilespmem:$0x1CA00] =	vst v63  }
0x1e: {  	s9 =	simm.s32 @!p0 $0x7  }
0x1f: {  	_ =	swait.ge @!p0 [sflag:s9], $0x800  }
0x20: {  	[sflag:s9] =	ssyncset.done @!p0 $0x0  }
0x21: {  	s10 =	rddreg [dreg:$0xb];
	[sflag:s9] =	ssyncadd.s32 @!p0 $0xFFFFF800  }
0x22: {  	[hbm4b:s10+s5] =	stream.linear.scatter @!p0 [tilespmem:s8], [sflag:$0x7], $0x800, $0x38;
	[tilespmem:$0x1CA00] =	vst v63  }
0x23: {  	_ =	swait.ge @!p0 [sflag:s9], $0x800  }
0x24: {  	s26 =	sadd.s32 $0x1, s26;
	s28 =	rddreg [dreg:$0xc]  }
0x25: {  	p1 =	sne.s32 s26, s28  }
.Ltmp1:
0x26: {  	_ = 	snop;
	(pc) =	sbr.rel @!p1 .LBB2_20-.Ltmp1, $3  }
0x27: {  	_ =	sdelay $0x1  }
0x28: {  	[sflag:s9] =	ssyncset.done @!p0 $0x0  }
0x29: {  	[sflag:s9] =	ssyncadd.s32 @!p0 $0xFFFFF800  }
.LBB2_1:
0x2a: {  	[tilespmem:s3], [sflag:$0x1] =	stream.linear.gather [hbm4b:s7+s3], $0x1000, $0x38;
	[tilespmem:$0x1CA00] =	vst v63  }
0x2b: {  	s5 =	rddreg [dreg:$0x4];
	s8 =	simm.s32 $0x1000  }
0x2c: {  	[tilespmem:s8], [sflag:$0x1] =	stream.linear.gather [hbm4b:s5+s3], $0x1000, $0x38;
	[tilespmem:$0x1CA00] =	vst v63  }
0x2d: {  	s13 =	rddreg [dreg:$0x5];
	s14 =	simm.s32 $0x2000  }
0x2e: {  	[tilespmem:s14], [sflag:$0x1] =	stream.linear.gather [hbm4b:s13+s3], $0x1000, $0x38;
	[tilespmem:$0x1CA00] =	vst v63  }
0x2f: {  	s19 =	rddreg [dreg:$0x6];
	s20 =	simm.s32 $0x3000  }
0x30: {  	[tilespmem:s20], [sflag:$0x1] =	stream.linear.gather [hbm4b:s19+s3], $0x1000, $0x38;
	[tilespmem:$0x1CA00] =	vst v63  }
0x31: {  	s9 =	rddreg [dreg:$0x7];
	s10 =	simm.s32 $0x4000  }
0x32: {  	[tilespmem:s10], [sflag:$0x2] =	stream.linear.gather [hbm4b:s9+s3], $0x1000, $0x38;
	[tilespmem:$0x1CA00] =	vst v63  }
0x33: {  	s11 =	rddreg [dreg:$0x8];
	s12 =	simm.s32 $0x5000  }
0x34: {  	[tilespmem:s12], [sflag:$0x2] =	stream.linear.gather [hbm4b:s11+s3], $0x1000, $0x38;
	[tilespmem:$0x1CA00] =	vst v63  }
.Ltmp2:
0x35: {  	_ = 	snop;
	(pc) =	sbr.rel .LBB2_2-.Ltmp2, $4  }
0x36: {  	s13 =	rddreg [dreg:$0x9];
	s14 =	simm.s32 $0x6000  }
0x37: {  	[tilespmem:s14], [sflag:$0x2] =	stream.linear.gather [hbm4b:s13+s3], $0x1000, $0x38;
	[tilespmem:$0x1CA00] =	vst v63  }
0x38: {  	s28 =	simm.s32 $0x0;
	s19 =	rddreg [dreg:$0xa];
	s20 =	simm.s32 $0x7000  }
0x39: {  	[tilespmem:s20], [sflag:$0x2] =	stream.linear.gather [hbm4b:s19+s3], $0x1000, $0x38;
	[tilespmem:$0x1CA00] =	vst v63  }
.LBB2_18:
0x3a: {  	s28 =	sadd.s32 $0x1, s28  }
0x3b: {  	p1 =	sne.s32 s28, $0x15  }
.Ltmp3:
0x3c: {  	_ = 	snop;
	(pc) =	sbr.rel @!p1 .LBB2_19-.Ltmp3, $1  }
0x3d: {  	_ =	sdelay $0x3  }
.LBB2_2:
0x3e: {  	s8 =	smul.u32 $0x60, s28;
	_ =	sdelay $0x1  }
0x3f: {  	s5 =	sadd.s32 s15, s8  }
0x40: {  	p1 =	sgt.u32 s5, $0x7A0  }
0x41: {  	s9 =	sshll.u32 @!p1 s5, $0x9;
	s11 =	simm.s32 @!p1 $0x0  }
0x42: {  	s12 =	simm.s32 @!p1 $0x8000;
	s10 =	sadd.s32 @!p1 s1, s9;
	s9 =	sand.u32 @!p1 $0x1FFFFE00, s9  }
0x43: {  	[tilespmem:s12], [sflag:$0x3] =	stream.linear.gather @!p1 [hbm4b:s10+s11], $0x1000, $0x38;
	[tilespmem:$0x1CA00] =	vst v63  }
0x44: {  	s9 =	sadd.s32 @!p1 s1, s9  }
0x45: {  	s12 =	simm.s32 @!p1 $0x9000;
	s10 =	sadd.s32 @!p1 $0xF4280, s9  }
0x46: {  	[tilespmem:s12], [sflag:$0x3] =	stream.linear.gather @!p1 [hbm4b:s10+s11], $0x1000, $0x38;
	[tilespmem:$0x1CA00] =	vst v63  }
0x47: {  	s10 =	sadd.s32 @!p1 $0x1E8500, s9;
	s12 =	simm.s32 @!p1 $0xA000  }
0x48: {  	[tilespmem:s12], [sflag:$0x3] =	stream.linear.gather @!p1 [hbm4b:s10+s11], $0x1000, $0x38;
	[tilespmem:$0x1CA00] =	vst v63  }
0x49: {  	s9 =	sadd.s32 @!p1 $0x2DC780, s9;
	s10 =	simm.s32 @!p1 $0xB000  }
0x4a: {  	[tilespmem:s10], [sflag:$0x3] =	stream.linear.gather @!p1 [hbm4b:s9+s11], $0x1000, $0x38;
	[tilespmem:$0x1CA00] =	vst v63  }
0x4b: {  	_ =	swait.ge [sflag:s29], $0x1000  }
0x4c: {  	[sflag:s29] =	ssyncset.done $0x0  }
0x4d: {  	[sflag:s29] =	ssyncadd.s32 $0xFFFFF000  }
0x4e: {  	_ =	swait.ge [sflag:s29], $0x1000  }
0x4f: {  	[sflag:s29] =	ssyncset.done $0x0  }
0x50: {  	[sflag:s29] =	ssyncadd.s32 $0xFFFFF000  }
0x51: {  	_ =	swait.ge [sflag:s29], $0x1000  }
0x52: {  	[sflag:s29] =	ssyncset.done $0x0  }
0x53: {  	[sflag:s29] =	ssyncadd.s32 $0xFFFFF000  }
0x54: {  	_ =	swait.ge [sflag:s29], $0x1000  }
0x55: {  	p2 =	seq.s32 s28, $0x0;
	[sflag:s29] =	ssyncset.done $0x0  }
0x56: {  	s9 =	simm.s32 @!p2 $0x4;
	[sflag:s29] =	ssyncadd.s32 $0xFFFFF000  }
0x57: {  	s10 =	simm.s32 $0x0;
	_ =	swait.ge @!p2 [sflag:s9], $0x4000  }
0x58: {  	s14 =	sand.u32 $0x70, s10;
	s19 =	sand.u32 $0xC00, s10;
	[sflag:s9] =	ssyncset.done @!p2 $0x0  }
0x59: {  	s20 =	simm.s32 $0x0;
	s13 =	sor.u32 s14, s19;
	[sflag:s9] =	ssyncadd.s32 @!p2 $0xFFFFC000  }
0x5a: {  	v2 =	vadd.s32 s20, v0;
	v1 =	vld [tilespmem:s13+$0x0];
	_ =	sdelay $0x4  }
0x5b: {  	s14 =	simm.s32 $0x1;
	[tilespmem:v2+s30+$0x0] =	vst.idx.msk $0xffff, v1  }
0x5c: {  	v2 =	vadd.s32 s14, v0;
	v1 =	vld [tilespmem:s13+$0x80];
	_ =	sdelay $0x4  }
0x5d: {  	s19 =	simm.s32 $0x2;
	[tilespmem:v2+s30+$0x0] =	vst.idx.msk $0xffff, v1  }
0x5e: {  	v2 =	vadd.s32 s19, v0;
	v1 =	vld [tilespmem:s13+$0x100];
	_ =	sdelay $0x4  }
0x5f: {  	s20 =	simm.s32 $0x3;
	[tilespmem:v2+s30+$0x0] =	vst.idx.msk $0xffff, v1  }
0x60: {  	v2 =	vadd.s32 s20, v0;
	v1 =	vld [tilespmem:s13+$0x180];
	_ =	sdelay $0x4  }
0x61: {  	s11 =	simm.s32 $0x4;
	[tilespmem:v2+s30+$0x0] =	vst.idx.msk $0xffff, v1  }
0x62: {  	v2 =	vadd.s32 s11, v0;
	v1 =	vld [tilespmem:s13+$0x200];
	_ =	sdelay $0x4  }
0x63: {  	s12 =	simm.s32 $0x5;
	[tilespmem:v2+s30+$0x0] =	vst.idx.msk $0xffff, v1  }
0x64: {  	v2 =	vadd.s32 s12, v0;
	v1 =	vld [tilespmem:s13+$0x280];
	_ =	sdelay $0x4  }
0x65: {  	s14 =	simm.s32 $0x6;
	[tilespmem:v2+s30+$0x0] =	vst.idx.msk $0xffff, v1  }
0x66: {  	v2 =	vadd.s32 s14, v0;
	v1 =	vld [tilespmem:s13+$0x300];
	_ =	sdelay $0x3  }
0x67: {  	s19 =	sor.u32 s10, s10  }
0x68: {  	s9 =	sor.u32 $0x380, s19;
	s20 =	simm.s32 $0x7;
	[tilespmem:v2+s30+$0x0] =	vst.idx.msk $0xffff, v1  }
0x69: {  	v2 =	vadd.s32 s20, v0;
	v1 =	vld [tilespmem:s9+$0x0];
	_ =	sdelay $0x4  }
0x6a: {  	s11 =	simm.s32 $0x8;
	[tilespmem:v2+s30+$0x0] =	vst.idx.msk $0xffff, v1  }
0x6b: {  	v2 =	vadd.s32 s11, v0;
	v1 =	vld [tilespmem:s13+$0x1000];
	_ =	sdelay $0x4  }
0x6c: {  	s12 =	simm.s32 $0x9;
	[tilespmem:v2+s30+$0x0] =	vst.idx.msk $0xffff, v1  }
0x6d: {  	v2 =	vadd.s32 s12, v0;
	v1 =	vld [tilespmem:s13+$0x1080];
	_ =	sdelay $0x4  }
0x6e: {  	s14 =	simm.s32 $0xA;
	[tilespmem:v2+s30+$0x0] =	vst.idx.msk $0xffff, v1  }
0x6f: {  	v2 =	vadd.s32 s14, v0;
	v1 =	vld [tilespmem:s13+$0x1100];
	_ =	sdelay $0x4  }
0x70: {  	s19 =	simm.s32 $0xB;
	[tilespmem:v2+s30+$0x0] =	vst.idx.msk $0xffff, v1  }
0x71: {  	v2 =	vadd.s32 s19, v0;
	v1 =	vld [tilespmem:s13+$0x1180];
	_ =	sdelay $0x4  }
0x72: {  	s20 =	simm.s32 $0xC;
	[tilespmem:v2+s30+$0x0] =	vst.idx.msk $0xffff, v1  }
0x73: {  	v2 =	vadd.s32 s20, v0;
	v1 =	vld [tilespmem:s13+$0x1200];
	_ =	sdelay $0x4  }
0x74: {  	s10 =	simm.s32 $0xD;
	[tilespmem:v2+s30+$0x0] =	vst.idx.msk $0xffff, v1  }
0x75: {  	v2 =	vadd.s32 s10, v0;
	v1 =	vld [tilespmem:s13+$0x1280];
	_ =	sdelay $0x4  }
0x76: {  	s11 =	simm.s32 $0xE;
	[tilespmem:v2+s30+$0x0] =	vst.idx.msk $0xffff, v1  }
0x77: {  	v2 =	vadd.s32 s11, v0;
	v1 =	vld [tilespmem:s13+$0x1300];
	_ =	sdelay $0x4  }
0x78: {  	s12 =	simm.s32 $0xF;
	[tilespmem:v2+s30+$0x0] =	vst.idx.msk $0xffff, v1  }
0x79: {  	v2 =	vadd.s32 s12, v0;
	v1 =	vld [tilespmem:s13+$0x1380];
	_ =	sdelay $0x4  }
0x7a: {  	s14 =	simm.s32 $0x10;
	[tilespmem:v2+s30+$0x0] =	vst.idx.msk $0xffff, v1  }
0x7b: {  	v2 =	vadd.s32 s14, v0;
	v1 =	vld [tilespmem:s13+$0x2000];
	_ =	sdelay $0x4  }
0x7c: {  	s19 =	simm.s32 $0x11;
	[tilespmem:v2+s30+$0x0] =	vst.idx.msk $0xffff, v1  }
0x7d: {  	v2 =	vadd.s32 s19, v0;
	v1 =	vld [tilespmem:s13+$0x2080];
	_ =	sdelay $0x4  }
0x7e: {  	s20 =	simm.s32 $0x12;
	[tilespmem:v2+s30+$0x0] =	vst.idx.msk $0xffff, v1  }
0x7f: {  	v2 =	vadd.s32 s20, v0;
	v1 =	vld [tilespmem:s13+$0x2100];
	_ =	sdelay $0x4  }
0x80: {  	s10 =	simm.s32 $0x13;
	[tilespmem:v2+s30+$0x0] =	vst.idx.msk $0xffff, v1  }
0x81: {  	v2 =	vadd.s32 s10, v0;
	v1 =	vld [tilespmem:s13+$0x2180];
	_ =	sdelay $0x4  }
0x82: {  	s11 =	simm.s32 $0x14;
	[tilespmem:v2+s30+$0x0] =	vst.idx.msk $0xffff, v1  }
0x83: {  	v2 =	vadd.s32 s11, v0;
	v1 =	vld [tilespmem:s13+$0x2200];
	_ =	sdelay $0x4  }
0x84: {  	s12 =	simm.s32 $0x15;
	[tilespmem:v2+s30+$0x0] =	vst.idx.msk $0xffff, v1  }
0x85: {  	v2 =	vadd.s32 s12, v0;
	v1 =	vld [tilespmem:s13+$0x2280];
	_ =	sdelay $0x4  }
0x86: {  	s14 =	simm.s32 $0x16;
	[tilespmem:v2+s30+$0x0] =	vst.idx.msk $0xffff, v1  }
0x87: {  	v2 =	vadd.s32 s14, v0;
	v1 =	vld [tilespmem:s13+$0x2300];
	_ =	sdelay $0x4  }
0x88: {  	s19 =	simm.s32 $0x17;
	[tilespmem:v2+s30+$0x0] =	vst.idx.msk $0xffff, v1  }
0x89: {  	v2 =	vadd.s32 s19, v0;
	v1 =	vld [tilespmem:s13+$0x2380];
	_ =	sdelay $0x4  }
0x8a: {  	s20 =	simm.s32 $0x18;
	[tilespmem:v2+s30+$0x0] =	vst.idx.msk $0xffff, v1  }
0x8b: {  	v2 =	vadd.s32 s20, v0;
	v1 =	vld [tilespmem:s13+$0x3000];
	_ =	sdelay $0x4  }
0x8c: {  	s10 =	simm.s32 $0x19;
	[tilespmem:v2+s30+$0x0] =	vst.idx.msk $0xffff, v1  }
0x8d: {  	v2 =	vadd.s32 s10, v0;
	v1 =	vld [tilespmem:s13+$0x3080];
	_ =	sdelay $0x4  }
0x8e: {  	s11 =	simm.s32 $0x1A;
	[tilespmem:v2+s30+$0x0] =	vst.idx.msk $0xffff, v1  }
0x8f: {  	v2 =	vadd.s32 s11, v0;
	v1 =	vld [tilespmem:s13+$0x3100];
	_ =	sdelay $0x4  }
0x90: {  	s12 =	simm.s32 $0x1B;
	[tilespmem:v2+s30+$0x0] =	vst.idx.msk $0xffff, v1  }
0x91: {  	v2 =	vadd.s32 s12, v0;
	v1 =	vld [tilespmem:s13+$0x3180];
	_ =	sdelay $0x4  }
0x92: {  	s14 =	simm.s32 $0x1C;
	[tilespmem:v2+s30+$0x0] =	vst.idx.msk $0xffff, v1  }
0x93: {  	v2 =	vadd.s32 s14, v0;
	v1 =	vld [tilespmem:s13+$0x3200];
	_ =	sdelay $0x4  }
0x94: {  	s19 =	simm.s32 $0x1D;
	[tilespmem:v2+s30+$0x0] =	vst.idx.msk $0xffff, v1  }
0x95: {  	v2 =	vadd.s32 s19, v0;
	v1 =	vld [tilespmem:s13+$0x3280];
	_ =	sdelay $0x4  }
0x96: {  	s20 =	simm.s32 $0x1E;
	[tilespmem:v2+s30+$0x0] =	vst.idx.msk $0xffff, v1  }
0x97: {  	v2 =	vadd.s32 s20, v0;
	v1 =	vld [tilespmem:s13+$0x3300];
	_ =	sdelay $0x4  }
0x98: {  	s14 =	simm.s32 $0x1F;
	[tilespmem:v2+s30+$0x0] =	vst.idx.msk $0xffff, v1  }
0x99: {  	v2 =	vadd.s32 s14, v0;
	v1 =	vld [tilespmem:s13+$0x3380];
	_ =	sdelay $0x1  }
0x9a: {  	s9 =	sor.u32 s4, s8  }
0x9b: {  	s10 =	simm.s32 $0x22F;
	s11 =	simm.s32 $0x80;
	s12 =	simm.s32 $0x10  }
0x9c: {  	s19 =	sand.u32 $0xC00, s11;
	s14 =	sand.u32 $0x70, s12;
	s13 =	simm.s32 $0x43F  }
.LBB2_3:
0x9d: {  	p3 =	sne.s32 s13, $0x400F;
	s20 =	sadd.s32 $0xFFFFFFE1, s10;
	s14 =	sor.u32 s14, s19;
	[tilespmem:v2+s30+$0x0] =	vst.idx.msk $0xffff, v1  }
0x9e: {  	v1 =	vld [tilespmem:s14+$0x0];
	v2 =	vadd.s32 s20, v0;
	_ =	sdelay $0x4  }
0x9f: {  	s19 =	sadd.s32 $0xFFFFFFE2, s10;
	[tilespmem:v2+s30+$0x0] =	vst.idx.msk $0xffff, v1  }
0xa0: {  	v2 =	vadd.s32 s19, v0;
	v1 =	vld [tilespmem:s14+$0x80];
	_ =	sdelay $0x4  }
0xa1: {  	s19 =	sadd.s32 $0xFFFFFFE3, s10;
	[tilespmem:v2+s30+$0x0] =	vst.idx.msk $0xffff, v1  }
0xa2: {  	v2 =	vadd.s32 s19, v0;
	v1 =	vld [tilespmem:s14+$0x100];
	_ =	sdelay $0x4  }
0xa3: {  	s19 =	sadd.s32 $0xFFFFFFE4, s10;
	[tilespmem:v2+s30+$0x0] =	vst.idx.msk $0xffff, v1  }
0xa4: {  	v2 =	vadd.s32 s19, v0;
	v1 =	vld [tilespmem:s14+$0x180];
	_ =	sdelay $0x4  }
0xa5: {  	s19 =	sadd.s32 $0xFFFFFFE5, s10;
	[tilespmem:v2+s30+$0x0] =	vst.idx.msk $0xffff, v1  }
0xa6: {  	v2 =	vadd.s32 s19, v0;
	v1 =	vld [tilespmem:s14+$0x200];
	_ =	sdelay $0x4  }
0xa7: {  	s19 =	sadd.s32 $0xFFFFFFE6, s10;
	[tilespmem:v2+s30+$0x0] =	vst.idx.msk $0xffff, v1  }
0xa8: {  	v2 =	vadd.s32 s19, v0;
	v1 =	vld [tilespmem:s14+$0x280];
	_ =	sdelay $0x4  }
0xa9: {  	s19 =	sadd.s32 $0xFFFFFFE7, s10;
	[tilespmem:v2+s30+$0x0] =	vst.idx.msk $0xffff, v1  }
0xaa: {  	v2 =	vadd.s32 s19, v0;
	v1 =	vld [tilespmem:s14+$0x300];
	_ =	sdelay $0x3  }
0xab: {  	s19 =	sor.u32 s11, s12  }
0xac: {  	s20 =	sadd.s32 $0xFFFFFFE8, s10;
	s19 =	sor.u32 $0x380, s19;
	[tilespmem:v2+s30+$0x0] =	vst.idx.msk $0xffff, v1  }
0xad: {  	v2 =	vadd.s32 s20, v0;
	v1 =	vld [tilespmem:s19+$0x0];
	_ =	sdelay $0x4  }
0xae: {  	s19 =	sadd.s32 $0xFFFFFFE9, s10;
	[tilespmem:v2+s30+$0x0] =	vst.idx.msk $0xffff, v1  }
0xaf: {  	v2 =	vadd.s32 s19, v0;
	v1 =	vld [tilespmem:s14+$0x1000];
	_ =	sdelay $0x4  }
0xb0: {  	s19 =	sadd.s32 $0xFFFFFFEA, s10;
	[tilespmem:v2+s30+$0x0] =	vst.idx.msk $0xffff, v1  }
0xb1: {  	v2 =	vadd.s32 s19, v0;
	v1 =	vld [tilespmem:s14+$0x1080];
	_ =	sdelay $0x4  }
0xb2: {  	s19 =	sadd.s32 $0xFFFFFFEB, s10;
	[tilespmem:v2+s30+$0x0] =	vst.idx.msk $0xffff, v1  }
0xb3: {  	v2 =	vadd.s32 s19, v0;
	v1 =	vld [tilespmem:s14+$0x1100];
	_ =	sdelay $0x4  }
0xb4: {  	s19 =	sadd.s32 $0xFFFFFFEC, s10;
	[tilespmem:v2+s30+$0x0] =	vst.idx.msk $0xffff, v1  }
0xb5: {  	v2 =	vadd.s32 s19, v0;
	v1 =	vld [tilespmem:s14+$0x1180];
	_ =	sdelay $0x4  }
0xb6: {  	s19 =	sadd.s32 $0xFFFFFFED, s10;
	[tilespmem:v2+s30+$0x0] =	vst.idx.msk $0xffff, v1  }
0xb7: {  	v2 =	vadd.s32 s19, v0;
	v1 =	vld [tilespmem:s14+$0x1200];
	_ =	sdelay $0x4  }
0xb8: {  	s19 =	sadd.s32 $0xFFFFFFEE, s10;
	[tilespmem:v2+s30+$0x0] =	vst.idx.msk $0xffff, v1  }
0xb9: {  	v2 =	vadd.s32 s19, v0;
	v1 =	vld [tilespmem:s14+$0x1280];
	_ =	sdelay $0x4  }
0xba: {  	s19 =	sadd.s32 $0xFFFFFFEF, s10;
	[tilespmem:v2+s30+$0x0] =	vst.idx.msk $0xffff, v1  }
0xbb: {  	v2 =	vadd.s32 s19, v0;
	v1 =	vld [tilespmem:s14+$0x1300];
	_ =	sdelay $0x4  }
0xbc: {  	s19 =	sadd.s32 $0xFFFFFFF0, s10;
	[tilespmem:v2+s30+$0x0] =	vst.idx.msk $0xffff, v1  }
0xbd: {  	v2 =	vadd.s32 s19, v0;
	v1 =	vld [tilespmem:s14+$0x1380];
	_ =	sdelay $0x4  }
0xbe: {  	s19 =	sadd.s32 $0xFFFFFFF1, s10;
	[tilespmem:v2+s30+$0x0] =	vst.idx.msk $0xffff, v1  }
0xbf: {  	v2 =	vadd.s32 s19, v0;
	v1 =	vld [tilespmem:s14+$0x2000];
	_ =	sdelay $0x4  }
0xc0: {  	s19 =	sadd.s32 $0xFFFFFFF2, s10;
	[tilespmem:v2+s30+$0x0] =	vst.idx.msk $0xffff, v1  }
0xc1: {  	v2 =	vadd.s32 s19, v0;
	v1 =	vld [tilespmem:s14+$0x2080];
	_ =	sdelay $0x4  }
0xc2: {  	s19 =	sadd.s32 $0xFFFFFFF3, s10;
	[tilespmem:v2+s30+$0x0] =	vst.idx.msk $0xffff, v1  }
0xc3: {  	v2 =	vadd.s32 s19, v0;
	v1 =	vld [tilespmem:s14+$0x2100];
	_ =	sdelay $0x4  }
0xc4: {  	s19 =	sadd.s32 $0xFFFFFFF4, s10;
	[tilespmem:v2+s30+$0x0] =	vst.idx.msk $0xffff, v1  }
0xc5: {  	v2 =	vadd.s32 s19, v0;
	v1 =	vld [tilespmem:s14+$0x2180];
	_ =	sdelay $0x4  }
0xc6: {  	s19 =	sadd.s32 $0xFFFFFFF5, s10;
	[tilespmem:v2+s30+$0x0] =	vst.idx.msk $0xffff, v1  }
0xc7: {  	v2 =	vadd.s32 s19, v0;
	v1 =	vld [tilespmem:s14+$0x2200];
	_ =	sdelay $0x4  }
0xc8: {  	s19 =	sadd.s32 $0xFFFFFFF6, s10;
	[tilespmem:v2+s30+$0x0] =	vst.idx.msk $0xffff, v1  }
0xc9: {  	v2 =	vadd.s32 s19, v0;
	v1 =	vld [tilespmem:s14+$0x2280];
	_ =	sdelay $0x4  }
0xca: {  	s19 =	sadd.s32 $0xFFFFFFF7, s10;
	[tilespmem:v2+s30+$0x0] =	vst.idx.msk $0xffff, v1  }
0xcb: {  	v2 =	vadd.s32 s19, v0;
	v1 =	vld [tilespmem:s14+$0x2300];
	_ =	sdelay $0x4  }
0xcc: {  	s19 =	sadd.s32 $0xFFFFFFF8, s10;
	[tilespmem:v2+s30+$0x0] =	vst.idx.msk $0xffff, v1  }
0xcd: {  	v2 =	vadd.s32 s19, v0;
	v1 =	vld [tilespmem:s14+$0x2380];
	_ =	sdelay $0x4  }
0xce: {  	s19 =	sadd.s32 $0xFFFFFFF9, s10;
	[tilespmem:v2+s30+$0x0] =	vst.idx.msk $0xffff, v1  }
0xcf: {  	v2 =	vadd.s32 s19, v0;
	v1 =	vld [tilespmem:s14+$0x3000];
	_ =	sdelay $0x4  }
0xd0: {  	s19 =	sadd.s32 $0xFFFFFFFA, s10;
	[tilespmem:v2+s30+$0x0] =	vst.idx.msk $0xffff, v1  }
0xd1: {  	v2 =	vadd.s32 s19, v0;
	v1 =	vld [tilespmem:s14+$0x3080];
	_ =	sdelay $0x4  }
0xd2: {  	s19 =	sadd.s32 $0xFFFFFFFB, s10;
	[tilespmem:v2+s30+$0x0] =	vst.idx.msk $0xffff, v1  }
0xd3: {  	v2 =	vadd.s32 s19, v0;
	v1 =	vld [tilespmem:s14+$0x3100];
	_ =	sdelay $0x4  }
0xd4: {  	s19 =	sadd.s32 $0xFFFFFFFC, s10;
	[tilespmem:v2+s30+$0x0] =	vst.idx.msk $0xffff, v1  }
0xd5: {  	v2 =	vadd.s32 s19, v0;
	v1 =	vld [tilespmem:s14+$0x3180];
	_ =	sdelay $0x4  }
0xd6: {  	s19 =	sadd.s32 $0xFFFFFFFD, s10;
	[tilespmem:v2+s30+$0x0] =	vst.idx.msk $0xffff, v1  }
0xd7: {  	v2 =	vadd.s32 s19, v0;
	v1 =	vld [tilespmem:s14+$0x3200];
	_ =	sdelay $0x4  }
0xd8: {  	s19 =	sadd.s32 $0xFFFFFFFE, s10;
	[tilespmem:v2+s30+$0x0] =	vst.idx.msk $0xffff, v1  }
0xd9: {  	v2 =	vadd.s32 s19, v0;
	v1 =	vld [tilespmem:s14+$0x3280];
	_ =	sdelay $0x4  }
0xda: {  	s19 =	sadd.s32 $0xFFFFFFFF, s10;
	[tilespmem:v2+s30+$0x0] =	vst.idx.msk $0xffff, v1  }
0xdb: {  	v2 =	vadd.s32 s19, v0;
	v1 =	vld [tilespmem:s14+$0x3300];
	_ =	sdelay $0x4  }
0xdc: {  	[tilespmem:v2+s30+$0x0] =	vst.idx.msk $0xffff, v1  }
.Ltmp4:
0xdd: {  	v2 =	vadd.s32 s10, v0;
	s10 =	smov.u32 s13;
	v1 =	vld [tilespmem:s14+$0x3380];
	(pc) =	sbr.rel @p3 .LBB2_3-.Ltmp4, $3  }
0xde: {  	_ =	sdelay $0x1  }
0xdf: {  	s11 =	sadd.s32 $0x80, s11;
	s12 =	sadd.s32 $0x10, s12  }
0xe0: {  	s19 =	sand.u32 $0xC00, s11;
	s13 =	sadd.s32 $0x210, s13;
	s14 =	sand.u32 $0x70, s12  }
0xe1: {  	_ =	sdelay $0x3  }
0xe2: {  	s20 =	sadd.s32 $0xFFFFFFE1, s10;
	s13 =	sor.u32 s14, s19;
	[tilespmem:v2+s30+$0x0] =	vst.idx.msk $0xffff, v1  }
0xe3: {  	v1 =	vld [tilespmem:s13+$0x0];
	v2 =	vadd.s32 s20, v0;
	_ =	sdelay $0x4  }
0xe4: {  	s19 =	sadd.s32 $0xFFFFFFE2, s10;
	[tilespmem:v2+s30+$0x0] =	vst.idx.msk $0xffff, v1  }
0xe5: {  	v2 =	vadd.s32 s19, v0;
	v1 =	vld [tilespmem:s13+$0x80];
	_ =	sdelay $0x4  }
0xe6: {  	s20 =	sadd.s32 $0xFFFFFFE3, s10;
	[tilespmem:v2+s30+$0x0] =	vst.idx.msk $0xffff, v1  }
0xe7: {  	v2 =	vadd.s32 s20, v0;
	v1 =	vld [tilespmem:s13+$0x100];
	_ =	sdelay $0x4  }
0xe8: {  	s19 =	sadd.s32 $0xFFFFFFE4, s10;
	[tilespmem:v2+s30+$0x0] =	vst.idx.msk $0xffff, v1  }
0xe9: {  	v2 =	vadd.s32 s19, v0;
	v1 =	vld [tilespmem:s13+$0x180];
	_ =	sdelay $0x4  }
0xea: {  	s20 =	sadd.s32 $0xFFFFFFE5, s10;
	[tilespmem:v2+s30+$0x0] =	vst.idx.msk $0xffff, v1  }
0xeb: {  	v2 =	vadd.s32 s20, v0;
	v1 =	vld [tilespmem:s13+$0x200];
	_ =	sdelay $0x4  }
0xec: {  	s19 =	sadd.s32 $0xFFFFFFE6, s10;
	[tilespmem:v2+s30+$0x0] =	vst.idx.msk $0xffff, v1  }
0xed: {  	v2 =	vadd.s32 s19, v0;
	v1 =	vld [tilespmem:s13+$0x280];
	_ =	sdelay $0x4  }
0xee: {  	s20 =	sadd.s32 $0xFFFFFFE7, s10;
	[tilespmem:v2+s30+$0x0] =	vst.idx.msk $0xffff, v1  }
0xef: {  	v2 =	vadd.s32 s20, v0;
	v1 =	vld [tilespmem:s13+$0x300];
	_ =	sdelay $0x3  }
0xf0: {  	s11 =	sor.u32 s11, s12  }
0xf1: {  	s14 =	sadd.s32 $0xFFFFFFE8, s10;
	s11 =	sor.u32 $0x380, s11;
	[tilespmem:v2+s30+$0x0] =	vst.idx.msk $0xffff, v1  }
0xf2: {  	v2 =	vadd.s32 s14, v0;
	v1 =	vld [tilespmem:s11+$0x0];
	_ =	sdelay $0x4  }
0xf3: {  	s19 =	sadd.s32 $0xFFFFFFE9, s10;
	[tilespmem:v2+s30+$0x0] =	vst.idx.msk $0xffff, v1  }
0xf4: {  	v2 =	vadd.s32 s19, v0;
	v1 =	vld [tilespmem:s13+$0x1000];
	_ =	sdelay $0x4  }
0xf5: {  	s20 =	sadd.s32 $0xFFFFFFEA, s10;
	[tilespmem:v2+s30+$0x0] =	vst.idx.msk $0xffff, v1  }
0xf6: {  	v2 =	vadd.s32 s20, v0;
	v1 =	vld [tilespmem:s13+$0x1080];
	_ =	sdelay $0x4  }
0xf7: {  	s12 =	sadd.s32 $0xFFFFFFEB, s10;
	[tilespmem:v2+s30+$0x0] =	vst.idx.msk $0xffff, v1  }
0xf8: {  	v2 =	vadd.s32 s12, v0;
	v1 =	vld [tilespmem:s13+$0x1100];
	_ =	sdelay $0x4  }
0xf9: {  	s14 =	sadd.s32 $0xFFFFFFEC, s10;
	[tilespmem:v2+s30+$0x0] =	vst.idx.msk $0xffff, v1  }
0xfa: {  	v2 =	vadd.s32 s14, v0;
	v1 =	vld [tilespmem:s13+$0x1180];
	_ =	sdelay $0x4  }
0xfb: {  	s19 =	sadd.s32 $0xFFFFFFED, s10;
	[tilespmem:v2+s30+$0x0] =	vst.idx.msk $0xffff, v1  }
0xfc: {  	v2 =	vadd.s32 s19, v0;
	v1 =	vld [tilespmem:s13+$0x1200];
	_ =	sdelay $0x4  }
0xfd: {  	s20 =	sadd.s32 $0xFFFFFFEE, s10;
	[tilespmem:v2+s30+$0x0] =	vst.idx.msk $0xffff, v1  }
0xfe: {  	v2 =	vadd.s32 s20, v0;
	v1 =	vld [tilespmem:s13+$0x1280];
	_ =	sdelay $0x4  }
0xff: {  	s12 =	sadd.s32 $0xFFFFFFEF, s10;
	[tilespmem:v2+s30+$0x0] =	vst.idx.msk $0xffff, v1  }
0x100: {  	v2 =	vadd.s32 s12, v0;
	v1 =	vld [tilespmem:s13+$0x1300];
	_ =	sdelay $0x4  }
0x101: {  	s14 =	sadd.s32 $0xFFFFFFF0, s10;
	[tilespmem:v2+s30+$0x0] =	vst.idx.msk $0xffff, v1  }
0x102: {  	v2 =	vadd.s32 s14, v0;
	v1 =	vld [tilespmem:s13+$0x1380];
	_ =	sdelay $0x4  }
0x103: {  	s19 =	sadd.s32 $0xFFFFFFF1, s10;
	[tilespmem:v2+s30+$0x0] =	vst.idx.msk $0xffff, v1  }
0x104: {  	v2 =	vadd.s32 s19, v0;
	v1 =	vld [tilespmem:s13+$0x2000];
	_ =	sdelay $0x4  }
0x105: {  	s20 =	sadd.s32 $0xFFFFFFF2, s10;
	[tilespmem:v2+s30+$0x0] =	vst.idx.msk $0xffff, v1  }
0x106: {  	v2 =	vadd.s32 s20, v0;
	v1 =	vld [tilespmem:s13+$0x2080];
	_ =	sdelay $0x4  }
0x107: {  	s12 =	sadd.s32 $0xFFFFFFF3, s10;
	[tilespmem:v2+s30+$0x0] =	vst.idx.msk $0xffff, v1  }
0x108: {  	v2 =	vadd.s32 s12, v0;
	v1 =	vld [tilespmem:s13+$0x2100];
	_ =	sdelay $0x4  }
0x109: {  	s14 =	sadd.s32 $0xFFFFFFF4, s10;
	[tilespmem:v2+s30+$0x0] =	vst.idx.msk $0xffff, v1  }
0x10a: {  	v2 =	vadd.s32 s14, v0;
	v1 =	vld [tilespmem:s13+$0x2180];
	_ =	sdelay $0x4  }
0x10b: {  	s19 =	sadd.s32 $0xFFFFFFF5, s10;
	[tilespmem:v2+s30+$0x0] =	vst.idx.msk $0xffff, v1  }
0x10c: {  	v2 =	vadd.s32 s19, v0;
	v1 =	vld [tilespmem:s13+$0x2200];
	_ =	sdelay $0x4  }
0x10d: {  	s20 =	sadd.s32 $0xFFFFFFF6, s10;
	[tilespmem:v2+s30+$0x0] =	vst.idx.msk $0xffff, v1  }
0x10e: {  	v2 =	vadd.s32 s20, v0;
	v1 =	vld [tilespmem:s13+$0x2280];
	_ =	sdelay $0x4  }
0x10f: {  	s12 =	sadd.s32 $0xFFFFFFF7, s10;
	[tilespmem:v2+s30+$0x0] =	vst.idx.msk $0xffff, v1  }
0x110: {  	v2 =	vadd.s32 s12, v0;
	v1 =	vld [tilespmem:s13+$0x2300];
	_ =	sdelay $0x4  }
0x111: {  	s14 =	sadd.s32 $0xFFFFFFF8, s10;
	[tilespmem:v2+s30+$0x0] =	vst.idx.msk $0xffff, v1  }
0x112: {  	v2 =	vadd.s32 s14, v0;
	v1 =	vld [tilespmem:s13+$0x2380];
	_ =	sdelay $0x4  }
0x113: {  	s19 =	sadd.s32 $0xFFFFFFF9, s10;
	[tilespmem:v2+s30+$0x0] =	vst.idx.msk $0xffff, v1  }
0x114: {  	v2 =	vadd.s32 s19, v0;
	v1 =	vld [tilespmem:s13+$0x3000];
	_ =	sdelay $0x4  }
0x115: {  	s20 =	sadd.s32 $0xFFFFFFFA, s10;
	[tilespmem:v2+s30+$0x0] =	vst.idx.msk $0xffff, v1  }
0x116: {  	v2 =	vadd.s32 s20, v0;
	v1 =	vld [tilespmem:s13+$0x3080];
	_ =	sdelay $0x4  }
0x117: {  	s12 =	sadd.s32 $0xFFFFFFFB, s10;
	[tilespmem:v2+s30+$0x0] =	vst.idx.msk $0xffff, v1  }
0x118: {  	v2 =	vadd.s32 s12, v0;
	v1 =	vld [tilespmem:s13+$0x3100];
	_ =	sdelay $0x4  }
0x119: {  	s14 =	sadd.s32 $0xFFFFFFFC, s10;
	[tilespmem:v2+s30+$0x0] =	vst.idx.msk $0xffff, v1  }
0x11a: {  	v2 =	vadd.s32 s14, v0;
	v1 =	vld [tilespmem:s13+$0x3180];
	_ =	sdelay $0x4  }
0x11b: {  	s19 =	sadd.s32 $0xFFFFFFFD, s10;
	[tilespmem:v2+s30+$0x0] =	vst.idx.msk $0xffff, v1  }
0x11c: {  	v2 =	vadd.s32 s19, v0;
	v1 =	vld [tilespmem:s13+$0x3200];
	_ =	sdelay $0x4  }
0x11d: {  	s20 =	sadd.s32 $0xFFFFFFFE, s10;
	[tilespmem:v2+s30+$0x0] =	vst.idx.msk $0xffff, v1  }
0x11e: {  	v2 =	vadd.s32 s20, v0;
	v1 =	vld [tilespmem:s13+$0x3280];
	_ =	sdelay $0x4  }
0x11f: {  	s12 =	sadd.s32 $0xFFFFFFFF, s10;
	[tilespmem:v2+s30+$0x0] =	vst.idx.msk $0xffff, v1  }
0x120: {  	v2 =	vadd.s32 s12, v0;
	v1 =	vld [tilespmem:s13+$0x3300];
	_ =	sdelay $0x4  }
0x121: {  	[tilespmem:v2+s30+$0x0] =	vst.idx.msk $0xffff, v1  }
0x122: {  	v2 =	vadd.s32 s10, v0;
	v1 =	vld [tilespmem:s13+$0x3380];
	_ =	sdelay $0x4  }
0x123: {  	s10 =	simm.s32 $0xC108;
	[tilespmem:v2+s30+$0x0] =	vst.idx.msk $0xffff, v1  }
0x124: {  	v1 =	vld [tilespmem:s10+$0xFFFFFEF8];
	_ =	sdelay $0x3  }
0x125: {  	s11 =	simm.s32 $0x10300  }
0x126: {  	[tilespmem:s11+$0xFFFFFF00] =	vst v1  }
0x127: {  	v1 =	vld [tilespmem:s10+$0xFFFFFF08];
	_ =	sdelay $0x4  }
0x128: {  	[tilespmem:s11+$0xFFFFFF10] =	vst v1  }
0x129: {  	v1 =	vld [tilespmem:s10+$0xFFFFFF19];
	_ =	sdelay $0x4  }
0x12a: {  	[tilespmem:s11+$0xFFFFFF20] =	vst v1  }
0x12b: {  	v1 =	vld [tilespmem:s10+$0xFFFFFF29];
	_ =	sdelay $0x2  }
0x12c: {  	s13 =	simm.s32 $0x20  }
0x12d: {  	s12 =	sor.u32 $0x30, s13  }
0x12e: {  	[tilespmem:s12+$0x10200] =	vst v1  }
0x12f: {  	v1 =	vld [tilespmem:s10+$0xFFFFFF3A];
	_ =	sdelay $0x4  }
0x130: {  	[tilespmem:s11+$0xFFFFFF40] =	vst v1  }
0x131: {  	v1 =	vld [tilespmem:s10+$0xFFFFFF4A];
	_ =	sdelay $0x2  }
0x132: {  	s14 =	simm.s32 $0x40  }
0x133: {  	s12 =	sor.u32 $0x50, s14  }
0x134: {  	[tilespmem:s12+$0x10200] =	vst v1  }
0x135: {  	v1 =	vld [tilespmem:s10+$0xFFFFFF5B];
	_ =	sdelay $0x4  }
0x136: {  	[tilespmem:s11+$0xFFFFFF60] =	vst v1  }
0x137: {  	v1 =	vld [tilespmem:s10+$0xFFFFFF6B];
	_ =	sdelay $0x2  }
0x138: {  	s19 =	simm.s32 $0x60  }
0x139: {  	s12 =	sor.u32 $0x70, s19  }
0x13a: {  	[tilespmem:s12+$0x10200] =	vst v1  }
0x13b: {  	v1 =	vld [tilespmem:s10+$0xFFFFFF7C];
	_ =	sdelay $0x4  }
0x13c: {  	[tilespmem:s11+$0xFFFFFF80] =	vst v1  }
0x13d: {  	v1 =	vld [tilespmem:s10+$0xFFFFFF8C];
	_ =	sdelay $0x4  }
0x13e: {  	[tilespmem:s11+$0xFFFFFF90] =	vst v1  }
0x13f: {  	v1 =	vld [tilespmem:s10+$0xFFFFFF9D];
	_ =	sdelay $0x4  }
0x140: {  	[tilespmem:s11+$0xFFFFFFA0] =	vst v1  }
0x141: {  	v1 =	vld [tilespmem:s10+$0xFFFFFFAD];
	_ =	sdelay $0x2  }
0x142: {  	s20 =	simm.s32 $0xA0  }
0x143: {  	s12 =	sor.u32 $0x30, s20  }
0x144: {  	[tilespmem:s12+$0x10200] =	vst v1  }
0x145: {  	v1 =	vld [tilespmem:s10+$0xFFFFFFBE];
	_ =	sdelay $0x4  }
0x146: {  	[tilespmem:s11+$0xFFFFFFC0] =	vst v1  }
0x147: {  	v1 =	vld [tilespmem:s10+$0xFFFFFFCE];
	_ =	sdelay $0x2  }
0x148: {  	s13 =	simm.s32 $0xC0  }
0x149: {  	s12 =	sor.u32 $0x50, s13  }
0x14a: {  	[tilespmem:s12+$0x10200] =	vst v1  }
0x14b: {  	v1 =	vld [tilespmem:s10+$0xFFFFFFDF];
	_ =	sdelay $0x4  }
0x14c: {  	[tilespmem:s11+$0xFFFFFFE0] =	vst v1  }
0x14d: {  	v1 =	vld [tilespmem:s10+$0xFFFFFFEF];
	_ =	sdelay $0x2  }
0x14e: {  	s14 =	simm.s32 $0xE0  }
0x14f: {  	s12 =	sor.u32 $0x70, s14  }
0x150: {  	[tilespmem:s12+$0x10200] =	vst v1  }
0x151: {  	v1 =	vld [tilespmem:s10+$0x0];
	_ =	sdelay $0x4  }
0x152: {  	[tilespmem:s11+$0x0] =	vst v1  }
0x153: {  	v1 =	vld [tilespmem:s10+$0x10];
	_ =	sdelay $0x4  }
0x154: {  	[tilespmem:s11+$0x10] =	vst v1  }
0x155: {  	v1 =	vld [tilespmem:s10+$0x21];
	_ =	sdelay $0x4  }
0x156: {  	[tilespmem:s11+$0x20] =	vst v1  }
0x157: {  	v1 =	vld [tilespmem:s10+$0x31];
	_ =	sdelay $0x2  }
0x158: {  	s19 =	simm.s32 $0x120  }
0x159: {  	s12 =	sor.u32 $0x30, s19  }
0x15a: {  	[tilespmem:s12+$0x10200] =	vst v1  }
0x15b: {  	v1 =	vld [tilespmem:s10+$0x42];
	_ =	sdelay $0x4  }
0x15c: {  	[tilespmem:s11+$0x40] =	vst v1  }
0x15d: {  	v1 =	vld [tilespmem:s10+$0x52];
	_ =	sdelay $0x2  }
0x15e: {  	s20 =	simm.s32 $0x140  }
0x15f: {  	s12 =	sor.u32 $0x50, s20  }
0x160: {  	[tilespmem:s12+$0x10200] =	vst v1  }
0x161: {  	v1 =	vld [tilespmem:s10+$0x63];
	_ =	sdelay $0x4  }
0x162: {  	[tilespmem:s11+$0x60] =	vst v1  }
0x163: {  	v1 =	vld [tilespmem:s10+$0x73];
	_ =	sdelay $0x2  }
0x164: {  	s13 =	simm.s32 $0x160  }
0x165: {  	s12 =	sor.u32 $0x70, s13  }
0x166: {  	[tilespmem:s12+$0x10200] =	vst v1  }
0x167: {  	v1 =	vld [tilespmem:s10+$0x84];
	_ =	sdelay $0x4  }
0x168: {  	[tilespmem:s11+$0x80] =	vst v1  }
0x169: {  	v1 =	vld [tilespmem:s10+$0x94];
	_ =	sdelay $0x4  }
0x16a: {  	[tilespmem:s11+$0x90] =	vst v1  }
0x16b: {  	v1 =	vld [tilespmem:s10+$0xA5];
	_ =	sdelay $0x4  }
0x16c: {  	[tilespmem:s11+$0xA0] =	vst v1  }
0x16d: {  	v1 =	vld [tilespmem:s10+$0xB5];
	_ =	sdelay $0x2  }
0x16e: {  	s14 =	simm.s32 $0x1A0  }
0x16f: {  	s12 =	sor.u32 $0x30, s14  }
0x170: {  	[tilespmem:s12+$0x10200] =	vst v1  }
0x171: {  	v1 =	vld [tilespmem:s10+$0xC6];
	_ =	sdelay $0x4  }
0x172: {  	[tilespmem:s11+$0xC0] =	vst v1  }
0x173: {  	v1 =	vld [tilespmem:s10+$0xD6];
	_ =	sdelay $0x2  }
0x174: {  	s19 =	simm.s32 $0x1C0  }
0x175: {  	s12 =	sor.u32 $0x50, s19  }
0x176: {  	[tilespmem:s12+$0x10200] =	vst v1  }
0x177: {  	v1 =	vld [tilespmem:s10+$0xE7];
	_ =	sdelay $0x4  }
0x178: {  	[tilespmem:s11+$0xE0] =	vst v1  }
0x179: {  	v1 =	vld [tilespmem:s10+$0xF7];
	_ =	sdelay $0x2  }
0x17a: {  	s20 =	simm.s32 $0x1E0  }
0x17b: {  	s13 =	sor.u32 $0x70, s20;
	s12 =	simm.s32 $0x3E0  }
.LBB2_5:
0x17c: {  	p3 =	sne.s32 s12, $0x3FE0;
	[tilespmem:s13+$0x10200] =	vst v1;
	s10 =	sadd.s32 $0x210, s10;
	s11 =	sadd.s32 $0x200, s11  }
0x17d: {  	s13 =	smov.u32 s12;
	s12 =	sadd.s32 $0x200, s12;
	v1 =	vld [tilespmem:s10+$0xFFFFFEF8];
	_ =	sdelay $0x4  }
0x17e: {  	[tilespmem:s11+$0xFFFFFF00] =	vst v1  }
0x17f: {  	v1 =	vld [tilespmem:s10+$0xFFFFFF08];
	_ =	sdelay $0x4  }
0x180: {  	[tilespmem:s11+$0xFFFFFF10] =	vst v1  }
0x181: {  	v1 =	vld [tilespmem:s10+$0xFFFFFF19];
	_ =	sdelay $0x4  }
0x182: {  	[tilespmem:s11+$0xFFFFFF20] =	vst v1  }
0x183: {  	v1 =	vld [tilespmem:s10+$0xFFFFFF29];
	_ =	sdelay $0x2  }
0x184: {  	s14 =	sadd.s32 $0xFFFFFE40, s13  }
0x185: {  	s14 =	sor.u32 $0x30, s14  }
0x186: {  	[tilespmem:s14+$0x10200] =	vst v1  }
0x187: {  	v1 =	vld [tilespmem:s10+$0xFFFFFF3A];
	_ =	sdelay $0x4  }
0x188: {  	[tilespmem:s11+$0xFFFFFF40] =	vst v1  }
0x189: {  	v1 =	vld [tilespmem:s10+$0xFFFFFF4A];
	_ =	sdelay $0x2  }
0x18a: {  	s14 =	sadd.s32 $0xFFFFFE60, s13  }
0x18b: {  	s14 =	sor.u32 $0x50, s14  }
0x18c: {  	[tilespmem:s14+$0x10200] =	vst v1  }
0x18d: {  	v1 =	vld [tilespmem:s10+$0xFFFFFF5B];
	_ =	sdelay $0x4  }
0x18e: {  	[tilespmem:s11+$0xFFFFFF60] =	vst v1  }
0x18f: {  	v1 =	vld [tilespmem:s10+$0xFFFFFF6B];
	_ =	sdelay $0x2  }
0x190: {  	s14 =	sadd.s32 $0xFFFFFE80, s13  }
0x191: {  	s14 =	sor.u32 $0x70, s14  }
0x192: {  	[tilespmem:s14+$0x10200] =	vst v1  }
0x193: {  	v1 =	vld [tilespmem:s10+$0xFFFFFF7C];
	_ =	sdelay $0x4  }
0x194: {  	[tilespmem:s11+$0xFFFFFF80] =	vst v1  }
0x195: {  	v1 =	vld [tilespmem:s10+$0xFFFFFF8C];
	_ =	sdelay $0x4  }
0x196: {  	[tilespmem:s11+$0xFFFFFF90] =	vst v1  }
0x197: {  	v1 =	vld [tilespmem:s10+$0xFFFFFF9D];
	_ =	sdelay $0x4  }
0x198: {  	[tilespmem:s11+$0xFFFFFFA0] =	vst v1  }
0x199: {  	v1 =	vld [tilespmem:s10+$0xFFFFFFAD];
	_ =	sdelay $0x2  }
0x19a: {  	s14 =	sadd.s32 $0xFFFFFEC0, s13  }
0x19b: {  	s14 =	sor.u32 $0x30, s14  }
0x19c: {  	[tilespmem:s14+$0x10200] =	vst v1  }
0x19d: {  	v1 =	vld [tilespmem:s10+$0xFFFFFFBE];
	_ =	sdelay $0x4  }
0x19e: {  	[tilespmem:s11+$0xFFFFFFC0] =	vst v1  }
0x19f: {  	v1 =	vld [tilespmem:s10+$0xFFFFFFCE];
	_ =	sdelay $0x2  }
0x1a0: {  	s14 =	sadd.s32 $0xFFFFFEE0, s13  }
0x1a1: {  	s14 =	sor.u32 $0x50, s14  }
0x1a2: {  	[tilespmem:s14+$0x10200] =	vst v1  }
0x1a3: {  	v1 =	vld [tilespmem:s10+$0xFFFFFFDF];
	_ =	sdelay $0x4  }
0x1a4: {  	[tilespmem:s11+$0xFFFFFFE0] =	vst v1  }
0x1a5: {  	v1 =	vld [tilespmem:s10+$0xFFFFFFEF];
	_ =	sdelay $0x2  }
0x1a6: {  	s14 =	sadd.s32 $0xFFFFFF00, s13  }
0x1a7: {  	s14 =	sor.u32 $0x70, s14  }
0x1a8: {  	[tilespmem:s14+$0x10200] =	vst v1  }
0x1a9: {  	v1 =	vld [tilespmem:s10+$0x0];
	_ =	sdelay $0x4  }
0x1aa: {  	[tilespmem:s11+$0x0] =	vst v1  }
0x1ab: {  	v1 =	vld [tilespmem:s10+$0x10];
	_ =	sdelay $0x4  }
0x1ac: {  	[tilespmem:s11+$0x10] =	vst v1  }
0x1ad: {  	v1 =	vld [tilespmem:s10+$0x21];
	_ =	sdelay $0x4  }
0x1ae: {  	[tilespmem:s11+$0x20] =	vst v1  }
0x1af: {  	v1 =	vld [tilespmem:s10+$0x31];
	_ =	sdelay $0x2  }
0x1b0: {  	s14 =	sadd.s32 $0xFFFFFF40, s13  }
0x1b1: {  	s14 =	sor.u32 $0x30, s14  }
0x1b2: {  	[tilespmem:s14+$0x10200] =	vst v1  }
0x1b3: {  	v1 =	vld [tilespmem:s10+$0x42];
	_ =	sdelay $0x4  }
0x1b4: {  	[tilespmem:s11+$0x40] =	vst v1  }
0x1b5: {  	v1 =	vld [tilespmem:s10+$0x52];
	_ =	sdelay $0x2  }
0x1b6: {  	s14 =	sadd.s32 $0xFFFFFF60, s13  }
0x1b7: {  	s14 =	sor.u32 $0x50, s14  }
0x1b8: {  	[tilespmem:s14+$0x10200] =	vst v1  }
0x1b9: {  	v1 =	vld [tilespmem:s10+$0x63];
	_ =	sdelay $0x4  }
0x1ba: {  	[tilespmem:s11+$0x60] =	vst v1  }
0x1bb: {  	v1 =	vld [tilespmem:s10+$0x73];
	_ =	sdelay $0x2  }
0x1bc: {  	s14 =	sadd.s32 $0xFFFFFF80, s13  }
0x1bd: {  	s14 =	sor.u32 $0x70, s14  }
0x1be: {  	[tilespmem:s14+$0x10200] =	vst v1  }
0x1bf: {  	v1 =	vld [tilespmem:s10+$0x84];
	_ =	sdelay $0x4  }
0x1c0: {  	[tilespmem:s11+$0x80] =	vst v1  }
0x1c1: {  	v1 =	vld [tilespmem:s10+$0x94];
	_ =	sdelay $0x4  }
0x1c2: {  	[tilespmem:s11+$0x90] =	vst v1  }
0x1c3: {  	v1 =	vld [tilespmem:s10+$0xA5];
	_ =	sdelay $0x4  }
0x1c4: {  	[tilespmem:s11+$0xA0] =	vst v1  }
0x1c5: {  	v1 =	vld [tilespmem:s10+$0xB5];
	_ =	sdelay $0x2  }
0x1c6: {  	s14 =	sadd.s32 $0xFFFFFFC0, s13  }
0x1c7: {  	s14 =	sor.u32 $0x30, s14  }
0x1c8: {  	[tilespmem:s14+$0x10200] =	vst v1  }
0x1c9: {  	v1 =	vld [tilespmem:s10+$0xC6];
	_ =	sdelay $0x4  }
0x1ca: {  	[tilespmem:s11+$0xC0] =	vst v1  }
0x1cb: {  	v1 =	vld [tilespmem:s10+$0xD6];
	_ =	sdelay $0x2  }
0x1cc: {  	s14 =	sadd.s32 $0xFFFFFFE0, s13  }
0x1cd: {  	s14 =	sor.u32 $0x50, s14  }
0x1ce: {  	[tilespmem:s14+$0x10200] =	vst v1  }
0x1cf: {  	v1 =	vld [tilespmem:s10+$0xE7];
	_ =	sdelay $0x4  }
0x1d0: {  	[tilespmem:s11+$0xE0] =	vst v1  }
.Ltmp5:
0x1d1: {  	v1 =	vld [tilespmem:s10+$0xF7];
	(pc) =	sbr.rel @p3 .LBB2_5-.Ltmp5, $2  }
0x1d2: {  	_ =	sdelay $0x2  }
0x1d3: {  	s13 =	sor.u32 $0x70, s13  }
0x1d4: {  	s9 =	sshll.u32 s9, $0xB  }
0x1d5: {  	[tilespmem:s13+$0x10200] =	vst v1;
	s9 =	sadd.s32 s6, s9  }
0x1d6: {  	[hbm4b:s9+s3] =	stream.linear.scatter [tilespmem:s31], [sflag:$0x4], $0x4000, $0x38;
	[tilespmem:$0x1CA00] =	vst v63  }
0x1d7: {  	s9 =	sadd.s32 s16, s8  }
0x1d8: {  	p3 =	sgt.u32 s9, $0x7A0  }
0x1d9: {  	s9 =	sshll.u32 @!p3 s9, $0x9  }
0x1da: {  	s11 =	simm.s32 @!p3 $0x0;
	s10 =	sadd.s32 @!p3 s1, s9;
	s9 =	sand.u32 @!p3 $0x1FFFFE00, s9  }
0x1db: {  	[tilespmem:s11], [sflag:$0x1] =	stream.linear.gather @!p3 [hbm4b:s10+s11], $0x1000, $0x38;
	[tilespmem:$0x1CA00] =	vst v63  }
0x1dc: {  	s9 =	sadd.s32 @!p3 s1, s9  }
0x1dd: {  	s12 =	simm.s32 @!p3 $0x1000;
	s10 =	sadd.s32 @!p3 $0xF4280, s9  }
0x1de: {  	[tilespmem:s12], [sflag:$0x1] =	stream.linear.gather @!p3 [hbm4b:s10+s11], $0x1000, $0x38;
	[tilespmem:$0x1CA00] =	vst v63  }
0x1df: {  	s10 =	sadd.s32 @!p3 $0x1E8500, s9;
	s12 =	simm.s32 @!p3 $0x2000  }
0x1e0: {  	[tilespmem:s12], [sflag:$0x1] =	stream.linear.gather @!p3 [hbm4b:s10+s11], $0x1000, $0x38;
	[tilespmem:$0x1CA00] =	vst v63  }
0x1e1: {  	s9 =	sadd.s32 @!p3 $0x2DC780, s9;
	s10 =	simm.s32 @!p3 $0x3000  }
0x1e2: {  	[tilespmem:s10], [sflag:$0x1] =	stream.linear.gather @!p3 [hbm4b:s9+s11], $0x1000, $0x38;
	[tilespmem:$0x1CA00] =	vst v63  }
0x1e3: {  	s9 =	sadd.s32 s17, s8  }
0x1e4: {  	p3 =	sgt.u32 s9, $0x7A0  }
.Ltmp6:
0x1e5: {  	_ = 	snop;
	(pc) =	sbr.rel @p3 .LBB2_12-.Ltmp6, $1  }
0x1e6: {  	_ =	sdelay $0x3  }
0x1e7: {  	_ =	swait.ge [sflag:s0], $0x1000  }
0x1e8: {  	[sflag:s0] =	ssyncset.done $0x0  }
0x1e9: {  	[sflag:s0] =	ssyncadd.s32 $0xFFFFF000  }
0x1ea: {  	_ =	swait.ge [sflag:s0], $0x1000  }
0x1eb: {  	[sflag:s0] =	ssyncset.done $0x0  }
0x1ec: {  	[sflag:s0] =	ssyncadd.s32 $0xFFFFF000  }
0x1ed: {  	_ =	swait.ge [sflag:s0], $0x1000  }
0x1ee: {  	[sflag:s0] =	ssyncset.done $0x0  }
0x1ef: {  	[sflag:s0] =	ssyncadd.s32 $0xFFFFF000  }
0x1f0: {  	_ =	swait.ge [sflag:s0], $0x1000  }
0x1f1: {  	[sflag:s0] =	ssyncset.done $0x0  }
0x1f2: {  	s10 =	simm.s32 @!p2 $0x5;
	[sflag:s0] =	ssyncadd.s32 $0xFFFFF000  }
0x1f3: {  	s11 =	simm.s32 $0x0;
	_ =	swait.ge @!p2 [sflag:s10], $0x4000  }
0x1f4: {  	s12 =	sand.u32 $0x70, s11;
	s13 =	sand.u32 $0xC00, s11;
	[sflag:s10] =	ssyncset.done @!p2 $0x0  }
0x1f5: {  	s14 =	simm.s32 $0x0;
	s13 =	sor.u32 s12, s13;
	[sflag:s10] =	ssyncadd.s32 @!p2 $0xFFFFC000  }
0x1f6: {  	v2 =	vadd.s32 s14, v0;
	v1 =	vld [tilespmem:s13+$0x4000];
	_ =	sdelay $0x4  }
0x1f7: {  	s19 =	simm.s32 $0x1;
	[tilespmem:v2+s30+$0x0] =	vst.idx.msk $0xffff, v1  }
0x1f8: {  	v2 =	vadd.s32 s19, v0;
	v1 =	vld [tilespmem:s13+$0x4080];
	_ =	sdelay $0x4  }
0x1f9: {  	s20 =	simm.s32 $0x2;
	[tilespmem:v2+s30+$0x0] =	vst.idx.msk $0xffff, v1  }
0x1fa: {  	v2 =	vadd.s32 s20, v0;
	v1 =	vld [tilespmem:s13+$0x4100];
	_ =	sdelay $0x4  }
0x1fb: {  	s12 =	simm.s32 $0x3;
	[tilespmem:v2+s30+$0x0] =	vst.idx.msk $0xffff, v1  }
0x1fc: {  	v2 =	vadd.s32 s12, v0;
	v1 =	vld [tilespmem:s13+$0x4180];
	_ =	sdelay $0x4  }
0x1fd: {  	s14 =	simm.s32 $0x4;
	[tilespmem:v2+s30+$0x0] =	vst.idx.msk $0xffff, v1  }
0x1fe: {  	v2 =	vadd.s32 s14, v0;
	v1 =	vld [tilespmem:s13+$0x4200];
	_ =	sdelay $0x4  }
0x1ff: {  	s19 =	simm.s32 $0x5;
	[tilespmem:v2+s30+$0x0] =	vst.idx.msk $0xffff, v1  }
0x200: {  	v2 =	vadd.s32 s19, v0;
	v1 =	vld [tilespmem:s13+$0x4280];
	_ =	sdelay $0x4  }
0x201: {  	s20 =	simm.s32 $0x6;
	[tilespmem:v2+s30+$0x0] =	vst.idx.msk $0xffff, v1  }
0x202: {  	v2 =	vadd.s32 s20, v0;
	v1 =	vld [tilespmem:s13+$0x4300];
	_ =	sdelay $0x3  }
0x203: {  	s11 =	sor.u32 s11, s11  }
0x204: {  	s10 =	sor.u32 $0x380, s11;
	s12 =	simm.s32 $0x7;
	[tilespmem:v2+s30+$0x0] =	vst.idx.msk $0xffff, v1  }
0x205: {  	v2 =	vadd.s32 s12, v0;
	v1 =	vld [tilespmem:s10+$0x4000];
	_ =	sdelay $0x4  }
0x206: {  	s14 =	simm.s32 $0x8;
	[tilespmem:v2+s30+$0x0] =	vst.idx.msk $0xffff, v1  }
0x207: {  	v2 =	vadd.s32 s14, v0;
	v1 =	vld [tilespmem:s13+$0x5000];
	_ =	sdelay $0x4  }
0x208: {  	s19 =	simm.s32 $0x9;
	[tilespmem:v2+s30+$0x0] =	vst.idx.msk $0xffff, v1  }
0x209: {  	v2 =	vadd.s32 s19, v0;
	v1 =	vld [tilespmem:s13+$0x5080];
	_ =	sdelay $0x4  }
0x20a: {  	s20 =	simm.s32 $0xA;
	[tilespmem:v2+s30+$0x0] =	vst.idx.msk $0xffff, v1  }
0x20b: {  	v2 =	vadd.s32 s20, v0;
	v1 =	vld [tilespmem:s13+$0x5100];
	_ =	sdelay $0x4  }
0x20c: {  	s11 =	simm.s32 $0xB;
	[tilespmem:v2+s30+$0x0] =	vst.idx.msk $0xffff, v1  }
0x20d: {  	v2 =	vadd.s32 s11, v0;
	v1 =	vld [tilespmem:s13+$0x5180];
	_ =	sdelay $0x4  }
0x20e: {  	s12 =	simm.s32 $0xC;
	[tilespmem:v2+s30+$0x0] =	vst.idx.msk $0xffff, v1  }
0x20f: {  	v2 =	vadd.s32 s12, v0;
	v1 =	vld [tilespmem:s13+$0x5200];
	_ =	sdelay $0x4  }
0x210: {  	s14 =	simm.s32 $0xD;
	[tilespmem:v2+s30+$0x0] =	vst.idx.msk $0xffff, v1  }
0x211: {  	v2 =	vadd.s32 s14, v0;
	v1 =	vld [tilespmem:s13+$0x5280];
	_ =	sdelay $0x4  }
0x212: {  	s19 =	simm.s32 $0xE;
	[tilespmem:v2+s30+$0x0] =	vst.idx.msk $0xffff, v1  }
0x213: {  	v2 =	vadd.s32 s19, v0;
	v1 =	vld [tilespmem:s13+$0x5300];
	_ =	sdelay $0x4  }
0x214: {  	s20 =	simm.s32 $0xF;
	[tilespmem:v2+s30+$0x0] =	vst.idx.msk $0xffff, v1  }
0x215: {  	v2 =	vadd.s32 s20, v0;
	v1 =	vld [tilespmem:s13+$0x5380];
	_ =	sdelay $0x4  }
0x216: {  	s11 =	simm.s32 $0x10;
	[tilespmem:v2+s30+$0x0] =	vst.idx.msk $0xffff, v1  }
0x217: {  	v2 =	vadd.s32 s11, v0;
	v1 =	vld [tilespmem:s13+$0x6000];
	_ =	sdelay $0x4  }
0x218: {  	s12 =	simm.s32 $0x11;
	[tilespmem:v2+s30+$0x0] =	vst.idx.msk $0xffff, v1  }
0x219: {  	v2 =	vadd.s32 s12, v0;
	v1 =	vld [tilespmem:s13+$0x6080];
	_ =	sdelay $0x4  }
0x21a: {  	s14 =	simm.s32 $0x12;
	[tilespmem:v2+s30+$0x0] =	vst.idx.msk $0xffff, v1  }
0x21b: {  	v2 =	vadd.s32 s14, v0;
	v1 =	vld [tilespmem:s13+$0x6100];
	_ =	sdelay $0x4  }
0x21c: {  	s19 =	simm.s32 $0x13;
	[tilespmem:v2+s30+$0x0] =	vst.idx.msk $0xffff, v1  }
0x21d: {  	v2 =	vadd.s32 s19, v0;
	v1 =	vld [tilespmem:s13+$0x6180];
	_ =	sdelay $0x4  }
0x21e: {  	s20 =	simm.s32 $0x14;
	[tilespmem:v2+s30+$0x0] =	vst.idx.msk $0xffff, v1  }
0x21f: {  	v2 =	vadd.s32 s20, v0;
	v1 =	vld [tilespmem:s13+$0x6200];
	_ =	sdelay $0x4  }
0x220: {  	s11 =	simm.s32 $0x15;
	[tilespmem:v2+s30+$0x0] =	vst.idx.msk $0xffff, v1  }
0x221: {  	v2 =	vadd.s32 s11, v0;
	v1 =	vld [tilespmem:s13+$0x6280];
	_ =	sdelay $0x4  }
0x222: {  	s12 =	simm.s32 $0x16;
	[tilespmem:v2+s30+$0x0] =	vst.idx.msk $0xffff, v1  }
0x223: {  	v2 =	vadd.s32 s12, v0;
	v1 =	vld [tilespmem:s13+$0x6300];
	_ =	sdelay $0x4  }
0x224: {  	s14 =	simm.s32 $0x17;
	[tilespmem:v2+s30+$0x0] =	vst.idx.msk $0xffff, v1  }
0x225: {  	v2 =	vadd.s32 s14, v0;
	v1 =	vld [tilespmem:s13+$0x6380];
	_ =	sdelay $0x4  }
0x226: {  	s19 =	simm.s32 $0x18;
	[tilespmem:v2+s30+$0x0] =	vst.idx.msk $0xffff, v1  }
0x227: {  	v2 =	vadd.s32 s19, v0;
	v1 =	vld [tilespmem:s13+$0x7000];
	_ =	sdelay $0x4  }
0x228: {  	s20 =	simm.s32 $0x19;
	[tilespmem:v2+s30+$0x0] =	vst.idx.msk $0xffff, v1  }
0x229: {  	v2 =	vadd.s32 s20, v0;
	v1 =	vld [tilespmem:s13+$0x7080];
	_ =	sdelay $0x4  }
0x22a: {  	s11 =	simm.s32 $0x1A;
	[tilespmem:v2+s30+$0x0] =	vst.idx.msk $0xffff, v1  }
0x22b: {  	v2 =	vadd.s32 s11, v0;
	v1 =	vld [tilespmem:s13+$0x7100];
	_ =	sdelay $0x4  }
0x22c: {  	s12 =	simm.s32 $0x1B;
	[tilespmem:v2+s30+$0x0] =	vst.idx.msk $0xffff, v1  }
0x22d: {  	v2 =	vadd.s32 s12, v0;
	v1 =	vld [tilespmem:s13+$0x7180];
	_ =	sdelay $0x4  }
0x22e: {  	s14 =	simm.s32 $0x1C;
	[tilespmem:v2+s30+$0x0] =	vst.idx.msk $0xffff, v1  }
0x22f: {  	v2 =	vadd.s32 s14, v0;
	v1 =	vld [tilespmem:s13+$0x7200];
	_ =	sdelay $0x4  }
0x230: {  	s19 =	simm.s32 $0x1D;
	[tilespmem:v2+s30+$0x0] =	vst.idx.msk $0xffff, v1  }
0x231: {  	v2 =	vadd.s32 s19, v0;
	v1 =	vld [tilespmem:s13+$0x7280];
	_ =	sdelay $0x4  }
0x232: {  	s20 =	simm.s32 $0x1E;
	[tilespmem:v2+s30+$0x0] =	vst.idx.msk $0xffff, v1  }
0x233: {  	v2 =	vadd.s32 s20, v0;
	v1 =	vld [tilespmem:s13+$0x7300];
	_ =	sdelay $0x4  }
0x234: {  	s14 =	simm.s32 $0x1F;
	[tilespmem:v2+s30+$0x0] =	vst.idx.msk $0xffff, v1  }
0x235: {  	v2 =	vadd.s32 s14, v0;
	v1 =	vld [tilespmem:s13+$0x7380];
	_ =	sdelay $0x2  }
0x236: {  	s10 =	simm.s32 $0x22F;
	s11 =	simm.s32 $0x80;
	s12 =	simm.s32 $0x10  }
0x237: {  	s19 =	sand.u32 $0xC00, s11;
	s14 =	sand.u32 $0x70, s12;
	s13 =	simm.s32 $0x43F  }
.LBB2_8:
0x238: {  	p3 =	sne.s32 s13, $0x400F;
	s20 =	sadd.s32 $0xFFFFFFE1, s10;
	s14 =	sor.u32 s14, s19;
	[tilespmem:v2+s30+$0x0] =	vst.idx.msk $0xffff, v1  }
0x239: {  	v1 =	vld [tilespmem:s14+$0x4000];
	v2 =	vadd.s32 s20, v0;
	_ =	sdelay $0x4  }
0x23a: {  	s19 =	sadd.s32 $0xFFFFFFE2, s10;
	[tilespmem:v2+s30+$0x0] =	vst.idx.msk $0xffff, v1  }
0x23b: {  	v2 =	vadd.s32 s19, v0;
	v1 =	vld [tilespmem:s14+$0x4080];
	_ =	sdelay $0x4  }
0x23c: {  	s19 =	sadd.s32 $0xFFFFFFE3, s10;
	[tilespmem:v2+s30+$0x0] =	vst.idx.msk $0xffff, v1  }
0x23d: {  	v2 =	vadd.s32 s19, v0;
	v1 =	vld [tilespmem:s14+$0x4100];
	_ =	sdelay $0x4  }
0x23e: {  	s19 =	sadd.s32 $0xFFFFFFE4, s10;
	[tilespmem:v2+s30+$0x0] =	vst.idx.msk $0xffff, v1  }
0x23f: {  	v2 =	vadd.s32 s19, v0;
	v1 =	vld [tilespmem:s14+$0x4180];
	_ =	sdelay $0x4  }
0x240: {  	s19 =	sadd.s32 $0xFFFFFFE5, s10;
	[tilespmem:v2+s30+$0x0] =	vst.idx.msk $0xffff, v1  }
0x241: {  	v2 =	vadd.s32 s19, v0;
	v1 =	vld [tilespmem:s14+$0x4200];
	_ =	sdelay $0x4  }
0x242: {  	s19 =	sadd.s32 $0xFFFFFFE6, s10;
	[tilespmem:v2+s30+$0x0] =	vst.idx.msk $0xffff, v1  }
0x243: {  	v2 =	vadd.s32 s19, v0;
	v1 =	vld [tilespmem:s14+$0x4280];
	_ =	sdelay $0x4  }
0x244: {  	s19 =	sadd.s32 $0xFFFFFFE7, s10;
	[tilespmem:v2+s30+$0x0] =	vst.idx.msk $0xffff, v1  }
0x245: {  	v2 =	vadd.s32 s19, v0;
	v1 =	vld [tilespmem:s14+$0x4300];
	_ =	sdelay $0x3  }
0x246: {  	s19 =	sor.u32 s11, s12  }
0x247: {  	s20 =	sadd.s32 $0xFFFFFFE8, s10;
	s19 =	sor.u32 $0x380, s19;
	[tilespmem:v2+s30+$0x0] =	vst.idx.msk $0xffff, v1  }
0x248: {  	v2 =	vadd.s32 s20, v0;
	v1 =	vld [tilespmem:s19+$0x4000];
	_ =	sdelay $0x4  }
0x249: {  	s19 =	sadd.s32 $0xFFFFFFE9, s10;
	[tilespmem:v2+s30+$0x0] =	vst.idx.msk $0xffff, v1  }
0x24a: {  	v2 =	vadd.s32 s19, v0;
	v1 =	vld [tilespmem:s14+$0x5000];
	_ =	sdelay $0x4  }
0x24b: {  	s19 =	sadd.s32 $0xFFFFFFEA, s10;
	[tilespmem:v2+s30+$0x0] =	vst.idx.msk $0xffff, v1  }
0x24c: {  	v2 =	vadd.s32 s19, v0;
	v1 =	vld [tilespmem:s14+$0x5080];
	_ =	sdelay $0x4  }
0x24d: {  	s19 =	sadd.s32 $0xFFFFFFEB, s10;
	[tilespmem:v2+s30+$0x0] =	vst.idx.msk $0xffff, v1  }
0x24e: {  	v2 =	vadd.s32 s19, v0;
	v1 =	vld [tilespmem:s14+$0x5100];
	_ =	sdelay $0x4  }
0x24f: {  	s19 =	sadd.s32 $0xFFFFFFEC, s10;
	[tilespmem:v2+s30+$0x0] =	vst.idx.msk $0xffff, v1  }
0x250: {  	v2 =	vadd.s32 s19, v0;
	v1 =	vld [tilespmem:s14+$0x5180];
	_ =	sdelay $0x4  }
0x251: {  	s19 =	sadd.s32 $0xFFFFFFED, s10;
	[tilespmem:v2+s30+$0x0] =	vst.idx.msk $0xffff, v1  }
0x252: {  	v2 =	vadd.s32 s19, v0;
	v1 =	vld [tilespmem:s14+$0x5200];
	_ =	sdelay $0x4  }
0x253: {  	s19 =	sadd.s32 $0xFFFFFFEE, s10;
	[tilespmem:v2+s30+$0x0] =	vst.idx.msk $0xffff, v1  }
0x254: {  	v2 =	vadd.s32 s19, v0;
	v1 =	vld [tilespmem:s14+$0x5280];
	_ =	sdelay $0x4  }
0x255: {  	s19 =	sadd.s32 $0xFFFFFFEF, s10;
	[tilespmem:v2+s30+$0x0] =	vst.idx.msk $0xffff, v1  }
0x256: {  	v2 =	vadd.s32 s19, v0;
	v1 =	vld [tilespmem:s14+$0x5300];
	_ =	sdelay $0x4  }
0x257: {  	s19 =	sadd.s32 $0xFFFFFFF0, s10;
	[tilespmem:v2+s30+$0x0] =	vst.idx.msk $0xffff, v1  }
0x258: {  	v2 =	vadd.s32 s19, v0;
	v1 =	vld [tilespmem:s14+$0x5380];
	_ =	sdelay $0x4  }
0x259: {  	s19 =	sadd.s32 $0xFFFFFFF1, s10;
	[tilespmem:v2+s30+$0x0] =	vst.idx.msk $0xffff, v1  }
0x25a: {  	v2 =	vadd.s32 s19, v0;
	v1 =	vld [tilespmem:s14+$0x6000];
	_ =	sdelay $0x4  }
0x25b: {  	s19 =	sadd.s32 $0xFFFFFFF2, s10;
	[tilespmem:v2+s30+$0x0] =	vst.idx.msk $0xffff, v1  }
0x25c: {  	v2 =	vadd.s32 s19, v0;
	v1 =	vld [tilespmem:s14+$0x6080];
	_ =	sdelay $0x4  }
0x25d: {  	s19 =	sadd.s32 $0xFFFFFFF3, s10;
	[tilespmem:v2+s30+$0x0] =	vst.idx.msk $0xffff, v1  }
0x25e: {  	v2 =	vadd.s32 s19, v0;
	v1 =	vld [tilespmem:s14+$0x6100];
	_ =	sdelay $0x4  }
0x25f: {  	s19 =	sadd.s32 $0xFFFFFFF4, s10;
	[tilespmem:v2+s30+$0x0] =	vst.idx.msk $0xffff, v1  }
0x260: {  	v2 =	vadd.s32 s19, v0;
	v1 =	vld [tilespmem:s14+$0x6180];
	_ =	sdelay $0x4  }
0x261: {  	s19 =	sadd.s32 $0xFFFFFFF5, s10;
	[tilespmem:v2+s30+$0x0] =	vst.idx.msk $0xffff, v1  }
0x262: {  	v2 =	vadd.s32 s19, v0;
	v1 =	vld [tilespmem:s14+$0x6200];
	_ =	sdelay $0x4  }
0x263: {  	s19 =	sadd.s32 $0xFFFFFFF6, s10;
	[tilespmem:v2+s30+$0x0] =	vst.idx.msk $0xffff, v1  }
0x264: {  	v2 =	vadd.s32 s19, v0;
	v1 =	vld [tilespmem:s14+$0x6280];
	_ =	sdelay $0x4  }
0x265: {  	s19 =	sadd.s32 $0xFFFFFFF7, s10;
	[tilespmem:v2+s30+$0x0] =	vst.idx.msk $0xffff, v1  }
0x266: {  	v2 =	vadd.s32 s19, v0;
	v1 =	vld [tilespmem:s14+$0x6300];
	_ =	sdelay $0x4  }
0x267: {  	s19 =	sadd.s32 $0xFFFFFFF8, s10;
	[tilespmem:v2+s30+$0x0] =	vst.idx.msk $0xffff, v1  }
0x268: {  	v2 =	vadd.s32 s19, v0;
	v1 =	vld [tilespmem:s14+$0x6380];
	_ =	sdelay $0x4  }
0x269: {  	s19 =	sadd.s32 $0xFFFFFFF9, s10;
	[tilespmem:v2+s30+$0x0] =	vst.idx.msk $0xffff, v1  }
0x26a: {  	v2 =	vadd.s32 s19, v0;
	v1 =	vld [tilespmem:s14+$0x7000];
	_ =	sdelay $0x4  }
0x26b: {  	s19 =	sadd.s32 $0xFFFFFFFA, s10;
	[tilespmem:v2+s30+$0x0] =	vst.idx.msk $0xffff, v1  }
0x26c: {  	v2 =	vadd.s32 s19, v0;
	v1 =	vld [tilespmem:s14+$0x7080];
	_ =	sdelay $0x4  }
0x26d: {  	s19 =	sadd.s32 $0xFFFFFFFB, s10;
	[tilespmem:v2+s30+$0x0] =	vst.idx.msk $0xffff, v1  }
0x26e: {  	v2 =	vadd.s32 s19, v0;
	v1 =	vld [tilespmem:s14+$0x7100];
	_ =	sdelay $0x4  }
0x26f: {  	s19 =	sadd.s32 $0xFFFFFFFC, s10;
	[tilespmem:v2+s30+$0x0] =	vst.idx.msk $0xffff, v1  }
0x270: {  	v2 =	vadd.s32 s19, v0;
	v1 =	vld [tilespmem:s14+$0x7180];
	_ =	sdelay $0x4  }
0x271: {  	s19 =	sadd.s32 $0xFFFFFFFD, s10;
	[tilespmem:v2+s30+$0x0] =	vst.idx.msk $0xffff, v1  }
0x272: {  	v2 =	vadd.s32 s19, v0;
	v1 =	vld [tilespmem:s14+$0x7200];
	_ =	sdelay $0x4  }
0x273: {  	s19 =	sadd.s32 $0xFFFFFFFE, s10;
	[tilespmem:v2+s30+$0x0] =	vst.idx.msk $0xffff, v1  }
0x274: {  	v2 =	vadd.s32 s19, v0;
	v1 =	vld [tilespmem:s14+$0x7280];
	_ =	sdelay $0x4  }
0x275: {  	s19 =	sadd.s32 $0xFFFFFFFF, s10;
	[tilespmem:v2+s30+$0x0] =	vst.idx.msk $0xffff, v1  }
0x276: {  	v2 =	vadd.s32 s19, v0;
	v1 =	vld [tilespmem:s14+$0x7300];
	_ =	sdelay $0x4  }
0x277: {  	[tilespmem:v2+s30+$0x0] =	vst.idx.msk $0xffff, v1  }
.Ltmp7:
0x278: {  	v2 =	vadd.s32 s10, v0;
	s10 =	smov.u32 s13;
	v1 =	vld [tilespmem:s14+$0x7380];
	(pc) =	sbr.rel @p3 .LBB2_8-.Ltmp7, $3  }
0x279: {  	_ =	sdelay $0x1  }
0x27a: {  	s11 =	sadd.s32 $0x80, s11;
	s12 =	sadd.s32 $0x10, s12  }
0x27b: {  	s19 =	sand.u32 $0xC00, s11;
	s13 =	sadd.s32 $0x210, s13;
	s14 =	sand.u32 $0x70, s12  }
0x27c: {  	_ =	sdelay $0x3  }
0x27d: {  	s20 =	sadd.s32 $0xFFFFFFE1, s10;
	s13 =	sor.u32 s14, s19;
	[tilespmem:v2+s30+$0x0] =	vst.idx.msk $0xffff, v1  }
0x27e: {  	v1 =	vld [tilespmem:s13+$0x4000];
	v2 =	vadd.s32 s20, v0;
	_ =	sdelay $0x4  }
0x27f: {  	s19 =	sadd.s32 $0xFFFFFFE2, s10;
	[tilespmem:v2+s30+$0x0] =	vst.idx.msk $0xffff, v1  }
0x280: {  	v2 =	vadd.s32 s19, v0;
	v1 =	vld [tilespmem:s13+$0x4080];
	_ =	sdelay $0x4  }
0x281: {  	s20 =	sadd.s32 $0xFFFFFFE3, s10;
	[tilespmem:v2+s30+$0x0] =	vst.idx.msk $0xffff, v1  }
0x282: {  	v2 =	vadd.s32 s20, v0;
	v1 =	vld [tilespmem:s13+$0x4100];
	_ =	sdelay $0x4  }
0x283: {  	s19 =	sadd.s32 $0xFFFFFFE4, s10;
	[tilespmem:v2+s30+$0x0] =	vst.idx.msk $0xffff, v1  }
0x284: {  	v2 =	vadd.s32 s19, v0;
	v1 =	vld [tilespmem:s13+$0x4180];
	_ =	sdelay $0x4  }
0x285: {  	s20 =	sadd.s32 $0xFFFFFFE5, s10;
	[tilespmem:v2+s30+$0x0] =	vst.idx.msk $0xffff, v1  }
0x286: {  	v2 =	vadd.s32 s20, v0;
	v1 =	vld [tilespmem:s13+$0x4200];
	_ =	sdelay $0x4  }
0x287: {  	s19 =	sadd.s32 $0xFFFFFFE6, s10;
	[tilespmem:v2+s30+$0x0] =	vst.idx.msk $0xffff, v1  }
0x288: {  	v2 =	vadd.s32 s19, v0;
	v1 =	vld [tilespmem:s13+$0x4280];
	_ =	sdelay $0x4  }
0x289: {  	s20 =	sadd.s32 $0xFFFFFFE7, s10;
	[tilespmem:v2+s30+$0x0] =	vst.idx.msk $0xffff, v1  }
0x28a: {  	v2 =	vadd.s32 s20, v0;
	v1 =	vld [tilespmem:s13+$0x4300];
	_ =	sdelay $0x3  }
0x28b: {  	s11 =	sor.u32 s11, s12  }
0x28c: {  	s14 =	sadd.s32 $0xFFFFFFE8, s10;
	s11 =	sor.u32 $0x380, s11;
	[tilespmem:v2+s30+$0x0] =	vst.idx.msk $0xffff, v1  }
0x28d: {  	v2 =	vadd.s32 s14, v0;
	v1 =	vld [tilespmem:s11+$0x4000];
	_ =	sdelay $0x4  }
0x28e: {  	s19 =	sadd.s32 $0xFFFFFFE9, s10;
	[tilespmem:v2+s30+$0x0] =	vst.idx.msk $0xffff, v1  }
0x28f: {  	v2 =	vadd.s32 s19, v0;
	v1 =	vld [tilespmem:s13+$0x5000];
	_ =	sdelay $0x4  }
0x290: {  	s20 =	sadd.s32 $0xFFFFFFEA, s10;
	[tilespmem:v2+s30+$0x0] =	vst.idx.msk $0xffff, v1  }
0x291: {  	v2 =	vadd.s32 s20, v0;
	v1 =	vld [tilespmem:s13+$0x5080];
	_ =	sdelay $0x4  }
0x292: {  	s12 =	sadd.s32 $0xFFFFFFEB, s10;
	[tilespmem:v2+s30+$0x0] =	vst.idx.msk $0xffff, v1  }
0x293: {  	v2 =	vadd.s32 s12, v0;
	v1 =	vld [tilespmem:s13+$0x5100];
	_ =	sdelay $0x4  }
0x294: {  	s14 =	sadd.s32 $0xFFFFFFEC, s10;
	[tilespmem:v2+s30+$0x0] =	vst.idx.msk $0xffff, v1  }
0x295: {  	v2 =	vadd.s32 s14, v0;
	v1 =	vld [tilespmem:s13+$0x5180];
	_ =	sdelay $0x4  }
0x296: {  	s19 =	sadd.s32 $0xFFFFFFED, s10;
	[tilespmem:v2+s30+$0x0] =	vst.idx.msk $0xffff, v1  }
0x297: {  	v2 =	vadd.s32 s19, v0;
	v1 =	vld [tilespmem:s13+$0x5200];
	_ =	sdelay $0x4  }
0x298: {  	s20 =	sadd.s32 $0xFFFFFFEE, s10;
	[tilespmem:v2+s30+$0x0] =	vst.idx.msk $0xffff, v1  }
0x299: {  	v2 =	vadd.s32 s20, v0;
	v1 =	vld [tilespmem:s13+$0x5280];
	_ =	sdelay $0x4  }
0x29a: {  	s12 =	sadd.s32 $0xFFFFFFEF, s10;
	[tilespmem:v2+s30+$0x0] =	vst.idx.msk $0xffff, v1  }
0x29b: {  	v2 =	vadd.s32 s12, v0;
	v1 =	vld [tilespmem:s13+$0x5300];
	_ =	sdelay $0x4  }
0x29c: {  	s14 =	sadd.s32 $0xFFFFFFF0, s10;
	[tilespmem:v2+s30+$0x0] =	vst.idx.msk $0xffff, v1  }
0x29d: {  	v2 =	vadd.s32 s14, v0;
	v1 =	vld [tilespmem:s13+$0x5380];
	_ =	sdelay $0x4  }
0x29e: {  	s19 =	sadd.s32 $0xFFFFFFF1, s10;
	[tilespmem:v2+s30+$0x0] =	vst.idx.msk $0xffff, v1  }
0x29f: {  	v2 =	vadd.s32 s19, v0;
	v1 =	vld [tilespmem:s13+$0x6000];
	_ =	sdelay $0x4  }
0x2a0: {  	s20 =	sadd.s32 $0xFFFFFFF2, s10;
	[tilespmem:v2+s30+$0x0] =	vst.idx.msk $0xffff, v1  }
0x2a1: {  	v2 =	vadd.s32 s20, v0;
	v1 =	vld [tilespmem:s13+$0x6080];
	_ =	sdelay $0x4  }
0x2a2: {  	s12 =	sadd.s32 $0xFFFFFFF3, s10;
	[tilespmem:v2+s30+$0x0] =	vst.idx.msk $0xffff, v1  }
0x2a3: {  	v2 =	vadd.s32 s12, v0;
	v1 =	vld [tilespmem:s13+$0x6100];
	_ =	sdelay $0x4  }
0x2a4: {  	s14 =	sadd.s32 $0xFFFFFFF4, s10;
	[tilespmem:v2+s30+$0x0] =	vst.idx.msk $0xffff, v1  }
0x2a5: {  	v2 =	vadd.s32 s14, v0;
	v1 =	vld [tilespmem:s13+$0x6180];
	_ =	sdelay $0x4  }
0x2a6: {  	s19 =	sadd.s32 $0xFFFFFFF5, s10;
	[tilespmem:v2+s30+$0x0] =	vst.idx.msk $0xffff, v1  }
0x2a7: {  	v2 =	vadd.s32 s19, v0;
	v1 =	vld [tilespmem:s13+$0x6200];
	_ =	sdelay $0x4  }
0x2a8: {  	s20 =	sadd.s32 $0xFFFFFFF6, s10;
	[tilespmem:v2+s30+$0x0] =	vst.idx.msk $0xffff, v1  }
0x2a9: {  	v2 =	vadd.s32 s20, v0;
	v1 =	vld [tilespmem:s13+$0x6280];
	_ =	sdelay $0x4  }
0x2aa: {  	s12 =	sadd.s32 $0xFFFFFFF7, s10;
	[tilespmem:v2+s30+$0x0] =	vst.idx.msk $0xffff, v1  }
0x2ab: {  	v2 =	vadd.s32 s12, v0;
	v1 =	vld [tilespmem:s13+$0x6300];
	_ =	sdelay $0x4  }
0x2ac: {  	s14 =	sadd.s32 $0xFFFFFFF8, s10;
	[tilespmem:v2+s30+$0x0] =	vst.idx.msk $0xffff, v1  }
0x2ad: {  	v2 =	vadd.s32 s14, v0;
	v1 =	vld [tilespmem:s13+$0x6380];
	_ =	sdelay $0x4  }
0x2ae: {  	s19 =	sadd.s32 $0xFFFFFFF9, s10;
	[tilespmem:v2+s30+$0x0] =	vst.idx.msk $0xffff, v1  }
0x2af: {  	v2 =	vadd.s32 s19, v0;
	v1 =	vld [tilespmem:s13+$0x7000];
	_ =	sdelay $0x4  }
0x2b0: {  	s20 =	sadd.s32 $0xFFFFFFFA, s10;
	[tilespmem:v2+s30+$0x0] =	vst.idx.msk $0xffff, v1  }
0x2b1: {  	v2 =	vadd.s32 s20, v0;
	v1 =	vld [tilespmem:s13+$0x7080];
	_ =	sdelay $0x4  }
0x2b2: {  	s12 =	sadd.s32 $0xFFFFFFFB, s10;
	[tilespmem:v2+s30+$0x0] =	vst.idx.msk $0xffff, v1  }
0x2b3: {  	v2 =	vadd.s32 s12, v0;
	v1 =	vld [tilespmem:s13+$0x7100];
	_ =	sdelay $0x4  }
0x2b4: {  	s14 =	sadd.s32 $0xFFFFFFFC, s10;
	[tilespmem:v2+s30+$0x0] =	vst.idx.msk $0xffff, v1  }
0x2b5: {  	v2 =	vadd.s32 s14, v0;
	v1 =	vld [tilespmem:s13+$0x7180];
	_ =	sdelay $0x4  }
0x2b6: {  	s19 =	sadd.s32 $0xFFFFFFFD, s10;
	[tilespmem:v2+s30+$0x0] =	vst.idx.msk $0xffff, v1  }
0x2b7: {  	v2 =	vadd.s32 s19, v0;
	v1 =	vld [tilespmem:s13+$0x7200];
	_ =	sdelay $0x4  }
0x2b8: {  	s20 =	sadd.s32 $0xFFFFFFFE, s10;
	[tilespmem:v2+s30+$0x0] =	vst.idx.msk $0xffff, v1  }
0x2b9: {  	v2 =	vadd.s32 s20, v0;
	v1 =	vld [tilespmem:s13+$0x7280];
	_ =	sdelay $0x4  }
0x2ba: {  	s12 =	sadd.s32 $0xFFFFFFFF, s10;
	[tilespmem:v2+s30+$0x0] =	vst.idx.msk $0xffff, v1  }
0x2bb: {  	v2 =	vadd.s32 s12, v0;
	v1 =	vld [tilespmem:s13+$0x7300];
	_ =	sdelay $0x4  }
0x2bc: {  	[tilespmem:v2+s30+$0x0] =	vst.idx.msk $0xffff, v1  }
0x2bd: {  	v2 =	vadd.s32 s10, v0;
	v1 =	vld [tilespmem:s13+$0x7380];
	_ =	sdelay $0x4  }
0x2be: {  	s10 =	simm.s32 $0xC108;
	[tilespmem:v2+s30+$0x0] =	vst.idx.msk $0xffff, v1  }
0x2bf: {  	v1 =	vld [tilespmem:s10+$0xFFFFFEF8];
	_ =	sdelay $0x3  }
0x2c0: {  	s11 =	simm.s32 $0x14300  }
0x2c1: {  	[tilespmem:s11+$0xFFFFFF00] =	vst v1  }
0x2c2: {  	v1 =	vld [tilespmem:s10+$0xFFFFFF08];
	_ =	sdelay $0x4  }
0x2c3: {  	[tilespmem:s11+$0xFFFFFF10] =	vst v1  }
0x2c4: {  	v1 =	vld [tilespmem:s10+$0xFFFFFF19];
	_ =	sdelay $0x4  }
0x2c5: {  	[tilespmem:s11+$0xFFFFFF20] =	vst v1  }
0x2c6: {  	v1 =	vld [tilespmem:s10+$0xFFFFFF29];
	_ =	sdelay $0x2  }
0x2c7: {  	s13 =	simm.s32 $0x20  }
0x2c8: {  	s12 =	sor.u32 $0x30, s13  }
0x2c9: {  	[tilespmem:s12+$0x14200] =	vst v1  }
0x2ca: {  	v1 =	vld [tilespmem:s10+$0xFFFFFF3A];
	_ =	sdelay $0x4  }
0x2cb: {  	[tilespmem:s11+$0xFFFFFF40] =	vst v1  }
0x2cc: {  	v1 =	vld [tilespmem:s10+$0xFFFFFF4A];
	_ =	sdelay $0x2  }
0x2cd: {  	s14 =	simm.s32 $0x40  }
0x2ce: {  	s12 =	sor.u32 $0x50, s14  }
0x2cf: {  	[tilespmem:s12+$0x14200] =	vst v1  }
0x2d0: {  	v1 =	vld [tilespmem:s10+$0xFFFFFF5B];
	_ =	sdelay $0x4  }
0x2d1: {  	[tilespmem:s11+$0xFFFFFF60] =	vst v1  }
0x2d2: {  	v1 =	vld [tilespmem:s10+$0xFFFFFF6B];
	_ =	sdelay $0x2  }
0x2d3: {  	s19 =	simm.s32 $0x60  }
0x2d4: {  	s12 =	sor.u32 $0x70, s19  }
0x2d5: {  	[tilespmem:s12+$0x14200] =	vst v1  }
0x2d6: {  	v1 =	vld [tilespmem:s10+$0xFFFFFF7C];
	_ =	sdelay $0x4  }
0x2d7: {  	[tilespmem:s11+$0xFFFFFF80] =	vst v1  }
0x2d8: {  	v1 =	vld [tilespmem:s10+$0xFFFFFF8C];
	_ =	sdelay $0x4  }
0x2d9: {  	[tilespmem:s11+$0xFFFFFF90] =	vst v1  }
0x2da: {  	v1 =	vld [tilespmem:s10+$0xFFFFFF9D];
	_ =	sdelay $0x4  }
0x2db: {  	[tilespmem:s11+$0xFFFFFFA0] =	vst v1  }
0x2dc: {  	v1 =	vld [tilespmem:s10+$0xFFFFFFAD];
	_ =	sdelay $0x2  }
0x2dd: {  	s20 =	simm.s32 $0xA0  }
0x2de: {  	s12 =	sor.u32 $0x30, s20  }
0x2df: {  	[tilespmem:s12+$0x14200] =	vst v1  }
0x2e0: {  	v1 =	vld [tilespmem:s10+$0xFFFFFFBE];
	_ =	sdelay $0x4  }
0x2e1: {  	[tilespmem:s11+$0xFFFFFFC0] =	vst v1  }
0x2e2: {  	v1 =	vld [tilespmem:s10+$0xFFFFFFCE];
	_ =	sdelay $0x2  }
0x2e3: {  	s13 =	simm.s32 $0xC0  }
0x2e4: {  	s12 =	sor.u32 $0x50, s13  }
0x2e5: {  	[tilespmem:s12+$0x14200] =	vst v1  }
0x2e6: {  	v1 =	vld [tilespmem:s10+$0xFFFFFFDF];
	_ =	sdelay $0x4  }
0x2e7: {  	[tilespmem:s11+$0xFFFFFFE0] =	vst v1  }
0x2e8: {  	v1 =	vld [tilespmem:s10+$0xFFFFFFEF];
	_ =	sdelay $0x2  }
0x2e9: {  	s14 =	simm.s32 $0xE0  }
0x2ea: {  	s12 =	sor.u32 $0x70, s14  }
0x2eb: {  	[tilespmem:s12+$0x14200] =	vst v1  }
0x2ec: {  	v1 =	vld [tilespmem:s10+$0x0];
	_ =	sdelay $0x4  }
0x2ed: {  	[tilespmem:s11+$0x0] =	vst v1  }
0x2ee: {  	v1 =	vld [tilespmem:s10+$0x10];
	_ =	sdelay $0x4  }
0x2ef: {  	[tilespmem:s11+$0x10] =	vst v1  }
0x2f0: {  	v1 =	vld [tilespmem:s10+$0x21];
	_ =	sdelay $0x4  }
0x2f1: {  	[tilespmem:s11+$0x20] =	vst v1  }
0x2f2: {  	v1 =	vld [tilespmem:s10+$0x31];
	_ =	sdelay $0x2  }
0x2f3: {  	s19 =	simm.s32 $0x120  }
0x2f4: {  	s12 =	sor.u32 $0x30, s19  }
0x2f5: {  	[tilespmem:s12+$0x14200] =	vst v1  }
0x2f6: {  	v1 =	vld [tilespmem:s10+$0x42];
	_ =	sdelay $0x4  }
0x2f7: {  	[tilespmem:s11+$0x40] =	vst v1  }
0x2f8: {  	v1 =	vld [tilespmem:s10+$0x52];
	_ =	sdelay $0x2  }
0x2f9: {  	s20 =	simm.s32 $0x140  }
0x2fa: {  	s12 =	sor.u32 $0x50, s20  }
0x2fb: {  	[tilespmem:s12+$0x14200] =	vst v1  }
0x2fc: {  	v1 =	vld [tilespmem:s10+$0x63];
	_ =	sdelay $0x4  }
0x2fd: {  	[tilespmem:s11+$0x60] =	vst v1  }
0x2fe: {  	v1 =	vld [tilespmem:s10+$0x73];
	_ =	sdelay $0x2  }
0x2ff: {  	s13 =	simm.s32 $0x160  }
0x300: {  	s12 =	sor.u32 $0x70, s13  }
0x301: {  	[tilespmem:s12+$0x14200] =	vst v1  }
0x302: {  	v1 =	vld [tilespmem:s10+$0x84];
	_ =	sdelay $0x4  }
0x303: {  	[tilespmem:s11+$0x80] =	vst v1  }
0x304: {  	v1 =	vld [tilespmem:s10+$0x94];
	_ =	sdelay $0x4  }
0x305: {  	[tilespmem:s11+$0x90] =	vst v1  }
0x306: {  	v1 =	vld [tilespmem:s10+$0xA5];
	_ =	sdelay $0x4  }
0x307: {  	[tilespmem:s11+$0xA0] =	vst v1  }
0x308: {  	v1 =	vld [tilespmem:s10+$0xB5];
	_ =	sdelay $0x2  }
0x309: {  	s14 =	simm.s32 $0x1A0  }
0x30a: {  	s12 =	sor.u32 $0x30, s14  }
0x30b: {  	[tilespmem:s12+$0x14200] =	vst v1  }
0x30c: {  	v1 =	vld [tilespmem:s10+$0xC6];
	_ =	sdelay $0x4  }
0x30d: {  	[tilespmem:s11+$0xC0] =	vst v1  }
0x30e: {  	v1 =	vld [tilespmem:s10+$0xD6];
	_ =	sdelay $0x2  }
0x30f: {  	s19 =	simm.s32 $0x1C0  }
0x310: {  	s12 =	sor.u32 $0x50, s19  }
0x311: {  	[tilespmem:s12+$0x14200] =	vst v1  }
0x312: {  	v1 =	vld [tilespmem:s10+$0xE7];
	_ =	sdelay $0x4  }
0x313: {  	[tilespmem:s11+$0xE0] =	vst v1  }
0x314: {  	v1 =	vld [tilespmem:s10+$0xF7];
	_ =	sdelay $0x2  }
0x315: {  	s20 =	simm.s32 $0x1E0  }
0x316: {  	s13 =	sor.u32 $0x70, s20;
	s12 =	simm.s32 $0x3E0  }
.LBB2_10:
0x317: {  	p3 =	sne.s32 s12, $0x3FE0;
	[tilespmem:s13+$0x14200] =	vst v1;
	s10 =	sadd.s32 $0x210, s10;
	s11 =	sadd.s32 $0x200, s11  }
0x318: {  	s13 =	smov.u32 s12;
	s12 =	sadd.s32 $0x200, s12;
	v1 =	vld [tilespmem:s10+$0xFFFFFEF8];
	_ =	sdelay $0x4  }
0x319: {  	[tilespmem:s11+$0xFFFFFF00] =	vst v1  }
0x31a: {  	v1 =	vld [tilespmem:s10+$0xFFFFFF08];
	_ =	sdelay $0x4  }
0x31b: {  	[tilespmem:s11+$0xFFFFFF10] =	vst v1  }
0x31c: {  	v1 =	vld [tilespmem:s10+$0xFFFFFF19];
	_ =	sdelay $0x4  }
0x31d: {  	[tilespmem:s11+$0xFFFFFF20] =	vst v1  }
0x31e: {  	v1 =	vld [tilespmem:s10+$0xFFFFFF29];
	_ =	sdelay $0x2  }
0x31f: {  	s14 =	sadd.s32 $0xFFFFFE40, s13  }
0x320: {  	s14 =	sor.u32 $0x30, s14  }
0x321: {  	[tilespmem:s14+$0x14200] =	vst v1  }
0x322: {  	v1 =	vld [tilespmem:s10+$0xFFFFFF3A];
	_ =	sdelay $0x4  }
0x323: {  	[tilespmem:s11+$0xFFFFFF40] =	vst v1  }
0x324: {  	v1 =	vld [tilespmem:s10+$0xFFFFFF4A];
	_ =	sdelay $0x2  }
0x325: {  	s14 =	sadd.s32 $0xFFFFFE60, s13  }
0x326: {  	s14 =	sor.u32 $0x50, s14  }
0x327: {  	[tilespmem:s14+$0x14200] =	vst v1  }
0x328: {  	v1 =	vld [tilespmem:s10+$0xFFFFFF5B];
	_ =	sdelay $0x4  }
0x329: {  	[tilespmem:s11+$0xFFFFFF60] =	vst v1  }
0x32a: {  	v1 =	vld [tilespmem:s10+$0xFFFFFF6B];
	_ =	sdelay $0x2  }
0x32b: {  	s14 =	sadd.s32 $0xFFFFFE80, s13  }
0x32c: {  	s14 =	sor.u32 $0x70, s14  }
0x32d: {  	[tilespmem:s14+$0x14200] =	vst v1  }
0x32e: {  	v1 =	vld [tilespmem:s10+$0xFFFFFF7C];
	_ =	sdelay $0x4  }
0x32f: {  	[tilespmem:s11+$0xFFFFFF80] =	vst v1  }
0x330: {  	v1 =	vld [tilespmem:s10+$0xFFFFFF8C];
	_ =	sdelay $0x4  }
0x331: {  	[tilespmem:s11+$0xFFFFFF90] =	vst v1  }
0x332: {  	v1 =	vld [tilespmem:s10+$0xFFFFFF9D];
	_ =	sdelay $0x4  }
0x333: {  	[tilespmem:s11+$0xFFFFFFA0] =	vst v1  }
0x334: {  	v1 =	vld [tilespmem:s10+$0xFFFFFFAD];
	_ =	sdelay $0x2  }
0x335: {  	s14 =	sadd.s32 $0xFFFFFEC0, s13  }
0x336: {  	s14 =	sor.u32 $0x30, s14  }
0x337: {  	[tilespmem:s14+$0x14200] =	vst v1  }
0x338: {  	v1 =	vld [tilespmem:s10+$0xFFFFFFBE];
	_ =	sdelay $0x4  }
0x339: {  	[tilespmem:s11+$0xFFFFFFC0] =	vst v1  }
0x33a: {  	v1 =	vld [tilespmem:s10+$0xFFFFFFCE];
	_ =	sdelay $0x2  }
0x33b: {  	s14 =	sadd.s32 $0xFFFFFEE0, s13  }
0x33c: {  	s14 =	sor.u32 $0x50, s14  }
0x33d: {  	[tilespmem:s14+$0x14200] =	vst v1  }
0x33e: {  	v1 =	vld [tilespmem:s10+$0xFFFFFFDF];
	_ =	sdelay $0x4  }
0x33f: {  	[tilespmem:s11+$0xFFFFFFE0] =	vst v1  }
0x340: {  	v1 =	vld [tilespmem:s10+$0xFFFFFFEF];
	_ =	sdelay $0x2  }
0x341: {  	s14 =	sadd.s32 $0xFFFFFF00, s13  }
0x342: {  	s14 =	sor.u32 $0x70, s14  }
0x343: {  	[tilespmem:s14+$0x14200] =	vst v1  }
0x344: {  	v1 =	vld [tilespmem:s10+$0x0];
	_ =	sdelay $0x4  }
0x345: {  	[tilespmem:s11+$0x0] =	vst v1  }
0x346: {  	v1 =	vld [tilespmem:s10+$0x10];
	_ =	sdelay $0x4  }
0x347: {  	[tilespmem:s11+$0x10] =	vst v1  }
0x348: {  	v1 =	vld [tilespmem:s10+$0x21];
	_ =	sdelay $0x4  }
0x349: {  	[tilespmem:s11+$0x20] =	vst v1  }
0x34a: {  	v1 =	vld [tilespmem:s10+$0x31];
	_ =	sdelay $0x2  }
0x34b: {  	s14 =	sadd.s32 $0xFFFFFF40, s13  }
0x34c: {  	s14 =	sor.u32 $0x30, s14  }
0x34d: {  	[tilespmem:s14+$0x14200] =	vst v1  }
0x34e: {  	v1 =	vld [tilespmem:s10+$0x42];
	_ =	sdelay $0x4  }
0x34f: {  	[tilespmem:s11+$0x40] =	vst v1  }
0x350: {  	v1 =	vld [tilespmem:s10+$0x52];
	_ =	sdelay $0x2  }
0x351: {  	s14 =	sadd.s32 $0xFFFFFF60, s13  }
0x352: {  	s14 =	sor.u32 $0x50, s14  }
0x353: {  	[tilespmem:s14+$0x14200] =	vst v1  }
0x354: {  	v1 =	vld [tilespmem:s10+$0x63];
	_ =	sdelay $0x4  }
0x355: {  	[tilespmem:s11+$0x60] =	vst v1  }
0x356: {  	v1 =	vld [tilespmem:s10+$0x73];
	_ =	sdelay $0x2  }
0x357: {  	s14 =	sadd.s32 $0xFFFFFF80, s13  }
0x358: {  	s14 =	sor.u32 $0x70, s14  }
0x359: {  	[tilespmem:s14+$0x14200] =	vst v1  }
0x35a: {  	v1 =	vld [tilespmem:s10+$0x84];
	_ =	sdelay $0x4  }
0x35b: {  	[tilespmem:s11+$0x80] =	vst v1  }
0x35c: {  	v1 =	vld [tilespmem:s10+$0x94];
	_ =	sdelay $0x4  }
0x35d: {  	[tilespmem:s11+$0x90] =	vst v1  }
0x35e: {  	v1 =	vld [tilespmem:s10+$0xA5];
	_ =	sdelay $0x4  }
0x35f: {  	[tilespmem:s11+$0xA0] =	vst v1  }
0x360: {  	v1 =	vld [tilespmem:s10+$0xB5];
	_ =	sdelay $0x2  }
0x361: {  	s14 =	sadd.s32 $0xFFFFFFC0, s13  }
0x362: {  	s14 =	sor.u32 $0x30, s14  }
0x363: {  	[tilespmem:s14+$0x14200] =	vst v1  }
0x364: {  	v1 =	vld [tilespmem:s10+$0xC6];
	_ =	sdelay $0x4  }
0x365: {  	[tilespmem:s11+$0xC0] =	vst v1  }
0x366: {  	v1 =	vld [tilespmem:s10+$0xD6];
	_ =	sdelay $0x2  }
0x367: {  	s14 =	sadd.s32 $0xFFFFFFE0, s13  }
0x368: {  	s14 =	sor.u32 $0x50, s14  }
0x369: {  	[tilespmem:s14+$0x14200] =	vst v1  }
0x36a: {  	v1 =	vld [tilespmem:s10+$0xE7];
	_ =	sdelay $0x4  }
0x36b: {  	[tilespmem:s11+$0xE0] =	vst v1  }
.Ltmp8:
0x36c: {  	v1 =	vld [tilespmem:s10+$0xF7];
	(pc) =	sbr.rel @p3 .LBB2_10-.Ltmp8, $2  }
0x36d: {  	_ =	sdelay $0x2  }
0x36e: {  	s13 =	sor.u32 $0x70, s13  }
0x36f: {  	s9 =	sshll.u32 s9, $0xB  }
0x370: {  	[tilespmem:s13+$0x14200] =	vst v1;
	s9 =	sadd.s32 s6, s9  }
0x371: {  	[hbm4b:s9+s3] =	stream.linear.scatter [tilespmem:s2], [sflag:$0x5], $0x4000, $0x38;
	[tilespmem:$0x1CA00] =	vst v63  }
.LBB2_12:
0x372: {  	s8 =	sadd.s32 s18, s8  }
0x373: {  	p3 =	sgt.u32 s8, $0x7A0  }
0x374: {  	s8 =	sshll.u32 @!p3 s8, $0x9;
	s10 =	simm.s32 @!p3 $0x0  }
0x375: {  	s11 =	simm.s32 @!p3 $0x4000;
	s9 =	sadd.s32 @!p3 s1, s8;
	s8 =	sand.u32 @!p3 $0x1FFFFE00, s8  }
0x376: {  	[tilespmem:s11], [sflag:$0x2] =	stream.linear.gather @!p3 [hbm4b:s9+s10], $0x1000, $0x38;
	[tilespmem:$0x1CA00] =	vst v63  }
0x377: {  	s8 =	sadd.s32 @!p3 s1, s8  }
0x378: {  	s11 =	simm.s32 @!p3 $0x5000;
	s9 =	sadd.s32 @!p3 $0xF4280, s8  }
0x379: {  	[tilespmem:s11], [sflag:$0x2] =	stream.linear.gather @!p3 [hbm4b:s9+s10], $0x1000, $0x38;
	[tilespmem:$0x1CA00] =	vst v63  }
.Ltmp9:
0x37a: {  	_ = 	snop;
	(pc) =	sbr.rel @p1 .LBB2_18-.Ltmp9, $4  }
0x37b: {  	s9 =	sadd.s32 @!p3 $0x1E8500, s8;
	s11 =	simm.s32 @!p3 $0x6000  }
0x37c: {  	[tilespmem:s11], [sflag:$0x2] =	stream.linear.gather @!p3 [hbm4b:s9+s10], $0x1000, $0x38;
	[tilespmem:$0x1CA00] =	vst v63  }
0x37d: {  	s8 =	sadd.s32 @!p3 $0x2DC780, s8;
	s9 =	simm.s32 @!p3 $0x7000  }
0x37e: {  	[tilespmem:s9], [sflag:$0x2] =	stream.linear.gather @!p3 [hbm4b:s8+s10], $0x1000, $0x38;
	[tilespmem:$0x1CA00] =	vst v63  }
0x37f: {  	_ =	swait.ge [sflag:s21], $0x1000  }
0x380: {  	[sflag:s21] =	ssyncset.done $0x0  }
0x381: {  	[sflag:s21] =	ssyncadd.s32 $0xFFFFF000  }
0x382: {  	_ =	swait.ge [sflag:s21], $0x1000  }
0x383: {  	[sflag:s21] =	ssyncset.done $0x0  }
0x384: {  	[sflag:s21] =	ssyncadd.s32 $0xFFFFF000  }
0x385: {  	_ =	swait.ge [sflag:s21], $0x1000  }
0x386: {  	[sflag:s21] =	ssyncset.done $0x0  }
0x387: {  	[sflag:s21] =	ssyncadd.s32 $0xFFFFF000  }
0x388: {  	_ =	swait.ge [sflag:s21], $0x1000  }
0x389: {  	[sflag:s21] =	ssyncset.done $0x0  }
0x38a: {  	s8 =	simm.s32 @!p2 $0x6;
	[sflag:s21] =	ssyncadd.s32 $0xFFFFF000  }
0x38b: {  	s9 =	simm.s32 $0x0;
	_ =	swait.ge @!p2 [sflag:s8], $0x4000  }
0x38c: {  	s10 =	sand.u32 $0x70, s9;
	s11 =	sand.u32 $0xC00, s9;
	[sflag:s8] =	ssyncset.done @!p2 $0x0  }
0x38d: {  	s12 =	simm.s32 $0x0;
	s11 =	sor.u32 s10, s11;
	[sflag:s8] =	ssyncadd.s32 @!p2 $0xFFFFC000  }
0x38e: {  	v2 =	vadd.s32 s12, v0;
	v1 =	vld [tilespmem:s11+$0x8000];
	_ =	sdelay $0x4  }
0x38f: {  	s13 =	simm.s32 $0x1;
	[tilespmem:v2+s30+$0x0] =	vst.idx.msk $0xffff, v1  }
0x390: {  	v2 =	vadd.s32 s13, v0;
	v1 =	vld [tilespmem:s11+$0x8080];
	_ =	sdelay $0x4  }
0x391: {  	s14 =	simm.s32 $0x2;
	[tilespmem:v2+s30+$0x0] =	vst.idx.msk $0xffff, v1  }
0x392: {  	v2 =	vadd.s32 s14, v0;
	v1 =	vld [tilespmem:s11+$0x8100];
	_ =	sdelay $0x4  }
0x393: {  	s19 =	simm.s32 $0x3;
	[tilespmem:v2+s30+$0x0] =	vst.idx.msk $0xffff, v1  }
0x394: {  	v2 =	vadd.s32 s19, v0;
	v1 =	vld [tilespmem:s11+$0x8180];
	_ =	sdelay $0x4  }
0x395: {  	s20 =	simm.s32 $0x4;
	[tilespmem:v2+s30+$0x0] =	vst.idx.msk $0xffff, v1  }
0x396: {  	v2 =	vadd.s32 s20, v0;
	v1 =	vld [tilespmem:s11+$0x8200];
	_ =	sdelay $0x4  }
0x397: {  	s10 =	simm.s32 $0x5;
	[tilespmem:v2+s30+$0x0] =	vst.idx.msk $0xffff, v1  }
0x398: {  	v2 =	vadd.s32 s10, v0;
	v1 =	vld [tilespmem:s11+$0x8280];
	_ =	sdelay $0x4  }
0x399: {  	s12 =	simm.s32 $0x6;
	[tilespmem:v2+s30+$0x0] =	vst.idx.msk $0xffff, v1  }
0x39a: {  	v2 =	vadd.s32 s12, v0;
	v1 =	vld [tilespmem:s11+$0x8300];
	_ =	sdelay $0x3  }
0x39b: {  	s13 =	sor.u32 s9, s9  }
0x39c: {  	s8 =	sor.u32 $0x380, s13;
	s14 =	simm.s32 $0x7;
	[tilespmem:v2+s30+$0x0] =	vst.idx.msk $0xffff, v1  }
0x39d: {  	v2 =	vadd.s32 s14, v0;
	v1 =	vld [tilespmem:s8+$0x8000];
	_ =	sdelay $0x4  }
0x39e: {  	s19 =	simm.s32 $0x8;
	[tilespmem:v2+s30+$0x0] =	vst.idx.msk $0xffff, v1  }
0x39f: {  	v2 =	vadd.s32 s19, v0;
	v1 =	vld [tilespmem:s11+$0x9000];
	_ =	sdelay $0x4  }
0x3a0: {  	s20 =	simm.s32 $0x9;
	[tilespmem:v2+s30+$0x0] =	vst.idx.msk $0xffff, v1  }
0x3a1: {  	v2 =	vadd.s32 s20, v0;
	v1 =	vld [tilespmem:s11+$0x9080];
	_ =	sdelay $0x4  }
0x3a2: {  	s9 =	simm.s32 $0xA;
	[tilespmem:v2+s30+$0x0] =	vst.idx.msk $0xffff, v1  }
0x3a3: {  	v2 =	vadd.s32 s9, v0;
	v1 =	vld [tilespmem:s11+$0x9100];
	_ =	sdelay $0x4  }
0x3a4: {  	s10 =	simm.s32 $0xB;
	[tilespmem:v2+s30+$0x0] =	vst.idx.msk $0xffff, v1  }
0x3a5: {  	v2 =	vadd.s32 s10, v0;
	v1 =	vld [tilespmem:s11+$0x9180];
	_ =	sdelay $0x4  }
0x3a6: {  	s12 =	simm.s32 $0xC;
	[tilespmem:v2+s30+$0x0] =	vst.idx.msk $0xffff, v1  }
0x3a7: {  	v2 =	vadd.s32 s12, v0;
	v1 =	vld [tilespmem:s11+$0x9200];
	_ =	sdelay $0x4  }
0x3a8: {  	s13 =	simm.s32 $0xD;
	[tilespmem:v2+s30+$0x0] =	vst.idx.msk $0xffff, v1  }
0x3a9: {  	v2 =	vadd.s32 s13, v0;
	v1 =	vld [tilespmem:s11+$0x9280];
	_ =	sdelay $0x4  }
0x3aa: {  	s14 =	simm.s32 $0xE;
	[tilespmem:v2+s30+$0x0] =	vst.idx.msk $0xffff, v1  }
0x3ab: {  	v2 =	vadd.s32 s14, v0;
	v1 =	vld [tilespmem:s11+$0x9300];
	_ =	sdelay $0x4  }
0x3ac: {  	s19 =	simm.s32 $0xF;
	[tilespmem:v2+s30+$0x0] =	vst.idx.msk $0xffff, v1  }
0x3ad: {  	v2 =	vadd.s32 s19, v0;
	v1 =	vld [tilespmem:s11+$0x9380];
	_ =	sdelay $0x4  }
0x3ae: {  	s20 =	simm.s32 $0x10;
	[tilespmem:v2+s30+$0x0] =	vst.idx.msk $0xffff, v1  }
0x3af: {  	v2 =	vadd.s32 s20, v0;
	v1 =	vld [tilespmem:s11+$0xA000];
	_ =	sdelay $0x4  }
0x3b0: {  	s9 =	simm.s32 $0x11;
	[tilespmem:v2+s30+$0x0] =	vst.idx.msk $0xffff, v1  }
0x3b1: {  	v2 =	vadd.s32 s9, v0;
	v1 =	vld [tilespmem:s11+$0xA080];
	_ =	sdelay $0x4  }
0x3b2: {  	s10 =	simm.s32 $0x12;
	[tilespmem:v2+s30+$0x0] =	vst.idx.msk $0xffff, v1  }
0x3b3: {  	v2 =	vadd.s32 s10, v0;
	v1 =	vld [tilespmem:s11+$0xA100];
	_ =	sdelay $0x4  }
0x3b4: {  	s12 =	simm.s32 $0x13;
	[tilespmem:v2+s30+$0x0] =	vst.idx.msk $0xffff, v1  }
0x3b5: {  	v2 =	vadd.s32 s12, v0;
	v1 =	vld [tilespmem:s11+$0xA180];
	_ =	sdelay $0x4  }
0x3b6: {  	s13 =	simm.s32 $0x14;
	[tilespmem:v2+s30+$0x0] =	vst.idx.msk $0xffff, v1  }
0x3b7: {  	v2 =	vadd.s32 s13, v0;
	v1 =	vld [tilespmem:s11+$0xA200];
	_ =	sdelay $0x4  }
0x3b8: {  	s14 =	simm.s32 $0x15;
	[tilespmem:v2+s30+$0x0] =	vst.idx.msk $0xffff, v1  }
0x3b9: {  	v2 =	vadd.s32 s14, v0;
	v1 =	vld [tilespmem:s11+$0xA280];
	_ =	sdelay $0x4  }
0x3ba: {  	s19 =	simm.s32 $0x16;
	[tilespmem:v2+s30+$0x0] =	vst.idx.msk $0xffff, v1  }
0x3bb: {  	v2 =	vadd.s32 s19, v0;
	v1 =	vld [tilespmem:s11+$0xA300];
	_ =	sdelay $0x4  }
0x3bc: {  	s20 =	simm.s32 $0x17;
	[tilespmem:v2+s30+$0x0] =	vst.idx.msk $0xffff, v1  }
0x3bd: {  	v2 =	vadd.s32 s20, v0;
	v1 =	vld [tilespmem:s11+$0xA380];
	_ =	sdelay $0x4  }
0x3be: {  	s9 =	simm.s32 $0x18;
	[tilespmem:v2+s30+$0x0] =	vst.idx.msk $0xffff, v1  }
0x3bf: {  	v2 =	vadd.s32 s9, v0;
	v1 =	vld [tilespmem:s11+$0xB000];
	_ =	sdelay $0x4  }
0x3c0: {  	s10 =	simm.s32 $0x19;
	[tilespmem:v2+s30+$0x0] =	vst.idx.msk $0xffff, v1  }
0x3c1: {  	v2 =	vadd.s32 s10, v0;
	v1 =	vld [tilespmem:s11+$0xB080];
	_ =	sdelay $0x4  }
0x3c2: {  	s12 =	simm.s32 $0x1A;
	[tilespmem:v2+s30+$0x0] =	vst.idx.msk $0xffff, v1  }
0x3c3: {  	v2 =	vadd.s32 s12, v0;
	v1 =	vld [tilespmem:s11+$0xB100];
	_ =	sdelay $0x4  }
0x3c4: {  	s13 =	simm.s32 $0x1B;
	[tilespmem:v2+s30+$0x0] =	vst.idx.msk $0xffff, v1  }
0x3c5: {  	v2 =	vadd.s32 s13, v0;
	v1 =	vld [tilespmem:s11+$0xB180];
	_ =	sdelay $0x4  }
0x3c6: {  	s14 =	simm.s32 $0x1C;
	[tilespmem:v2+s30+$0x0] =	vst.idx.msk $0xffff, v1  }
0x3c7: {  	v2 =	vadd.s32 s14, v0;
	v1 =	vld [tilespmem:s11+$0xB200];
	_ =	sdelay $0x4  }
0x3c8: {  	s19 =	simm.s32 $0x1D;
	[tilespmem:v2+s30+$0x0] =	vst.idx.msk $0xffff, v1  }
0x3c9: {  	v2 =	vadd.s32 s19, v0;
	v1 =	vld [tilespmem:s11+$0xB280];
	_ =	sdelay $0x4  }
0x3ca: {  	s20 =	simm.s32 $0x1E;
	[tilespmem:v2+s30+$0x0] =	vst.idx.msk $0xffff, v1  }
0x3cb: {  	v2 =	vadd.s32 s20, v0;
	v1 =	vld [tilespmem:s11+$0xB300];
	_ =	sdelay $0x4  }
0x3cc: {  	s12 =	simm.s32 $0x1F;
	[tilespmem:v2+s30+$0x0] =	vst.idx.msk $0xffff, v1  }
0x3cd: {  	v2 =	vadd.s32 s12, v0;
	v1 =	vld [tilespmem:s11+$0xB380];
	_ =	sdelay $0x2  }
0x3ce: {  	s8 =	simm.s32 $0x22F;
	s9 =	simm.s32 $0x80;
	s10 =	simm.s32 $0x10  }
0x3cf: {  	s13 =	sand.u32 $0xC00, s9;
	s12 =	sand.u32 $0x70, s10;
	s11 =	simm.s32 $0x43F  }
.LBB2_14:
0x3d0: {  	p1 =	sne.s32 s11, $0x400F;
	s14 =	sadd.s32 $0xFFFFFFE1, s8;
	s12 =	sor.u32 s12, s13;
	[tilespmem:v2+s30+$0x0] =	vst.idx.msk $0xffff, v1  }
0x3d1: {  	v1 =	vld [tilespmem:s12+$0x8000];
	v2 =	vadd.s32 s14, v0;
	_ =	sdelay $0x4  }
0x3d2: {  	s13 =	sadd.s32 $0xFFFFFFE2, s8;
	[tilespmem:v2+s30+$0x0] =	vst.idx.msk $0xffff, v1  }
0x3d3: {  	v2 =	vadd.s32 s13, v0;
	v1 =	vld [tilespmem:s12+$0x8080];
	_ =	sdelay $0x4  }
0x3d4: {  	s13 =	sadd.s32 $0xFFFFFFE3, s8;
	[tilespmem:v2+s30+$0x0] =	vst.idx.msk $0xffff, v1  }
0x3d5: {  	v2 =	vadd.s32 s13, v0;
	v1 =	vld [tilespmem:s12+$0x8100];
	_ =	sdelay $0x4  }
0x3d6: {  	s13 =	sadd.s32 $0xFFFFFFE4, s8;
	[tilespmem:v2+s30+$0x0] =	vst.idx.msk $0xffff, v1  }
0x3d7: {  	v2 =	vadd.s32 s13, v0;
	v1 =	vld [tilespmem:s12+$0x8180];
	_ =	sdelay $0x4  }
0x3d8: {  	s13 =	sadd.s32 $0xFFFFFFE5, s8;
	[tilespmem:v2+s30+$0x0] =	vst.idx.msk $0xffff, v1  }
0x3d9: {  	v2 =	vadd.s32 s13, v0;
	v1 =	vld [tilespmem:s12+$0x8200];
	_ =	sdelay $0x4  }
0x3da: {  	s13 =	sadd.s32 $0xFFFFFFE6, s8;
	[tilespmem:v2+s30+$0x0] =	vst.idx.msk $0xffff, v1  }
0x3db: {  	v2 =	vadd.s32 s13, v0;
	v1 =	vld [tilespmem:s12+$0x8280];
	_ =	sdelay $0x4  }
0x3dc: {  	s13 =	sadd.s32 $0xFFFFFFE7, s8;
	[tilespmem:v2+s30+$0x0] =	vst.idx.msk $0xffff, v1  }
0x3dd: {  	v2 =	vadd.s32 s13, v0;
	v1 =	vld [tilespmem:s12+$0x8300];
	_ =	sdelay $0x3  }
0x3de: {  	s13 =	sor.u32 s9, s10  }
0x3df: {  	s14 =	sadd.s32 $0xFFFFFFE8, s8;
	s13 =	sor.u32 $0x380, s13;
	[tilespmem:v2+s30+$0x0] =	vst.idx.msk $0xffff, v1  }
0x3e0: {  	v2 =	vadd.s32 s14, v0;
	v1 =	vld [tilespmem:s13+$0x8000];
	_ =	sdelay $0x4  }
0x3e1: {  	s13 =	sadd.s32 $0xFFFFFFE9, s8;
	[tilespmem:v2+s30+$0x0] =	vst.idx.msk $0xffff, v1  }
0x3e2: {  	v2 =	vadd.s32 s13, v0;
	v1 =	vld [tilespmem:s12+$0x9000];
	_ =	sdelay $0x4  }
0x3e3: {  	s13 =	sadd.s32 $0xFFFFFFEA, s8;
	[tilespmem:v2+s30+$0x0] =	vst.idx.msk $0xffff, v1  }
0x3e4: {  	v2 =	vadd.s32 s13, v0;
	v1 =	vld [tilespmem:s12+$0x9080];
	_ =	sdelay $0x4  }
0x3e5: {  	s13 =	sadd.s32 $0xFFFFFFEB, s8;
	[tilespmem:v2+s30+$0x0] =	vst.idx.msk $0xffff, v1  }
0x3e6: {  	v2 =	vadd.s32 s13, v0;
	v1 =	vld [tilespmem:s12+$0x9100];
	_ =	sdelay $0x4  }
0x3e7: {  	s13 =	sadd.s32 $0xFFFFFFEC, s8;
	[tilespmem:v2+s30+$0x0] =	vst.idx.msk $0xffff, v1  }
0x3e8: {  	v2 =	vadd.s32 s13, v0;
	v1 =	vld [tilespmem:s12+$0x9180];
	_ =	sdelay $0x4  }
0x3e9: {  	s13 =	sadd.s32 $0xFFFFFFED, s8;
	[tilespmem:v2+s30+$0x0] =	vst.idx.msk $0xffff, v1  }
0x3ea: {  	v2 =	vadd.s32 s13, v0;
	v1 =	vld [tilespmem:s12+$0x9200];
	_ =	sdelay $0x4  }
0x3eb: {  	s13 =	sadd.s32 $0xFFFFFFEE, s8;
	[tilespmem:v2+s30+$0x0] =	vst.idx.msk $0xffff, v1  }
0x3ec: {  	v2 =	vadd.s32 s13, v0;
	v1 =	vld [tilespmem:s12+$0x9280];
	_ =	sdelay $0x4  }
0x3ed: {  	s13 =	sadd.s32 $0xFFFFFFEF, s8;
	[tilespmem:v2+s30+$0x0] =	vst.idx.msk $0xffff, v1  }
0x3ee: {  	v2 =	vadd.s32 s13, v0;
	v1 =	vld [tilespmem:s12+$0x9300];
	_ =	sdelay $0x4  }
0x3ef: {  	s13 =	sadd.s32 $0xFFFFFFF0, s8;
	[tilespmem:v2+s30+$0x0] =	vst.idx.msk $0xffff, v1  }
0x3f0: {  	v2 =	vadd.s32 s13, v0;
	v1 =	vld [tilespmem:s12+$0x9380];
	_ =	sdelay $0x4  }
0x3f1: {  	s13 =	sadd.s32 $0xFFFFFFF1, s8;
	[tilespmem:v2+s30+$0x0] =	vst.idx.msk $0xffff, v1  }
0x3f2: {  	v2 =	vadd.s32 s13, v0;
	v1 =	vld [tilespmem:s12+$0xA000];
	_ =	sdelay $0x4  }
0x3f3: {  	s13 =	sadd.s32 $0xFFFFFFF2, s8;
	[tilespmem:v2+s30+$0x0] =	vst.idx.msk $0xffff, v1  }
0x3f4: {  	v2 =	vadd.s32 s13, v0;
	v1 =	vld [tilespmem:s12+$0xA080];
	_ =	sdelay $0x4  }
0x3f5: {  	s13 =	sadd.s32 $0xFFFFFFF3, s8;
	[tilespmem:v2+s30+$0x0] =	vst.idx.msk $0xffff, v1  }
0x3f6: {  	v2 =	vadd.s32 s13, v0;
	v1 =	vld [tilespmem:s12+$0xA100];
	_ =	sdelay $0x4  }
0x3f7: {  	s13 =	sadd.s32 $0xFFFFFFF4, s8;
	[tilespmem:v2+s30+$0x0] =	vst.idx.msk $0xffff, v1  }
0x3f8: {  	v2 =	vadd.s32 s13, v0;
	v1 =	vld [tilespmem:s12+$0xA180];
	_ =	sdelay $0x4  }
0x3f9: {  	s13 =	sadd.s32 $0xFFFFFFF5, s8;
	[tilespmem:v2+s30+$0x0] =	vst.idx.msk $0xffff, v1  }
0x3fa: {  	v2 =	vadd.s32 s13, v0;
	v1 =	vld [tilespmem:s12+$0xA200];
	_ =	sdelay $0x4  }
0x3fb: {  	s13 =	sadd.s32 $0xFFFFFFF6, s8;
	[tilespmem:v2+s30+$0x0] =	vst.idx.msk $0xffff, v1  }
0x3fc: {  	v2 =	vadd.s32 s13, v0;
	v1 =	vld [tilespmem:s12+$0xA280];
	_ =	sdelay $0x4  }
0x3fd: {  	s13 =	sadd.s32 $0xFFFFFFF7, s8;
	[tilespmem:v2+s30+$0x0] =	vst.idx.msk $0xffff, v1  }
0x3fe: {  	v2 =	vadd.s32 s13, v0;
	v1 =	vld [tilespmem:s12+$0xA300];
	_ =	sdelay $0x4  }
0x3ff: {  	s13 =	sadd.s32 $0xFFFFFFF8, s8;
	[tilespmem:v2+s30+$0x0] =	vst.idx.msk $0xffff, v1  }
0x400: {  	v2 =	vadd.s32 s13, v0;
	v1 =	vld [tilespmem:s12+$0xA380];
	_ =	sdelay $0x4  }
0x401: {  	s13 =	sadd.s32 $0xFFFFFFF9, s8;
	[tilespmem:v2+s30+$0x0] =	vst.idx.msk $0xffff, v1  }
0x402: {  	v2 =	vadd.s32 s13, v0;
	v1 =	vld [tilespmem:s12+$0xB000];
	_ =	sdelay $0x4  }
0x403: {  	s13 =	sadd.s32 $0xFFFFFFFA, s8;
	[tilespmem:v2+s30+$0x0] =	vst.idx.msk $0xffff, v1  }
0x404: {  	v2 =	vadd.s32 s13, v0;
	v1 =	vld [tilespmem:s12+$0xB080];
	_ =	sdelay $0x4  }
0x405: {  	s13 =	sadd.s32 $0xFFFFFFFB, s8;
	[tilespmem:v2+s30+$0x0] =	vst.idx.msk $0xffff, v1  }
0x406: {  	v2 =	vadd.s32 s13, v0;
	v1 =	vld [tilespmem:s12+$0xB100];
	_ =	sdelay $0x4  }
0x407: {  	s13 =	sadd.s32 $0xFFFFFFFC, s8;
	[tilespmem:v2+s30+$0x0] =	vst.idx.msk $0xffff, v1  }
0x408: {  	v2 =	vadd.s32 s13, v0;
	v1 =	vld [tilespmem:s12+$0xB180];
	_ =	sdelay $0x4  }
0x409: {  	s13 =	sadd.s32 $0xFFFFFFFD, s8;
	[tilespmem:v2+s30+$0x0] =	vst.idx.msk $0xffff, v1  }
0x40a: {  	v2 =	vadd.s32 s13, v0;
	v1 =	vld [tilespmem:s12+$0xB200];
	_ =	sdelay $0x4  }
0x40b: {  	s13 =	sadd.s32 $0xFFFFFFFE, s8;
	[tilespmem:v2+s30+$0x0] =	vst.idx.msk $0xffff, v1  }
0x40c: {  	v2 =	vadd.s32 s13, v0;
	v1 =	vld [tilespmem:s12+$0xB280];
	_ =	sdelay $0x4  }
0x40d: {  	s13 =	sadd.s32 $0xFFFFFFFF, s8;
	[tilespmem:v2+s30+$0x0] =	vst.idx.msk $0xffff, v1  }
0x40e: {  	v2 =	vadd.s32 s13, v0;
	v1 =	vld [tilespmem:s12+$0xB300];
	_ =	sdelay $0x4  }
0x40f: {  	[tilespmem:v2+s30+$0x0] =	vst.idx.msk $0xffff, v1  }
.Ltmp10:
0x410: {  	v2 =	vadd.s32 s8, v0;
	s8 =	smov.u32 s11;
	v1 =	vld [tilespmem:s12+$0xB380];
	(pc) =	sbr.rel @p1 .LBB2_14-.Ltmp10, $3  }
0x411: {  	_ =	sdelay $0x1  }
0x412: {  	s9 =	sadd.s32 $0x80, s9;
	s10 =	sadd.s32 $0x10, s10  }
0x413: {  	s13 =	sand.u32 $0xC00, s9;
	s11 =	sadd.s32 $0x210, s11;
	s12 =	sand.u32 $0x70, s10  }
0x414: {  	_ =	sdelay $0x3  }
0x415: {  	s14 =	sadd.s32 $0xFFFFFFE1, s8;
	s11 =	sor.u32 s12, s13;
	[tilespmem:v2+s30+$0x0] =	vst.idx.msk $0xffff, v1  }
0x416: {  	v1 =	vld [tilespmem:s11+$0x8000];
	v2 =	vadd.s32 s14, v0;
	_ =	sdelay $0x4  }
0x417: {  	s19 =	sadd.s32 $0xFFFFFFE2, s8;
	[tilespmem:v2+s30+$0x0] =	vst.idx.msk $0xffff, v1  }
0x418: {  	v2 =	vadd.s32 s19, v0;
	v1 =	vld [tilespmem:s11+$0x8080];
	_ =	sdelay $0x4  }
0x419: {  	s20 =	sadd.s32 $0xFFFFFFE3, s8;
	[tilespmem:v2+s30+$0x0] =	vst.idx.msk $0xffff, v1  }
0x41a: {  	v2 =	vadd.s32 s20, v0;
	v1 =	vld [tilespmem:s11+$0x8100];
	_ =	sdelay $0x4  }
0x41b: {  	s13 =	sadd.s32 $0xFFFFFFE4, s8;
	[tilespmem:v2+s30+$0x0] =	vst.idx.msk $0xffff, v1  }
0x41c: {  	v2 =	vadd.s32 s13, v0;
	v1 =	vld [tilespmem:s11+$0x8180];
	_ =	sdelay $0x4  }
0x41d: {  	s14 =	sadd.s32 $0xFFFFFFE5, s8;
	[tilespmem:v2+s30+$0x0] =	vst.idx.msk $0xffff, v1  }
0x41e: {  	v2 =	vadd.s32 s14, v0;
	v1 =	vld [tilespmem:s11+$0x8200];
	_ =	sdelay $0x4  }
0x41f: {  	s19 =	sadd.s32 $0xFFFFFFE6, s8;
	[tilespmem:v2+s30+$0x0] =	vst.idx.msk $0xffff, v1  }
0x420: {  	v2 =	vadd.s32 s19, v0;
	v1 =	vld [tilespmem:s11+$0x8280];
	_ =	sdelay $0x4  }
0x421: {  	s20 =	sadd.s32 $0xFFFFFFE7, s8;
	[tilespmem:v2+s30+$0x0] =	vst.idx.msk $0xffff, v1  }
0x422: {  	v2 =	vadd.s32 s20, v0;
	v1 =	vld [tilespmem:s11+$0x8300];
	_ =	sdelay $0x3  }
0x423: {  	s9 =	sor.u32 s9, s10  }
0x424: {  	s12 =	sadd.s32 $0xFFFFFFE8, s8;
	s9 =	sor.u32 $0x380, s9;
	[tilespmem:v2+s30+$0x0] =	vst.idx.msk $0xffff, v1  }
0x425: {  	v2 =	vadd.s32 s12, v0;
	v1 =	vld [tilespmem:s9+$0x8000];
	_ =	sdelay $0x4  }
0x426: {  	s13 =	sadd.s32 $0xFFFFFFE9, s8;
	[tilespmem:v2+s30+$0x0] =	vst.idx.msk $0xffff, v1  }
0x427: {  	v2 =	vadd.s32 s13, v0;
	v1 =	vld [tilespmem:s11+$0x9000];
	_ =	sdelay $0x4  }
0x428: {  	s14 =	sadd.s32 $0xFFFFFFEA, s8;
	[tilespmem:v2+s30+$0x0] =	vst.idx.msk $0xffff, v1  }
0x429: {  	v2 =	vadd.s32 s14, v0;
	v1 =	vld [tilespmem:s11+$0x9080];
	_ =	sdelay $0x4  }
0x42a: {  	s19 =	sadd.s32 $0xFFFFFFEB, s8;
	[tilespmem:v2+s30+$0x0] =	vst.idx.msk $0xffff, v1  }
0x42b: {  	v2 =	vadd.s32 s19, v0;
	v1 =	vld [tilespmem:s11+$0x9100];
	_ =	sdelay $0x4  }
0x42c: {  	s20 =	sadd.s32 $0xFFFFFFEC, s8;
	[tilespmem:v2+s30+$0x0] =	vst.idx.msk $0xffff, v1  }
0x42d: {  	v2 =	vadd.s32 s20, v0;
	v1 =	vld [tilespmem:s11+$0x9180];
	_ =	sdelay $0x4  }
0x42e: {  	s10 =	sadd.s32 $0xFFFFFFED, s8;
	[tilespmem:v2+s30+$0x0] =	vst.idx.msk $0xffff, v1  }
0x42f: {  	v2 =	vadd.s32 s10, v0;
	v1 =	vld [tilespmem:s11+$0x9200];
	_ =	sdelay $0x4  }
0x430: {  	s12 =	sadd.s32 $0xFFFFFFEE, s8;
	[tilespmem:v2+s30+$0x0] =	vst.idx.msk $0xffff, v1  }
0x431: {  	v2 =	vadd.s32 s12, v0;
	v1 =	vld [tilespmem:s11+$0x9280];
	_ =	sdelay $0x4  }
0x432: {  	s13 =	sadd.s32 $0xFFFFFFEF, s8;
	[tilespmem:v2+s30+$0x0] =	vst.idx.msk $0xffff, v1  }
0x433: {  	v2 =	vadd.s32 s13, v0;
	v1 =	vld [tilespmem:s11+$0x9300];
	_ =	sdelay $0x4  }
0x434: {  	s14 =	sadd.s32 $0xFFFFFFF0, s8;
	[tilespmem:v2+s30+$0x0] =	vst.idx.msk $0xffff, v1  }
0x435: {  	v2 =	vadd.s32 s14, v0;
	v1 =	vld [tilespmem:s11+$0x9380];
	_ =	sdelay $0x4  }
0x436: {  	s19 =	sadd.s32 $0xFFFFFFF1, s8;
	[tilespmem:v2+s30+$0x0] =	vst.idx.msk $0xffff, v1  }
0x437: {  	v2 =	vadd.s32 s19, v0;
	v1 =	vld [tilespmem:s11+$0xA000];
	_ =	sdelay $0x4  }
0x438: {  	s20 =	sadd.s32 $0xFFFFFFF2, s8;
	[tilespmem:v2+s30+$0x0] =	vst.idx.msk $0xffff, v1  }
0x439: {  	v2 =	vadd.s32 s20, v0;
	v1 =	vld [tilespmem:s11+$0xA080];
	_ =	sdelay $0x4  }
0x43a: {  	s10 =	sadd.s32 $0xFFFFFFF3, s8;
	[tilespmem:v2+s30+$0x0] =	vst.idx.msk $0xffff, v1  }
0x43b: {  	v2 =	vadd.s32 s10, v0;
	v1 =	vld [tilespmem:s11+$0xA100];
	_ =	sdelay $0x4  }
0x43c: {  	s12 =	sadd.s32 $0xFFFFFFF4, s8;
	[tilespmem:v2+s30+$0x0] =	vst.idx.msk $0xffff, v1  }
0x43d: {  	v2 =	vadd.s32 s12, v0;
	v1 =	vld [tilespmem:s11+$0xA180];
	_ =	sdelay $0x4  }
0x43e: {  	s13 =	sadd.s32 $0xFFFFFFF5, s8;
	[tilespmem:v2+s30+$0x0] =	vst.idx.msk $0xffff, v1  }
0x43f: {  	v2 =	vadd.s32 s13, v0;
	v1 =	vld [tilespmem:s11+$0xA200];
	_ =	sdelay $0x4  }
0x440: {  	s14 =	sadd.s32 $0xFFFFFFF6, s8;
	[tilespmem:v2+s30+$0x0] =	vst.idx.msk $0xffff, v1  }
0x441: {  	v2 =	vadd.s32 s14, v0;
	v1 =	vld [tilespmem:s11+$0xA280];
	_ =	sdelay $0x4  }
0x442: {  	s19 =	sadd.s32 $0xFFFFFFF7, s8;
	[tilespmem:v2+s30+$0x0] =	vst.idx.msk $0xffff, v1  }
0x443: {  	v2 =	vadd.s32 s19, v0;
	v1 =	vld [tilespmem:s11+$0xA300];
	_ =	sdelay $0x4  }
0x444: {  	s20 =	sadd.s32 $0xFFFFFFF8, s8;
	[tilespmem:v2+s30+$0x0] =	vst.idx.msk $0xffff, v1  }
0x445: {  	v2 =	vadd.s32 s20, v0;
	v1 =	vld [tilespmem:s11+$0xA380];
	_ =	sdelay $0x4  }
0x446: {  	s10 =	sadd.s32 $0xFFFFFFF9, s8;
	[tilespmem:v2+s30+$0x0] =	vst.idx.msk $0xffff, v1  }
0x447: {  	v2 =	vadd.s32 s10, v0;
	v1 =	vld [tilespmem:s11+$0xB000];
	_ =	sdelay $0x4  }
0x448: {  	s12 =	sadd.s32 $0xFFFFFFFA, s8;
	[tilespmem:v2+s30+$0x0] =	vst.idx.msk $0xffff, v1  }
0x449: {  	v2 =	vadd.s32 s12, v0;
	v1 =	vld [tilespmem:s11+$0xB080];
	_ =	sdelay $0x4  }
0x44a: {  	s13 =	sadd.s32 $0xFFFFFFFB, s8;
	[tilespmem:v2+s30+$0x0] =	vst.idx.msk $0xffff, v1  }
0x44b: {  	v2 =	vadd.s32 s13, v0;
	v1 =	vld [tilespmem:s11+$0xB100];
	_ =	sdelay $0x4  }
0x44c: {  	s14 =	sadd.s32 $0xFFFFFFFC, s8;
	[tilespmem:v2+s30+$0x0] =	vst.idx.msk $0xffff, v1  }
0x44d: {  	v2 =	vadd.s32 s14, v0;
	v1 =	vld [tilespmem:s11+$0xB180];
	_ =	sdelay $0x4  }
0x44e: {  	s19 =	sadd.s32 $0xFFFFFFFD, s8;
	[tilespmem:v2+s30+$0x0] =	vst.idx.msk $0xffff, v1  }
0x44f: {  	v2 =	vadd.s32 s19, v0;
	v1 =	vld [tilespmem:s11+$0xB200];
	_ =	sdelay $0x4  }
0x450: {  	s20 =	sadd.s32 $0xFFFFFFFE, s8;
	[tilespmem:v2+s30+$0x0] =	vst.idx.msk $0xffff, v1  }
0x451: {  	v2 =	vadd.s32 s20, v0;
	v1 =	vld [tilespmem:s11+$0xB280];
	_ =	sdelay $0x4  }
0x452: {  	s10 =	sadd.s32 $0xFFFFFFFF, s8;
	[tilespmem:v2+s30+$0x0] =	vst.idx.msk $0xffff, v1  }
0x453: {  	v2 =	vadd.s32 s10, v0;
	v1 =	vld [tilespmem:s11+$0xB300];
	_ =	sdelay $0x4  }
0x454: {  	[tilespmem:v2+s30+$0x0] =	vst.idx.msk $0xffff, v1  }
0x455: {  	v2 =	vadd.s32 s8, v0;
	v1 =	vld [tilespmem:s11+$0xB380];
	_ =	sdelay $0x4  }
0x456: {  	s8 =	simm.s32 $0xC108;
	[tilespmem:v2+s30+$0x0] =	vst.idx.msk $0xffff, v1  }
0x457: {  	v1 =	vld [tilespmem:s8+$0xFFFFFEF8];
	_ =	sdelay $0x3  }
0x458: {  	s9 =	simm.s32 $0x18300  }
0x459: {  	[tilespmem:s9+$0xFFFFFF00] =	vst v1  }
0x45a: {  	v1 =	vld [tilespmem:s8+$0xFFFFFF08];
	_ =	sdelay $0x4  }
0x45b: {  	[tilespmem:s9+$0xFFFFFF10] =	vst v1  }
0x45c: {  	v1 =	vld [tilespmem:s8+$0xFFFFFF19];
	_ =	sdelay $0x4  }
0x45d: {  	[tilespmem:s9+$0xFFFFFF20] =	vst v1  }
0x45e: {  	v1 =	vld [tilespmem:s8+$0xFFFFFF29];
	_ =	sdelay $0x2  }
0x45f: {  	s11 =	simm.s32 $0x20  }
0x460: {  	s10 =	sor.u32 $0x30, s11  }
0x461: {  	[tilespmem:s10+$0x18200] =	vst v1  }
0x462: {  	v1 =	vld [tilespmem:s8+$0xFFFFFF3A];
	_ =	sdelay $0x4  }
0x463: {  	[tilespmem:s9+$0xFFFFFF40] =	vst v1  }
0x464: {  	v1 =	vld [tilespmem:s8+$0xFFFFFF4A];
	_ =	sdelay $0x2  }
0x465: {  	s12 =	simm.s32 $0x40  }
0x466: {  	s10 =	sor.u32 $0x50, s12  }
0x467: {  	[tilespmem:s10+$0x18200] =	vst v1  }
0x468: {  	v1 =	vld [tilespmem:s8+$0xFFFFFF5B];
	_ =	sdelay $0x4  }
0x469: {  	[tilespmem:s9+$0xFFFFFF60] =	vst v1  }
0x46a: {  	v1 =	vld [tilespmem:s8+$0xFFFFFF6B];
	_ =	sdelay $0x2  }
0x46b: {  	s13 =	simm.s32 $0x60  }
0x46c: {  	s10 =	sor.u32 $0x70, s13  }
0x46d: {  	[tilespmem:s10+$0x18200] =	vst v1  }
0x46e: {  	v1 =	vld [tilespmem:s8+$0xFFFFFF7C];
	_ =	sdelay $0x4  }
0x46f: {  	[tilespmem:s9+$0xFFFFFF80] =	vst v1  }
0x470: {  	v1 =	vld [tilespmem:s8+$0xFFFFFF8C];
	_ =	sdelay $0x4  }
0x471: {  	[tilespmem:s9+$0xFFFFFF90] =	vst v1  }
0x472: {  	v1 =	vld [tilespmem:s8+$0xFFFFFF9D];
	_ =	sdelay $0x4  }
0x473: {  	[tilespmem:s9+$0xFFFFFFA0] =	vst v1  }
0x474: {  	v1 =	vld [tilespmem:s8+$0xFFFFFFAD];
	_ =	sdelay $0x2  }
0x475: {  	s14 =	simm.s32 $0xA0  }
0x476: {  	s10 =	sor.u32 $0x30, s14  }
0x477: {  	[tilespmem:s10+$0x18200] =	vst v1  }
0x478: {  	v1 =	vld [tilespmem:s8+$0xFFFFFFBE];
	_ =	sdelay $0x4  }
0x479: {  	[tilespmem:s9+$0xFFFFFFC0] =	vst v1  }
0x47a: {  	v1 =	vld [tilespmem:s8+$0xFFFFFFCE];
	_ =	sdelay $0x2  }
0x47b: {  	s19 =	simm.s32 $0xC0  }
0x47c: {  	s10 =	sor.u32 $0x50, s19  }
0x47d: {  	[tilespmem:s10+$0x18200] =	vst v1  }
0x47e: {  	v1 =	vld [tilespmem:s8+$0xFFFFFFDF];
	_ =	sdelay $0x4  }
0x47f: {  	[tilespmem:s9+$0xFFFFFFE0] =	vst v1  }
0x480: {  	v1 =	vld [tilespmem:s8+$0xFFFFFFEF];
	_ =	sdelay $0x2  }
0x481: {  	s20 =	simm.s32 $0xE0  }
0x482: {  	s10 =	sor.u32 $0x70, s20  }
0x483: {  	[tilespmem:s10+$0x18200] =	vst v1  }
0x484: {  	v1 =	vld [tilespmem:s8+$0x0];
	_ =	sdelay $0x4  }
0x485: {  	[tilespmem:s9+$0x0] =	vst v1  }
0x486: {  	v1 =	vld [tilespmem:s8+$0x10];
	_ =	sdelay $0x4  }
0x487: {  	[tilespmem:s9+$0x10] =	vst v1  }
0x488: {  	v1 =	vld [tilespmem:s8+$0x21];
	_ =	sdelay $0x4  }
0x489: {  	[tilespmem:s9+$0x20] =	vst v1  }
0x48a: {  	v1 =	vld [tilespmem:s8+$0x31];
	_ =	sdelay $0x2  }
0x48b: {  	s11 =	simm.s32 $0x120  }
0x48c: {  	s10 =	sor.u32 $0x30, s11  }
0x48d: {  	[tilespmem:s10+$0x18200] =	vst v1  }
0x48e: {  	v1 =	vld [tilespmem:s8+$0x42];
	_ =	sdelay $0x4  }
0x48f: {  	[tilespmem:s9+$0x40] =	vst v1  }
0x490: {  	v1 =	vld [tilespmem:s8+$0x52];
	_ =	sdelay $0x2  }
0x491: {  	s12 =	simm.s32 $0x140  }
0x492: {  	s10 =	sor.u32 $0x50, s12  }
0x493: {  	[tilespmem:s10+$0x18200] =	vst v1  }
0x494: {  	v1 =	vld [tilespmem:s8+$0x63];
	_ =	sdelay $0x4  }
0x495: {  	[tilespmem:s9+$0x60] =	vst v1  }
0x496: {  	v1 =	vld [tilespmem:s8+$0x73];
	_ =	sdelay $0x2  }
0x497: {  	s13 =	simm.s32 $0x160  }
0x498: {  	s10 =	sor.u32 $0x70, s13  }
0x499: {  	[tilespmem:s10+$0x18200] =	vst v1  }
0x49a: {  	v1 =	vld [tilespmem:s8+$0x84];
	_ =	sdelay $0x4  }
0x49b: {  	[tilespmem:s9+$0x80] =	vst v1  }
0x49c: {  	v1 =	vld [tilespmem:s8+$0x94];
	_ =	sdelay $0x4  }
0x49d: {  	[tilespmem:s9+$0x90] =	vst v1  }
0x49e: {  	v1 =	vld [tilespmem:s8+$0xA5];
	_ =	sdelay $0x4  }
0x49f: {  	[tilespmem:s9+$0xA0] =	vst v1  }
0x4a0: {  	v1 =	vld [tilespmem:s8+$0xB5];
	_ =	sdelay $0x2  }
0x4a1: {  	s14 =	simm.s32 $0x1A0  }
0x4a2: {  	s10 =	sor.u32 $0x30, s14  }
0x4a3: {  	[tilespmem:s10+$0x18200] =	vst v1  }
0x4a4: {  	v1 =	vld [tilespmem:s8+$0xC6];
	_ =	sdelay $0x4  }
0x4a5: {  	[tilespmem:s9+$0xC0] =	vst v1  }
0x4a6: {  	v1 =	vld [tilespmem:s8+$0xD6];
	_ =	sdelay $0x2  }
0x4a7: {  	s19 =	simm.s32 $0x1C0  }
0x4a8: {  	s10 =	sor.u32 $0x50, s19  }
0x4a9: {  	[tilespmem:s10+$0x18200] =	vst v1  }
0x4aa: {  	v1 =	vld [tilespmem:s8+$0xE7];
	_ =	sdelay $0x4  }
0x4ab: {  	[tilespmem:s9+$0xE0] =	vst v1  }
0x4ac: {  	v1 =	vld [tilespmem:s8+$0xF7];
	_ =	sdelay $0x2  }
0x4ad: {  	s20 =	simm.s32 $0x1E0  }
0x4ae: {  	s11 =	sor.u32 $0x70, s20;
	s10 =	simm.s32 $0x3E0  }
.LBB2_16:
0x4af: {  	p1 =	sne.s32 s10, $0x3FE0;
	[tilespmem:s11+$0x18200] =	vst v1;
	s8 =	sadd.s32 $0x210, s8;
	s9 =	sadd.s32 $0x200, s9  }
0x4b0: {  	s11 =	smov.u32 s10;
	s10 =	sadd.s32 $0x200, s10;
	v1 =	vld [tilespmem:s8+$0xFFFFFEF8];
	_ =	sdelay $0x4  }
0x4b1: {  	[tilespmem:s9+$0xFFFFFF00] =	vst v1  }
0x4b2: {  	v1 =	vld [tilespmem:s8+$0xFFFFFF08];
	_ =	sdelay $0x4  }
0x4b3: {  	[tilespmem:s9+$0xFFFFFF10] =	vst v1  }
0x4b4: {  	v1 =	vld [tilespmem:s8+$0xFFFFFF19];
	_ =	sdelay $0x4  }
0x4b5: {  	[tilespmem:s9+$0xFFFFFF20] =	vst v1  }
0x4b6: {  	v1 =	vld [tilespmem:s8+$0xFFFFFF29];
	_ =	sdelay $0x2  }
0x4b7: {  	s12 =	sadd.s32 $0xFFFFFE40, s11  }
0x4b8: {  	s12 =	sor.u32 $0x30, s12  }
0x4b9: {  	[tilespmem:s12+$0x18200] =	vst v1  }
0x4ba: {  	v1 =	vld [tilespmem:s8+$0xFFFFFF3A];
	_ =	sdelay $0x4  }
0x4bb: {  	[tilespmem:s9+$0xFFFFFF40] =	vst v1  }
0x4bc: {  	v1 =	vld [tilespmem:s8+$0xFFFFFF4A];
	_ =	sdelay $0x2  }
0x4bd: {  	s12 =	sadd.s32 $0xFFFFFE60, s11  }
0x4be: {  	s12 =	sor.u32 $0x50, s12  }
0x4bf: {  	[tilespmem:s12+$0x18200] =	vst v1  }
0x4c0: {  	v1 =	vld [tilespmem:s8+$0xFFFFFF5B];
	_ =	sdelay $0x4  }
0x4c1: {  	[tilespmem:s9+$0xFFFFFF60] =	vst v1  }
0x4c2: {  	v1 =	vld [tilespmem:s8+$0xFFFFFF6B];
	_ =	sdelay $0x2  }
0x4c3: {  	s12 =	sadd.s32 $0xFFFFFE80, s11  }
0x4c4: {  	s12 =	sor.u32 $0x70, s12  }
0x4c5: {  	[tilespmem:s12+$0x18200] =	vst v1  }
0x4c6: {  	v1 =	vld [tilespmem:s8+$0xFFFFFF7C];
	_ =	sdelay $0x4  }
0x4c7: {  	[tilespmem:s9+$0xFFFFFF80] =	vst v1  }
0x4c8: {  	v1 =	vld [tilespmem:s8+$0xFFFFFF8C];
	_ =	sdelay $0x4  }
0x4c9: {  	[tilespmem:s9+$0xFFFFFF90] =	vst v1  }
0x4ca: {  	v1 =	vld [tilespmem:s8+$0xFFFFFF9D];
	_ =	sdelay $0x4  }
0x4cb: {  	[tilespmem:s9+$0xFFFFFFA0] =	vst v1  }
0x4cc: {  	v1 =	vld [tilespmem:s8+$0xFFFFFFAD];
	_ =	sdelay $0x2  }
0x4cd: {  	s12 =	sadd.s32 $0xFFFFFEC0, s11  }
0x4ce: {  	s12 =	sor.u32 $0x30, s12  }
0x4cf: {  	[tilespmem:s12+$0x18200] =	vst v1  }
0x4d0: {  	v1 =	vld [tilespmem:s8+$0xFFFFFFBE];
	_ =	sdelay $0x4  }
0x4d1: {  	[tilespmem:s9+$0xFFFFFFC0] =	vst v1  }
0x4d2: {  	v1 =	vld [tilespmem:s8+$0xFFFFFFCE];
	_ =	sdelay $0x2  }
0x4d3: {  	s12 =	sadd.s32 $0xFFFFFEE0, s11  }
0x4d4: {  	s12 =	sor.u32 $0x50, s12  }
0x4d5: {  	[tilespmem:s12+$0x18200] =	vst v1  }
0x4d6: {  	v1 =	vld [tilespmem:s8+$0xFFFFFFDF];
	_ =	sdelay $0x4  }
0x4d7: {  	[tilespmem:s9+$0xFFFFFFE0] =	vst v1  }
0x4d8: {  	v1 =	vld [tilespmem:s8+$0xFFFFFFEF];
	_ =	sdelay $0x2  }
0x4d9: {  	s12 =	sadd.s32 $0xFFFFFF00, s11  }
0x4da: {  	s12 =	sor.u32 $0x70, s12  }
0x4db: {  	[tilespmem:s12+$0x18200] =	vst v1  }
0x4dc: {  	v1 =	vld [tilespmem:s8+$0x0];
	_ =	sdelay $0x4  }
0x4dd: {  	[tilespmem:s9+$0x0] =	vst v1  }
0x4de: {  	v1 =	vld [tilespmem:s8+$0x10];
	_ =	sdelay $0x4  }
0x4df: {  	[tilespmem:s9+$0x10] =	vst v1  }
0x4e0: {  	v1 =	vld [tilespmem:s8+$0x21];
	_ =	sdelay $0x4  }
0x4e1: {  	[tilespmem:s9+$0x20] =	vst v1  }
0x4e2: {  	v1 =	vld [tilespmem:s8+$0x31];
	_ =	sdelay $0x2  }
0x4e3: {  	s12 =	sadd.s32 $0xFFFFFF40, s11  }
0x4e4: {  	s12 =	sor.u32 $0x30, s12  }
0x4e5: {  	[tilespmem:s12+$0x18200] =	vst v1  }
0x4e6: {  	v1 =	vld [tilespmem:s8+$0x42];
	_ =	sdelay $0x4  }
0x4e7: {  	[tilespmem:s9+$0x40] =	vst v1  }
0x4e8: {  	v1 =	vld [tilespmem:s8+$0x52];
	_ =	sdelay $0x2  }
0x4e9: {  	s12 =	sadd.s32 $0xFFFFFF60, s11  }
0x4ea: {  	s12 =	sor.u32 $0x50, s12  }
0x4eb: {  	[tilespmem:s12+$0x18200] =	vst v1  }
0x4ec: {  	v1 =	vld [tilespmem:s8+$0x63];
	_ =	sdelay $0x4  }
0x4ed: {  	[tilespmem:s9+$0x60] =	vst v1  }
0x4ee: {  	v1 =	vld [tilespmem:s8+$0x73];
	_ =	sdelay $0x2  }
0x4ef: {  	s12 =	sadd.s32 $0xFFFFFF80, s11  }
0x4f0: {  	s12 =	sor.u32 $0x70, s12  }
0x4f1: {  	[tilespmem:s12+$0x18200] =	vst v1  }
0x4f2: {  	v1 =	vld [tilespmem:s8+$0x84];
	_ =	sdelay $0x4  }
0x4f3: {  	[tilespmem:s9+$0x80] =	vst v1  }
0x4f4: {  	v1 =	vld [tilespmem:s8+$0x94];
	_ =	sdelay $0x4  }
0x4f5: {  	[tilespmem:s9+$0x90] =	vst v1  }
0x4f6: {  	v1 =	vld [tilespmem:s8+$0xA5];
	_ =	sdelay $0x4  }
0x4f7: {  	[tilespmem:s9+$0xA0] =	vst v1  }
0x4f8: {  	v1 =	vld [tilespmem:s8+$0xB5];
	_ =	sdelay $0x2  }
0x4f9: {  	s12 =	sadd.s32 $0xFFFFFFC0, s11  }
0x4fa: {  	s12 =	sor.u32 $0x30, s12  }
0x4fb: {  	[tilespmem:s12+$0x18200] =	vst v1  }
0x4fc: {  	v1 =	vld [tilespmem:s8+$0xC6];
	_ =	sdelay $0x4  }
0x4fd: {  	[tilespmem:s9+$0xC0] =	vst v1  }
0x4fe: {  	v1 =	vld [tilespmem:s8+$0xD6];
	_ =	sdelay $0x2  }
0x4ff: {  	s12 =	sadd.s32 $0xFFFFFFE0, s11  }
0x500: {  	s12 =	sor.u32 $0x50, s12  }
0x501: {  	[tilespmem:s12+$0x18200] =	vst v1  }
0x502: {  	v1 =	vld [tilespmem:s8+$0xE7];
	_ =	sdelay $0x4  }
0x503: {  	[tilespmem:s9+$0xE0] =	vst v1  }
.Ltmp11:
0x504: {  	v1 =	vld [tilespmem:s8+$0xF7];
	(pc) =	sbr.rel @p1 .LBB2_16-.Ltmp11, $2  }
0x505: {  	_ =	sdelay $0x2  }
0x506: {  	s11 =	sor.u32 $0x70, s11  }
.Ltmp12:
0x507: {  	(pc) =	sbr.rel .LBB2_18-.Ltmp12, $4  }
0x508: {  	_ = 	snop  }
0x509: {  	s5 =	sshll.u32 s5, $0xB  }
0x50a: {  	[tilespmem:s11+$0x18200] =	vst v1;
	s5 =	sadd.s32 s6, s5  }
0x50b: {  	[hbm4b:s5+s3] =	stream.linear.scatter [tilespmem:s22], [sflag:$0x6], $0x4000, $0x38;
	[tilespmem:$0x1CA00] =	vst v63  }
.LBB2_20:
0x50c: {  	_ =	sfence.sel $0x180000  }
0x50d: {  	[bflag:$0x0] =	sbarrier.arrive $0xFFFF  }
0x50e: {  	_ =	strace $0x90000047  }
0x50f: {  	s0 =	stileid.u32;
	[bflag:$0x2] =	sbarrier.arrive $0xFFFF  }
0x510: {  	p0 =	sne.s32 s0, $0x0;
	s0 =	rddreg [dreg:$0x2]  }
0x511: {  	s0 =	sadd.s32 @!p0 $0x100000, s0  }
0x512: {  	[sflag:s0] =	ssyncadd.tile.s32 @!p0 $0x1;
	_ =	shalt  }
.Lfunc_end2:
_tile_overlayer_lowered:
.L_overlay_start_2:
0x513: {  	(tag) =	ssettag $0x2  }
0x514: {  	s0 =	rddreg [dreg:$0x0];
	s2 =	stileid.u32  }
0x515: {  	s1 =	rddreg [dreg:$0x1];
	p0 =	sne.s32 s2, $0x0  }
0x516: {  	s3 =	rddreg [dreg:$0x2];
	[bflag:$0x3] =	sbarrier.arrive $0xFFFF;
	s2 =	simm.s32 @!p0 $0x1C07  }
0x517: {  	[timem:s3], [sflag:s2] =	dma.local @!p0 [hbm:s0], s1  }
0x518: {  	s0 =	simm.s32 @!p0 $0x7  }
0x519: {  	_ =	swait.ge @!p0 [sflag:s0], s1  }
0x51a: {  	s1 =	ssub.s32 @!p0 $0x0, s1;
	[sflag:s0] =	ssyncset.done @!p0 $0x0  }
0x51b: {  	[sflag:s0] =	ssyncadd.s32 @!p0 s1  }
0x51c: {  	[bflag:$0x3] =	sbarrier.arrive $0xFFFF  }
0x51d: {  	_ =	shalt  }

// kernel: kernel.7.cloned.1.call-start
scs
__scs_entry_jumppad:
0x0: {  	(pc) =	sbr.rel $0x88, $3  }
0x1: {  	(tag) =	ssettag $0x0;
	lr =	simm.s32 $0x1  }
0x2: {  	[smem:$0x3F9F] =	sst lr;
	_ =	strace $0xD0000000  }
0x3: {  	_ = 	snop  }
0x4: {  	_ = 	snop  }
0x5: {  	_ = 	snop  }
0x6: {  	_ = 	snop  }
0x7: {  	_ = 	snop  }
__scs_overlays_trampoline_lowered:
0x8: {  	[smem:$0x3FAE] =	sst s0  }
0x9: {  	[smem:$0x3FAF] =	sst s1  }
0xa: {  	[smem:$0x3FB0] =	sst s2  }
0xb: {  	[smem:$0x3FB1] =	sst s3  }
0xc: {  	[smem:$0x3FB2] =	sst s4  }
0xd: {  	[smem:$0x3FB3] =	sst s5  }
0xe: {  	[smem:$0x3FB4] =	sst s6  }
0xf: {  	[smem:$0x3FB5] =	sst s7  }
0x10: {  	[smem:$0x3FB6] =	sst s8  }
0x11: {  	[smem:$0x3FB7] =	sst s9;
	s0 =	simm.s32 @!p0 $0x0  }
0x12: {  	s1 =	sld [smem:$0x3F9D];
	s0 =	simm.s32 @p0 $0x1  }
0x13: {  	[smem:$0x3FB8] =	sst s0;
	s0 =	simm.s32 @!p1 $0x0  }
0x14: {  	s2 =	sld [smem:$0x3F9C];
	s0 =	simm.s32 @p1 $0x1  }
0x15: {  	[smem:$0x3FB9] =	sst s0;
	s0 =	simm.s32 @!p2 $0x0  }
0x16: {  	s3 =	sld [smem:$0x3FDB];
	s0 =	simm.s32 @p2 $0x1  }
0x17: {  	s4 =	simm.s32 $0x1BF5;
	[smem:$0x3FBB] =	sst s0  }
0x18: {  	s0 =	sld [smem:$0x3F9E];
	_ =	swait.ge [sflag:s4], $0x0  }
0x19: {  	s7 =	sld [smem:$0x3F9F]  }
0x1a: {  	s8 =	sadd.s32 $0xFFFFE003, lr  }
0x1b: {  	s9 =	sadd.s32 $0xFFFFFEF7, lr;
	s5 =	simm.s32 $0xFFFFFFFF;
	p2 =	slt.u32 s8, $0xFFFFF086  }
0x1c: {  	p1 =	slt.u32 s9, $0xF7A;
	s5 =	simm.s32 @!p2 $0x0  }
0x1d: {  	s5 =	simm.s32 @p1 $0x1;
	p0 =	seq.s32 s7, s2  }
0x1e: {  	s7 =	smul.u32 @!p0 $0xF7A, s2;
	p2 =	seq.s32 @!p0 s5, $0x0  }
0x1f: {  	s9 =	smul.u32 $0xF7A, s1;
	s8 =	simm.s32 @!p0 $0x1BF5;
	p2 =	por !p2, p0  }
0x20: {  	[sflag:s8] =	ssyncset.s32 @!p0 $0xFFFFF086;
	s6 =	sadd.s32 @!p0 s3, s7;
	s7 =	simm.s32 @!p0 $0x108  }
0x21: {  	s3 =	sadd.s32 s3, s9;
	s6 =	sadd.s32 @!p0 $0x88, s6;
	s7 =	simm.s32 @p2 $0x1082  }
0x22: {  	[simem:s7], [sflag:s8] =	dma.local @!p0 [hbm:s6], $0xF7A  }
0x23: {  	s9 =	sor.u32 $0xD0000000, s2;
	s6 =	simm.s32 $0x108;
	_ =	swait.ge @!p0 [sflag:s8], $0x0  }
0x24: {  	s3 =	sadd.s32 $0x88, s3;
	s6 =	simm.s32 @!p1 $0x1082;
	[sflag:s4] =	ssyncset.s32 $0xFFFFF086  }
0x25: {  	[simem:s6], [sflag:s4] =	dma.local [hbm:s3], $0xF7A  }
0x26: {  	[smem:$0x3F9F] =	sst s1;
	(tag) =	ssettag s2;
	_ =	strace s9  }
0x27: {  	s1 =	sld [smem:$0x3FAF]  }
0x28: {  	s2 =	sld [smem:$0x3FB0]  }
0x29: {  	s4 =	sld [smem:$0x3FB2]  }
0x2a: {  	p0 =	seq.s32 s5, $0x0;
	s5 =	sld [smem:$0x3FB3]  }
0x2b: {  	s6 =	sld [smem:$0x3FB4]  }
0x2c: {  	s7 =	sld [smem:$0x3FB5]  }
0x2d: {  	s3 =	simm.s32 $0x108;
	s8 =	sld [smem:$0x3FB6]  }
0x2e: {  	s3 =	simm.s32 @!p0 $0x1082;
	s9 =	sld [smem:$0x3FB7]  }
0x2f: {  	lr =	sadd.s32 s0, s3;
	s0 =	sld [smem:$0x3FAE]  }
0x30: {  	s3 =	sld [smem:$0x3FB1]  }
0x31: {  	[smem:$0x3FBA] =	sst s10  }
0x32: {  	s10 =	sld [smem:$0x3FB8];
	_ =	sdelay $0x3  }
0x33: {  	p0 =	seq.s32 s10, $0x1;
	s10 =	sld [smem:$0x3FBA];
	_ =	sdelay $0x3  }
0x34: {  	[smem:$0x3FBA] =	sst s10  }
0x35: {  	s10 =	sld [smem:$0x3FB9];
	_ =	sdelay $0x3  }
0x36: {  	p1 =	seq.s32 s10, $0x1;
	s10 =	sld [smem:$0x3FBA];
	_ =	sdelay $0x3  }
0x37: {  	[smem:$0x3FBA] =	sst s10  }
0x38: {  	s10 =	sld [smem:$0x3FBB]  }
0x39: {  	_ = 	snop;
	(pc) =	sbr.ind lr, $3  }
0x3a: {  	_ = 	snop  }
0x3b: {  	_ = 	snop  }
0x3c: {  	p2 =	seq.s32 s10, $0x1;
	s10 =	sld [smem:$0x3FBA]  }
0x3d: {  	_ =	shalt  }
0x3e: {  	_ =	shalt  }
0x3f: {  	_ =	shalt  }
0x40: {  	_ =	shalt  }
0x41: {  	_ =	shalt  }
0x42: {  	_ =	shalt  }
0x43: {  	_ =	shalt  }
0x44: {  	_ =	shalt  }
0x45: {  	_ =	shalt  }
0x46: {  	_ =	shalt  }
0x47: {  	_ =	shalt  }
0x48: {  	_ =	shalt  }
0x49: {  	_ =	shalt  }
0x4a: {  	_ =	shalt  }
0x4b: {  	_ =	shalt  }
0x4c: {  	_ =	shalt  }
0x4d: {  	_ =	shalt  }
0x4e: {  	_ =	shalt  }
0x4f: {  	_ =	shalt  }
0x50: {  	_ =	shalt  }
0x51: {  	_ =	shalt  }
0x52: {  	_ =	shalt  }
0x53: {  	_ =	shalt  }
0x54: {  	_ =	shalt  }
0x55: {  	_ =	shalt  }
0x56: {  	_ =	shalt  }
0x57: {  	_ =	shalt  }
0x58: {  	_ =	shalt  }
0x59: {  	_ =	shalt  }
0x5a: {  	_ =	shalt  }
0x5b: {  	_ =	shalt  }
0x5c: {  	_ =	shalt  }
0x5d: {  	_ =	shalt  }
0x5e: {  	_ =	shalt  }
0x5f: {  	_ =	shalt  }
0x60: {  	_ =	shalt  }
0x61: {  	_ =	shalt  }
0x62: {  	_ =	shalt  }
0x63: {  	_ =	shalt  }
0x64: {  	_ =	shalt  }
0x65: {  	_ =	shalt  }
0x66: {  	_ =	shalt  }
0x67: {  	_ =	shalt  }
0x68: {  	_ =	shalt  }
0x69: {  	_ =	shalt  }
0x6a: {  	_ =	shalt  }
0x6b: {  	_ =	shalt  }
0x6c: {  	_ =	shalt  }
0x6d: {  	_ =	shalt  }
0x6e: {  	_ =	shalt  }
0x6f: {  	_ =	shalt  }
0x70: {  	_ =	shalt  }
0x71: {  	_ =	shalt  }
0x72: {  	_ =	shalt  }
0x73: {  	_ =	shalt  }
0x74: {  	_ =	shalt  }
0x75: {  	_ =	shalt  }
0x76: {  	_ =	shalt  }
0x77: {  	_ =	shalt  }
0x78: {  	_ =	shalt  }
0x79: {  	_ =	shalt  }
0x7a: {  	_ =	shalt  }
0x7b: {  	_ =	shalt  }
0x7c: {  	_ =	shalt  }
0x7d: {  	_ =	shalt  }
0x7e: {  	_ =	shalt  }
0x7f: {  	_ =	shalt  }
0x80: {  	_ =	shalt  }
0x81: {  	_ =	shalt  }
0x82: {  	_ =	shalt  }
0x83: {  	_ =	shalt  }
0x84: {  	_ =	shalt  }
0x85: {  	_ =	shalt  }
0x86: {  	_ =	shalt  }
0x87: {  	_ =	shalt  }
.Lfunc_end0:
.L_simem_size_0:
called_computation.1_lowered:
.L_overlay_start_0:
0x88: {  	s2 =	sld [smem:$0x3FD9]  }
0x89: {  	s3 =	sld [smem:$0x3FFE];
	_ =	sdelay $0x1  }
0x8a: {  	s1 =	srdreg.scid  }
0x8b: {  	s0 =	sand.u32 $0x1, s1  }
0x8c: {  	s17 =	sshll.u32 s0, $0xA;
	s2 =	sadd.s32 s3, s2  }
0x8d: {  	s2 =	sadd.s32 s2, s17  }
0x8e: {  	[smem:$0x3FC6] =	sst s2  }
0x8f: {  	_ = 	snop  }
0x90: {  	s2 =	sld [smem:$0x3FD0];
	(tm) =	ssettm $0x1  }
0x91: {  	s18 =	sld [smem:$0x3FFB];
	_ =	sdelay $0x3  }
0x92: {  	_ =	strace s18  }
0x93: {  	s3 =	sld [smem:$0x3FFC];
	_ =	sdelay $0x3  }
0x94: {  	_ =	strace s3  }
0x95: {  	s3 =	sld [smem:$0x3FFD];
	_ =	sdelay $0x3  }
0x96: {  	_ =	strace s3  }
0x97: {  	_ =	strace $0x8FFFFFFF  }
0x98: {  	s19 =	sld [smem:$0x3FDB];
	_ =	sdelay $0x1  }
0x99: {  	s4 =	simm.s32 $_scs_section_size  }
0x9a: {  	s5 =	simm.s32 $_size__tile_overlayer_lowered;
	s6 =	simm.s32 $_tile_overlayer_lowered  }
0x9b: {  	s22 =	simm.s32 $0x1BFF;
	s21 =	sshll.u32 s6, $0x1;
	s3 =	sadd.s32 s4, s19  }
0x9c: {  	s7 =	simm.s32 $0x0;
	s20 =	sshll.u32 s5, $0x1;
	s5 =	sadd.s32 s21, s3  }
0x9d: {  	[timem:s7], [sflag:s22] =	dma.local [hbm:s5], s20  }
0x9e: {  	_ =	swait.ge [sflag:s22], s20  }
0x9f: {  	s4 =	ssub.s32 $0x0, s20;
	[sflag:s22] =	ssyncset.done $0x0  }
0xa0: {  	[sflag:s22] =	ssyncadd.s32 s4;
	_ =	sdelay $0x1  }
0xa1: {  	s23 =	simm.s32 $0x1B8B  }
0xa2: {  	_ =	swait.ge [sflag:s23], $0x1  }
0xa3: {  	[sflag:s23] =	ssyncset.done $0x0  }
0xa4: {  	s25 =	simm.s32 $0x1B8E;
	s24 =	sld [smem:$0x3FFE];
	[sflag:s23] =	ssyncadd.s32 $0xFFFFFFFF  }
0xa5: {  	s26 =	simm.s32 $execute0_lowered;
	[smem:$0x3FD2] =	sst s25  }
0xa6: {  	s5 =	sshll.u32 s26, $0x1;
	_ =	strace $0x80000049;
	[dreg:$0x1] =	wrdreg $0xFFFFFFFF  }
0xa7: {  	s28 =	simm.s32 $_size_execute0_lowered;
	s3 =	sadd.s32 s3, s5;
	[dreg:$0x0] =	wrdreg $0x0  }
0xa8: {  	s5 =	sshll.u32 s28, $0x1;
	[dreg:$0x2] =	wrdreg s3  }
0xa9: {  	[dreg:$0x3] =	wrdreg s5  }
0xaa: {  	[dreg:$0x4] =	wrdreg $0xC0  }
0xab: {  	_ =	task [dreg:s7], $0x5FFFF  }
0xac: {  	[dreg:$0x1] =	wrdreg $0xFFFFFFFF  }
0xad: {  	[dreg:$0x0] =	wrdreg $0x60  }
0xae: {  	[dreg:$0x2] =	wrdreg s2  }
0xaf: {  	[dreg:$0x3] =	wrdreg s24  }
0xb0: {  	[dreg:$0x4] =	wrdreg $0x9  }
0xb1: {  	_ =	task.clear_ibuf [dreg:s7], $0x5FFFF;
	_ =	strace $0x90000049  }
0xb2: {  	s29 =	simm.s32 $0x9;
	_ =	strace $0x8000004B  }
0xb3: {  	_ =	swait.ge [sflag:s29], $0x1  }
0xb4: {  	[sflag:s29] =	ssyncadd.s32 $0xFFFFFFFF  }
0xb5: {  	_ =	strace $0x9000004B  }
0xb6: {  	_ =	sfence  }
0xb7: {  	s30 =	sld [smem:$0x0];
	_ =	sdelay $0x2  }
0xb8: {  	s31 =	sshll.u32 s1, $0xD;
	s1 =	sshrl.u32 s1, $0x2  }
0xb9: {  	s3 =	sand.u32 $0x4000, s31;
	s1 =	sadd.s32 s1, s30  }
0xba: {  	s0 =	sor.u32 s3, s0;
	s1 =	sshll.u32 s1, $0x11  }
0xbb: {  	s0 =	sor.u32 s1, s0  }
0xbc: {  	s0 =	sadd.s32 $0x8F2B, s0  }
0xbd: {  	[sflag:s0] =	ssyncadd.remote.s32 $0x1  }
0xbe: {  	_ =	sfence.sel $0xFFFF  }
0xbf: {  	[dreg:$0x0] =	wrdreg $0xFFFFFFFF;
	(pc) =	sbr.abs _section_cstart, $3  }
0xc0: {  	[dreg:$0x1] =	wrdreg $0xFFFFFFFF  }
0xc1: {  	_ =	task.clear_ibuf [dreg:s7], $0x2FFFF;
	_ =	strace $0x9FFFFFFF  }
0xc2: {  	(tm) =	ssettm $0x7FFFFFFF  }
0xc3: {  	_ =	shalt  }
tec
execute0_lowered:
.L_overlay_start_1:
0x0: {  	(tag) =	ssettag $0x1  }
0x1: {  	s0 =	rddreg [dreg:$0x0]  }
0x2: {  	s1 =	rddreg [dreg:$0x1];
	s2 =	simm.s32 $0x0;
	s3 =	srdreg.scid  }
0x3: {  	s4 =	stileid.u32;
	s10 =	simm.s32 $0x5;
	s11 =	simm.s32 $0x80  }
0x4: {  	s12 =	simm.s32 $0x6400;
	s13 =	simm.s32 $0x7400;
	s15 =	simm.s32 $0x8400  }
0x5: {  	s16 =	simm.s32 $0x180;
	s17 =	simm.s32 $0x9400;
	s18 =	simm.s32 $0xA400  }
0x6: {  	v0 =	vlaneseq.u32;
	s19 =	simm.s32 $0xB400;
	s20 =	simm.s32 $0xC400;
	s21 =	simm.s32 $0xD400  }
0x7: {  	v1 =	vimm.s32 $0x0;
	vm0 =	vcmask $0x300;
	s22 =	simm.s32 $0x1;
	s23 =	simm.s32 $0xE400;
	s24 =	simm.s32 $0x2;
	v0 =	vmul.u32 $0x210, v0  }
0x8: {  	s25 =	simm.s32 $0x4;
	s26 =	simm.s32 $0x12600;
	s28 =	simm.s32 $0x3;
	v1 =	vsel vm0, $0x3, v1  }
0x9: {  	s29 =	simm.s32 $0x0;
	[smem:$0x7FF] =	sst s2;
	s3 =	sand.u32 $0x1, s3;
	v2 =	vadd.s32 $0x2100, v0;
	v3 =	vor.u32 $0x1, v0;
	v4 =	vadd.s32 $0x2101, v0  }
0xa: {  	s4 =	sshll.u32 s4, $0xA;
	s5 =	ssub.s32 $0x2, s3;
	s3 =	sshll.u32 s3, $0x9;
	v5 =	vor.u32 $0x2, v0;
	v6 =	vadd.s32 $0x2102, v0;
	v7 =	vor.u32 $0x3, v0  }
0xb: {  	_ =	strace $0x8000004A;
	s6 =	sshrl.u32 s5, $0x1;
	s3 =	sor.u32 s3, s4;
	v8 =	vadd.s32 $0x2103, v0;
	v9 =	vor.u32 $0x4, v0;
	v10 =	vadd.s32 $0x2104, v0  }
0xc: {  	s4 =	sadd.s32 $0xC00, s1;
	v11 =	vor.u32 $0x5, v0;
	v12 =	vadd.s32 $0x2105, v0;
	v13 =	vor.u32 $0x6, v0;
	s7 =	ssub.s32 s5, s6;
	s31 =	sshrl.u32 s3, $0x3  }
0xd: {  	v14 =	vadd.s32 $0x2106, v0;
	v15 =	vor.u32 $0x7, v0;
	v16 =	vadd.s32 $0x2107, v0;
	s5 =	sadd.s32 $0x3D1600, s1;
	s6 =	sadd.s32 s0, s31;
	s7 =	smax.u32 s7, $0x1  }
.LBB2_1:
0xe: {  	s0 =	simm.s32 $0x200;
	s1 =	simm.s32 $0x4000  }
0xf: {  	[tilespmem:s2], [sflag:$0x5] =	stream.strided.gather [hbm4b:s6+s0], $0x6400, s1, s0, $0x38;
	[tilespmem:$0x16800] =	vst v63  }
0x10: {  	_ =	swait.ge [sflag:s10], $0x6400  }
0x11: {  	[sflag:s10] =	ssyncset.done $0x0  }
0x12: {  	[sflag:s10] =	ssyncadd.s32 $0xFFFF9C00  }
0x13: {  	[tilespmem:s12], [sflag:$0x1] =	stream.indirect.gather [hbm4b:s4+s11], $0x20, s2, s11, $0xb8;
	[tilespmem:$0x16800] =	vst v63  }
0x14: {  	_ = 	snop  }
0x15: {  	[tilespmem:s13], [sflag:$0x1] =	stream.indirect.gather [hbm4b:s4+s11], $0x20, s11, s11, $0xb8;
	[tilespmem:$0x16800] =	vst v63  }
0x16: {  	s31 =	simm.s32 $0x100  }
0x17: {  	[tilespmem:s15], [sflag:$0x1] =	stream.indirect.gather [hbm4b:s4+s11], $0x20, s31, s11, $0xb8;
	[tilespmem:$0x16800] =	vst v63  }
0x18: {  	s30 =	simm.s32 $0x0  }
0x19: {  	[tilespmem:s17], [sflag:$0x1] =	stream.indirect.gather [hbm4b:s4+s11], $0x20, s16, s11, $0xb8;
	[tilespmem:$0x16800] =	vst v63  }
.LBB2_2:
0x1a: {  	s31 =	sshllo.u32 s30, $0x1  }
0x1b: {  	s0 =	sshll.u32 s31, $0x9  }
0x1c: {  	s0 =	sand.u32 $0x3FFFFE00, s0  }
0x1d: {  	[tilespmem:s18], [sflag:$0x2] =	stream.indirect.gather [hbm4b:s4+s11], $0x20, s0, s11, $0xb8;
	[tilespmem:$0x16800] =	vst v63  }
0x1e: {  	s1 =	sor.u32 $0x80, s0  }
0x1f: {  	[tilespmem:s19], [sflag:$0x2] =	stream.indirect.gather [hbm4b:s4+s11], $0x20, s1, s11, $0xb8;
	[tilespmem:$0x16800] =	vst v63  }
0x20: {  	s14 =	sor.u32 $0x100, s0  }
0x21: {  	[tilespmem:s20], [sflag:$0x2] =	stream.indirect.gather [hbm4b:s4+s11], $0x20, s14, s11, $0xb8;
	[tilespmem:$0x16800] =	vst v63  }
0x22: {  	s0 =	sor.u32 $0x180, s0  }
0x23: {  	[tilespmem:s21], [sflag:$0x2] =	stream.indirect.gather [hbm4b:s4+s11], $0x20, s0, s11, $0xb8;
	[tilespmem:$0x16800] =	vst v63  }
0x24: {  	s8 =	simm.s32 $0x0;
	_ =	swait.ge [sflag:s22], $0x4000  }
0x25: {  	p0 =	seq.s32 s30, $0x0;
	v17 =	vmov s8;
	[sflag:s22] =	ssyncset.done $0x0  }
0x26: {  	v17 =	vshrl.u32 v17, $0x3;
	s0 =	simm.s32 @!p0 $0x3;
	[sflag:s22] =	ssyncadd.s32 $0xFFFFC000  }
0x27: {  	v17 =	vshll.u32 v17, v1;
	_ =	swait.ge @!p0 [sflag:s0], $0x4000  }
0x28: {  	v17 =	vbroadcast v17, $0x0;
	[sflag:s0] =	ssyncset.done @!p0 $0x0  }
0x29: {  	[sflag:s0] =	ssyncadd.s32 @!p0 $0xFFFFC000;
	s0 =	simm.s32 $0x6480  }
0x2a: {  	v19 =	vadd.s32 v0, v17;
	v18 =	vld [tilespmem:s0+$0xFFFFFF80]  }
0x2b: {  	s9 =	simm.s32 $0x1;
	v17 =	vadd.s32 v2, v17;
	v20 =	vld [tilespmem:s0+$0xFFFFFF90]  }
0x2c: {  	v21 =	vmov s9  }
0x2d: {  	v21 =	vshrl.u32 v21, $0x3  }
0x2e: {  	v21 =	vshll.u32 v21, v1  }
0x2f: {  	[tilespmem:v19+s23+$0x0] =	vst.idx.msk $0xffff, v18;
	v18 =	vbroadcast v21, $0x0  }
0x30: {  	[tilespmem:v17+s23+$0x0] =	vst.idx.msk $0xffff, v20  }
0x31: {  	v17 =	vld [tilespmem:s0+$0xFFFFFFA0];
	v19 =	vadd.s32 v3, v18  }
0x32: {  	s14 =	simm.s32 $0x2;
	v20 =	vld [tilespmem:s0+$0xFFFFFFB0];
	v18 =	vadd.s32 v4, v18  }
0x33: {  	v58 =	vmov s14  }
0x34: {  	v21 =	vshrl.u32 v58, $0x3  }
0x35: {  	v21 =	vshll.u32 v21, v1  }
0x36: {  	[tilespmem:v19+s23+$0x0] =	vst.idx.msk $0xffff, v17;
	v17 =	vbroadcast v21, $0x0  }
0x37: {  	[tilespmem:v18+s23+$0x0] =	vst.idx.msk $0xffff, v20  }
0x38: {  	v18 =	vld [tilespmem:s0+$0xFFFFFFC0];
	v19 =	vadd.s32 v5, v17  }
0x39: {  	s8 =	simm.s32 $0x3;
	v20 =	vld [tilespmem:s0+$0xFFFFFFD0];
	v17 =	vadd.s32 v6, v17  }
0x3a: {  	v59 =	vmov s8  }
0x3b: {  	v21 =	vshrl.u32 v59, $0x3  }
0x3c: {  	v21 =	vshll.u32 v21, v1  }
0x3d: {  	[tilespmem:v19+s23+$0x0] =	vst.idx.msk $0xffff, v18;
	v18 =	vbroadcast v21, $0x0  }
0x3e: {  	[tilespmem:v17+s23+$0x0] =	vst.idx.msk $0xffff, v20  }
0x3f: {  	v17 =	vld [tilespmem:s0+$0xFFFFFFE0];
	v19 =	vadd.s32 v7, v18  }
0x40: {  	s9 =	simm.s32 $0x4;
	v20 =	vld [tilespmem:s0+$0xFFFFFFF0];
	v18 =	vadd.s32 v8, v18  }
0x41: {  	v60 =	vmov s9  }
0x42: {  	v21 =	vshrl.u32 v60, $0x3  }
0x43: {  	v21 =	vshll.u32 v21, v1  }
0x44: {  	[tilespmem:v19+s23+$0x0] =	vst.idx.msk $0xffff, v17;
	v17 =	vbroadcast v21, $0x0  }
0x45: {  	[tilespmem:v18+s23+$0x0] =	vst.idx.msk $0xffff, v20  }
0x46: {  	v18 =	vld [tilespmem:s0+$0x0];
	v19 =	vadd.s32 v9, v17  }
0x47: {  	s14 =	simm.s32 $0x5;
	v20 =	vld [tilespmem:s0+$0x10];
	v17 =	vadd.s32 v10, v17  }
0x48: {  	v61 =	vmov s14  }
0x49: {  	v21 =	vshrl.u32 v61, $0x3  }
0x4a: {  	v21 =	vshll.u32 v21, v1  }
0x4b: {  	[tilespmem:v19+s23+$0x0] =	vst.idx.msk $0xffff, v18;
	v18 =	vbroadcast v21, $0x0  }
0x4c: {  	[tilespmem:v17+s23+$0x0] =	vst.idx.msk $0xffff, v20  }
0x4d: {  	v17 =	vld [tilespmem:s0+$0x20];
	v19 =	vadd.s32 v11, v18  }
0x4e: {  	s8 =	simm.s32 $0x6;
	v20 =	vld [tilespmem:s0+$0x30];
	v18 =	vadd.s32 v12, v18  }
0x4f: {  	v62 =	vmov s8  }
0x50: {  	v21 =	vshrl.u32 v62, $0x3  }
0x51: {  	v21 =	vshll.u32 v21, v1  }
0x52: {  	[tilespmem:v19+s23+$0x0] =	vst.idx.msk $0xffff, v17;
	v17 =	vbroadcast v21, $0x0  }
0x53: {  	[tilespmem:v18+s23+$0x0] =	vst.idx.msk $0xffff, v20  }
0x54: {  	v18 =	vld [tilespmem:s0+$0x40];
	v19 =	vadd.s32 v13, v17  }
0x55: {  	s9 =	simm.s32 $0x7;
	v20 =	vld [tilespmem:s0+$0x50];
	v17 =	vadd.s32 v14, v17  }
0x56: {  	v63 =	vmov s9  }
0x57: {  	v21 =	vshrl.u32 v63, $0x3  }
0x58: {  	v21 =	vshll.u32 v21, v1  }
0x59: {  	[tilespmem:v19+s23+$0x0] =	vst.idx.msk $0xffff, v18;
	v18 =	vbroadcast v21, $0x0  }
0x5a: {  	s14 =	simm.s32 $0x8;
	[tilespmem:v17+s23+$0x0] =	vst.idx.msk $0xffff, v20  }
0x5b: {  	v17 =	vmov s14;
	v20 =	vld [tilespmem:s0+$0x60];
	v21 =	vadd.s32 v15, v18  }
0x5c: {  	v19 =	vshrl.u32 v17, $0x3  }
0x5d: {  	v17 =	vld [tilespmem:s0+$0x70];
	v22 =	vshll.u32 v19, v1;
	v19 =	vadd.s32 v16, v18;
	_ =	sdelay $0x2  }
0x5e: {  	s8 =	simm.s32 $0x17;
	s1 =	simm.s32 $0xF;
	v18 =	vbroadcast v22, $0x0;
	[tilespmem:v21+s23+$0x0] =	vst.idx.msk $0xffff, v20  }
.LBB2_3:
0x5f: {  	p1 =	sne.s32 s8, $0x1FF  }
0x60: {  	[tilespmem:v19+s23+$0x0] =	vst.idx.msk $0xffff, v17;
	s0 =	sadd.s32 $0x100, s0;
	s9 =	smov.u32 s8;
	s8 =	sadd.s32 $0x8, s8  }
0x61: {  	v17 =	vld [tilespmem:s0+$0xFFFFFF80];
	v19 =	vadd.s32 v0, v18  }
0x62: {  	s14 =	sadd.s32 $0xFFFFFFFA, s1;
	v18 =	vadd.s32 v2, v18;
	v20 =	vld [tilespmem:s0+$0xFFFFFF90]  }
0x63: {  	v21 =	vmov s14  }
0x64: {  	v21 =	vshrl.u32 v21, $0x3  }
0x65: {  	v21 =	vshll.u32 v21, v1  }
0x66: {  	[tilespmem:v19+s23+$0x0] =	vst.idx.msk $0xffff, v17;
	v17 =	vbroadcast v21, $0x0  }
0x67: {  	[tilespmem:v18+s23+$0x0] =	vst.idx.msk $0xffff, v20  }
0x68: {  	v18 =	vld [tilespmem:s0+$0xFFFFFFA0];
	v19 =	vadd.s32 v3, v17  }
0x69: {  	s14 =	sadd.s32 $0xFFFFFFFB, s1;
	v17 =	vadd.s32 v4, v17;
	v20 =	vld [tilespmem:s0+$0xFFFFFFB0]  }
0x6a: {  	v21 =	vmov s14  }
0x6b: {  	v21 =	vshrl.u32 v21, $0x3  }
0x6c: {  	v21 =	vshll.u32 v21, v1  }
0x6d: {  	[tilespmem:v19+s23+$0x0] =	vst.idx.msk $0xffff, v18;
	v18 =	vbroadcast v21, $0x0  }
0x6e: {  	[tilespmem:v17+s23+$0x0] =	vst.idx.msk $0xffff, v20  }
0x6f: {  	v17 =	vld [tilespmem:s0+$0xFFFFFFC0];
	v19 =	vadd.s32 v5, v18  }
0x70: {  	s14 =	sadd.s32 $0xFFFFFFFC, s1;
	v18 =	vadd.s32 v6, v18;
	v20 =	vld [tilespmem:s0+$0xFFFFFFD0]  }
0x71: {  	v21 =	vmov s14  }
0x72: {  	v21 =	vshrl.u32 v21, $0x3  }
0x73: {  	v21 =	vshll.u32 v21, v1  }
0x74: {  	[tilespmem:v19+s23+$0x0] =	vst.idx.msk $0xffff, v17;
	v17 =	vbroadcast v21, $0x0  }
0x75: {  	[tilespmem:v18+s23+$0x0] =	vst.idx.msk $0xffff, v20  }
0x76: {  	v18 =	vld [tilespmem:s0+$0xFFFFFFE0];
	v19 =	vadd.s32 v7, v17  }
0x77: {  	s14 =	sadd.s32 $0xFFFFFFFD, s1;
	v17 =	vadd.s32 v8, v17;
	v20 =	vld [tilespmem:s0+$0xFFFFFFF0]  }
0x78: {  	v21 =	vmov s14  }
0x79: {  	v21 =	vshrl.u32 v21, $0x3  }
0x7a: {  	v21 =	vshll.u32 v21, v1  }
0x7b: {  	[tilespmem:v19+s23+$0x0] =	vst.idx.msk $0xffff, v18;
	v18 =	vbroadcast v21, $0x0  }
0x7c: {  	[tilespmem:v17+s23+$0x0] =	vst.idx.msk $0xffff, v20  }
0x7d: {  	v17 =	vld [tilespmem:s0+$0x0];
	v19 =	vadd.s32 v9, v18  }
0x7e: {  	s14 =	sadd.s32 $0xFFFFFFFE, s1;
	v18 =	vadd.s32 v10, v18;
	v20 =	vld [tilespmem:s0+$0x10]  }
0x7f: {  	v21 =	vmov s14  }
0x80: {  	v21 =	vshrl.u32 v21, $0x3  }
0x81: {  	v21 =	vshll.u32 v21, v1  }
0x82: {  	[tilespmem:v19+s23+$0x0] =	vst.idx.msk $0xffff, v17;
	v17 =	vbroadcast v21, $0x0  }
0x83: {  	[tilespmem:v18+s23+$0x0] =	vst.idx.msk $0xffff, v20  }
0x84: {  	v18 =	vld [tilespmem:s0+$0x20];
	v19 =	vadd.s32 v11, v17  }
0x85: {  	s14 =	sadd.s32 $0xFFFFFFFF, s1;
	v17 =	vadd.s32 v12, v17;
	v20 =	vld [tilespmem:s0+$0x30]  }
0x86: {  	v21 =	vmov s14  }
0x87: {  	v21 =	vshrl.u32 v21, $0x3  }
0x88: {  	v21 =	vshll.u32 v21, v1  }
0x89: {  	[tilespmem:v19+s23+$0x0] =	vst.idx.msk $0xffff, v18;
	v18 =	vbroadcast v21, $0x0  }
0x8a: {  	[tilespmem:v17+s23+$0x0] =	vst.idx.msk $0xffff, v20  }
0x8b: {  	v17 =	vld [tilespmem:s0+$0x40];
	v19 =	vadd.s32 v13, v18  }
0x8c: {  	v18 =	vadd.s32 v14, v18;
	v20 =	vld [tilespmem:s0+$0x50]  }
0x8d: {  	v21 =	vmov s1;
	s1 =	smov.u32 s9  }
0x8e: {  	v21 =	vshrl.u32 v21, $0x3  }
0x8f: {  	v21 =	vshll.u32 v21, v1  }
0x90: {  	[tilespmem:v19+s23+$0x0] =	vst.idx.msk $0xffff, v17;
	v19 =	vbroadcast v21, $0x0  }
0x91: {  	[tilespmem:v18+s23+$0x0] =	vst.idx.msk $0xffff, v20  }
0x92: {  	v20 =	vld [tilespmem:s0+$0x60];
	v21 =	vadd.s32 v15, v19  }
.Ltmp0:
0x93: {  	s9 =	sadd.s32 $0xFFFFFFF9, s1;
	v19 =	vadd.s32 v16, v19;
	v17 =	vld [tilespmem:s0+$0x70];
	(pc) =	sbr.rel @p1 .LBB2_3-.Ltmp0, $4  }
0x94: {  	v18 =	vmov s9  }
0x95: {  	v18 =	vshrl.u32 v18, $0x3  }
0x96: {  	v18 =	vshll.u32 v18, v1  }
0x97: {  	v18 =	vbroadcast v18, $0x0;
	[tilespmem:v21+s23+$0x0] =	vst.idx.msk $0xffff, v20  }
0x98: {  	_ =	sdelay $0x3  }
0x99: {  	[tilespmem:v19+s23+$0x0] =	vst.idx.msk $0xffff, v17;
	s0 =	sadd.s32 $0x100, s0  }
0x9a: {  	v17 =	vld [tilespmem:s0+$0xFFFFFF80];
	v19 =	vadd.s32 v0, v18  }
0x9b: {  	s8 =	sadd.s32 $0xFFFFFFFA, s1;
	v20 =	vld [tilespmem:s0+$0xFFFFFF90];
	v18 =	vadd.s32 v2, v18  }
0x9c: {  	v21 =	vmov s8  }
0x9d: {  	v21 =	vshrl.u32 v21, $0x3  }
0x9e: {  	v21 =	vshll.u32 v21, v1  }
0x9f: {  	[tilespmem:v19+s23+$0x0] =	vst.idx.msk $0xffff, v17;
	v17 =	vbroadcast v21, $0x0  }
0xa0: {  	[tilespmem:v18+s23+$0x0] =	vst.idx.msk $0xffff, v20  }
0xa1: {  	v18 =	vld [tilespmem:s0+$0xFFFFFFA0];
	v19 =	vadd.s32 v3, v17  }
0xa2: {  	s9 =	sadd.s32 $0xFFFFFFFB, s1;
	v20 =	vld [tilespmem:s0+$0xFFFFFFB0];
	v17 =	vadd.s32 v4, v17  }
0xa3: {  	v58 =	vmov s9  }
0xa4: {  	v21 =	vshrl.u32 v58, $0x3  }
0xa5: {  	v21 =	vshll.u32 v21, v1  }
0xa6: {  	[tilespmem:v19+s23+$0x0] =	vst.idx.msk $0xffff, v18;
	v18 =	vbroadcast v21, $0x0  }
0xa7: {  	[tilespmem:v17+s23+$0x0] =	vst.idx.msk $0xffff, v20  }
0xa8: {  	v17 =	vld [tilespmem:s0+$0xFFFFFFC0];
	v19 =	vadd.s32 v5, v18  }
0xa9: {  	s14 =	sadd.s32 $0xFFFFFFFC, s1;
	v20 =	vld [tilespmem:s0+$0xFFFFFFD0];
	v18 =	vadd.s32 v6, v18  }
0xaa: {  	v59 =	vmov s14  }
0xab: {  	v21 =	vshrl.u32 v59, $0x3  }
0xac: {  	v21 =	vshll.u32 v21, v1  }
0xad: {  	[tilespmem:v19+s23+$0x0] =	vst.idx.msk $0xffff, v17;
	v17 =	vbroadcast v21, $0x0  }
0xae: {  	[tilespmem:v18+s23+$0x0] =	vst.idx.msk $0xffff, v20  }
0xaf: {  	v18 =	vld [tilespmem:s0+$0xFFFFFFE0];
	v19 =	vadd.s32 v7, v17  }
0xb0: {  	s9 =	sadd.s32 $0xFFFFFFFD, s1;
	v20 =	vld [tilespmem:s0+$0xFFFFFFF0];
	v17 =	vadd.s32 v8, v17  }
0xb1: {  	v60 =	vmov s9  }
0xb2: {  	v21 =	vshrl.u32 v60, $0x3  }
0xb3: {  	v21 =	vshll.u32 v21, v1  }
0xb4: {  	[tilespmem:v19+s23+$0x0] =	vst.idx.msk $0xffff, v18;
	v18 =	vbroadcast v21, $0x0  }
0xb5: {  	[tilespmem:v17+s23+$0x0] =	vst.idx.msk $0xffff, v20  }
0xb6: {  	v17 =	vld [tilespmem:s0+$0x0];
	v19 =	vadd.s32 v9, v18  }
0xb7: {  	s14 =	sadd.s32 $0xFFFFFFFE, s1;
	v20 =	vld [tilespmem:s0+$0x10];
	v18 =	vadd.s32 v10, v18  }
0xb8: {  	v61 =	vmov s14  }
0xb9: {  	v21 =	vshrl.u32 v61, $0x3  }
0xba: {  	v21 =	vshll.u32 v21, v1  }
0xbb: {  	[tilespmem:v19+s23+$0x0] =	vst.idx.msk $0xffff, v17;
	v17 =	vbroadcast v21, $0x0  }
0xbc: {  	[tilespmem:v18+s23+$0x0] =	vst.idx.msk $0xffff, v20  }
0xbd: {  	v18 =	vld [tilespmem:s0+$0x20];
	v19 =	vadd.s32 v11, v17  }
0xbe: {  	s9 =	sadd.s32 $0xFFFFFFFF, s1;
	v20 =	vld [tilespmem:s0+$0x30];
	v17 =	vadd.s32 v12, v17  }
0xbf: {  	v62 =	vmov s9  }
0xc0: {  	v21 =	vshrl.u32 v62, $0x3  }
0xc1: {  	v21 =	vshll.u32 v21, v1  }
0xc2: {  	[tilespmem:v19+s23+$0x0] =	vst.idx.msk $0xffff, v18;
	v18 =	vbroadcast v21, $0x0  }
0xc3: {  	[tilespmem:v17+s23+$0x0] =	vst.idx.msk $0xffff, v20  }
0xc4: {  	v17 =	vld [tilespmem:s0+$0x40];
	v19 =	vadd.s32 v13, v18  }
0xc5: {  	v20 =	vld [tilespmem:s0+$0x50];
	v18 =	vadd.s32 v14, v18  }
0xc6: {  	v63 =	vmov s1  }
0xc7: {  	v21 =	vshrl.u32 v63, $0x3  }
0xc8: {  	v21 =	vshll.u32 v21, v1  }
0xc9: {  	[tilespmem:v19+s23+$0x0] =	vst.idx.msk $0xffff, v17;
	v17 =	vbroadcast v21, $0x0  }
0xca: {  	[tilespmem:v18+s23+$0x0] =	vst.idx.msk $0xffff, v20  }
0xcb: {  	v18 =	vld [tilespmem:s0+$0x60];
	v19 =	vadd.s32 v15, v17  }
0xcc: {  	v20 =	vld [tilespmem:s0+$0x70];
	v17 =	vadd.s32 v16, v17  }
0xcd: {  	s14 =	sshll.u32 s30, $0x14  }
0xce: {  	s0 =	sor.u32 s3, s14  }
0xcf: {  	s0 =	sshrl.u32 s0, $0x3  }
0xd0: {  	s8 =	simm.s32 $0x800;
	s0 =	sadd.s32 s5, s0;
	[tilespmem:v19+s23+$0x0] =	vst.idx.msk $0xffff, v18  }
0xd1: {  	s1 =	simm.s32 $0xE400;
	s9 =	simm.s32 $0xE610;
	s14 =	sadd.s32 $0x0, s0;
	[tilespmem:v17+s23+$0x0] =	vst.idx.msk $0xffff, v20  }
.LBB2_5:
0xd2: {  	[hbm4b:s14+s2] =	stream.linear.scatter [tilespmem:s1], [sflag:$0x3], $0x200, $0x38;
	[tilespmem:$0x16800] =	vst v63  }
0xd3: {  	s14 =	smov.u32 s8;
	s1 =	smov.u32 s9;
	p1 =	sne.s32 s8, $0xF800  }
.Ltmp1:
0xd4: {  	s8 =	sadd.s32 $0x800, s8;
	(pc) =	sbr.rel @p1 .LBB2_5-.Ltmp1, $2  }
0xd5: {  	_ =	sdelay $0x2  }
0xd6: {  	s9 =	sadd.s32 $0x210, s9;
	s14 =	sadd.s32 s14, s0  }
0xd7: {  	p1 =	sne.s32 s30, $0x18  }
.Ltmp2:
0xd8: {  	_ = 	snop;
	(pc) =	sbr.rel @p1 .LBB2_8-.Ltmp2, $2  }
0xd9: {  	_ =	sdelay $0x2  }
0xda: {  	[hbm4b:s14+s2] =	stream.linear.scatter [tilespmem:s1], [sflag:$0x3], $0x200, $0x38;
	[tilespmem:$0x16800] =	vst v63  }
.Ltmp3:
0xdb: {  	(pc) =	sbr.rel .LBB2_9-.Ltmp3, $4  }
0xdc: {  	_ = 	snop  }
0xdd: {  	_ =	swait.ge [sflag:s24], $0x4000  }
0xde: {  	[sflag:s24] =	ssyncset.done $0x0  }
0xdf: {  	[sflag:s24] =	ssyncadd.s32 $0xFFFFC000  }
.LBB2_8:
0xe0: {  	s0 =	sshll.u32 s30, $0xA  }
0xe1: {  	s0 =	sand.u32 $0x3FFFFC00, s0  }
0xe2: {  	s1 =	sadd.s32 $0x400, s0  }
0xe3: {  	[tilespmem:s12], [sflag:$0x1] =	stream.indirect.gather [hbm4b:s4+s11], $0x20, s1, s11, $0xb8;
	[tilespmem:$0x16800] =	vst v63  }
0xe4: {  	s9 =	sadd.s32 $0x480, s0  }
0xe5: {  	[tilespmem:s13], [sflag:$0x1] =	stream.indirect.gather [hbm4b:s4+s11], $0x20, s9, s11, $0xb8;
	[tilespmem:$0x16800] =	vst v63  }
0xe6: {  	s14 =	sadd.s32 $0x500, s0  }
0xe7: {  	[tilespmem:s15], [sflag:$0x1] =	stream.indirect.gather [hbm4b:s4+s11], $0x20, s14, s11, $0xb8;
	[tilespmem:$0x16800] =	vst v63  }
.Ltmp4:
0xe8: {  	s0 =	sadd.s32 $0x580, s0;
	(pc) =	sbr.rel @p0 .LBB2_10-.Ltmp4, $4  }
0xe9: {  	[tilespmem:s17], [sflag:$0x1] =	stream.indirect.gather [hbm4b:s4+s11], $0x20, s0, s11, $0xb8;
	[tilespmem:$0x16800] =	vst v63  }
0xea: {  	_ =	swait.ge [sflag:s24], $0x4000  }
0xeb: {  	[sflag:s24] =	ssyncset.done $0x0  }
0xec: {  	[sflag:s24] =	ssyncadd.s32 $0xFFFFC000  }
.LBB2_9:
0xed: {  	_ =	swait.ge [sflag:s25], $0x4000  }
0xee: {  	[sflag:s25] =	ssyncset.done $0x0  }
0xef: {  	[sflag:s25] =	ssyncadd.s32 $0xFFFFC000  }
.LBB2_10:
0xf0: {  	s0 =	simm.s32 $0x0  }
0xf1: {  	v17 =	vmov s0  }
0xf2: {  	v17 =	vshrl.u32 v17, $0x3  }
0xf3: {  	v17 =	vshll.u32 v17, v1  }
0xf4: {  	v17 =	vbroadcast v17, $0x0  }
0xf5: {  	s0 =	simm.s32 $0xA480  }
0xf6: {  	v18 =	vld [tilespmem:s0+$0xFFFFFF80];
	v19 =	vadd.s32 v0, v17  }
0xf7: {  	s1 =	simm.s32 $0x1;
	v20 =	vld [tilespmem:s0+$0xFFFFFF90];
	v17 =	vadd.s32 v2, v17  }
0xf8: {  	v21 =	vmov s1  }
0xf9: {  	v21 =	vshrl.u32 v21, $0x3  }
0xfa: {  	v21 =	vshll.u32 v21, v1  }
0xfb: {  	[tilespmem:v19+s26+$0x0] =	vst.idx.msk $0xffff, v18;
	v18 =	vbroadcast v21, $0x0  }
0xfc: {  	[tilespmem:v17+s26+$0x0] =	vst.idx.msk $0xffff, v20  }
0xfd: {  	v17 =	vld [tilespmem:s0+$0xFFFFFFA0];
	v19 =	vadd.s32 v3, v18  }
0xfe: {  	s14 =	simm.s32 $0x2;
	v20 =	vld [tilespmem:s0+$0xFFFFFFB0];
	v18 =	vadd.s32 v4, v18  }
0xff: {  	v58 =	vmov s14  }
0x100: {  	v21 =	vshrl.u32 v58, $0x3  }
0x101: {  	v21 =	vshll.u32 v21, v1  }
0x102: {  	[tilespmem:v19+s26+$0x0] =	vst.idx.msk $0xffff, v17;
	v17 =	vbroadcast v21, $0x0  }
0x103: {  	[tilespmem:v18+s26+$0x0] =	vst.idx.msk $0xffff, v20  }
0x104: {  	v18 =	vld [tilespmem:s0+$0xFFFFFFC0];
	v19 =	vadd.s32 v5, v17  }
0x105: {  	s8 =	simm.s32 $0x3;
	v20 =	vld [tilespmem:s0+$0xFFFFFFD0];
	v17 =	vadd.s32 v6, v17  }
0x106: {  	v59 =	vmov s8  }
0x107: {  	v21 =	vshrl.u32 v59, $0x3  }
0x108: {  	v21 =	vshll.u32 v21, v1  }
0x109: {  	[tilespmem:v19+s26+$0x0] =	vst.idx.msk $0xffff, v18;
	v18 =	vbroadcast v21, $0x0  }
0x10a: {  	[tilespmem:v17+s26+$0x0] =	vst.idx.msk $0xffff, v20  }
0x10b: {  	v17 =	vld [tilespmem:s0+$0xFFFFFFE0];
	v19 =	vadd.s32 v7, v18  }
0x10c: {  	s9 =	simm.s32 $0x4;
	v20 =	vld [tilespmem:s0+$0xFFFFFFF0];
	v18 =	vadd.s32 v8, v18  }
0x10d: {  	v60 =	vmov s9  }
0x10e: {  	v21 =	vshrl.u32 v60, $0x3  }
0x10f: {  	v21 =	vshll.u32 v21, v1  }
0x110: {  	[tilespmem:v19+s26+$0x0] =	vst.idx.msk $0xffff, v17;
	v17 =	vbroadcast v21, $0x0  }
0x111: {  	[tilespmem:v18+s26+$0x0] =	vst.idx.msk $0xffff, v20  }
0x112: {  	v18 =	vld [tilespmem:s0+$0x0];
	v19 =	vadd.s32 v9, v17  }
0x113: {  	s14 =	simm.s32 $0x5;
	v20 =	vld [tilespmem:s0+$0x10];
	v17 =	vadd.s32 v10, v17  }
0x114: {  	v61 =	vmov s14  }
0x115: {  	v21 =	vshrl.u32 v61, $0x3  }
0x116: {  	v21 =	vshll.u32 v21, v1  }
0x117: {  	[tilespmem:v19+s26+$0x0] =	vst.idx.msk $0xffff, v18;
	v18 =	vbroadcast v21, $0x0  }
0x118: {  	[tilespmem:v17+s26+$0x0] =	vst.idx.msk $0xffff, v20  }
0x119: {  	v17 =	vld [tilespmem:s0+$0x20];
	v19 =	vadd.s32 v11, v18  }
0x11a: {  	s8 =	simm.s32 $0x6;
	v20 =	vld [tilespmem:s0+$0x30];
	v18 =	vadd.s32 v12, v18  }
0x11b: {  	v62 =	vmov s8  }
0x11c: {  	v21 =	vshrl.u32 v62, $0x3  }
0x11d: {  	v21 =	vshll.u32 v21, v1  }
0x11e: {  	[tilespmem:v19+s26+$0x0] =	vst.idx.msk $0xffff, v17;
	v17 =	vbroadcast v21, $0x0  }
0x11f: {  	[tilespmem:v18+s26+$0x0] =	vst.idx.msk $0xffff, v20  }
0x120: {  	v18 =	vld [tilespmem:s0+$0x40];
	v19 =	vadd.s32 v13, v17  }
0x121: {  	s9 =	simm.s32 $0x7;
	v20 =	vld [tilespmem:s0+$0x50];
	v17 =	vadd.s32 v14, v17  }
0x122: {  	v63 =	vmov s9  }
0x123: {  	v21 =	vshrl.u32 v63, $0x3  }
0x124: {  	v21 =	vshll.u32 v21, v1  }
0x125: {  	[tilespmem:v19+s26+$0x0] =	vst.idx.msk $0xffff, v18;
	v18 =	vbroadcast v21, $0x0  }
0x126: {  	s14 =	simm.s32 $0x8;
	[tilespmem:v17+s26+$0x0] =	vst.idx.msk $0xffff, v20  }
0x127: {  	v17 =	vmov s14;
	v20 =	vld [tilespmem:s0+$0x60];
	v21 =	vadd.s32 v15, v18  }
0x128: {  	v19 =	vshrl.u32 v17, $0x3  }
0x129: {  	v17 =	vld [tilespmem:s0+$0x70];
	v22 =	vshll.u32 v19, v1;
	v19 =	vadd.s32 v16, v18;
	_ =	sdelay $0x2  }
0x12a: {  	s1 =	simm.s32 $0xF;
	s8 =	simm.s32 $0x17;
	v18 =	vbroadcast v22, $0x0;
	[tilespmem:v21+s26+$0x0] =	vst.idx.msk $0xffff, v20  }
.LBB2_11:
0x12b: {  	p0 =	sne.s32 s8, $0x1FF  }
0x12c: {  	[tilespmem:v19+s26+$0x0] =	vst.idx.msk $0xffff, v17;
	s0 =	sadd.s32 $0x100, s0;
	s9 =	smov.u32 s8;
	s8 =	sadd.s32 $0x8, s8  }
0x12d: {  	v17 =	vld [tilespmem:s0+$0xFFFFFF80];
	v19 =	vadd.s32 v0, v18  }
0x12e: {  	s14 =	sadd.s32 $0xFFFFFFFA, s1;
	v18 =	vadd.s32 v2, v18;
	v20 =	vld [tilespmem:s0+$0xFFFFFF90]  }
0x12f: {  	v21 =	vmov s14  }
0x130: {  	v21 =	vshrl.u32 v21, $0x3  }
0x131: {  	v21 =	vshll.u32 v21, v1  }
0x132: {  	[tilespmem:v19+s26+$0x0] =	vst.idx.msk $0xffff, v17;
	v17 =	vbroadcast v21, $0x0  }
0x133: {  	[tilespmem:v18+s26+$0x0] =	vst.idx.msk $0xffff, v20  }
0x134: {  	v18 =	vld [tilespmem:s0+$0xFFFFFFA0];
	v19 =	vadd.s32 v3, v17  }
0x135: {  	s14 =	sadd.s32 $0xFFFFFFFB, s1;
	v17 =	vadd.s32 v4, v17;
	v20 =	vld [tilespmem:s0+$0xFFFFFFB0]  }
0x136: {  	v21 =	vmov s14  }
0x137: {  	v21 =	vshrl.u32 v21, $0x3  }
0x138: {  	v21 =	vshll.u32 v21, v1  }
0x139: {  	[tilespmem:v19+s26+$0x0] =	vst.idx.msk $0xffff, v18;
	v18 =	vbroadcast v21, $0x0  }
0x13a: {  	[tilespmem:v17+s26+$0x0] =	vst.idx.msk $0xffff, v20  }
0x13b: {  	v17 =	vld [tilespmem:s0+$0xFFFFFFC0];
	v19 =	vadd.s32 v5, v18  }
0x13c: {  	s14 =	sadd.s32 $0xFFFFFFFC, s1;
	v18 =	vadd.s32 v6, v18;
	v20 =	vld [tilespmem:s0+$0xFFFFFFD0]  }
0x13d: {  	v21 =	vmov s14  }
0x13e: {  	v21 =	vshrl.u32 v21, $0x3  }
0x13f: {  	v21 =	vshll.u32 v21, v1  }
0x140: {  	[tilespmem:v19+s26+$0x0] =	vst.idx.msk $0xffff, v17;
	v17 =	vbroadcast v21, $0x0  }
0x141: {  	[tilespmem:v18+s26+$0x0] =	vst.idx.msk $0xffff, v20  }
0x142: {  	v18 =	vld [tilespmem:s0+$0xFFFFFFE0];
	v19 =	vadd.s32 v7, v17  }
0x143: {  	s14 =	sadd.s32 $0xFFFFFFFD, s1;
	v17 =	vadd.s32 v8, v17;
	v20 =	vld [tilespmem:s0+$0xFFFFFFF0]  }
0x144: {  	v21 =	vmov s14  }
0x145: {  	v21 =	vshrl.u32 v21, $0x3  }
0x146: {  	v21 =	vshll.u32 v21, v1  }
0x147: {  	[tilespmem:v19+s26+$0x0] =	vst.idx.msk $0xffff, v18;
	v18 =	vbroadcast v21, $0x0  }
0x148: {  	[tilespmem:v17+s26+$0x0] =	vst.idx.msk $0xffff, v20  }
0x149: {  	v17 =	vld [tilespmem:s0+$0x0];
	v19 =	vadd.s32 v9, v18  }
0x14a: {  	s14 =	sadd.s32 $0xFFFFFFFE, s1;
	v18 =	vadd.s32 v10, v18;
	v20 =	vld [tilespmem:s0+$0x10]  }
0x14b: {  	v21 =	vmov s14  }
0x14c: {  	v21 =	vshrl.u32 v21, $0x3  }
0x14d: {  	v21 =	vshll.u32 v21, v1  }
0x14e: {  	[tilespmem:v19+s26+$0x0] =	vst.idx.msk $0xffff, v17;
	v17 =	vbroadcast v21, $0x0  }
0x14f: {  	[tilespmem:v18+s26+$0x0] =	vst.idx.msk $0xffff, v20  }
0x150: {  	v18 =	vld [tilespmem:s0+$0x20];
	v19 =	vadd.s32 v11, v17  }
0x151: {  	s14 =	sadd.s32 $0xFFFFFFFF, s1;
	v17 =	vadd.s32 v12, v17;
	v20 =	vld [tilespmem:s0+$0x30]  }
0x152: {  	v21 =	vmov s14  }
0x153: {  	v21 =	vshrl.u32 v21, $0x3  }
0x154: {  	v21 =	vshll.u32 v21, v1  }
0x155: {  	[tilespmem:v19+s26+$0x0] =	vst.idx.msk $0xffff, v18;
	v18 =	vbroadcast v21, $0x0  }
0x156: {  	[tilespmem:v17+s26+$0x0] =	vst.idx.msk $0xffff, v20  }
0x157: {  	v17 =	vld [tilespmem:s0+$0x40];
	v19 =	vadd.s32 v13, v18  }
0x158: {  	v18 =	vadd.s32 v14, v18;
	v20 =	vld [tilespmem:s0+$0x50]  }
0x159: {  	v21 =	vmov s1;
	s1 =	smov.u32 s9  }
0x15a: {  	v21 =	vshrl.u32 v21, $0x3  }
0x15b: {  	v21 =	vshll.u32 v21, v1  }
0x15c: {  	[tilespmem:v19+s26+$0x0] =	vst.idx.msk $0xffff, v17;
	v19 =	vbroadcast v21, $0x0  }
0x15d: {  	[tilespmem:v18+s26+$0x0] =	vst.idx.msk $0xffff, v20  }
0x15e: {  	v20 =	vld [tilespmem:s0+$0x60];
	v21 =	vadd.s32 v15, v19  }
.Ltmp5:
0x15f: {  	s9 =	sadd.s32 $0xFFFFFFF9, s1;
	v19 =	vadd.s32 v16, v19;
	v17 =	vld [tilespmem:s0+$0x70];
	(pc) =	sbr.rel @p0 .LBB2_11-.Ltmp5, $4  }
0x160: {  	v18 =	vmov s9  }
0x161: {  	v18 =	vshrl.u32 v18, $0x3  }
0x162: {  	v18 =	vshll.u32 v18, v1  }
0x163: {  	v18 =	vbroadcast v18, $0x0;
	[tilespmem:v21+s26+$0x0] =	vst.idx.msk $0xffff, v20  }
0x164: {  	_ =	sdelay $0x3  }
0x165: {  	[tilespmem:v19+s26+$0x0] =	vst.idx.msk $0xffff, v17;
	s0 =	sadd.s32 $0x100, s0  }
0x166: {  	v17 =	vld [tilespmem:s0+$0xFFFFFF80];
	v19 =	vadd.s32 v0, v18  }
0x167: {  	s8 =	sadd.s32 $0xFFFFFFFA, s1;
	v20 =	vld [tilespmem:s0+$0xFFFFFF90];
	v18 =	vadd.s32 v2, v18  }
0x168: {  	v21 =	vmov s8  }
0x169: {  	v21 =	vshrl.u32 v21, $0x3  }
0x16a: {  	v21 =	vshll.u32 v21, v1  }
0x16b: {  	[tilespmem:v19+s26+$0x0] =	vst.idx.msk $0xffff, v17;
	v17 =	vbroadcast v21, $0x0  }
0x16c: {  	[tilespmem:v18+s26+$0x0] =	vst.idx.msk $0xffff, v20  }
0x16d: {  	v18 =	vld [tilespmem:s0+$0xFFFFFFA0];
	v19 =	vadd.s32 v3, v17  }
0x16e: {  	s14 =	sadd.s32 $0xFFFFFFFB, s1;
	v20 =	vld [tilespmem:s0+$0xFFFFFFB0];
	v17 =	vadd.s32 v4, v17  }
0x16f: {  	v58 =	vmov s14  }
0x170: {  	v21 =	vshrl.u32 v58, $0x3  }
0x171: {  	v21 =	vshll.u32 v21, v1  }
0x172: {  	[tilespmem:v19+s26+$0x0] =	vst.idx.msk $0xffff, v18;
	v18 =	vbroadcast v21, $0x0  }
0x173: {  	[tilespmem:v17+s26+$0x0] =	vst.idx.msk $0xffff, v20  }
0x174: {  	v17 =	vld [tilespmem:s0+$0xFFFFFFC0];
	v19 =	vadd.s32 v5, v18  }
0x175: {  	s9 =	sadd.s32 $0xFFFFFFFC, s1;
	v20 =	vld [tilespmem:s0+$0xFFFFFFD0];
	v18 =	vadd.s32 v6, v18  }
0x176: {  	v59 =	vmov s9  }
0x177: {  	v21 =	vshrl.u32 v59, $0x3  }
0x178: {  	v21 =	vshll.u32 v21, v1  }
0x179: {  	[tilespmem:v19+s26+$0x0] =	vst.idx.msk $0xffff, v17;
	v17 =	vbroadcast v21, $0x0  }
0x17a: {  	[tilespmem:v18+s26+$0x0] =	vst.idx.msk $0xffff, v20  }
0x17b: {  	v18 =	vld [tilespmem:s0+$0xFFFFFFE0];
	v19 =	vadd.s32 v7, v17  }
0x17c: {  	s14 =	sadd.s32 $0xFFFFFFFD, s1;
	v20 =	vld [tilespmem:s0+$0xFFFFFFF0];
	v17 =	vadd.s32 v8, v17  }
0x17d: {  	v60 =	vmov s14  }
0x17e: {  	v21 =	vshrl.u32 v60, $0x3  }
0x17f: {  	v21 =	vshll.u32 v21, v1  }
0x180: {  	[tilespmem:v19+s26+$0x0] =	vst.idx.msk $0xffff, v18;
	v18 =	vbroadcast v21, $0x0  }
0x181: {  	[tilespmem:v17+s26+$0x0] =	vst.idx.msk $0xffff, v20  }
0x182: {  	v17 =	vld [tilespmem:s0+$0x0];
	v19 =	vadd.s32 v9, v18  }
0x183: {  	s9 =	sadd.s32 $0xFFFFFFFE, s1;
	v20 =	vld [tilespmem:s0+$0x10];
	v18 =	vadd.s32 v10, v18  }
0x184: {  	v61 =	vmov s9  }
0x185: {  	v21 =	vshrl.u32 v61, $0x3  }
0x186: {  	v21 =	vshll.u32 v21, v1  }
0x187: {  	[tilespmem:v19+s26+$0x0] =	vst.idx.msk $0xffff, v17;
	v17 =	vbroadcast v21, $0x0  }
0x188: {  	[tilespmem:v18+s26+$0x0] =	vst.idx.msk $0xffff, v20  }
0x189: {  	v18 =	vld [tilespmem:s0+$0x20];
	v19 =	vadd.s32 v11, v17  }
0x18a: {  	s14 =	sadd.s32 $0xFFFFFFFF, s1;
	v20 =	vld [tilespmem:s0+$0x30];
	v17 =	vadd.s32 v12, v17  }
0x18b: {  	v62 =	vmov s14  }
0x18c: {  	v21 =	vshrl.u32 v62, $0x3  }
0x18d: {  	v21 =	vshll.u32 v21, v1  }
0x18e: {  	[tilespmem:v19+s26+$0x0] =	vst.idx.msk $0xffff, v18;
	v18 =	vbroadcast v21, $0x0  }
0x18f: {  	[tilespmem:v17+s26+$0x0] =	vst.idx.msk $0xffff, v20  }
0x190: {  	v17 =	vld [tilespmem:s0+$0x40];
	v19 =	vadd.s32 v13, v18  }
0x191: {  	v20 =	vld [tilespmem:s0+$0x50];
	v18 =	vadd.s32 v14, v18  }
0x192: {  	v63 =	vmov s1  }
0x193: {  	v21 =	vshrl.u32 v63, $0x3  }
0x194: {  	v21 =	vshll.u32 v21, v1  }
0x195: {  	[tilespmem:v19+s26+$0x0] =	vst.idx.msk $0xffff, v17;
	v17 =	vbroadcast v21, $0x0  }
0x196: {  	[tilespmem:v18+s26+$0x0] =	vst.idx.msk $0xffff, v20  }
0x197: {  	v18 =	vld [tilespmem:s0+$0x60];
	v19 =	vadd.s32 v15, v17  }
0x198: {  	v20 =	vld [tilespmem:s0+$0x70];
	v17 =	vadd.s32 v16, v17  }
0x199: {  	s31 =	sshll.u32 s31, $0x13  }
0x19a: {  	s0 =	sor.u32 s3, s31  }
0x19b: {  	s0 =	sshrl.u32 s0, $0x3  }
0x19c: {  	s8 =	simm.s32 $0x800;
	s0 =	sadd.s32 s5, s0;
	[tilespmem:v19+s26+$0x0] =	vst.idx.msk $0xffff, v18  }
0x19d: {  	s1 =	simm.s32 $0x12600;
	s9 =	simm.s32 $0x12810;
	s14 =	sadd.s32 $0x0, s0;
	[tilespmem:v17+s26+$0x0] =	vst.idx.msk $0xffff, v20  }
.LBB2_13:
0x19e: {  	[hbm4b:s14+s2] =	stream.linear.scatter [tilespmem:s1], [sflag:$0x4], $0x200, $0x38;
	[tilespmem:$0x16800] =	vst v63  }
0x19f: {  	s14 =	smov.u32 s8;
	s1 =	smov.u32 s9;
	p0 =	sne.s32 s8, $0xF800  }
.Ltmp6:
0x1a0: {  	s8 =	sadd.s32 $0x800, s8;
	(pc) =	sbr.rel @p0 .LBB2_13-.Ltmp6, $2  }
0x1a1: {  	_ =	sdelay $0x2  }
0x1a2: {  	s9 =	sadd.s32 $0x210, s9;
	s14 =	sadd.s32 s14, s0  }
0x1a3: {  	s30 =	sadd.s32 $0x1, s30  }
0x1a4: {  	p0 =	sne.s32 s30, $0x19  }
.Ltmp7:
0x1a5: {  	_ = 	snop;
	(pc) =	sbr.rel @p0 .LBB2_2-.Ltmp7, $2  }
0x1a6: {  	_ =	sdelay $0x2  }
0x1a7: {  	[hbm4b:s14+s2] =	stream.linear.scatter [tilespmem:s1], [sflag:$0x4], $0x200, $0x38;
	[tilespmem:$0x16800] =	vst v63  }
0x1a8: {  	s29 =	sadd.s32 $0x1, s29  }
0x1a9: {  	_ =	swait.ge [sflag:s28], $0x4000;
	p0 =	sne.s32 s29, s7  }
.Ltmp8:
0x1aa: {  	[sflag:s28] =	ssyncset.done $0x0;
	(pc) =	sbr.rel @p0 .LBB2_1-.Ltmp8, $4  }
0x1ab: {  	[sflag:s28] =	ssyncadd.s32 $0xFFFFC000  }
0x1ac: {  	_ =	swait.ge [sflag:s25], $0x4000  }
0x1ad: {  	[sflag:s25] =	ssyncset.done $0x0  }
0x1ae: {  	[sflag:s25] =	ssyncadd.s32 $0xFFFFC000  }
0x1af: {  	_ =	sfence.sel $0x180000  }
0x1b0: {  	[bflag:$0x0] =	sbarrier.arrive $0xFFFF  }
0x1b1: {  	_ =	strace $0x9000004A  }
0x1b2: {  	s0 =	stileid.u32;
	[bflag:$0x2] =	sbarrier.arrive $0xFFFF  }
0x1b3: {  	p0 =	sne.s32 s0, $0x0;
	s0 =	rddreg [dreg:$0x2]  }
0x1b4: {  	s0 =	sadd.s32 @!p0 $0x100000, s0  }
0x1b5: {  	[sflag:s0] =	ssyncadd.tile.s32 @!p0 $0x1;
	_ =	shalt  }
.Lfunc_end2:
_tile_overlayer_lowered:
.L_overlay_start_2:
0x1b6: {  	(tag) =	ssettag $0x2  }
0x1b7: {  	s0 =	rddreg [dreg:$0x0];
	s2 =	stileid.u32  }
0x1b8: {  	s1 =	rddreg [dreg:$0x1];
	p0 =	sne.s32 s2, $0x0  }
0x1b9: {  	s3 =	rddreg [dreg:$0x2];
	[bflag:$0x3] =	sbarrier.arrive $0xFFFF;
	s2 =	simm.s32 @!p0 $0x1C05  }
0x1ba: {  	[timem:s3], [sflag:s2] =	dma.local @!p0 [hbm:s0], s1  }
0x1bb: {  	s0 =	simm.s32 @!p0 $0x5  }
0x1bc: {  	_ =	swait.ge @!p0 [sflag:s0], s1  }
0x1bd: {  	s1 =	ssub.s32 @!p0 $0x0, s1;
	[sflag:s0] =	ssyncset.done @!p0 $0x0  }
0x1be: {  	[sflag:s0] =	ssyncadd.s32 @!p0 s1  }
0x1bf: {  	[bflag:$0x3] =	sbarrier.arrive $0xFFFF  }
0x1c0: {  	_ =	shalt  }

</sc_bundles>
